<compile_context>
chip_gen: v7x
topology: tpu7x:2x2x1
jax: 0.10.2.dev20260603
libtpu: 0.0.44.dev20260713+nightly
codegen_flags: <defaults>
</compile_context>

<pallas_src>
import functools

import jax
import jax.numpy as jnp
from jax import lax
from jax.experimental import pallas as pl
from jax.experimental.pallas import tpu as pltpu
from jax.experimental.pallas import tpu_sc as plsc

N = 10000
E = 320000
D = 128
L = 3

NC = 2
NS = 16
NQ = 2
QF = D // (NC * NQ)

NP = 10240
BR = 2000
NB = N // BR
EPT = E // NS
RPT = NP // NS
ZR = 128


CB = 128
NFULL = EPT // CB
NBUF = 6
NQUAD = NFULL // NBUF
TAIL = EPT - NFULL * CB


def _sc_agg_call(h4, src2, dst2):
    mesh = plsc.VectorSubcoreMesh(
        core_axis_name="c", subcore_axis_name="s", num_cores=NC, num_subcores=NS
    )

    @functools.partial(
        pl.kernel,
        mesh=mesh,
        compiler_params=pltpu.CompilerParams(use_tc_tiling_on_sc=False),
        out_type=jax.ShapeDtypeStruct((NC, NQ, NP, QF), jnp.float32),
        scratch_types=[
            pltpu.VMEM((EPT,), jnp.int32),
            pltpu.VMEM((EPT,), jnp.int32),
            [pltpu.VMEM((CB,), jnp.int32) for _ in range(NBUF)],
            [pltpu.VMEM((CB,), jnp.int32) for _ in range(NBUF)],
            [pltpu.VMEM((CB, QF), jnp.float32) for _ in range(NBUF)],
            pltpu.VMEM((TAIL,), jnp.int32),
            pltpu.VMEM((TAIL,), jnp.int32),
            pltpu.VMEM((TAIL, QF), jnp.float32),
            pltpu.VMEM((RPT, QF), jnp.float32),
            pltpu.VMEM_SHARED((NP, QF), jnp.float32),
            [pltpu.SemaphoreType.DMA for _ in range(NBUF)],
            [pltpu.SemaphoreType.DMA for _ in range(NBUF)],
        ],
    )
    def k(h_hbm, src_hbm, dst_hbm, out_hbm, src_v, dst_v, srcb, dstb, rows,
          srct_v, dstt_v, rows_t, bounce, agg_sh, gsem, ssem):
        cid = lax.axis_index("c")
        sid = lax.axis_index("s")

        pltpu.sync_copy(src_hbm.at[sid], src_v)
        pltpu.sync_copy(dst_hbm.at[sid], dst_v)

        def zstore(i, _):
            r = i // (QF // 16)
            col = (i % (QF // 16)) * 16
            bounce[r, pl.ds(col, 16)] = jnp.zeros((16,), jnp.float32)
            return 0

        lax.fori_loop(0, RPT * (QF // 16), zstore, 0)

        for q in range(NQ):
            pltpu.sync_copy(bounce, agg_sh.at[pl.ds(sid * RPT, RPT)])

            plsc.subcore_barrier()

            base = (cid * NQ + q) * NP

            def prep_src(buf, j):
                for kk in range(CB // 16):
                    buf[pl.ds(kk * 16, 16)] = (
                        src_v[pl.ds(j * CB + kk * 16, 16)] + base)

            def prep_dst(buf, j):
                for kk in range(CB // 16):
                    buf[pl.ds(kk * 16, 16)] = dst_v[pl.ds(j * CB + kk * 16, 16)]

            for b in range(NBUF):
                prep_src(srcb[b], b)
                pltpu.async_copy(h_hbm.at[srcb[b]], rows[b], gsem[b])

            def quad(i, _):
                j0 = i * NBUF
                for b in range(NBUF):
                    pltpu.make_async_copy(
                        h_hbm.at[srcb[b]], rows[b], gsem[b]).wait()
                    pltpu.async_copy(
                        rows[b], agg_sh.at[dst_v.at[pl.ds((j0 + b) * CB, CB)]],
                        ssem[b], add=True)
                for b in range(NBUF):
                    @pl.when(j0 + b + NBUF < NFULL)
                    def _():
                        pltpu.make_async_copy(
                            rows[b], agg_sh.at[dst_v.at[pl.ds((j0 + b) * CB, CB)]],
                            ssem[b]).wait()
                        prep_src(srcb[b], j0 + b + NBUF)
                        pltpu.async_copy(h_hbm.at[srcb[b]], rows[b], gsem[b])
                return 0

            lax.fori_loop(0, NQUAD, quad, 0)

            for b in range(NBUF):
                pltpu.make_async_copy(
                    rows[b], agg_sh.at[dst_v.at[pl.ds(b * CB, CB)]],
                    ssem[b]).wait()

            for kk in range(TAIL // 16):
                srct_v[pl.ds(kk * 16, 16)] = (
                    src_v[pl.ds(NFULL * CB + kk * 16, 16)] + base)
                dstt_v[pl.ds(kk * 16, 16)] = (
                    dst_v[pl.ds(NFULL * CB + kk * 16, 16)])
            pltpu.async_copy(h_hbm.at[srct_v], rows_t, gsem[0]).wait()
            pltpu.sync_copy(rows_t, agg_sh.at[dstt_v], add=True)

            plsc.subcore_barrier()

            pltpu.sync_copy(agg_sh.at[pl.ds(sid * RPT, RPT)], bounce)
            pltpu.sync_copy(bounce, out_hbm.at[cid, q, pl.ds(sid * RPT, RPT)])

            if q + 1 < NQ:
                lax.fori_loop(0, RPT * (QF // 16), zstore, 0)
                plsc.subcore_barrier()

    return k(h4.reshape(NC * NQ * NP, QF), src2, dst2)


def _lin0_body(x_ref, w_ref, b_ref, out_ref):
    h = jnp.dot(x_ref[...], w_ref[...], preferred_element_type=jnp.float32) + b_ref[...]
    for c in range(NC):
        for q in range(NQ):
            out_ref[c, q] = h[:, (c * NQ + q) * QF:(c * NQ + q + 1) * QF]


def _lin0_call(x, W0, b0):
    full = lambda shape: pl.BlockSpec(shape, lambda i: tuple(0 for _ in shape))
    return pl.pallas_call(
        _lin0_body,
        grid=(NB,),
        in_specs=[pl.BlockSpec((BR, D), lambda i: (i, 0)), full((D, D)),
                  full((1, D))],
        out_specs=pl.BlockSpec((NC, NQ, BR, QF), lambda i: (0, 0, i, 0)),
        out_shape=jax.ShapeDtypeStruct((NC, NQ, NP, QF), jnp.float32),
    )(x, W0, b0)


def _mlp1_body(h_ref, a_ref, w1_ref, b1_ref, w2_ref, b2_ref,
               z_ref, sum_ref, sq_ref, acc_ref):
    i = pl.program_id(0)
    z = jnp.concatenate(
        [h_ref[c, q] + a_ref[c, q] for c in range(NC) for q in range(NQ)],
        axis=1)
    z = jnp.maximum(
        jnp.dot(z, w1_ref[...], preferred_element_type=jnp.float32)
        + b1_ref[...], 0.0)
    z = jnp.maximum(
        jnp.dot(z, w2_ref[...], preferred_element_type=jnp.float32)
        + b2_ref[...], 0.0)
    z_ref[...] = z
    s = jnp.sum(z, axis=0, keepdims=True)
    sq = jnp.sum(z * z, axis=0, keepdims=True)

    @pl.when(i == 0)
    def _():
        acc_ref[0:1] = s
        acc_ref[1:2] = sq

    @pl.when(i > 0)
    def _():
        acc_ref[0:1] += s
        acc_ref[1:2] += sq

    sum_ref[...] = acc_ref[0:1]
    sq_ref[...] = acc_ref[1:2]


def _mlp2_body(z_ref, sum_ref, sq_ref, g_ref, be_ref, out_ref, split_ref):
    mean = sum_ref[...] / N
    var = sq_ref[...] / N - mean * mean
    t = jnp.tanh((z_ref[...] - mean) * lax.rsqrt(var + 1e-5) * g_ref[...]
                 + be_ref[...])
    out_ref[...] = t
    for c in range(NC):
        for q in range(NQ):
            split_ref[c, q] = t[:, (c * NQ + q) * QF:(c * NQ + q + 1) * QF]


def _mlp_call(h4, agg4, W1l, B1l, W2l, B2l, Gl, Bel):
    blk4 = pl.BlockSpec((NC, NQ, BR, QF), lambda i: (0, 0, i, 0))
    blkz = pl.BlockSpec((BR, D), lambda i: (i, 0))
    full = lambda shape: pl.BlockSpec(shape, lambda i: tuple(0 for _ in shape))
    z, s, sq = pl.pallas_call(
        _mlp1_body,
        grid=(NB,),
        in_specs=[blk4, blk4, full((D, D)), full((1, D)), full((D, D)),
                  full((1, D))],
        out_specs=(blkz, full((1, D)), full((1, D))),
        out_shape=(jax.ShapeDtypeStruct((N, D), jnp.float32),
                   jax.ShapeDtypeStruct((1, D), jnp.float32),
                   jax.ShapeDtypeStruct((1, D), jnp.float32)),
        scratch_shapes=[pltpu.VMEM((8, D), jnp.float32)],
    )(h4, agg4, W1l, B1l, W2l, B2l)
    return pl.pallas_call(
        _mlp2_body,
        grid=(NB,),
        in_specs=[blkz, full((1, D)), full((1, D)), full((1, D)),
                  full((1, D))],
        out_specs=(blkz, pl.BlockSpec((NC, NQ, BR, QF),
                                      lambda i: (0, 0, i, 0))),
        out_shape=(jax.ShapeDtypeStruct((N, D), jnp.float32),
                   jax.ShapeDtypeStruct((NC, NQ, NP, QF), jnp.float32)),
    )(z, s, sq, Gl, Bel)


def kernel(x, edge_index, W0, b0, W1, B1, W2, B2, G, Be):
    src2 = edge_index[0].reshape(NS, EPT)
    dst2 = edge_index[1].reshape(NS, EPT)

    h4 = _lin0_call(x, W0, b0.reshape(1, D))

    ws = (W1, B1.reshape(L, 1, D), W2, B2.reshape(L, 1, D),
          G.reshape(L, 1, D), Be.reshape(L, 1, D))

    def step(h4c, w):
        w1, b1, w2, b2, g, be = w
        agg4 = _sc_agg_call(h4c, src2, dst2)
        h_full, h4n = _mlp_call(h4c, agg4, w1, b1, w2, b2, g, be)
        return h4n, h_full

    _, hs = lax.scan(step, h4, ws)
    return (x, hs[0], hs[1], hs[2])

# --- scband reference (transcript-rebuilt; emitter-appended) ---
"""Pipeline reference for scband-my-gin-lin-16690242912994 (READ-ONLY COPY).

The authoritative reference and input builder live on the scoring server;
editing this copy changes nothing except your own understanding.
"""

import jax, jax.numpy as jnp
import numpy as np

N = 10000
E = 320000
D = 128
L = 3


def _xavier_uniform(key, fan_in, fan_out):
    limit = float(np.sqrt(6.0 / (fan_in + fan_out)))
    return jax.random.uniform(key, (fan_in, fan_out), jnp.float32, -limit, limit)


def _bias(key, fan_in, shape):
    bound = float(1.0 / np.sqrt(fan_in))
    return jax.random.uniform(key, shape, jnp.float32, -bound, bound)


def setup_inputs(seed: int = 0) -> dict:
    key = jax.random.key(seed)
    ks = jax.random.split(key, 16)
    x = jax.random.normal(ks[0], (N, D), jnp.float32)
    edge_index = jax.random.randint(ks[1], (2, E), 0, N, dtype=jnp.int32)
    # First linear layer (convs[0]): Linear(in_channels, hidden_channels)
    W0 = _xavier_uniform(ks[2], D, D)
    b0 = _bias(ks[3], D, (D,))
    # Per-GIN-layer MLP params, stacked over layers
    W1 = jnp.stack([_xavier_uniform(jax.random.fold_in(ks[4], l), D, D) for l in range(L)])
    B1 = jnp.stack([_bias(jax.random.fold_in(ks[5], l), D, (D,)) for l in range(L)])
    W2 = jnp.stack([_xavier_uniform(jax.random.fold_in(ks[6], l), D, D) for l in range(L)])
    B2 = jnp.stack([_bias(jax.random.fold_in(ks[7], l), D, (D,)) for l in range(L)])
    G = jnp.ones((L, D), jnp.float32)   # BatchNorm gamma
    Be = jnp.zeros((L, D), jnp.float32)  # BatchNorm beta
    return {"x": x, "edge_index": edge_index, "W0": W0, "b0": b0,
            "W1": W1, "B1": B1, "W2": W2, "B2": B2, "G": G, "Be": Be}


def _batchnorm(z, gamma, beta, eps=1e-5):
    mean = jnp.mean(z, axis=0)
    var = jnp.var(z, axis=0)  # biased variance, as torch BN uses for normalization
    return (z - mean) / jnp.sqrt(var + eps) * gamma + beta


def reference(x, edge_index, W0, b0, W1, B1, W2, B2, G, Be):
    src = edge_index[0]
    dst = edge_index[1]
    outs = [x]  # emb_list.append(x) before any conv
    h = x @ W0 + b0  # convs[0] plain Linear
    for l in range(L):
        # GINConv, train_eps=False (eps=0), aggr='add':
        # out = mlp((1+eps)*x_i + sum_{j in N(i)} x_j)
        agg = jnp.zeros_like(h).at[dst].add(h[src])
        z = h + agg
        z = jax.nn.relu(z @ W1[l] + B1[l])
        z = jax.nn.relu(z @ W2[l] + B2[l])
        z = _batchnorm(z, G[l], Be[l])
        h = jnp.tanh(z)
        outs.append(h)
    return tuple(outs)

if __name__ == "__main__":
    import jax
    _d = setup_inputs()
    print(jax.jit(kernel)(*tuple(_d.values())))

</pallas_src>

<mosaic_0001>
#map = affine_map<(d0, d1) -> (0, 0)>
#map1 = affine_map<(d0, d1) -> (0, 0, 0, 0)>
module attributes {stable_mosaic.version = 14 : i64} {
  func.func @k(%arg0: i32, %arg1: i32, %arg2: memref<40960x32xf32, #tpu.memory_space<hbm>>, %arg3: memref<16x20000xi32, #tpu.memory_space<hbm>>, %arg4: memref<16x20000xi32, #tpu.memory_space<hbm>>, %arg5: memref<2x2x10240x32xf32, #tpu.memory_space<hbm>>, %arg6: memref<20000xi32, #tpu.memory_space<vmem>>, %arg7: memref<20000xi32, #tpu.memory_space<vmem>>, %arg8: memref<128xi32, #tpu.memory_space<vmem>>, %arg9: memref<128xi32, #tpu.memory_space<vmem>>, %arg10: memref<128xi32, #tpu.memory_space<vmem>>, %arg11: memref<128xi32, #tpu.memory_space<vmem>>, %arg12: memref<128xi32, #tpu.memory_space<vmem>>, %arg13: memref<128xi32, #tpu.memory_space<vmem>>, %arg14: memref<128xi32, #tpu.memory_space<vmem>>, %arg15: memref<128xi32, #tpu.memory_space<vmem>>, %arg16: memref<128xi32, #tpu.memory_space<vmem>>, %arg17: memref<128xi32, #tpu.memory_space<vmem>>, %arg18: memref<128xi32, #tpu.memory_space<vmem>>, %arg19: memref<128xi32, #tpu.memory_space<vmem>>, %arg20: memref<128x32xf32, #tpu.memory_space<vmem>>, %arg21: memref<128x32xf32, #tpu.memory_space<vmem>>, %arg22: memref<128x32xf32, #tpu.memory_space<vmem>>, %arg23: memref<128x32xf32, #tpu.memory_space<vmem>>, %arg24: memref<128x32xf32, #tpu.memory_space<vmem>>, %arg25: memref<128x32xf32, #tpu.memory_space<vmem>>, %arg26: memref<32xi32, #tpu.memory_space<vmem>>, %arg27: memref<32xi32, #tpu.memory_space<vmem>>, %arg28: memref<32x32xf32, #tpu.memory_space<vmem>>, %arg29: memref<640x32xf32, #tpu.memory_space<vmem>>, %arg30: memref<10240x32xf32, #tpu.memory_space<vmem_shared>>, %arg31: memref<!tpu.dma_semaphore, #tpu.memory_space<semaphore_mem>>, %arg32: memref<!tpu.dma_semaphore, #tpu.memory_space<semaphore_mem>>, %arg33: memref<!tpu.dma_semaphore, #tpu.memory_space<semaphore_mem>>, %arg34: memref<!tpu.dma_semaphore, #tpu.memory_space<semaphore_mem>>, %arg35: memref<!tpu.dma_semaphore, #tpu.memory_space<semaphore_mem>>, %arg36: memref<!tpu.dma_semaphore, #tpu.memory_space<semaphore_mem>>, %arg37: memref<!tpu.dma_semaphore, #tpu.memory_space<semaphore_mem>>, %arg38: memref<!tpu.dma_semaphore, #tpu.memory_space<semaphore_mem>>, %arg39: memref<!tpu.dma_semaphore, #tpu.memory_space<semaphore_mem>>, %arg40: memref<!tpu.dma_semaphore, #tpu.memory_space<semaphore_mem>>, %arg41: memref<!tpu.dma_semaphore, #tpu.memory_space<semaphore_mem>>, %arg42: memref<!tpu.dma_semaphore, #tpu.memory_space<semaphore_mem>>) attributes {dimension_semantics = [#tpu.dimension_semantics<core_parallel>, #tpu.dimension_semantics<subcore_parallel>], iteration_bounds = array<i64: 2, 16>, scalar_prefetch = 0 : i64, scratch_operands = 37 : i64, tpu.core_type = #tpu.core_type<sc_vector_subcore>, window_params = [{transform_indices = #map}, {transform_indices = #map}, {transform_indices = #map}, {transform_indices = #map1}]} {
    "tpu.region"() ({
      %run_scoped3A_1086 = tpu.sem_alloc : memref<!tpu.dma_semaphore, #tpu.memory_space<semaphore_mem>>
      %dma_start3A_1087 = arith.constant 0 : i32
      %dma_start3A_1088 = tpu.memref_slice %arg3[%arg1, %dma_start3A_1087] : memref<16x20000xi32, #tpu.memory_space<hbm>> -> memref<1x20000xi32, #tpu.memory_space<hbm>>
      %dma_start3A_1089 = tpu.memref_squeeze %dma_start3A_1088 : memref<1x20000xi32, #tpu.memory_space<hbm>> -> memref<20000xi32, #tpu.memory_space<hbm>>
      %dma_start3A_1090 = arith.constant 0 : i32
      %dma_start3A_1091 = tpu.memref_slice %arg3[%arg1, %dma_start3A_1090] : memref<16x20000xi32, #tpu.memory_space<hbm>> -> memref<1x20000xi32, #tpu.memory_space<hbm>>
      %dma_start3A_1092 = tpu.memref_squeeze %dma_start3A_1091 : memref<1x20000xi32, #tpu.memory_space<hbm>> -> memref<20000xi32, #tpu.memory_space<hbm>>
      tpu.enqueue_dma source(%dma_start3A_1092 : memref<20000xi32, #tpu.memory_space<hbm>>) target(%arg6 : memref<20000xi32, #tpu.memory_space<vmem>>) target_semaphore(%run_scoped3A_1086 : memref<!tpu.dma_semaphore, #tpu.memory_space<semaphore_mem>>)
      %dma_wait3A_1093 = arith.constant 0 : i32
      %dma_wait3A_1094 = tpu.memref_slice %arg3[%arg1, %dma_wait3A_1093] : memref<16x20000xi32, #tpu.memory_space<hbm>> -> memref<1x20000xi32, #tpu.memory_space<hbm>>
      %dma_wait3A_1095 = tpu.memref_squeeze %dma_wait3A_1094 : memref<1x20000xi32, #tpu.memory_space<hbm>> -> memref<20000xi32, #tpu.memory_space<hbm>>
      %dma_wait3A_1096 = arith.constant 0 : i32
      %dma_wait3A_1097 = tpu.memref_slice %arg3[%arg1, %dma_wait3A_1096] : memref<16x20000xi32, #tpu.memory_space<hbm>> -> memref<1x20000xi32, #tpu.memory_space<hbm>>
      %dma_wait3A_1098 = tpu.memref_squeeze %dma_wait3A_1097 : memref<1x20000xi32, #tpu.memory_space<hbm>> -> memref<20000xi32, #tpu.memory_space<hbm>>
      tpu.wait_dma2 semaphore(%run_scoped3A_1086 : memref<!tpu.dma_semaphore, #tpu.memory_space<semaphore_mem>>) src(%dma_wait3A_1098 : memref<20000xi32, #tpu.memory_space<hbm>>) dst(%arg6 : memref<20000xi32, #tpu.memory_space<vmem>>)
      tpu.yield
    }) : () -> ()
    "tpu.region"() ({
      %run_scoped3A_1086 = tpu.sem_alloc : memref<!tpu.dma_semaphore, #tpu.memory_space<semaphore_mem>>
      %dma_start3A_1087 = arith.constant 0 : i32
      %dma_start3A_1088 = tpu.memref_slice %arg4[%arg1, %dma_start3A_1087] : memref<16x20000xi32, #tpu.memory_space<hbm>> -> memref<1x20000xi32, #tpu.memory_space<hbm>>
      %dma_start3A_1089 = tpu.memref_squeeze %dma_start3A_1088 : memref<1x20000xi32, #tpu.memory_space<hbm>> -> memref<20000xi32, #tpu.memory_space<hbm>>
      %dma_start3A_1090 = arith.constant 0 : i32
      %dma_start3A_1091 = tpu.memref_slice %arg4[%arg1, %dma_start3A_1090] : memref<16x20000xi32, #tpu.memory_space<hbm>> -> memref<1x20000xi32, #tpu.memory_space<hbm>>
      %dma_start3A_1092 = tpu.memref_squeeze %dma_start3A_1091 : memref<1x20000xi32, #tpu.memory_space<hbm>> -> memref<20000xi32, #tpu.memory_space<hbm>>
      tpu.enqueue_dma source(%dma_start3A_1092 : memref<20000xi32, #tpu.memory_space<hbm>>) target(%arg7 : memref<20000xi32, #tpu.memory_space<vmem>>) target_semaphore(%run_scoped3A_1086 : memref<!tpu.dma_semaphore, #tpu.memory_space<semaphore_mem>>)
      %dma_wait3A_1093 = arith.constant 0 : i32
      %dma_wait3A_1094 = tpu.memref_slice %arg4[%arg1, %dma_wait3A_1093] : memref<16x20000xi32, #tpu.memory_space<hbm>> -> memref<1x20000xi32, #tpu.memory_space<hbm>>
      %dma_wait3A_1095 = tpu.memref_squeeze %dma_wait3A_1094 : memref<1x20000xi32, #tpu.memory_space<hbm>> -> memref<20000xi32, #tpu.memory_space<hbm>>
      %dma_wait3A_1096 = arith.constant 0 : i32
      %dma_wait3A_1097 = tpu.memref_slice %arg4[%arg1, %dma_wait3A_1096] : memref<16x20000xi32, #tpu.memory_space<hbm>> -> memref<1x20000xi32, #tpu.memory_space<hbm>>
      %dma_wait3A_1098 = tpu.memref_squeeze %dma_wait3A_1097 : memref<1x20000xi32, #tpu.memory_space<hbm>> -> memref<20000xi32, #tpu.memory_space<hbm>>
      tpu.wait_dma2 semaphore(%run_scoped3A_1086 : memref<!tpu.dma_semaphore, #tpu.memory_space<semaphore_mem>>) src(%dma_wait3A_1098 : memref<20000xi32, #tpu.memory_space<hbm>>) dst(%arg7 : memref<20000xi32, #tpu.memory_space<vmem>>)
      tpu.yield
    }) : () -> ()
    %scan3A = arith.constant 0 : i32
    %scan3A_0 = arith.constant 0 : i32
    %scan3A_1 = arith.constant 1280 : i32
    %scan3A_2 = arith.addi %scan3A_0, %scan3A_1 : i32
    %scan3A_3 = arith.constant 1 : i32
    %scan3A_4 = scf.for %scan3A_1086 = %scan3A_0 to %scan3A_2 step %scan3A_3 iter_args(%scan3A_1087 = %scan3A) -> (i32)  : i32 {
      %jit3A = arith.constant 2 : i32
      %div3A = arith.divsi %scan3A_1086, %jit3A : i32
      %sign3A = arith.constant 0 : i32
      %sign3A_1088 = arith.cmpi sgt, %scan3A_1086, %sign3A : i32
      %sign3A_1089 = arith.extui %sign3A_1088 : i1 to i32
      %sign3A_1090 = arith.constant 0 : i32
      %sign3A_1091 = arith.cmpi slt, %scan3A_1086, %sign3A_1090 : i32
      %sign3A_1092 = arith.extui %sign3A_1091 : i1 to i32
      %sign3A_1093 = arith.subi %sign3A_1089, %sign3A_1092 : i32
      %sign3A_1094 = arith.constant 0 : i32
      %sign3A_1095 = arith.cmpi sgt, %jit3A, %sign3A_1094 : i32
      %sign3A_1096 = arith.extui %sign3A_1095 : i1 to i32
      %sign3A_1097 = arith.constant 0 : i32
      %sign3A_1098 = arith.cmpi slt, %jit3A, %sign3A_1097 : i32
      %sign3A_1099 = arith.extui %sign3A_1098 : i1 to i32
      %sign3A_1100 = arith.subi %sign3A_1096, %sign3A_1099 : i32
      %ne3A = arith.cmpi ne, %sign3A_1093, %sign3A_1100 : i32
      %rem3A = arith.remsi %scan3A_1086, %jit3A : i32
      %ne3A_1101 = arith.constant 0 : i32
      %ne3A_1102 = arith.cmpi ne, %rem3A, %ne3A_1101 : i32
      %and3A = arith.andi %ne3A, %ne3A_1102 : i1
      %sub3A = arith.constant 1 : i32
      %sub3A_1103 = arith.subi %div3A, %sub3A : i32
      %select_n3A = arith.select %and3A, %sub3A_1103, %div3A : i32
      %jit3A_1104 = arith.constant 2 : i32
      %eq3A = arith.constant 0 : i32
      %eq3A_1105 = arith.cmpi eq, %jit3A_1104, %eq3A : i32
      %jit3A_1106 = arith.constant 1 : i32
      %select_n3A_1107 = arith.select %eq3A_1105, %jit3A_1106, %jit3A_1104 : i32
      %rem3A_1108 = arith.remsi %scan3A_1086, %select_n3A_1107 : i32
      %ne3A_1109 = arith.constant 0 : i32
      %ne3A_1110 = arith.cmpi ne, %rem3A_1108, %ne3A_1109 : i32
      %lt3A = arith.constant 0 : i32
      %lt3A_1111 = arith.cmpi slt, %rem3A_1108, %lt3A : i32
      %lt3A_1112 = arith.constant 0 : i32
      %lt3A_1113 = arith.cmpi slt, %select_n3A_1107, %lt3A_1112 : i32
      %ne3A_1114 = arith.xori %lt3A_1111, %lt3A_1113 : i1
      %and3A_1115 = arith.andi %ne3A_1114, %ne3A_1110 : i1
      %add3A_1116 = arith.addi %rem3A_1108, %select_n3A_1107 : i32
      %select_n3A_1117 = arith.select %and3A_1115, %add3A_1116, %rem3A_1108 : i32
      %mul3A_1118 = arith.constant 16 : i32
      %mul3A_1119 = arith.muli %select_n3A_1117, %mul3A_1118 : i32
      %broadcast_in_dim3A = arith.constant 0.000000e+00 : f32
      %broadcast_in_dim3A_1120 = vector.broadcast %broadcast_in_dim3A : f32 to vector<16xf32>
      %swap3A_1121 = arith.index_cast %select_n3A : i32 to index
      %swap3A_1122 = arith.index_cast %mul3A_1119 : i32 to index
      %swap3A_1123 = tpu.vector_load %arg29[%swap3A_1121, %swap3A_1122] {strides = array<i32>} : memref<640x32xf32, #tpu.memory_space<vmem>>, vector<1x16xf32>,
      %swap3A_1124 = vector.shape_cast %swap3A_1123 : vector<1x16xf32> to vector<16xf32>
      %swap3A_1125 = vector.shape_cast %broadcast_in_dim3A_1120 : vector<16xf32> to vector<1x16xf32>
      tpu.vector_store %arg29[%swap3A_1121, %swap3A_1122], %swap3A_1125 {strides = array<i32>} : memref<640x32xf32, #tpu.memory_space<vmem>>, vector<1x16xf32>,
      %scan3A_1126 = arith.constant 0 : i32
      scf.yield %scan3A_1126 : i32
    }
    %scan3A_5 = arith.constant 1280 : i32
    %mul3A = arith.constant 640 : i32
    %mul3A_6 = arith.muli %arg1, %mul3A : i32
    "tpu.region"() ({
      %run_scoped3A_1086 = tpu.sem_alloc : memref<!tpu.dma_semaphore, #tpu.memory_space<semaphore_mem>>
      %dma_start3A_1087 = arith.constant 0 : i32
      %dma_start3A_1088 = tpu.memref_slice %arg30[%mul3A_6, %dma_start3A_1087] : memref<10240x32xf32, #tpu.memory_space<vmem_shared>> -> memref<640x32xf32, #tpu.memory_space<vmem_shared>>
      %dma_start3A_1089 = arith.constant 0 : i32
      %dma_start3A_1090 = tpu.memref_slice %arg30[%mul3A_6, %dma_start3A_1089] : memref<10240x32xf32, #tpu.memory_space<vmem_shared>> -> memref<640x32xf32, #tpu.memory_space<vmem_shared>>
      tpu.enqueue_dma source(%arg29 : memref<640x32xf32, #tpu.memory_space<vmem>>) target(%dma_start3A_1090 : memref<640x32xf32, #tpu.memory_space<vmem_shared>>) target_semaphore(%run_scoped3A_1086 : memref<!tpu.dma_semaphore, #tpu.memory_space<semaphore_mem>>)
      %dma_wait3A_1091 = arith.constant 0 : i32
      %dma_wait3A_1092 = tpu.memref_slice %arg30[%mul3A_6, %dma_wait3A_1091] : memref<10240x32xf32, #tpu.memory_space<vmem_shared>> -> memref<640x32xf32, #tpu.memory_space<vmem_shared>>
      %dma_wait3A_1093 = arith.constant 0 : i32
      %dma_wait3A_1094 = tpu.memref_slice %arg30[%mul3A_6, %dma_wait3A_1093] : memref<10240x32xf32, #tpu.memory_space<vmem_shared>> -> memref<640x32xf32, #tpu.memory_space<vmem_shared>>
      tpu.wait_dma2 semaphore(%run_scoped3A_1086 : memref<!tpu.dma_semaphore, #tpu.memory_space<semaphore_mem>>) src(%arg29 : memref<640x32xf32, #tpu.memory_space<vmem>>) dst(%dma_wait3A_1094 : memref<640x32xf32, #tpu.memory_space<vmem_shared>>)
      tpu.yield
    }) : () -> ()
    %barrier3A = arith.constant 0 : index
    tpu.barrier barrier_id(%barrier3A)
    %mul3A_7 = arith.constant 2 : i32
    %mul3A_8 = arith.muli %arg0, %mul3A_7 : i32
    %add3A = arith.constant 0 : i32
    %add3A_9 = arith.addi %mul3A_8, %add3A : i32
    %mul3A_10 = arith.constant 10240 : i32
    %mul3A_11 = arith.muli %add3A_9, %mul3A_10 : i32
    %get3A = arith.constant 0 : index
    %get3A_12 = tpu.vector_load %arg6[%get3A] {strides = array<i32>} : memref<20000xi32, #tpu.memory_space<vmem>>, vector<16xi32>,
    %get3A_13 = vector.shape_cast %get3A_12 : vector<16xi32> to vector<16xi32>
    %add3A_14 = vector.broadcast %mul3A_11 : i32 to vector<16xi32>
    %add3A_15 = arith.addi %get3A_13, %add3A_14 : vector<16xi32>
    %swap3A = arith.constant 0 : index
    %swap3A_16 = tpu.vector_load %arg8[%swap3A] {strides = array<i32>} : memref<128xi32, #tpu.memory_space<vmem>>, vector<16xi32>,
    %swap3A_17 = vector.shape_cast %swap3A_16 : vector<16xi32> to vector<16xi32>
    %swap3A_18 = vector.shape_cast %add3A_15 : vector<16xi32> to vector<16xi32>
    tpu.vector_store %arg8[%swap3A], %swap3A_18 {strides = array<i32>} : memref<128xi32, #tpu.memory_space<vmem>>, vector<16xi32>,
    %get3A_19 = arith.constant 16 : index
    %get3A_20 = tpu.vector_load %arg6[%get3A_19] {strides = array<i32>} : memref<20000xi32, #tpu.memory_space<vmem>>, vector<16xi32>,
    %get3A_21 = vector.shape_cast %get3A_20 : vector<16xi32> to vector<16xi32>
    %add3A_22 = vector.broadcast %mul3A_11 : i32 to vector<16xi32>
    %add3A_23 = arith.addi %get3A_21, %add3A_22 : vector<16xi32>
    %swap3A_24 = arith.constant 16 : index
    %swap3A_25 = tpu.vector_load %arg8[%swap3A_24] {strides = array<i32>} : memref<128xi32, #tpu.memory_space<vmem>>, vector<16xi32>,
    %swap3A_26 = vector.shape_cast %swap3A_25 : vector<16xi32> to vector<16xi32>
    %swap3A_27 = vector.shape_cast %add3A_23 : vector<16xi32> to vector<16xi32>
    tpu.vector_store %arg8[%swap3A_24], %swap3A_27 {strides = array<i32>} : memref<128xi32, #tpu.memory_space<vmem>>, vector<16xi32>,
    %get3A_28 = arith.constant 32 : index
    %get3A_29 = tpu.vector_load %arg6[%get3A_28] {strides = array<i32>} : memref<20000xi32, #tpu.memory_space<vmem>>, vector<16xi32>,
    %get3A_30 = vector.shape_cast %get3A_29 : vector<16xi32> to vector<16xi32>
    %add3A_31 = vector.broadcast %mul3A_11 : i32 to vector<16xi32>
    %add3A_32 = arith.addi %get3A_30, %add3A_31 : vector<16xi32>
    %swap3A_33 = arith.constant 32 : index
    %swap3A_34 = tpu.vector_load %arg8[%swap3A_33] {strides = array<i32>} : memref<128xi32, #tpu.memory_space<vmem>>, vector<16xi32>,
    %swap3A_35 = vector.shape_cast %swap3A_34 : vector<16xi32> to vector<16xi32>
    %swap3A_36 = vector.shape_cast %add3A_32 : vector<16xi32> to vector<16xi32>
    tpu.vector_store %arg8[%swap3A_33], %swap3A_36 {strides = array<i32>} : memref<128xi32, #tpu.memory_space<vmem>>, vector<16xi32>,
    %get3A_37 = arith.constant 48 : index
    %get3A_38 = tpu.vector_load %arg6[%get3A_37] {strides = array<i32>} : memref<20000xi32, #tpu.memory_space<vmem>>, vector<16xi32>,
    %get3A_39 = vector.shape_cast %get3A_38 : vector<16xi32> to vector<16xi32>
    %add3A_40 = vector.broadcast %mul3A_11 : i32 to vector<16xi32>
    %add3A_41 = arith.addi %get3A_39, %add3A_40 : vector<16xi32>
    %swap3A_42 = arith.constant 48 : index
    %swap3A_43 = tpu.vector_load %arg8[%swap3A_42] {strides = array<i32>} : memref<128xi32, #tpu.memory_space<vmem>>, vector<16xi32>,
    %swap3A_44 = vector.shape_cast %swap3A_43 : vector<16xi32> to vector<16xi32>
    %swap3A_45 = vector.shape_cast %add3A_41 : vector<16xi32> to vector<16xi32>
    tpu.vector_store %arg8[%swap3A_42], %swap3A_45 {strides = array<i32>} : memref<128xi32, #tpu.memory_space<vmem>>, vector<16xi32>,
    %get3A_46 = arith.constant 64 : index
    %get3A_47 = tpu.vector_load %arg6[%get3A_46] {strides = array<i32>} : memref<20000xi32, #tpu.memory_space<vmem>>, vector<16xi32>,
    %get3A_48 = vector.shape_cast %get3A_47 : vector<16xi32> to vector<16xi32>
    %add3A_49 = vector.broadcast %mul3A_11 : i32 to vector<16xi32>
    %add3A_50 = arith.addi %get3A_48, %add3A_49 : vector<16xi32>
    %swap3A_51 = arith.constant 64 : index
    %swap3A_52 = tpu.vector_load %arg8[%swap3A_51] {strides = array<i32>} : memref<128xi32, #tpu.memory_space<vmem>>, vector<16xi32>,
    %swap3A_53 = vector.shape_cast %swap3A_52 : vector<16xi32> to vector<16xi32>
    %swap3A_54 = vector.shape_cast %add3A_50 : vector<16xi32> to vector<16xi32>
    tpu.vector_store %arg8[%swap3A_51], %swap3A_54 {strides = array<i32>} : memref<128xi32, #tpu.memory_space<vmem>>, vector<16xi32>,
    %get3A_55 = arith.constant 80 : index
    %get3A_56 = tpu.vector_load %arg6[%get3A_55] {strides = array<i32>} : memref<20000xi32, #tpu.memory_space<vmem>>, vector<16xi32>,
    %get3A_57 = vector.shape_cast %get3A_56 : vector<16xi32> to vector<16xi32>
    %add3A_58 = vector.broadcast %mul3A_11 : i32 to vector<16xi32>
    %add3A_59 = arith.addi %get3A_57, %add3A_58 : vector<16xi32>
    %swap3A_60 = arith.constant 80 : index
    %swap3A_61 = tpu.vector_load %arg8[%swap3A_60] {strides = array<i32>} : memref<128xi32, #tpu.memory_space<vmem>>, vector<16xi32>,
    %swap3A_62 = vector.shape_cast %swap3A_61 : vector<16xi32> to vector<16xi32>
    %swap3A_63 = vector.shape_cast %add3A_59 : vector<16xi32> to vector<16xi32>
    tpu.vector_store %arg8[%swap3A_60], %swap3A_63 {strides = array<i32>} : memref<128xi32, #tpu.memory_space<vmem>>, vector<16xi32>,
    %get3A_64 = arith.constant 96 : index
    %get3A_65 = tpu.vector_load %arg6[%get3A_64] {strides = array<i32>} : memref<20000xi32, #tpu.memory_space<vmem>>, vector<16xi32>,
    %get3A_66 = vector.shape_cast %get3A_65 : vector<16xi32> to vector<16xi32>
    %add3A_67 = vector.broadcast %mul3A_11 : i32 to vector<16xi32>
    %add3A_68 = arith.addi %get3A_66, %add3A_67 : vector<16xi32>
    %swap3A_69 = arith.constant 96 : index
    %swap3A_70 = tpu.vector_load %arg8[%swap3A_69] {strides = array<i32>} : memref<128xi32, #tpu.memory_space<vmem>>, vector<16xi32>,
    %swap3A_71 = vector.shape_cast %swap3A_70 : vector<16xi32> to vector<16xi32>
    %swap3A_72 = vector.shape_cast %add3A_68 : vector<16xi32> to vector<16xi32>
    tpu.vector_store %arg8[%swap3A_69], %swap3A_72 {strides = array<i32>} : memref<128xi32, #tpu.memory_space<vmem>>, vector<16xi32>,
    %get3A_73 = arith.constant 112 : index
    %get3A_74 = tpu.vector_load %arg6[%get3A_73] {strides = array<i32>} : memref<20000xi32, #tpu.memory_space<vmem>>, vector<16xi32>,
    %get3A_75 = vector.shape_cast %get3A_74 : vector<16xi32> to vector<16xi32>
    %add3A_76 = vector.broadcast %mul3A_11 : i32 to vector<16xi32>
    %add3A_77 = arith.addi %get3A_75, %add3A_76 : vector<16xi32>
    %swap3A_78 = arith.constant 112 : index
    %swap3A_79 = tpu.vector_load %arg8[%swap3A_78] {strides = array<i32>} : memref<128xi32, #tpu.memory_space<vmem>>, vector<16xi32>,
    %swap3A_80 = vector.shape_cast %swap3A_79 : vector<16xi32> to vector<16xi32>
    %swap3A_81 = vector.shape_cast %add3A_77 : vector<16xi32> to vector<16xi32>
    tpu.vector_store %arg8[%swap3A_78], %swap3A_81 {strides = array<i32>} : memref<128xi32, #tpu.memory_space<vmem>>, vector<16xi32>,
    %dma_start3A = arith.constant 0 : i32
    %dma_start3A_82 = arith.constant 0 : i32
    %dma_start3A_83 = tpu.memref_slice %arg2[%dma_start3A, %dma_start3A_82] : memref<40960x32xf32, #tpu.memory_space<hbm>> -> memref<40960x32xf32, #tpu.memory_space<hbm>>
    tpu.enqueue_indirect_dma source(%dma_start3A_83 : memref<40960x32xf32, #tpu.memory_space<hbm>>) target(%arg20 : memref<128x32xf32, #tpu.memory_space<vmem>>) offsets(%arg8 : memref<128xi32, #tpu.memory_space<vmem>>) semaphore(%arg31 : memref<!tpu.dma_semaphore, #tpu.memory_space<semaphore_mem>>)
    %get3A_84 = arith.constant 128 : index
    %get3A_85 = tpu.vector_load %arg6[%get3A_84] {strides = array<i32>} : memref<20000xi32, #tpu.memory_space<vmem>>, vector<16xi32>,
    %get3A_86 = vector.shape_cast %get3A_85 : vector<16xi32> to vector<16xi32>
    %add3A_87 = vector.broadcast %mul3A_11 : i32 to vector<16xi32>
    %add3A_88 = arith.addi %get3A_86, %add3A_87 : vector<16xi32>
    %swap3A_89 = arith.constant 0 : index
    %swap3A_90 = tpu.vector_load %arg9[%swap3A_89] {strides = array<i32>} : memref<128xi32, #tpu.memory_space<vmem>>, vector<16xi32>,
    %swap3A_91 = vector.shape_cast %swap3A_90 : vector<16xi32> to vector<16xi32>
    %swap3A_92 = vector.shape_cast %add3A_88 : vector<16xi32> to vector<16xi32>
    tpu.vector_store %arg9[%swap3A_89], %swap3A_92 {strides = array<i32>} : memref<128xi32, #tpu.memory_space<vmem>>, vector<16xi32>,
    %get3A_93 = arith.constant 144 : index
    %get3A_94 = tpu.vector_load %arg6[%get3A_93] {strides = array<i32>} : memref<20000xi32, #tpu.memory_space<vmem>>, vector<16xi32>,
    %get3A_95 = vector.shape_cast %get3A_94 : vector<16xi32> to vector<16xi32>
    %add3A_96 = vector.broadcast %mul3A_11 : i32 to vector<16xi32>
    %add3A_97 = arith.addi %get3A_95, %add3A_96 : vector<16xi32>
    %swap3A_98 = arith.constant 16 : index
    %swap3A_99 = tpu.vector_load %arg9[%swap3A_98] {strides = array<i32>} : memref<128xi32, #tpu.memory_space<vmem>>, vector<16xi32>,
    %swap3A_100 = vector.shape_cast %swap3A_99 : vector<16xi32> to vector<16xi32>
    %swap3A_101 = vector.shape_cast %add3A_97 : vector<16xi32> to vector<16xi32>
    tpu.vector_store %arg9[%swap3A_98], %swap3A_101 {strides = array<i32>} : memref<128xi32, #tpu.memory_space<vmem>>, vector<16xi32>,
    %get3A_102 = arith.constant 160 : index
    %get3A_103 = tpu.vector_load %arg6[%get3A_102] {strides = array<i32>} : memref<20000xi32, #tpu.memory_space<vmem>>, vector<16xi32>,
    %get3A_104 = vector.shape_cast %get3A_103 : vector<16xi32> to vector<16xi32>
    %add3A_105 = vector.broadcast %mul3A_11 : i32 to vector<16xi32>
    %add3A_106 = arith.addi %get3A_104, %add3A_105 : vector<16xi32>
    %swap3A_107 = arith.constant 32 : index
    %swap3A_108 = tpu.vector_load %arg9[%swap3A_107] {strides = array<i32>} : memref<128xi32, #tpu.memory_space<vmem>>, vector<16xi32>,
    %swap3A_109 = vector.shape_cast %swap3A_108 : vector<16xi32> to vector<16xi32>
    %swap3A_110 = vector.shape_cast %add3A_106 : vector<16xi32> to vector<16xi32>
    tpu.vector_store %arg9[%swap3A_107], %swap3A_110 {strides = array<i32>} : memref<128xi32, #tpu.memory_space<vmem>>, vector<16xi32>,
    %get3A_111 = arith.constant 176 : index
    %get3A_112 = tpu.vector_load %arg6[%get3A_111] {strides = array<i32>} : memref<20000xi32, #tpu.memory_space<vmem>>, vector<16xi32>,
    %get3A_113 = vector.shape_cast %get3A_112 : vector<16xi32> to vector<16xi32>
    %add3A_114 = vector.broadcast %mul3A_11 : i32 to vector<16xi32>
    %add3A_115 = arith.addi %get3A_113, %add3A_114 : vector<16xi32>
    %swap3A_116 = arith.constant 48 : index
    %swap3A_117 = tpu.vector_load %arg9[%swap3A_116] {strides = array<i32>} : memref<128xi32, #tpu.memory_space<vmem>>, vector<16xi32>,
    %swap3A_118 = vector.shape_cast %swap3A_117 : vector<16xi32> to vector<16xi32>
    %swap3A_119 = vector.shape_cast %add3A_115 : vector<16xi32> to vector<16xi32>
    tpu.vector_store %arg9[%swap3A_116], %swap3A_119 {strides = array<i32>} : memref<128xi32, #tpu.memory_space<vmem>>, vector<16xi32>,
    %get3A_120 = arith.constant 192 : index
    %get3A_121 = tpu.vector_load %arg6[%get3A_120] {strides = array<i32>} : memref<20000xi32, #tpu.memory_space<vmem>>, vector<16xi32>,
    %get3A_122 = vector.shape_cast %get3A_121 : vector<16xi32> to vector<16xi32>
    %add3A_123 = vector.broadcast %mul3A_11 : i32 to vector<16xi32>
    %add3A_124 = arith.addi %get3A_122, %add3A_123 : vector<16xi32>
    %swap3A_125 = arith.constant 64 : index
    %swap3A_126 = tpu.vector_load %arg9[%swap3A_125] {strides = array<i32>} : memref<128xi32, #tpu.memory_space<vmem>>, vector<16xi32>,
    %swap3A_127 = vector.shape_cast %swap3A_126 : vector<16xi32> to vector<16xi32>
    %swap3A_128 = vector.shape_cast %add3A_124 : vector<16xi32> to vector<16xi32>
    tpu.vector_store %arg9[%swap3A_125], %swap3A_128 {strides = array<i32>} : memref<128xi32, #tpu.memory_space<vmem>>, vector<16xi32>,
    %get3A_129 = arith.constant 208 : index
    %get3A_130 = tpu.vector_load %arg6[%get3A_129] {strides = array<i32>} : memref<20000xi32, #tpu.memory_space<vmem>>, vector<16xi32>,
    %get3A_131 = vector.shape_cast %get3A_130 : vector<16xi32> to vector<16xi32>
    %add3A_132 = vector.broadcast %mul3A_11 : i32 to vector<16xi32>
    %add3A_133 = arith.addi %get3A_131, %add3A_132 : vector<16xi32>
    %swap3A_134 = arith.constant 80 : index
    %swap3A_135 = tpu.vector_load %arg9[%swap3A_134] {strides = array<i32>} : memref<128xi32, #tpu.memory_space<vmem>>, vector<16xi32>,
    %swap3A_136 = vector.shape_cast %swap3A_135 : vector<16xi32> to vector<16xi32>
    %swap3A_137 = vector.shape_cast %add3A_133 : vector<16xi32> to vector<16xi32>
    tpu.vector_store %arg9[%swap3A_134], %swap3A_137 {strides = array<i32>} : memref<128xi32, #tpu.memory_space<vmem>>, vector<16xi32>,
    %get3A_138 = arith.constant 224 : index
    %get3A_139 = tpu.vector_load %arg6[%get3A_138] {strides = array<i32>} : memref<20000xi32, #tpu.memory_space<vmem>>, vector<16xi32>,
    %get3A_140 = vector.shape_cast %get3A_139 : vector<16xi32> to vector<16xi32>
    %add3A_141 = vector.broadcast %mul3A_11 : i32 to vector<16xi32>
    %add3A_142 = arith.addi %get3A_140, %add3A_141 : vector<16xi32>
    %swap3A_143 = arith.constant 96 : index
    %swap3A_144 = tpu.vector_load %arg9[%swap3A_143] {strides = array<i32>} : memref<128xi32, #tpu.memory_space<vmem>>, vector<16xi32>,
    %swap3A_145 = vector.shape_cast %swap3A_144 : vector<16xi32> to vector<16xi32>
    %swap3A_146 = vector.shape_cast %add3A_142 : vector<16xi32> to vector<16xi32>
    tpu.vector_store %arg9[%swap3A_143], %swap3A_146 {strides = array<i32>} : memref<128xi32, #tpu.memory_space<vmem>>, vector<16xi32>,
    %get3A_147 = arith.constant 240 : index
    %get3A_148 = tpu.vector_load %arg6[%get3A_147] {strides = array<i32>} : memref<20000xi32, #tpu.memory_space<vmem>>, vector<16xi32>,
    %get3A_149 = vector.shape_cast %get3A_148 : vector<16xi32> to vector<16xi32>
    %add3A_150 = vector.broadcast %mul3A_11 : i32 to vector<16xi32>
    %add3A_151 = arith.addi %get3A_149, %add3A_150 : vector<16xi32>
    %swap3A_152 = arith.constant 112 : index
    %swap3A_153 = tpu.vector_load %arg9[%swap3A_152] {strides = array<i32>} : memref<128xi32, #tpu.memory_space<vmem>>, vector<16xi32>,
    %swap3A_154 = vector.shape_cast %swap3A_153 : vector<16xi32> to vector<16xi32>
    %swap3A_155 = vector.shape_cast %add3A_151 : vector<16xi32> to vector<16xi32>
    tpu.vector_store %arg9[%swap3A_152], %swap3A_155 {strides = array<i32>} : memref<128xi32, #tpu.memory_space<vmem>>, vector<16xi32>,
    %dma_start3A_156 = arith.constant 0 : i32
    %dma_start3A_157 = arith.constant 0 : i32
    %dma_start3A_158 = tpu.memref_slice %arg2[%dma_start3A_156, %dma_start3A_157] : memref<40960x32xf32, #tpu.memory_space<hbm>> -> memref<40960x32xf32, #tpu.memory_space<hbm>>
    tpu.enqueue_indirect_dma source(%dma_start3A_158 : memref<40960x32xf32, #tpu.memory_space<hbm>>) target(%arg21 : memref<128x32xf32, #tpu.memory_space<vmem>>) offsets(%arg9 : memref<128xi32, #tpu.memory_space<vmem>>) semaphore(%arg32 : memref<!tpu.dma_semaphore, #tpu.memory_space<semaphore_mem>>)
    %get3A_159 = arith.constant 256 : index
    %get3A_160 = tpu.vector_load %arg6[%get3A_159] {strides = array<i32>} : memref<20000xi32, #tpu.memory_space<vmem>>, vector<16xi32>,
    %get3A_161 = vector.shape_cast %get3A_160 : vector<16xi32> to vector<16xi32>
    %add3A_162 = vector.broadcast %mul3A_11 : i32 to vector<16xi32>
    %add3A_163 = arith.addi %get3A_161, %add3A_162 : vector<16xi32>
    %swap3A_164 = arith.constant 0 : index
    %swap3A_165 = tpu.vector_load %arg10[%swap3A_164] {strides = array<i32>} : memref<128xi32, #tpu.memory_space<vmem>>, vector<16xi32>,
    %swap3A_166 = vector.shape_cast %swap3A_165 : vector<16xi32> to vector<16xi32>
    %swap3A_167 = vector.shape_cast %add3A_163 : vector<16xi32> to vector<16xi32>
    tpu.vector_store %arg10[%swap3A_164], %swap3A_167 {strides = array<i32>} : memref<128xi32, #tpu.memory_space<vmem>>, vector<16xi32>,
    %get3A_168 = arith.constant 272 : index
    %get3A_169 = tpu.vector_load %arg6[%get3A_168] {strides = array<i32>} : memref<20000xi32, #tpu.memory_space<vmem>>, vector<16xi32>,
    %get3A_170 = vector.shape_cast %get3A_169 : vector<16xi32> to vector<16xi32>
    %add3A_171 = vector.broadcast %mul3A_11 : i32 to vector<16xi32>
    %add3A_172 = arith.addi %get3A_170, %add3A_171 : vector<16xi32>
    %swap3A_173 = arith.constant 16 : index
    %swap3A_174 = tpu.vector_load %arg10[%swap3A_173] {strides = array<i32>} : memref<128xi32, #tpu.memory_space<vmem>>, vector<16xi32>,
    %swap3A_175 = vector.shape_cast %swap3A_174 : vector<16xi32> to vector<16xi32>
    %swap3A_176 = vector.shape_cast %add3A_172 : vector<16xi32> to vector<16xi32>
    tpu.vector_store %arg10[%swap3A_173], %swap3A_176 {strides = array<i32>} : memref<128xi32, #tpu.memory_space<vmem>>, vector<16xi32>,
    %get3A_177 = arith.constant 288 : index
    %get3A_178 = tpu.vector_load %arg6[%get3A_177] {strides = array<i32>} : memref<20000xi32, #tpu.memory_space<vmem>>, vector<16xi32>,
    %get3A_179 = vector.shape_cast %get3A_178 : vector<16xi32> to vector<16xi32>
    %add3A_180 = vector.broadcast %mul3A_11 : i32 to vector<16xi32>
    %add3A_181 = arith.addi %get3A_179, %add3A_180 : vector<16xi32>
    %swap3A_182 = arith.constant 32 : index
    %swap3A_183 = tpu.vector_load %arg10[%swap3A_182] {strides = array<i32>} : memref<128xi32, #tpu.memory_space<vmem>>, vector<16xi32>,
    %swap3A_184 = vector.shape_cast %swap3A_183 : vector<16xi32> to vector<16xi32>
    %swap3A_185 = vector.shape_cast %add3A_181 : vector<16xi32> to vector<16xi32>
    tpu.vector_store %arg10[%swap3A_182], %swap3A_185 {strides = array<i32>} : memref<128xi32, #tpu.memory_space<vmem>>, vector<16xi32>,
    %get3A_186 = arith.constant 304 : index
    %get3A_187 = tpu.vector_load %arg6[%get3A_186] {strides = array<i32>} : memref<20000xi32, #tpu.memory_space<vmem>>, vector<16xi32>,
    %get3A_188 = vector.shape_cast %get3A_187 : vector<16xi32> to vector<16xi32>
    %add3A_189 = vector.broadcast %mul3A_11 : i32 to vector<16xi32>
    %add3A_190 = arith.addi %get3A_188, %add3A_189 : vector<16xi32>
    %swap3A_191 = arith.constant 48 : index
    %swap3A_192 = tpu.vector_load %arg10[%swap3A_191] {strides = array<i32>} : memref<128xi32, #tpu.memory_space<vmem>>, vector<16xi32>,
    %swap3A_193 = vector.shape_cast %swap3A_192 : vector<16xi32> to vector<16xi32>
    %swap3A_194 = vector.shape_cast %add3A_190 : vector<16xi32> to vector<16xi32>
    tpu.vector_store %arg10[%swap3A_191], %swap3A_194 {strides = array<i32>} : memref<128xi32, #tpu.memory_space<vmem>>, vector<16xi32>,
    %get3A_195 = arith.constant 320 : index
    %get3A_196 = tpu.vector_load %arg6[%get3A_195] {strides = array<i32>} : memref<20000xi32, #tpu.memory_space<vmem>>, vector<16xi32>,
    %get3A_197 = vector.shape_cast %get3A_196 : vector<16xi32> to vector<16xi32>
    %add3A_198 = vector.broadcast %mul3A_11 : i32 to vector<16xi32>
    %add3A_199 = arith.addi %get3A_197, %add3A_198 : vector<16xi32>
    %swap3A_200 = arith.constant 64 : index
    %swap3A_201 = tpu.vector_load %arg10[%swap3A_200] {strides = array<i32>} : memref<128xi32, #tpu.memory_space<vmem>>, vector<16xi32>,
    %swap3A_202 = vector.shape_cast %swap3A_201 : vector<16xi32> to vector<16xi32>
    %swap3A_203 = vector.shape_cast %add3A_199 : vector<16xi32> to vector<16xi32>
    tpu.vector_store %arg10[%swap3A_200], %swap3A_203 {strides = array<i32>} : memref<128xi32, #tpu.memory_space<vmem>>, vector<16xi32>,
    %get3A_204 = arith.constant 336 : index
    %get3A_205 = tpu.vector_load %arg6[%get3A_204] {strides = array<i32>} : memref<20000xi32, #tpu.memory_space<vmem>>, vector<16xi32>,
    %get3A_206 = vector.shape_cast %get3A_205 : vector<16xi32> to vector<16xi32>
    %add3A_207 = vector.broadcast %mul3A_11 : i32 to vector<16xi32>
    %add3A_208 = arith.addi %get3A_206, %add3A_207 : vector<16xi32>
    %swap3A_209 = arith.constant 80 : index
    %swap3A_210 = tpu.vector_load %arg10[%swap3A_209] {strides = array<i32>} : memref<128xi32, #tpu.memory_space<vmem>>, vector<16xi32>,
    %swap3A_211 = vector.shape_cast %swap3A_210 : vector<16xi32> to vector<16xi32>
    %swap3A_212 = vector.shape_cast %add3A_208 : vector<16xi32> to vector<16xi32>
    tpu.vector_store %arg10[%swap3A_209], %swap3A_212 {strides = array<i32>} : memref<128xi32, #tpu.memory_space<vmem>>, vector<16xi32>,
    %get3A_213 = arith.constant 352 : index
    %get3A_214 = tpu.vector_load %arg6[%get3A_213] {strides = array<i32>} : memref<20000xi32, #tpu.memory_space<vmem>>, vector<16xi32>,
    %get3A_215 = vector.shape_cast %get3A_214 : vector<16xi32> to vector<16xi32>
    %add3A_216 = vector.broadcast %mul3A_11 : i32 to vector<16xi32>
    %add3A_217 = arith.addi %get3A_215, %add3A_216 : vector<16xi32>
    %swap3A_218 = arith.constant 96 : index
    %swap3A_219 = tpu.vector_load %arg10[%swap3A_218] {strides = array<i32>} : memref<128xi32, #tpu.memory_space<vmem>>, vector<16xi32>,
    %swap3A_220 = vector.shape_cast %swap3A_219 : vector<16xi32> to vector<16xi32>
    %swap3A_221 = vector.shape_cast %add3A_217 : vector<16xi32> to vector<16xi32>
    tpu.vector_store %arg10[%swap3A_218], %swap3A_221 {strides = array<i32>} : memref<128xi32, #tpu.memory_space<vmem>>, vector<16xi32>,
    %get3A_222 = arith.constant 368 : index
    %get3A_223 = tpu.vector_load %arg6[%get3A_222] {strides = array<i32>} : memref<20000xi32, #tpu.memory_space<vmem>>, vector<16xi32>,
    %get3A_224 = vector.shape_cast %get3A_223 : vector<16xi32> to vector<16xi32>
    %add3A_225 = vector.broadcast %mul3A_11 : i32 to vector<16xi32>
    %add3A_226 = arith.addi %get3A_224, %add3A_225 : vector<16xi32>
    %swap3A_227 = arith.constant 112 : index
    %swap3A_228 = tpu.vector_load %arg10[%swap3A_227] {strides = array<i32>} : memref<128xi32, #tpu.memory_space<vmem>>, vector<16xi32>,
    %swap3A_229 = vector.shape_cast %swap3A_228 : vector<16xi32> to vector<16xi32>
    %swap3A_230 = vector.shape_cast %add3A_226 : vector<16xi32> to vector<16xi32>
    tpu.vector_store %arg10[%swap3A_227], %swap3A_230 {strides = array<i32>} : memref<128xi32, #tpu.memory_space<vmem>>, vector<16xi32>,
    %dma_start3A_231 = arith.constant 0 : i32
    %dma_start3A_232 = arith.constant 0 : i32
    %dma_start3A_233 = tpu.memref_slice %arg2[%dma_start3A_231, %dma_start3A_232] : memref<40960x32xf32, #tpu.memory_space<hbm>> -> memref<40960x32xf32, #tpu.memory_space<hbm>>
    tpu.enqueue_indirect_dma source(%dma_start3A_233 : memref<40960x32xf32, #tpu.memory_space<hbm>>) target(%arg22 : memref<128x32xf32, #tpu.memory_space<vmem>>) offsets(%arg10 : memref<128xi32, #tpu.memory_space<vmem>>) semaphore(%arg33 : memref<!tpu.dma_semaphore, #tpu.memory_space<semaphore_mem>>)
    %get3A_234 = arith.constant 384 : index
    %get3A_235 = tpu.vector_load %arg6[%get3A_234] {strides = array<i32>} : memref<20000xi32, #tpu.memory_space<vmem>>, vector<16xi32>,
    %get3A_236 = vector.shape_cast %get3A_235 : vector<16xi32> to vector<16xi32>
    %add3A_237 = vector.broadcast %mul3A_11 : i32 to vector<16xi32>
    %add3A_238 = arith.addi %get3A_236, %add3A_237 : vector<16xi32>
    %swap3A_239 = arith.constant 0 : index
    %swap3A_240 = tpu.vector_load %arg11[%swap3A_239] {strides = array<i32>} : memref<128xi32, #tpu.memory_space<vmem>>, vector<16xi32>,
    %swap3A_241 = vector.shape_cast %swap3A_240 : vector<16xi32> to vector<16xi32>
    %swap3A_242 = vector.shape_cast %add3A_238 : vector<16xi32> to vector<16xi32>
    tpu.vector_store %arg11[%swap3A_239], %swap3A_242 {strides = array<i32>} : memref<128xi32, #tpu.memory_space<vmem>>, vector<16xi32>,
    %get3A_243 = arith.constant 400 : index
    %get3A_244 = tpu.vector_load %arg6[%get3A_243] {strides = array<i32>} : memref<20000xi32, #tpu.memory_space<vmem>>, vector<16xi32>,
    %get3A_245 = vector.shape_cast %get3A_244 : vector<16xi32> to vector<16xi32>
    %add3A_246 = vector.broadcast %mul3A_11 : i32 to vector<16xi32>
    %add3A_247 = arith.addi %get3A_245, %add3A_246 : vector<16xi32>
    %swap3A_248 = arith.constant 16 : index
    %swap3A_249 = tpu.vector_load %arg11[%swap3A_248] {strides = array<i32>} : memref<128xi32, #tpu.memory_space<vmem>>, vector<16xi32>,
    %swap3A_250 = vector.shape_cast %swap3A_249 : vector<16xi32> to vector<16xi32>
    %swap3A_251 = vector.shape_cast %add3A_247 : vector<16xi32> to vector<16xi32>
    tpu.vector_store %arg11[%swap3A_248], %swap3A_251 {strides = array<i32>} : memref<128xi32, #tpu.memory_space<vmem>>, vector<16xi32>,
    %get3A_252 = arith.constant 416 : index
    %get3A_253 = tpu.vector_load %arg6[%get3A_252] {strides = array<i32>} : memref<20000xi32, #tpu.memory_space<vmem>>, vector<16xi32>,
    %get3A_254 = vector.shape_cast %get3A_253 : vector<16xi32> to vector<16xi32>
    %add3A_255 = vector.broadcast %mul3A_11 : i32 to vector<16xi32>
    %add3A_256 = arith.addi %get3A_254, %add3A_255 : vector<16xi32>
    %swap3A_257 = arith.constant 32 : index
    %swap3A_258 = tpu.vector_load %arg11[%swap3A_257] {strides = array<i32>} : memref<128xi32, #tpu.memory_space<vmem>>, vector<16xi32>,
    %swap3A_259 = vector.shape_cast %swap3A_258 : vector<16xi32> to vector<16xi32>
    %swap3A_260 = vector.shape_cast %add3A_256 : vector<16xi32> to vector<16xi32>
    tpu.vector_store %arg11[%swap3A_257], %swap3A_260 {strides = array<i32>} : memref<128xi32, #tpu.memory_space<vmem>>, vector<16xi32>,
    %get3A_261 = arith.constant 432 : index
    %get3A_262 = tpu.vector_load %arg6[%get3A_261] {strides = array<i32>} : memref<20000xi32, #tpu.memory_space<vmem>>, vector<16xi32>,
    %get3A_263 = vector.shape_cast %get3A_262 : vector<16xi32> to vector<16xi32>
    %add3A_264 = vector.broadcast %mul3A_11 : i32 to vector<16xi32>
    %add3A_265 = arith.addi %get3A_263, %add3A_264 : vector<16xi32>
    %swap3A_266 = arith.constant 48 : index
    %swap3A_267 = tpu.vector_load %arg11[%swap3A_266] {strides = array<i32>} : memref<128xi32, #tpu.memory_space<vmem>>, vector<16xi32>,
    %swap3A_268 = vector.shape_cast %swap3A_267 : vector<16xi32> to vector<16xi32>
    %swap3A_269 = vector.shape_cast %add3A_265 : vector<16xi32> to vector<16xi32>
    tpu.vector_store %arg11[%swap3A_266], %swap3A_269 {strides = array<i32>} : memref<128xi32, #tpu.memory_space<vmem>>, vector<16xi32>,
    %get3A_270 = arith.constant 448 : index
    %get3A_271 = tpu.vector_load %arg6[%get3A_270] {strides = array<i32>} : memref<20000xi32, #tpu.memory_space<vmem>>, vector<16xi32>,
    %get3A_272 = vector.shape_cast %get3A_271 : vector<16xi32> to vector<16xi32>
    %add3A_273 = vector.broadcast %mul3A_11 : i32 to vector<16xi32>
    %add3A_274 = arith.addi %get3A_272, %add3A_273 : vector<16xi32>
    %swap3A_275 = arith.constant 64 : index
    %swap3A_276 = tpu.vector_load %arg11[%swap3A_275] {strides = array<i32>} : memref<128xi32, #tpu.memory_space<vmem>>, vector<16xi32>,
    %swap3A_277 = vector.shape_cast %swap3A_276 : vector<16xi32> to vector<16xi32>
    %swap3A_278 = vector.shape_cast %add3A_274 : vector<16xi32> to vector<16xi32>
    tpu.vector_store %arg11[%swap3A_275], %swap3A_278 {strides = array<i32>} : memref<128xi32, #tpu.memory_space<vmem>>, vector<16xi32>,
    %get3A_279 = arith.constant 464 : index
    %get3A_280 = tpu.vector_load %arg6[%get3A_279] {strides = array<i32>} : memref<20000xi32, #tpu.memory_space<vmem>>, vector<16xi32>,
    %get3A_281 = vector.shape_cast %get3A_280 : vector<16xi32> to vector<16xi32>
    %add3A_282 = vector.broadcast %mul3A_11 : i32 to vector<16xi32>
    %add3A_283 = arith.addi %get3A_281, %add3A_282 : vector<16xi32>
    %swap3A_284 = arith.constant 80 : index
    %swap3A_285 = tpu.vector_load %arg11[%swap3A_284] {strides = array<i32>} : memref<128xi32, #tpu.memory_space<vmem>>, vector<16xi32>,
    %swap3A_286 = vector.shape_cast %swap3A_285 : vector<16xi32> to vector<16xi32>
    %swap3A_287 = vector.shape_cast %add3A_283 : vector<16xi32> to vector<16xi32>
    tpu.vector_store %arg11[%swap3A_284], %swap3A_287 {strides = array<i32>} : memref<128xi32, #tpu.memory_space<vmem>>, vector<16xi32>,
    %get3A_288 = arith.constant 480 : index
    %get3A_289 = tpu.vector_load %arg6[%get3A_288] {strides = array<i32>} : memref<20000xi32, #tpu.memory_space<vmem>>, vector<16xi32>,
    %get3A_290 = vector.shape_cast %get3A_289 : vector<16xi32> to vector<16xi32>
    %add3A_291 = vector.broadcast %mul3A_11 : i32 to vector<16xi32>
    %add3A_292 = arith.addi %get3A_290, %add3A_291 : vector<16xi32>
    %swap3A_293 = arith.constant 96 : index
    %swap3A_294 = tpu.vector_load %arg11[%swap3A_293] {strides = array<i32>} : memref<128xi32, #tpu.memory_space<vmem>>, vector<16xi32>,
    %swap3A_295 = vector.shape_cast %swap3A_294 : vector<16xi32> to vector<16xi32>
    %swap3A_296 = vector.shape_cast %add3A_292 : vector<16xi32> to vector<16xi32>
    tpu.vector_store %arg11[%swap3A_293], %swap3A_296 {strides = array<i32>} : memref<128xi32, #tpu.memory_space<vmem>>, vector<16xi32>,
    %get3A_297 = arith.constant 496 : index
    %get3A_298 = tpu.vector_load %arg6[%get3A_297] {strides = array<i32>} : memref<20000xi32, #tpu.memory_space<vmem>>, vector<16xi32>,
    %get3A_299 = vector.shape_cast %get3A_298 : vector<16xi32> to vector<16xi32>
    %add3A_300 = vector.broadcast %mul3A_11 : i32 to vector<16xi32>
    %add3A_301 = arith.addi %get3A_299, %add3A_300 : vector<16xi32>
    %swap3A_302 = arith.constant 112 : index
    %swap3A_303 = tpu.vector_load %arg11[%swap3A_302] {strides = array<i32>} : memref<128xi32, #tpu.memory_space<vmem>>, vector<16xi32>,
    %swap3A_304 = vector.shape_cast %swap3A_303 : vector<16xi32> to vector<16xi32>
    %swap3A_305 = vector.shape_cast %add3A_301 : vector<16xi32> to vector<16xi32>
    tpu.vector_store %arg11[%swap3A_302], %swap3A_305 {strides = array<i32>} : memref<128xi32, #tpu.memory_space<vmem>>, vector<16xi32>,
    %dma_start3A_306 = arith.constant 0 : i32
    %dma_start3A_307 = arith.constant 0 : i32
    %dma_start3A_308 = tpu.memref_slice %arg2[%dma_start3A_306, %dma_start3A_307] : memref<40960x32xf32, #tpu.memory_space<hbm>> -> memref<40960x32xf32, #tpu.memory_space<hbm>>
    tpu.enqueue_indirect_dma source(%dma_start3A_308 : memref<40960x32xf32, #tpu.memory_space<hbm>>) target(%arg23 : memref<128x32xf32, #tpu.memory_space<vmem>>) offsets(%arg11 : memref<128xi32, #tpu.memory_space<vmem>>) semaphore(%arg34 : memref<!tpu.dma_semaphore, #tpu.memory_space<semaphore_mem>>)
    %get3A_309 = arith.constant 512 : index
    %get3A_310 = tpu.vector_load %arg6[%get3A_309] {strides = array<i32>} : memref<20000xi32, #tpu.memory_space<vmem>>, vector<16xi32>,
    %get3A_311 = vector.shape_cast %get3A_310 : vector<16xi32> to vector<16xi32>
    %add3A_312 = vector.broadcast %mul3A_11 : i32 to vector<16xi32>
    %add3A_313 = arith.addi %get3A_311, %add3A_312 : vector<16xi32>
    %swap3A_314 = arith.constant 0 : index
    %swap3A_315 = tpu.vector_load %arg12[%swap3A_314] {strides = array<i32>} : memref<128xi32, #tpu.memory_space<vmem>>, vector<16xi32>,
    %swap3A_316 = vector.shape_cast %swap3A_315 : vector<16xi32> to vector<16xi32>
    %swap3A_317 = vector.shape_cast %add3A_313 : vector<16xi32> to vector<16xi32>
    tpu.vector_store %arg12[%swap3A_314], %swap3A_317 {strides = array<i32>} : memref<128xi32, #tpu.memory_space<vmem>>, vector<16xi32>,
    %get3A_318 = arith.constant 528 : index
    %get3A_319 = tpu.vector_load %arg6[%get3A_318] {strides = array<i32>} : memref<20000xi32, #tpu.memory_space<vmem>>, vector<16xi32>,
    %get3A_320 = vector.shape_cast %get3A_319 : vector<16xi32> to vector<16xi32>
    %add3A_321 = vector.broadcast %mul3A_11 : i32 to vector<16xi32>
    %add3A_322 = arith.addi %get3A_320, %add3A_321 : vector<16xi32>
    %swap3A_323 = arith.constant 16 : index
    %swap3A_324 = tpu.vector_load %arg12[%swap3A_323] {strides = array<i32>} : memref<128xi32, #tpu.memory_space<vmem>>, vector<16xi32>,
    %swap3A_325 = vector.shape_cast %swap3A_324 : vector<16xi32> to vector<16xi32>
    %swap3A_326 = vector.shape_cast %add3A_322 : vector<16xi32> to vector<16xi32>
    tpu.vector_store %arg12[%swap3A_323], %swap3A_326 {strides = array<i32>} : memref<128xi32, #tpu.memory_space<vmem>>, vector<16xi32>,
    %get3A_327 = arith.constant 544 : index
    %get3A_328 = tpu.vector_load %arg6[%get3A_327] {strides = array<i32>} : memref<20000xi32, #tpu.memory_space<vmem>>, vector<16xi32>,
    %get3A_329 = vector.shape_cast %get3A_328 : vector<16xi32> to vector<16xi32>
    %add3A_330 = vector.broadcast %mul3A_11 : i32 to vector<16xi32>
    %add3A_331 = arith.addi %get3A_329, %add3A_330 : vector<16xi32>
    %swap3A_332 = arith.constant 32 : index
    %swap3A_333 = tpu.vector_load %arg12[%swap3A_332] {strides = array<i32>} : memref<128xi32, #tpu.memory_space<vmem>>, vector<16xi32>,
    %swap3A_334 = vector.shape_cast %swap3A_333 : vector<16xi32> to vector<16xi32>
    %swap3A_335 = vector.shape_cast %add3A_331 : vector<16xi32> to vector<16xi32>
    tpu.vector_store %arg12[%swap3A_332], %swap3A_335 {strides = array<i32>} : memref<128xi32, #tpu.memory_space<vmem>>, vector<16xi32>,
    %get3A_336 = arith.constant 560 : index
    %get3A_337 = tpu.vector_load %arg6[%get3A_336] {strides = array<i32>} : memref<20000xi32, #tpu.memory_space<vmem>>, vector<16xi32>,
    %get3A_338 = vector.shape_cast %get3A_337 : vector<16xi32> to vector<16xi32>
    %add3A_339 = vector.broadcast %mul3A_11 : i32 to vector<16xi32>
    %add3A_340 = arith.addi %get3A_338, %add3A_339 : vector<16xi32>
    %swap3A_341 = arith.constant 48 : index
    %swap3A_342 = tpu.vector_load %arg12[%swap3A_341] {strides = array<i32>} : memref<128xi32, #tpu.memory_space<vmem>>, vector<16xi32>,
    %swap3A_343 = vector.shape_cast %swap3A_342 : vector<16xi32> to vector<16xi32>
    %swap3A_344 = vector.shape_cast %add3A_340 : vector<16xi32> to vector<16xi32>
    tpu.vector_store %arg12[%swap3A_341], %swap3A_344 {strides = array<i32>} : memref<128xi32, #tpu.memory_space<vmem>>, vector<16xi32>,
    %get3A_345 = arith.constant 576 : index
    %get3A_346 = tpu.vector_load %arg6[%get3A_345] {strides = array<i32>} : memref<20000xi32, #tpu.memory_space<vmem>>, vector<16xi32>,
    %get3A_347 = vector.shape_cast %get3A_346 : vector<16xi32> to vector<16xi32>
    %add3A_348 = vector.broadcast %mul3A_11 : i32 to vector<16xi32>
    %add3A_349 = arith.addi %get3A_347, %add3A_348 : vector<16xi32>
    %swap3A_350 = arith.constant 64 : index
    %swap3A_351 = tpu.vector_load %arg12[%swap3A_350] {strides = array<i32>} : memref<128xi32, #tpu.memory_space<vmem>>, vector<16xi32>,
    %swap3A_352 = vector.shape_cast %swap3A_351 : vector<16xi32> to vector<16xi32>
    %swap3A_353 = vector.shape_cast %add3A_349 : vector<16xi32> to vector<16xi32>
    tpu.vector_store %arg12[%swap3A_350], %swap3A_353 {strides = array<i32>} : memref<128xi32, #tpu.memory_space<vmem>>, vector<16xi32>,
    %get3A_354 = arith.constant 592 : index
    %get3A_355 = tpu.vector_load %arg6[%get3A_354] {strides = array<i32>} : memref<20000xi32, #tpu.memory_space<vmem>>, vector<16xi32>,
    %get3A_356 = vector.shape_cast %get3A_355 : vector<16xi32> to vector<16xi32>
    %add3A_357 = vector.broadcast %mul3A_11 : i32 to vector<16xi32>
    %add3A_358 = arith.addi %get3A_356, %add3A_357 : vector<16xi32>
    %swap3A_359 = arith.constant 80 : index
    %swap3A_360 = tpu.vector_load %arg12[%swap3A_359] {strides = array<i32>} : memref<128xi32, #tpu.memory_space<vmem>>, vector<16xi32>,
    %swap3A_361 = vector.shape_cast %swap3A_360 : vector<16xi32> to vector<16xi32>
    %swap3A_362 = vector.shape_cast %add3A_358 : vector<16xi32> to vector<16xi32>
    tpu.vector_store %arg12[%swap3A_359], %swap3A_362 {strides = array<i32>} : memref<128xi32, #tpu.memory_space<vmem>>, vector<16xi32>,
    %get3A_363 = arith.constant 608 : index
    %get3A_364 = tpu.vector_load %arg6[%get3A_363] {strides = array<i32>} : memref<20000xi32, #tpu.memory_space<vmem>>, vector<16xi32>,
    %get3A_365 = vector.shape_cast %get3A_364 : vector<16xi32> to vector<16xi32>
    %add3A_366 = vector.broadcast %mul3A_11 : i32 to vector<16xi32>
    %add3A_367 = arith.addi %get3A_365, %add3A_366 : vector<16xi32>
    %swap3A_368 = arith.constant 96 : index
    %swap3A_369 = tpu.vector_load %arg12[%swap3A_368] {strides = array<i32>} : memref<128xi32, #tpu.memory_space<vmem>>, vector<16xi32>,
    %swap3A_370 = vector.shape_cast %swap3A_369 : vector<16xi32> to vector<16xi32>
    %swap3A_371 = vector.shape_cast %add3A_367 : vector<16xi32> to vector<16xi32>
    tpu.vector_store %arg12[%swap3A_368], %swap3A_371 {strides = array<i32>} : memref<128xi32, #tpu.memory_space<vmem>>, vector<16xi32>,
    %get3A_372 = arith.constant 624 : index
    %get3A_373 = tpu.vector_load %arg6[%get3A_372] {strides = array<i32>} : memref<20000xi32, #tpu.memory_space<vmem>>, vector<16xi32>,
    %get3A_374 = vector.shape_cast %get3A_373 : vector<16xi32> to vector<16xi32>
    %add3A_375 = vector.broadcast %mul3A_11 : i32 to vector<16xi32>
    %add3A_376 = arith.addi %get3A_374, %add3A_375 : vector<16xi32>
    %swap3A_377 = arith.constant 112 : index
    %swap3A_378 = tpu.vector_load %arg12[%swap3A_377] {strides = array<i32>} : memref<128xi32, #tpu.memory_space<vmem>>, vector<16xi32>,
    %swap3A_379 = vector.shape_cast %swap3A_378 : vector<16xi32> to vector<16xi32>
    %swap3A_380 = vector.shape_cast %add3A_376 : vector<16xi32> to vector<16xi32>
    tpu.vector_store %arg12[%swap3A_377], %swap3A_380 {strides = array<i32>} : memref<128xi32, #tpu.memory_space<vmem>>, vector<16xi32>,
    %dma_start3A_381 = arith.constant 0 : i32
    %dma_start3A_382 = arith.constant 0 : i32
    %dma_start3A_383 = tpu.memref_slice %arg2[%dma_start3A_381, %dma_start3A_382] : memref<40960x32xf32, #tpu.memory_space<hbm>> -> memref<40960x32xf32, #tpu.memory_space<hbm>>
    tpu.enqueue_indirect_dma source(%dma_start3A_383 : memref<40960x32xf32, #tpu.memory_space<hbm>>) target(%arg24 : memref<128x32xf32, #tpu.memory_space<vmem>>) offsets(%arg12 : memref<128xi32, #tpu.memory_space<vmem>>) semaphore(%arg35 : memref<!tpu.dma_semaphore, #tpu.memory_space<semaphore_mem>>)
    %get3A_384 = arith.constant 640 : index
    %get3A_385 = tpu.vector_load %arg6[%get3A_384] {strides = array<i32>} : memref<20000xi32, #tpu.memory_space<vmem>>, vector<16xi32>,
    %get3A_386 = vector.shape_cast %get3A_385 : vector<16xi32> to vector<16xi32>
    %add3A_387 = vector.broadcast %mul3A_11 : i32 to vector<16xi32>
    %add3A_388 = arith.addi %get3A_386, %add3A_387 : vector<16xi32>
    %swap3A_389 = arith.constant 0 : index
    %swap3A_390 = tpu.vector_load %arg13[%swap3A_389] {strides = array<i32>} : memref<128xi32, #tpu.memory_space<vmem>>, vector<16xi32>,
    %swap3A_391 = vector.shape_cast %swap3A_390 : vector<16xi32> to vector<16xi32>
    %swap3A_392 = vector.shape_cast %add3A_388 : vector<16xi32> to vector<16xi32>
    tpu.vector_store %arg13[%swap3A_389], %swap3A_392 {strides = array<i32>} : memref<128xi32, #tpu.memory_space<vmem>>, vector<16xi32>,
    %get3A_393 = arith.constant 656 : index
    %get3A_394 = tpu.vector_load %arg6[%get3A_393] {strides = array<i32>} : memref<20000xi32, #tpu.memory_space<vmem>>, vector<16xi32>,
    %get3A_395 = vector.shape_cast %get3A_394 : vector<16xi32> to vector<16xi32>
    %add3A_396 = vector.broadcast %mul3A_11 : i32 to vector<16xi32>
    %add3A_397 = arith.addi %get3A_395, %add3A_396 : vector<16xi32>
    %swap3A_398 = arith.constant 16 : index
    %swap3A_399 = tpu.vector_load %arg13[%swap3A_398] {strides = array<i32>} : memref<128xi32, #tpu.memory_space<vmem>>, vector<16xi32>,
    %swap3A_400 = vector.shape_cast %swap3A_399 : vector<16xi32> to vector<16xi32>
    %swap3A_401 = vector.shape_cast %add3A_397 : vector<16xi32> to vector<16xi32>
    tpu.vector_store %arg13[%swap3A_398], %swap3A_401 {strides = array<i32>} : memref<128xi32, #tpu.memory_space<vmem>>, vector<16xi32>,
    %get3A_402 = arith.constant 672 : index
    %get3A_403 = tpu.vector_load %arg6[%get3A_402] {strides = array<i32>} : memref<20000xi32, #tpu.memory_space<vmem>>, vector<16xi32>,
    %get3A_404 = vector.shape_cast %get3A_403 : vector<16xi32> to vector<16xi32>
    %add3A_405 = vector.broadcast %mul3A_11 : i32 to vector<16xi32>
    %add3A_406 = arith.addi %get3A_404, %add3A_405 : vector<16xi32>
    %swap3A_407 = arith.constant 32 : index
    %swap3A_408 = tpu.vector_load %arg13[%swap3A_407] {strides = array<i32>} : memref<128xi32, #tpu.memory_space<vmem>>, vector<16xi32>,
    %swap3A_409 = vector.shape_cast %swap3A_408 : vector<16xi32> to vector<16xi32>
    %swap3A_410 = vector.shape_cast %add3A_406 : vector<16xi32> to vector<16xi32>
    tpu.vector_store %arg13[%swap3A_407], %swap3A_410 {strides = array<i32>} : memref<128xi32, #tpu.memory_space<vmem>>, vector<16xi32>,
    %get3A_411 = arith.constant 688 : index
    %get3A_412 = tpu.vector_load %arg6[%get3A_411] {strides = array<i32>} : memref<20000xi32, #tpu.memory_space<vmem>>, vector<16xi32>,
    %get3A_413 = vector.shape_cast %get3A_412 : vector<16xi32> to vector<16xi32>
    %add3A_414 = vector.broadcast %mul3A_11 : i32 to vector<16xi32>
    %add3A_415 = arith.addi %get3A_413, %add3A_414 : vector<16xi32>
    %swap3A_416 = arith.constant 48 : index
    %swap3A_417 = tpu.vector_load %arg13[%swap3A_416] {strides = array<i32>} : memref<128xi32, #tpu.memory_space<vmem>>, vector<16xi32>,
    %swap3A_418 = vector.shape_cast %swap3A_417 : vector<16xi32> to vector<16xi32>
    %swap3A_419 = vector.shape_cast %add3A_415 : vector<16xi32> to vector<16xi32>
    tpu.vector_store %arg13[%swap3A_416], %swap3A_419 {strides = array<i32>} : memref<128xi32, #tpu.memory_space<vmem>>, vector<16xi32>,
    %get3A_420 = arith.constant 704 : index
    %get3A_421 = tpu.vector_load %arg6[%get3A_420] {strides = array<i32>} : memref<20000xi32, #tpu.memory_space<vmem>>, vector<16xi32>,
    %get3A_422 = vector.shape_cast %get3A_421 : vector<16xi32> to vector<16xi32>
    %add3A_423 = vector.broadcast %mul3A_11 : i32 to vector<16xi32>
    %add3A_424 = arith.addi %get3A_422, %add3A_423 : vector<16xi32>
    %swap3A_425 = arith.constant 64 : index
    %swap3A_426 = tpu.vector_load %arg13[%swap3A_425] {strides = array<i32>} : memref<128xi32, #tpu.memory_space<vmem>>, vector<16xi32>,
    %swap3A_427 = vector.shape_cast %swap3A_426 : vector<16xi32> to vector<16xi32>
    %swap3A_428 = vector.shape_cast %add3A_424 : vector<16xi32> to vector<16xi32>
    tpu.vector_store %arg13[%swap3A_425], %swap3A_428 {strides = array<i32>} : memref<128xi32, #tpu.memory_space<vmem>>, vector<16xi32>,
    %get3A_429 = arith.constant 720 : index
    %get3A_430 = tpu.vector_load %arg6[%get3A_429] {strides = array<i32>} : memref<20000xi32, #tpu.memory_space<vmem>>, vector<16xi32>,
    %get3A_431 = vector.shape_cast %get3A_430 : vector<16xi32> to vector<16xi32>
    %add3A_432 = vector.broadcast %mul3A_11 : i32 to vector<16xi32>
    %add3A_433 = arith.addi %get3A_431, %add3A_432 : vector<16xi32>
    %swap3A_434 = arith.constant 80 : index
    %swap3A_435 = tpu.vector_load %arg13[%swap3A_434] {strides = array<i32>} : memref<128xi32, #tpu.memory_space<vmem>>, vector<16xi32>,
    %swap3A_436 = vector.shape_cast %swap3A_435 : vector<16xi32> to vector<16xi32>
    %swap3A_437 = vector.shape_cast %add3A_433 : vector<16xi32> to vector<16xi32>
    tpu.vector_store %arg13[%swap3A_434], %swap3A_437 {strides = array<i32>} : memref<128xi32, #tpu.memory_space<vmem>>, vector<16xi32>,
    %get3A_438 = arith.constant 736 : index
    %get3A_439 = tpu.vector_load %arg6[%get3A_438] {strides = array<i32>} : memref<20000xi32, #tpu.memory_space<vmem>>, vector<16xi32>,
    %get3A_440 = vector.shape_cast %get3A_439 : vector<16xi32> to vector<16xi32>
    %add3A_441 = vector.broadcast %mul3A_11 : i32 to vector<16xi32>
    %add3A_442 = arith.addi %get3A_440, %add3A_441 : vector<16xi32>
    %swap3A_443 = arith.constant 96 : index
    %swap3A_444 = tpu.vector_load %arg13[%swap3A_443] {strides = array<i32>} : memref<128xi32, #tpu.memory_space<vmem>>, vector<16xi32>,
    %swap3A_445 = vector.shape_cast %swap3A_444 : vector<16xi32> to vector<16xi32>
    %swap3A_446 = vector.shape_cast %add3A_442 : vector<16xi32> to vector<16xi32>
    tpu.vector_store %arg13[%swap3A_443], %swap3A_446 {strides = array<i32>} : memref<128xi32, #tpu.memory_space<vmem>>, vector<16xi32>,
    %get3A_447 = arith.constant 752 : index
    %get3A_448 = tpu.vector_load %arg6[%get3A_447] {strides = array<i32>} : memref<20000xi32, #tpu.memory_space<vmem>>, vector<16xi32>,
    %get3A_449 = vector.shape_cast %get3A_448 : vector<16xi32> to vector<16xi32>
    %add3A_450 = vector.broadcast %mul3A_11 : i32 to vector<16xi32>
    %add3A_451 = arith.addi %get3A_449, %add3A_450 : vector<16xi32>
    %swap3A_452 = arith.constant 112 : index
    %swap3A_453 = tpu.vector_load %arg13[%swap3A_452] {strides = array<i32>} : memref<128xi32, #tpu.memory_space<vmem>>, vector<16xi32>,
    %swap3A_454 = vector.shape_cast %swap3A_453 : vector<16xi32> to vector<16xi32>
    %swap3A_455 = vector.shape_cast %add3A_451 : vector<16xi32> to vector<16xi32>
    tpu.vector_store %arg13[%swap3A_452], %swap3A_455 {strides = array<i32>} : memref<128xi32, #tpu.memory_space<vmem>>, vector<16xi32>,
    %dma_start3A_456 = arith.constant 0 : i32
    %dma_start3A_457 = arith.constant 0 : i32
    %dma_start3A_458 = tpu.memref_slice %arg2[%dma_start3A_456, %dma_start3A_457] : memref<40960x32xf32, #tpu.memory_space<hbm>> -> memref<40960x32xf32, #tpu.memory_space<hbm>>
    tpu.enqueue_indirect_dma source(%dma_start3A_458 : memref<40960x32xf32, #tpu.memory_space<hbm>>) target(%arg25 : memref<128x32xf32, #tpu.memory_space<vmem>>) offsets(%arg13 : memref<128xi32, #tpu.memory_space<vmem>>) semaphore(%arg36 : memref<!tpu.dma_semaphore, #tpu.memory_space<semaphore_mem>>)
    %scan3A_459 = arith.constant 0 : i32
    %scan3A_460 = arith.constant 0 : i32
    %scan3A_461 = arith.constant 26 : i32
    %scan3A_462 = arith.addi %scan3A_460, %scan3A_461 : i32
    %scan3A_463 = arith.constant 1 : i32
    %scan3A_464 = scf.for %scan3A_1086 = %scan3A_460 to %scan3A_462 step %scan3A_463 iter_args(%scan3A_1087 = %scan3A_459) -> (i32)  : i32 {
      %mul3A_1088 = arith.constant 6 : i32
      %mul3A_1089 = arith.muli %scan3A_1086, %mul3A_1088 : i32
      %dma_wait3A_1090 = arith.constant 0 : i32
      %dma_wait3A_1091 = arith.constant 0 : i32
      %dma_wait3A_1092 = tpu.memref_slice %arg2[%dma_wait3A_1090, %dma_wait3A_1091] : memref<40960x32xf32, #tpu.memory_space<hbm>> -> memref<40960x32xf32, #tpu.memory_space<hbm>>
      tpu.wait_indirect_dma semaphore(%arg31 : memref<!tpu.dma_semaphore, #tpu.memory_space<semaphore_mem>>) src(%dma_wait3A_1092 : memref<40960x32xf32, #tpu.memory_space<hbm>>) dst(%arg20 : memref<128x32xf32, #tpu.memory_space<vmem>>)
      %add3A_1093 = arith.constant 0 : i32
      %add3A_1094 = arith.addi %mul3A_1089, %add3A_1093 : i32
      %mul3A_1095 = arith.constant 128 : i32
      %mul3A_1096 = arith.muli %add3A_1094, %mul3A_1095 : i32
      %dma_start3A_1097 = tpu.memref_slice %arg7[%mul3A_1096] : memref<20000xi32, #tpu.memory_space<vmem>> -> memref<128xi32, #tpu.memory_space<vmem>>
      %dma_start3A_1098 = arith.constant 0 : i32
      %dma_start3A_1099 = arith.constant 0 : i32
      %dma_start3A_1100 = tpu.memref_slice %arg30[%dma_start3A_1098, %dma_start3A_1099] : memref<10240x32xf32, #tpu.memory_space<vmem_shared>> -> memref<10240x32xf32, #tpu.memory_space<vmem_shared>>
      tpu.enqueue_indirect_dma source(%arg20 : memref<128x32xf32, #tpu.memory_space<vmem>>) target(%dma_start3A_1100 : memref<10240x32xf32, #tpu.memory_space<vmem_shared>>) offsets(%dma_start3A_1097 : memref<128xi32, #tpu.memory_space<vmem>>) semaphore(%arg37 : memref<!tpu.dma_semaphore, #tpu.memory_space<semaphore_mem>>) {add = true}
      %dma_wait3A_1101 = arith.constant 0 : i32
      %dma_wait3A_1102 = arith.constant 0 : i32
      %dma_wait3A_1103 = tpu.memref_slice %arg2[%dma_wait3A_1101, %dma_wait3A_1102] : memref<40960x32xf32, #tpu.memory_space<hbm>> -> memref<40960x32xf32, #tpu.memory_space<hbm>>
      tpu.wait_indirect_dma semaphore(%arg32 : memref<!tpu.dma_semaphore, #tpu.memory_space<semaphore_mem>>) src(%dma_wait3A_1103 : memref<40960x32xf32, #tpu.memory_space<hbm>>) dst(%arg21 : memref<128x32xf32, #tpu.memory_space<vmem>>)
      %add3A_1104 = arith.constant 1 : i32
      %add3A_1105 = arith.addi %mul3A_1089, %add3A_1104 : i32
      %mul3A_1106 = arith.constant 128 : i32
      %mul3A_1107 = arith.muli %add3A_1105, %mul3A_1106 : i32
      %dma_start3A_1108 = tpu.memref_slice %arg7[%mul3A_1107] : memref<20000xi32, #tpu.memory_space<vmem>> -> memref<128xi32, #tpu.memory_space<vmem>>
      %dma_start3A_1109 = arith.constant 0 : i32
      %dma_start3A_1110 = arith.constant 0 : i32
      %dma_start3A_1111 = tpu.memref_slice %arg30[%dma_start3A_1109, %dma_start3A_1110] : memref<10240x32xf32, #tpu.memory_space<vmem_shared>> -> memref<10240x32xf32, #tpu.memory_space<vmem_shared>>
      tpu.enqueue_indirect_dma source(%arg21 : memref<128x32xf32, #tpu.memory_space<vmem>>) target(%dma_start3A_1111 : memref<10240x32xf32, #tpu.memory_space<vmem_shared>>) offsets(%dma_start3A_1108 : memref<128xi32, #tpu.memory_space<vmem>>) semaphore(%arg38 : memref<!tpu.dma_semaphore, #tpu.memory_space<semaphore_mem>>) {add = true}
      %dma_wait3A_1112 = arith.constant 0 : i32
      %dma_wait3A_1113 = arith.constant 0 : i32
      %dma_wait3A_1114 = tpu.memref_slice %arg2[%dma_wait3A_1112, %dma_wait3A_1113] : memref<40960x32xf32, #tpu.memory_space<hbm>> -> memref<40960x32xf32, #tpu.memory_space<hbm>>
      tpu.wait_indirect_dma semaphore(%arg33 : memref<!tpu.dma_semaphore, #tpu.memory_space<semaphore_mem>>) src(%dma_wait3A_1114 : memref<40960x32xf32, #tpu.memory_space<hbm>>) dst(%arg22 : memref<128x32xf32, #tpu.memory_space<vmem>>)
      %add3A_1115 = arith.constant 2 : i32
      %add3A_1116 = arith.addi %mul3A_1089, %add3A_1115 : i32
      %mul3A_1117 = arith.constant 128 : i32
      %mul3A_1118 = arith.muli %add3A_1116, %mul3A_1117 : i32
      %dma_start3A_1119 = tpu.memref_slice %arg7[%mul3A_1118] : memref<20000xi32, #tpu.memory_space<vmem>> -> memref<128xi32, #tpu.memory_space<vmem>>
      %dma_start3A_1120 = arith.constant 0 : i32
      %dma_start3A_1121 = arith.constant 0 : i32
      %dma_start3A_1122 = tpu.memref_slice %arg30[%dma_start3A_1120, %dma_start3A_1121] : memref<10240x32xf32, #tpu.memory_space<vmem_shared>> -> memref<10240x32xf32, #tpu.memory_space<vmem_shared>>
      tpu.enqueue_indirect_dma source(%arg22 : memref<128x32xf32, #tpu.memory_space<vmem>>) target(%dma_start3A_1122 : memref<10240x32xf32, #tpu.memory_space<vmem_shared>>) offsets(%dma_start3A_1119 : memref<128xi32, #tpu.memory_space<vmem>>) semaphore(%arg39 : memref<!tpu.dma_semaphore, #tpu.memory_space<semaphore_mem>>) {add = true}
      %dma_wait3A_1123 = arith.constant 0 : i32
      %dma_wait3A_1124 = arith.constant 0 : i32
      %dma_wait3A_1125 = tpu.memref_slice %arg2[%dma_wait3A_1123, %dma_wait3A_1124] : memref<40960x32xf32, #tpu.memory_space<hbm>> -> memref<40960x32xf32, #tpu.memory_space<hbm>>
      tpu.wait_indirect_dma semaphore(%arg34 : memref<!tpu.dma_semaphore, #tpu.memory_space<semaphore_mem>>) src(%dma_wait3A_1125 : memref<40960x32xf32, #tpu.memory_space<hbm>>) dst(%arg23 : memref<128x32xf32, #tpu.memory_space<vmem>>)
      %add3A_1126 = arith.constant 3 : i32
      %add3A_1127 = arith.addi %mul3A_1089, %add3A_1126 : i32
      %mul3A_1128 = arith.constant 128 : i32
      %mul3A_1129 = arith.muli %add3A_1127, %mul3A_1128 : i32
      %dma_start3A_1130 = tpu.memref_slice %arg7[%mul3A_1129] : memref<20000xi32, #tpu.memory_space<vmem>> -> memref<128xi32, #tpu.memory_space<vmem>>
      %dma_start3A_1131 = arith.constant 0 : i32
      %dma_start3A_1132 = arith.constant 0 : i32
      %dma_start3A_1133 = tpu.memref_slice %arg30[%dma_start3A_1131, %dma_start3A_1132] : memref<10240x32xf32, #tpu.memory_space<vmem_shared>> -> memref<10240x32xf32, #tpu.memory_space<vmem_shared>>
      tpu.enqueue_indirect_dma source(%arg23 : memref<128x32xf32, #tpu.memory_space<vmem>>) target(%dma_start3A_1133 : memref<10240x32xf32, #tpu.memory_space<vmem_shared>>) offsets(%dma_start3A_1130 : memref<128xi32, #tpu.memory_space<vmem>>) semaphore(%arg40 : memref<!tpu.dma_semaphore, #tpu.memory_space<semaphore_mem>>) {add = true}
      %dma_wait3A_1134 = arith.constant 0 : i32
      %dma_wait3A_1135 = arith.constant 0 : i32
      %dma_wait3A_1136 = tpu.memref_slice %arg2[%dma_wait3A_1134, %dma_wait3A_1135] : memref<40960x32xf32, #tpu.memory_space<hbm>> -> memref<40960x32xf32, #tpu.memory_space<hbm>>
      tpu.wait_indirect_dma semaphore(%arg35 : memref<!tpu.dma_semaphore, #tpu.memory_space<semaphore_mem>>) src(%dma_wait3A_1136 : memref<40960x32xf32, #tpu.memory_space<hbm>>) dst(%arg24 : memref<128x32xf32, #tpu.memory_space<vmem>>)
      %add3A_1137 = arith.constant 4 : i32
      %add3A_1138 = arith.addi %mul3A_1089, %add3A_1137 : i32
      %mul3A_1139 = arith.constant 128 : i32
      %mul3A_1140 = arith.muli %add3A_1138, %mul3A_1139 : i32
      %dma_start3A_1141 = tpu.memref_slice %arg7[%mul3A_1140] : memref<20000xi32, #tpu.memory_space<vmem>> -> memref<128xi32, #tpu.memory_space<vmem>>
      %dma_start3A_1142 = arith.constant 0 : i32
      %dma_start3A_1143 = arith.constant 0 : i32
      %dma_start3A_1144 = tpu.memref_slice %arg30[%dma_start3A_1142, %dma_start3A_1143] : memref<10240x32xf32, #tpu.memory_space<vmem_shared>> -> memref<10240x32xf32, #tpu.memory_space<vmem_shared>>
      tpu.enqueue_indirect_dma source(%arg24 : memref<128x32xf32, #tpu.memory_space<vmem>>) target(%dma_start3A_1144 : memref<10240x32xf32, #tpu.memory_space<vmem_shared>>) offsets(%dma_start3A_1141 : memref<128xi32, #tpu.memory_space<vmem>>) semaphore(%arg41 : memref<!tpu.dma_semaphore, #tpu.memory_space<semaphore_mem>>) {add = true}
      %dma_wait3A_1145 = arith.constant 0 : i32
      %dma_wait3A_1146 = arith.constant 0 : i32
      %dma_wait3A_1147 = tpu.memref_slice %arg2[%dma_wait3A_1145, %dma_wait3A_1146] : memref<40960x32xf32, #tpu.memory_space<hbm>> -> memref<40960x32xf32, #tpu.memory_space<hbm>>
      tpu.wait_indirect_dma semaphore(%arg36 : memref<!tpu.dma_semaphore, #tpu.memory_space<semaphore_mem>>) src(%dma_wait3A_1147 : memref<40960x32xf32, #tpu.memory_space<hbm>>) dst(%arg25 : memref<128x32xf32, #tpu.memory_space<vmem>>)
      %add3A_1148 = arith.constant 5 : i32
      %add3A_1149 = arith.addi %mul3A_1089, %add3A_1148 : i32
      %mul3A_1150 = arith.constant 128 : i32
      %mul3A_1151 = arith.muli %add3A_1149, %mul3A_1150 : i32
      %dma_start3A_1152 = tpu.memref_slice %arg7[%mul3A_1151] : memref<20000xi32, #tpu.memory_space<vmem>> -> memref<128xi32, #tpu.memory_space<vmem>>
      %dma_start3A_1153 = arith.constant 0 : i32
      %dma_start3A_1154 = arith.constant 0 : i32
      %dma_start3A_1155 = tpu.memref_slice %arg30[%dma_start3A_1153, %dma_start3A_1154] : memref<10240x32xf32, #tpu.memory_space<vmem_shared>> -> memref<10240x32xf32, #tpu.memory_space<vmem_shared>>
      tpu.enqueue_indirect_dma source(%arg25 : memref<128x32xf32, #tpu.memory_space<vmem>>) target(%dma_start3A_1155 : memref<10240x32xf32, #tpu.memory_space<vmem_shared>>) offsets(%dma_start3A_1152 : memref<128xi32, #tpu.memory_space<vmem>>) semaphore(%arg42 : memref<!tpu.dma_semaphore, #tpu.memory_space<semaphore_mem>>) {add = true}
      %add3A_1156 = arith.constant 0 : i32
      %add3A_1157 = arith.addi %mul3A_1089, %add3A_1156 : i32
      %add3A_1158 = arith.constant 6 : i32
      %add3A_1159 = arith.addi %add3A_1157, %add3A_1158 : i32
      %lt3A = arith.constant 156 : i32
      %lt3A_1160 = arith.cmpi slt, %add3A_1159, %lt3A : i32
      %convert_element_type3A = arith.extui %lt3A_1160 : i1 to i32
      %cond3A = arith.constant 0 : i32
      %cond3A_1161 = arith.cmpi ne, %convert_element_type3A, %cond3A : i32
      scf.if %cond3A_1161 {
        %add3A_1208 = arith.constant 0 : i32
        %add3A_1209 = arith.addi %mul3A_1089, %add3A_1208 : i32
        %mul3A_1210 = arith.constant 128 : i32
        %mul3A_1211 = arith.muli %add3A_1209, %mul3A_1210 : i32
        %dma_wait3A_1212 = tpu.memref_slice %arg7[%mul3A_1211] : memref<20000xi32, #tpu.memory_space<vmem>> -> memref<128xi32, #tpu.memory_space<vmem>>
        %dma_wait3A_1213 = arith.constant 0 : i32
        %dma_wait3A_1214 = arith.constant 0 : i32
        %dma_wait3A_1215 = tpu.memref_slice %arg30[%dma_wait3A_1213, %dma_wait3A_1214] : memref<10240x32xf32, #tpu.memory_space<vmem_shared>> -> memref<10240x32xf32, #tpu.memory_space<vmem_shared>>
        tpu.wait_indirect_dma semaphore(%arg37 : memref<!tpu.dma_semaphore, #tpu.memory_space<semaphore_mem>>) src(%arg20 : memref<128x32xf32, #tpu.memory_space<vmem>>) dst(%dma_wait3A_1215 : memref<10240x32xf32, #tpu.memory_space<vmem_shared>>)
        %add3A_1216 = arith.constant 0 : i32
        %add3A_1217 = arith.addi %mul3A_1089, %add3A_1216 : i32
        %add3A_1218 = arith.constant 6 : i32
        %add3A_1219 = arith.addi %add3A_1217, %add3A_1218 : i32
        %mul3A_1220 = arith.constant 128 : i32
        %mul3A_1221 = arith.muli %add3A_1219, %mul3A_1220 : i32
        %add3A_1222 = arith.constant 0 : i32
        %add3A_1223 = arith.addi %mul3A_1221, %add3A_1222 : i32
        %get3A_1224 = arith.index_cast %add3A_1223 : i32 to index
        %get3A_1225 = tpu.vector_load %arg6[%get3A_1224] {strides = array<i32>} : memref<20000xi32, #tpu.memory_space<vmem>>, vector<16xi32>,
        %get3A_1226 = vector.shape_cast %get3A_1225 : vector<16xi32> to vector<16xi32>
        %add3A_1227 = vector.broadcast %mul3A_11 : i32 to vector<16xi32>
        %add3A_1228 = arith.addi %get3A_1226, %add3A_1227 : vector<16xi32>
        %swap3A_1229 = arith.constant 0 : index
        %swap3A_1230 = tpu.vector_load %arg8[%swap3A_1229] {strides = array<i32>} : memref<128xi32, #tpu.memory_space<vmem>>, vector<16xi32>,
        %swap3A_1231 = vector.shape_cast %swap3A_1230 : vector<16xi32> to vector<16xi32>
        %swap3A_1232 = vector.shape_cast %add3A_1228 : vector<16xi32> to vector<16xi32>
        tpu.vector_store %arg8[%swap3A_1229], %swap3A_1232 {strides = array<i32>} : memref<128xi32, #tpu.memory_space<vmem>>, vector<16xi32>,
        %mul3A_1233 = arith.constant 128 : i32
        %mul3A_1234 = arith.muli %add3A_1219, %mul3A_1233 : i32
        %add3A_1235 = arith.constant 16 : i32
        %add3A_1236 = arith.addi %mul3A_1234, %add3A_1235 : i32
        %get3A_1237 = arith.index_cast %add3A_1236 : i32 to index
        %get3A_1238 = tpu.vector_load %arg6[%get3A_1237] {strides = array<i32>} : memref<20000xi32, #tpu.memory_space<vmem>>, vector<16xi32>,
        %get3A_1239 = vector.shape_cast %get3A_1238 : vector<16xi32> to vector<16xi32>
        %add3A_1240 = vector.broadcast %mul3A_11 : i32 to vector<16xi32>
        %add3A_1241 = arith.addi %get3A_1239, %add3A_1240 : vector<16xi32>
        %swap3A_1242 = arith.constant 16 : index
        %swap3A_1243 = tpu.vector_load %arg8[%swap3A_1242] {strides = array<i32>} : memref<128xi32, #tpu.memory_space<vmem>>, vector<16xi32>,
        %swap3A_1244 = vector.shape_cast %swap3A_1243 : vector<16xi32> to vector<16xi32>
        %swap3A_1245 = vector.shape_cast %add3A_1241 : vector<16xi32> to vector<16xi32>
        tpu.vector_store %arg8[%swap3A_1242], %swap3A_1245 {strides = array<i32>} : memref<128xi32, #tpu.memory_space<vmem>>, vector<16xi32>,
        %mul3A_1246 = arith.constant 128 : i32
        %mul3A_1247 = arith.muli %add3A_1219, %mul3A_1246 : i32
        %add3A_1248 = arith.constant 32 : i32
        %add3A_1249 = arith.addi %mul3A_1247, %add3A_1248 : i32
        %get3A_1250 = arith.index_cast %add3A_1249 : i32 to index
        %get3A_1251 = tpu.vector_load %arg6[%get3A_1250] {strides = array<i32>} : memref<20000xi32, #tpu.memory_space<vmem>>, vector<16xi32>,
        %get3A_1252 = vector.shape_cast %get3A_1251 : vector<16xi32> to vector<16xi32>
        %add3A_1253 = vector.broadcast %mul3A_11 : i32 to vector<16xi32>
        %add3A_1254 = arith.addi %get3A_1252, %add3A_1253 : vector<16xi32>
        %swap3A_1255 = arith.constant 32 : index
        %swap3A_1256 = tpu.vector_load %arg8[%swap3A_1255] {strides = array<i32>} : memref<128xi32, #tpu.memory_space<vmem>>, vector<16xi32>,
        %swap3A_1257 = vector.shape_cast %swap3A_1256 : vector<16xi32> to vector<16xi32>
        %swap3A_1258 = vector.shape_cast %add3A_1254 : vector<16xi32> to vector<16xi32>
        tpu.vector_store %arg8[%swap3A_1255], %swap3A_1258 {strides = array<i32>} : memref<128xi32, #tpu.memory_space<vmem>>, vector<16xi32>,
        %mul3A_1259 = arith.constant 128 : i32
        %mul3A_1260 = arith.muli %add3A_1219, %mul3A_1259 : i32
        %add3A_1261 = arith.constant 48 : i32
        %add3A_1262 = arith.addi %mul3A_1260, %add3A_1261 : i32
        %get3A_1263 = arith.index_cast %add3A_1262 : i32 to index
        %get3A_1264 = tpu.vector_load %arg6[%get3A_1263] {strides = array<i32>} : memref<20000xi32, #tpu.memory_space<vmem>>, vector<16xi32>,
        %get3A_1265 = vector.shape_cast %get3A_1264 : vector<16xi32> to vector<16xi32>
        %add3A_1266 = vector.broadcast %mul3A_11 : i32 to vector<16xi32>
        %add3A_1267 = arith.addi %get3A_1265, %add3A_1266 : vector<16xi32>
        %swap3A_1268 = arith.constant 48 : index
        %swap3A_1269 = tpu.vector_load %arg8[%swap3A_1268] {strides = array<i32>} : memref<128xi32, #tpu.memory_space<vmem>>, vector<16xi32>,
        %swap3A_1270 = vector.shape_cast %swap3A_1269 : vector<16xi32> to vector<16xi32>
        %swap3A_1271 = vector.shape_cast %add3A_1267 : vector<16xi32> to vector<16xi32>
        tpu.vector_store %arg8[%swap3A_1268], %swap3A_1271 {strides = array<i32>} : memref<128xi32, #tpu.memory_space<vmem>>, vector<16xi32>,
        %mul3A_1272 = arith.constant 128 : i32
        %mul3A_1273 = arith.muli %add3A_1219, %mul3A_1272 : i32
        %add3A_1274 = arith.constant 64 : i32
        %add3A_1275 = arith.addi %mul3A_1273, %add3A_1274 : i32
        %get3A_1276 = arith.index_cast %add3A_1275 : i32 to index
        %get3A_1277 = tpu.vector_load %arg6[%get3A_1276] {strides = array<i32>} : memref<20000xi32, #tpu.memory_space<vmem>>, vector<16xi32>,
        %get3A_1278 = vector.shape_cast %get3A_1277 : vector<16xi32> to vector<16xi32>
        %add3A_1279 = vector.broadcast %mul3A_11 : i32 to vector<16xi32>
        %add3A_1280 = arith.addi %get3A_1278, %add3A_1279 : vector<16xi32>
        %swap3A_1281 = arith.constant 64 : index
        %swap3A_1282 = tpu.vector_load %arg8[%swap3A_1281] {strides = array<i32>} : memref<128xi32, #tpu.memory_space<vmem>>, vector<16xi32>,
        %swap3A_1283 = vector.shape_cast %swap3A_1282 : vector<16xi32> to vector<16xi32>
        %swap3A_1284 = vector.shape_cast %add3A_1280 : vector<16xi32> to vector<16xi32>
        tpu.vector_store %arg8[%swap3A_1281], %swap3A_1284 {strides = array<i32>} : memref<128xi32, #tpu.memory_space<vmem>>, vector<16xi32>,
        %mul3A_1285 = arith.constant 128 : i32
        %mul3A_1286 = arith.muli %add3A_1219, %mul3A_1285 : i32
        %add3A_1287 = arith.constant 80 : i32
        %add3A_1288 = arith.addi %mul3A_1286, %add3A_1287 : i32
        %get3A_1289 = arith.index_cast %add3A_1288 : i32 to index
        %get3A_1290 = tpu.vector_load %arg6[%get3A_1289] {strides = array<i32>} : memref<20000xi32, #tpu.memory_space<vmem>>, vector<16xi32>,
        %get3A_1291 = vector.shape_cast %get3A_1290 : vector<16xi32> to vector<16xi32>
        %add3A_1292 = vector.broadcast %mul3A_11 : i32 to vector<16xi32>
        %add3A_1293 = arith.addi %get3A_1291, %add3A_1292 : vector<16xi32>
        %swap3A_1294 = arith.constant 80 : index
        %swap3A_1295 = tpu.vector_load %arg8[%swap3A_1294] {strides = array<i32>} : memref<128xi32, #tpu.memory_space<vmem>>, vector<16xi32>,
        %swap3A_1296 = vector.shape_cast %swap3A_1295 : vector<16xi32> to vector<16xi32>
        %swap3A_1297 = vector.shape_cast %add3A_1293 : vector<16xi32> to vector<16xi32>
        tpu.vector_store %arg8[%swap3A_1294], %swap3A_1297 {strides = array<i32>} : memref<128xi32, #tpu.memory_space<vmem>>, vector<16xi32>,
        %mul3A_1298 = arith.constant 128 : i32
        %mul3A_1299 = arith.muli %add3A_1219, %mul3A_1298 : i32
        %add3A_1300 = arith.constant 96 : i32
        %add3A_1301 = arith.addi %mul3A_1299, %add3A_1300 : i32
        %get3A_1302 = arith.index_cast %add3A_1301 : i32 to index
        %get3A_1303 = tpu.vector_load %arg6[%get3A_1302] {strides = array<i32>} : memref<20000xi32, #tpu.memory_space<vmem>>, vector<16xi32>,
        %get3A_1304 = vector.shape_cast %get3A_1303 : vector<16xi32> to vector<16xi32>
        %add3A_1305 = vector.broadcast %mul3A_11 : i32 to vector<16xi32>
        %add3A_1306 = arith.addi %get3A_1304, %add3A_1305 : vector<16xi32>
        %swap3A_1307 = arith.constant 96 : index
        %swap3A_1308 = tpu.vector_load %arg8[%swap3A_1307] {strides = array<i32>} : memref<128xi32, #tpu.memory_space<vmem>>, vector<16xi32>,
        %swap3A_1309 = vector.shape_cast %swap3A_1308 : vector<16xi32> to vector<16xi32>
        %swap3A_1310 = vector.shape_cast %add3A_1306 : vector<16xi32> to vector<16xi32>
        tpu.vector_store %arg8[%swap3A_1307], %swap3A_1310 {strides = array<i32>} : memref<128xi32, #tpu.memory_space<vmem>>, vector<16xi32>,
        %mul3A_1311 = arith.constant 128 : i32
        %mul3A_1312 = arith.muli %add3A_1219, %mul3A_1311 : i32
        %add3A_1313 = arith.constant 112 : i32
        %add3A_1314 = arith.addi %mul3A_1312, %add3A_1313 : i32
        %get3A_1315 = arith.index_cast %add3A_1314 : i32 to index
        %get3A_1316 = tpu.vector_load %arg6[%get3A_1315] {strides = array<i32>} : memref<20000xi32, #tpu.memory_space<vmem>>, vector<16xi32>,
        %get3A_1317 = vector.shape_cast %get3A_1316 : vector<16xi32> to vector<16xi32>
        %add3A_1318 = vector.broadcast %mul3A_11 : i32 to vector<16xi32>
        %add3A_1319 = arith.addi %get3A_1317, %add3A_1318 : vector<16xi32>
        %swap3A_1320 = arith.constant 112 : index
        %swap3A_1321 = tpu.vector_load %arg8[%swap3A_1320] {strides = array<i32>} : memref<128xi32, #tpu.memory_space<vmem>>, vector<16xi32>,
        %swap3A_1322 = vector.shape_cast %swap3A_1321 : vector<16xi32> to vector<16xi32>
        %swap3A_1323 = vector.shape_cast %add3A_1319 : vector<16xi32> to vector<16xi32>
        tpu.vector_store %arg8[%swap3A_1320], %swap3A_1323 {strides = array<i32>} : memref<128xi32, #tpu.memory_space<vmem>>, vector<16xi32>,
        %dma_start3A_1324 = arith.constant 0 : i32
        %dma_start3A_1325 = arith.constant 0 : i32
        %dma_start3A_1326 = tpu.memref_slice %arg2[%dma_start3A_1324, %dma_start3A_1325] : memref<40960x32xf32, #tpu.memory_space<hbm>> -> memref<40960x32xf32, #tpu.memory_space<hbm>>
        tpu.enqueue_indirect_dma source(%dma_start3A_1326 : memref<40960x32xf32, #tpu.memory_space<hbm>>) target(%arg20 : memref<128x32xf32, #tpu.memory_space<vmem>>) offsets(%arg8 : memref<128xi32, #tpu.memory_space<vmem>>) semaphore(%arg31 : memref<!tpu.dma_semaphore, #tpu.memory_space<semaphore_mem>>)
      } else {
      }
      %add3A_1162 = arith.constant 1 : i32
      %add3A_1163 = arith.addi %mul3A_1089, %add3A_1162 : i32
      %add3A_1164 = arith.constant 6 : i32
      %add3A_1165 = arith.addi %add3A_1163, %add3A_1164 : i32
      %lt3A_1166 = arith.constant 156 : i32
      %lt3A_1167 = arith.cmpi slt, %add3A_1165, %lt3A_1166 : i32
      %convert_element_type3A_1168 = arith.extui %lt3A_1167 : i1 to i32
      %cond3A_1169 = arith.constant 0 : i32
      %cond3A_1170 = arith.cmpi ne, %convert_element_type3A_1168, %cond3A_1169 : i32
      scf.if %cond3A_1170 {
        %add3A_1208 = arith.constant 1 : i32
        %add3A_1209 = arith.addi %mul3A_1089, %add3A_1208 : i32
        %mul3A_1210 = arith.constant 128 : i32
        %mul3A_1211 = arith.muli %add3A_1209, %mul3A_1210 : i32
        %dma_wait3A_1212 = tpu.memref_slice %arg7[%mul3A_1211] : memref<20000xi32, #tpu.memory_space<vmem>> -> memref<128xi32, #tpu.memory_space<vmem>>
        %dma_wait3A_1213 = arith.constant 0 : i32
        %dma_wait3A_1214 = arith.constant 0 : i32
        %dma_wait3A_1215 = tpu.memref_slice %arg30[%dma_wait3A_1213, %dma_wait3A_1214] : memref<10240x32xf32, #tpu.memory_space<vmem_shared>> -> memref<10240x32xf32, #tpu.memory_space<vmem_shared>>
        tpu.wait_indirect_dma semaphore(%arg38 : memref<!tpu.dma_semaphore, #tpu.memory_space<semaphore_mem>>) src(%arg21 : memref<128x32xf32, #tpu.memory_space<vmem>>) dst(%dma_wait3A_1215 : memref<10240x32xf32, #tpu.memory_space<vmem_shared>>)
        %add3A_1216 = arith.constant 1 : i32
        %add3A_1217 = arith.addi %mul3A_1089, %add3A_1216 : i32
        %add3A_1218 = arith.constant 6 : i32
        %add3A_1219 = arith.addi %add3A_1217, %add3A_1218 : i32
        %mul3A_1220 = arith.constant 128 : i32
        %mul3A_1221 = arith.muli %add3A_1219, %mul3A_1220 : i32
        %add3A_1222 = arith.constant 0 : i32
        %add3A_1223 = arith.addi %mul3A_1221, %add3A_1222 : i32
        %get3A_1224 = arith.index_cast %add3A_1223 : i32 to index
        %get3A_1225 = tpu.vector_load %arg6[%get3A_1224] {strides = array<i32>} : memref<20000xi32, #tpu.memory_space<vmem>>, vector<16xi32>,
        %get3A_1226 = vector.shape_cast %get3A_1225 : vector<16xi32> to vector<16xi32>
        %add3A_1227 = vector.broadcast %mul3A_11 : i32 to vector<16xi32>
        %add3A_1228 = arith.addi %get3A_1226, %add3A_1227 : vector<16xi32>
        %swap3A_1229 = arith.constant 0 : index
        %swap3A_1230 = tpu.vector_load %arg9[%swap3A_1229] {strides = array<i32>} : memref<128xi32, #tpu.memory_space<vmem>>, vector<16xi32>,
        %swap3A_1231 = vector.shape_cast %swap3A_1230 : vector<16xi32> to vector<16xi32>
        %swap3A_1232 = vector.shape_cast %add3A_1228 : vector<16xi32> to vector<16xi32>
        tpu.vector_store %arg9[%swap3A_1229], %swap3A_1232 {strides = array<i32>} : memref<128xi32, #tpu.memory_space<vmem>>, vector<16xi32>,
        %mul3A_1233 = arith.constant 128 : i32
        %mul3A_1234 = arith.muli %add3A_1219, %mul3A_1233 : i32
        %add3A_1235 = arith.constant 16 : i32
        %add3A_1236 = arith.addi %mul3A_1234, %add3A_1235 : i32
        %get3A_1237 = arith.index_cast %add3A_1236 : i32 to index
        %get3A_1238 = tpu.vector_load %arg6[%get3A_1237] {strides = array<i32>} : memref<20000xi32, #tpu.memory_space<vmem>>, vector<16xi32>,
        %get3A_1239 = vector.shape_cast %get3A_1238 : vector<16xi32> to vector<16xi32>
        %add3A_1240 = vector.broadcast %mul3A_11 : i32 to vector<16xi32>
        %add3A_1241 = arith.addi %get3A_1239, %add3A_1240 : vector<16xi32>
        %swap3A_1242 = arith.constant 16 : index
        %swap3A_1243 = tpu.vector_load %arg9[%swap3A_1242] {strides = array<i32>} : memref<128xi32, #tpu.memory_space<vmem>>, vector<16xi32>,
        %swap3A_1244 = vector.shape_cast %swap3A_1243 : vector<16xi32> to vector<16xi32>
        %swap3A_1245 = vector.shape_cast %add3A_1241 : vector<16xi32> to vector<16xi32>
        tpu.vector_store %arg9[%swap3A_1242], %swap3A_1245 {strides = array<i32>} : memref<128xi32, #tpu.memory_space<vmem>>, vector<16xi32>,
        %mul3A_1246 = arith.constant 128 : i32
        %mul3A_1247 = arith.muli %add3A_1219, %mul3A_1246 : i32
        %add3A_1248 = arith.constant 32 : i32
        %add3A_1249 = arith.addi %mul3A_1247, %add3A_1248 : i32
        %get3A_1250 = arith.index_cast %add3A_1249 : i32 to index
        %get3A_1251 = tpu.vector_load %arg6[%get3A_1250] {strides = array<i32>} : memref<20000xi32, #tpu.memory_space<vmem>>, vector<16xi32>,
        %get3A_1252 = vector.shape_cast %get3A_1251 : vector<16xi32> to vector<16xi32>
        %add3A_1253 = vector.broadcast %mul3A_11 : i32 to vector<16xi32>
        %add3A_1254 = arith.addi %get3A_1252, %add3A_1253 : vector<16xi32>
        %swap3A_1255 = arith.constant 32 : index
        %swap3A_1256 = tpu.vector_load %arg9[%swap3A_1255] {strides = array<i32>} : memref<128xi32, #tpu.memory_space<vmem>>, vector<16xi32>,
        %swap3A_1257 = vector.shape_cast %swap3A_1256 : vector<16xi32> to vector<16xi32>
        %swap3A_1258 = vector.shape_cast %add3A_1254 : vector<16xi32> to vector<16xi32>
        tpu.vector_store %arg9[%swap3A_1255], %swap3A_1258 {strides = array<i32>} : memref<128xi32, #tpu.memory_space<vmem>>, vector<16xi32>,
        %mul3A_1259 = arith.constant 128 : i32
        %mul3A_1260 = arith.muli %add3A_1219, %mul3A_1259 : i32
        %add3A_1261 = arith.constant 48 : i32
        %add3A_1262 = arith.addi %mul3A_1260, %add3A_1261 : i32
        %get3A_1263 = arith.index_cast %add3A_1262 : i32 to index
        %get3A_1264 = tpu.vector_load %arg6[%get3A_1263] {strides = array<i32>} : memref<20000xi32, #tpu.memory_space<vmem>>, vector<16xi32>,
        %get3A_1265 = vector.shape_cast %get3A_1264 : vector<16xi32> to vector<16xi32>
        %add3A_1266 = vector.broadcast %mul3A_11 : i32 to vector<16xi32>
        %add3A_1267 = arith.addi %get3A_1265, %add3A_1266 : vector<16xi32>
        %swap3A_1268 = arith.constant 48 : index
        %swap3A_1269 = tpu.vector_load %arg9[%swap3A_1268] {strides = array<i32>} : memref<128xi32, #tpu.memory_space<vmem>>, vector<16xi32>,
        %swap3A_1270 = vector.shape_cast %swap3A_1269 : vector<16xi32> to vector<16xi32>
        %swap3A_1271 = vector.shape_cast %add3A_1267 : vector<16xi32> to vector<16xi32>
        tpu.vector_store %arg9[%swap3A_1268], %swap3A_1271 {strides = array<i32>} : memref<128xi32, #tpu.memory_space<vmem>>, vector<16xi32>,
        %mul3A_1272 = arith.constant 128 : i32
        %mul3A_1273 = arith.muli %add3A_1219, %mul3A_1272 : i32
        %add3A_1274 = arith.constant 64 : i32
        %add3A_1275 = arith.addi %mul3A_1273, %add3A_1274 : i32
        %get3A_1276 = arith.index_cast %add3A_1275 : i32 to index
        %get3A_1277 = tpu.vector_load %arg6[%get3A_1276] {strides = array<i32>} : memref<20000xi32, #tpu.memory_space<vmem>>, vector<16xi32>,
        %get3A_1278 = vector.shape_cast %get3A_1277 : vector<16xi32> to vector<16xi32>
        %add3A_1279 = vector.broadcast %mul3A_11 : i32 to vector<16xi32>
        %add3A_1280 = arith.addi %get3A_1278, %add3A_1279 : vector<16xi32>
        %swap3A_1281 = arith.constant 64 : index
        %swap3A_1282 = tpu.vector_load %arg9[%swap3A_1281] {strides = array<i32>} : memref<128xi32, #tpu.memory_space<vmem>>, vector<16xi32>,
        %swap3A_1283 = vector.shape_cast %swap3A_1282 : vector<16xi32> to vector<16xi32>
        %swap3A_1284 = vector.shape_cast %add3A_1280 : vector<16xi32> to vector<16xi32>
        tpu.vector_store %arg9[%swap3A_1281], %swap3A_1284 {strides = array<i32>} : memref<128xi32, #tpu.memory_space<vmem>>, vector<16xi32>,
        %mul3A_1285 = arith.constant 128 : i32
        %mul3A_1286 = arith.muli %add3A_1219, %mul3A_1285 : i32
        %add3A_1287 = arith.constant 80 : i32
        %add3A_1288 = arith.addi %mul3A_1286, %add3A_1287 : i32
        %get3A_1289 = arith.index_cast %add3A_1288 : i32 to index
        %get3A_1290 = tpu.vector_load %arg6[%get3A_1289] {strides = array<i32>} : memref<20000xi32, #tpu.memory_space<vmem>>, vector<16xi32>,
        %get3A_1291 = vector.shape_cast %get3A_1290 : vector<16xi32> to vector<16xi32>
        %add3A_1292 = vector.broadcast %mul3A_11 : i32 to vector<16xi32>
        %add3A_1293 = arith.addi %get3A_1291, %add3A_1292 : vector<16xi32>
        %swap3A_1294 = arith.constant 80 : index
        %swap3A_1295 = tpu.vector_load %arg9[%swap3A_1294] {strides = array<i32>} : memref<128xi32, #tpu.memory_space<vmem>>, vector<16xi32>,
        %swap3A_1296 = vector.shape_cast %swap3A_1295 : vector<16xi32> to vector<16xi32>
        %swap3A_1297 = vector.shape_cast %add3A_1293 : vector<16xi32> to vector<16xi32>
        tpu.vector_store %arg9[%swap3A_1294], %swap3A_1297 {strides = array<i32>} : memref<128xi32, #tpu.memory_space<vmem>>, vector<16xi32>,
        %mul3A_1298 = arith.constant 128 : i32
        %mul3A_1299 = arith.muli %add3A_1219, %mul3A_1298 : i32
        %add3A_1300 = arith.constant 96 : i32
        %add3A_1301 = arith.addi %mul3A_1299, %add3A_1300 : i32
        %get3A_1302 = arith.index_cast %add3A_1301 : i32 to index
        %get3A_1303 = tpu.vector_load %arg6[%get3A_1302] {strides = array<i32>} : memref<20000xi32, #tpu.memory_space<vmem>>, vector<16xi32>,
        %get3A_1304 = vector.shape_cast %get3A_1303 : vector<16xi32> to vector<16xi32>
        %add3A_1305 = vector.broadcast %mul3A_11 : i32 to vector<16xi32>
        %add3A_1306 = arith.addi %get3A_1304, %add3A_1305 : vector<16xi32>
        %swap3A_1307 = arith.constant 96 : index
        %swap3A_1308 = tpu.vector_load %arg9[%swap3A_1307] {strides = array<i32>} : memref<128xi32, #tpu.memory_space<vmem>>, vector<16xi32>,
        %swap3A_1309 = vector.shape_cast %swap3A_1308 : vector<16xi32> to vector<16xi32>
        %swap3A_1310 = vector.shape_cast %add3A_1306 : vector<16xi32> to vector<16xi32>
        tpu.vector_store %arg9[%swap3A_1307], %swap3A_1310 {strides = array<i32>} : memref<128xi32, #tpu.memory_space<vmem>>, vector<16xi32>,
        %mul3A_1311 = arith.constant 128 : i32
        %mul3A_1312 = arith.muli %add3A_1219, %mul3A_1311 : i32
        %add3A_1313 = arith.constant 112 : i32
        %add3A_1314 = arith.addi %mul3A_1312, %add3A_1313 : i32
        %get3A_1315 = arith.index_cast %add3A_1314 : i32 to index
        %get3A_1316 = tpu.vector_load %arg6[%get3A_1315] {strides = array<i32>} : memref<20000xi32, #tpu.memory_space<vmem>>, vector<16xi32>,
        %get3A_1317 = vector.shape_cast %get3A_1316 : vector<16xi32> to vector<16xi32>
        %add3A_1318 = vector.broadcast %mul3A_11 : i32 to vector<16xi32>
        %add3A_1319 = arith.addi %get3A_1317, %add3A_1318 : vector<16xi32>
        %swap3A_1320 = arith.constant 112 : index
        %swap3A_1321 = tpu.vector_load %arg9[%swap3A_1320] {strides = array<i32>} : memref<128xi32, #tpu.memory_space<vmem>>, vector<16xi32>,
        %swap3A_1322 = vector.shape_cast %swap3A_1321 : vector<16xi32> to vector<16xi32>
        %swap3A_1323 = vector.shape_cast %add3A_1319 : vector<16xi32> to vector<16xi32>
        tpu.vector_store %arg9[%swap3A_1320], %swap3A_1323 {strides = array<i32>} : memref<128xi32, #tpu.memory_space<vmem>>, vector<16xi32>,
        %dma_start3A_1324 = arith.constant 0 : i32
        %dma_start3A_1325 = arith.constant 0 : i32
        %dma_start3A_1326 = tpu.memref_slice %arg2[%dma_start3A_1324, %dma_start3A_1325] : memref<40960x32xf32, #tpu.memory_space<hbm>> -> memref<40960x32xf32, #tpu.memory_space<hbm>>
        tpu.enqueue_indirect_dma source(%dma_start3A_1326 : memref<40960x32xf32, #tpu.memory_space<hbm>>) target(%arg21 : memref<128x32xf32, #tpu.memory_space<vmem>>) offsets(%arg9 : memref<128xi32, #tpu.memory_space<vmem>>) semaphore(%arg32 : memref<!tpu.dma_semaphore, #tpu.memory_space<semaphore_mem>>)
      } else {
      }
      %add3A_1171 = arith.constant 2 : i32
      %add3A_1172 = arith.addi %mul3A_1089, %add3A_1171 : i32
      %add3A_1173 = arith.constant 6 : i32
      %add3A_1174 = arith.addi %add3A_1172, %add3A_1173 : i32
      %lt3A_1175 = arith.constant 156 : i32
      %lt3A_1176 = arith.cmpi slt, %add3A_1174, %lt3A_1175 : i32
      %convert_element_type3A_1177 = arith.extui %lt3A_1176 : i1 to i32
      %cond3A_1178 = arith.constant 0 : i32
      %cond3A_1179 = arith.cmpi ne, %convert_element_type3A_1177, %cond3A_1178 : i32
      scf.if %cond3A_1179 {
        %add3A_1208 = arith.constant 2 : i32
        %add3A_1209 = arith.addi %mul3A_1089, %add3A_1208 : i32
        %mul3A_1210 = arith.constant 128 : i32
        %mul3A_1211 = arith.muli %add3A_1209, %mul3A_1210 : i32
        %dma_wait3A_1212 = tpu.memref_slice %arg7[%mul3A_1211] : memref<20000xi32, #tpu.memory_space<vmem>> -> memref<128xi32, #tpu.memory_space<vmem>>
        %dma_wait3A_1213 = arith.constant 0 : i32
        %dma_wait3A_1214 = arith.constant 0 : i32
        %dma_wait3A_1215 = tpu.memref_slice %arg30[%dma_wait3A_1213, %dma_wait3A_1214] : memref<10240x32xf32, #tpu.memory_space<vmem_shared>> -> memref<10240x32xf32, #tpu.memory_space<vmem_shared>>
        tpu.wait_indirect_dma semaphore(%arg39 : memref<!tpu.dma_semaphore, #tpu.memory_space<semaphore_mem>>) src(%arg22 : memref<128x32xf32, #tpu.memory_space<vmem>>) dst(%dma_wait3A_1215 : memref<10240x32xf32, #tpu.memory_space<vmem_shared>>)
        %add3A_1216 = arith.constant 2 : i32
        %add3A_1217 = arith.addi %mul3A_1089, %add3A_1216 : i32
        %add3A_1218 = arith.constant 6 : i32
        %add3A_1219 = arith.addi %add3A_1217, %add3A_1218 : i32
        %mul3A_1220 = arith.constant 128 : i32
        %mul3A_1221 = arith.muli %add3A_1219, %mul3A_1220 : i32
        %add3A_1222 = arith.constant 0 : i32
        %add3A_1223 = arith.addi %mul3A_1221, %add3A_1222 : i32
        %get3A_1224 = arith.index_cast %add3A_1223 : i32 to index
        %get3A_1225 = tpu.vector_load %arg6[%get3A_1224] {strides = array<i32>} : memref<20000xi32, #tpu.memory_space<vmem>>, vector<16xi32>,
        %get3A_1226 = vector.shape_cast %get3A_1225 : vector<16xi32> to vector<16xi32>
        %add3A_1227 = vector.broadcast %mul3A_11 : i32 to vector<16xi32>
        %add3A_1228 = arith.addi %get3A_1226, %add3A_1227 : vector<16xi32>
        %swap3A_1229 = arith.constant 0 : index
        %swap3A_1230 = tpu.vector_load %arg10[%swap3A_1229] {strides = array<i32>} : memref<128xi32, #tpu.memory_space<vmem>>, vector<16xi32>,
        %swap3A_1231 = vector.shape_cast %swap3A_1230 : vector<16xi32> to vector<16xi32>
        %swap3A_1232 = vector.shape_cast %add3A_1228 : vector<16xi32> to vector<16xi32>
        tpu.vector_store %arg10[%swap3A_1229], %swap3A_1232 {strides = array<i32>} : memref<128xi32, #tpu.memory_space<vmem>>, vector<16xi32>,
        %mul3A_1233 = arith.constant 128 : i32
        %mul3A_1234 = arith.muli %add3A_1219, %mul3A_1233 : i32
        %add3A_1235 = arith.constant 16 : i32
        %add3A_1236 = arith.addi %mul3A_1234, %add3A_1235 : i32
        %get3A_1237 = arith.index_cast %add3A_1236 : i32 to index
        %get3A_1238 = tpu.vector_load %arg6[%get3A_1237] {strides = array<i32>} : memref<20000xi32, #tpu.memory_space<vmem>>, vector<16xi32>,
        %get3A_1239 = vector.shape_cast %get3A_1238 : vector<16xi32> to vector<16xi32>
        %add3A_1240 = vector.broadcast %mul3A_11 : i32 to vector<16xi32>
        %add3A_1241 = arith.addi %get3A_1239, %add3A_1240 : vector<16xi32>
        %swap3A_1242 = arith.constant 16 : index
        %swap3A_1243 = tpu.vector_load %arg10[%swap3A_1242] {strides = array<i32>} : memref<128xi32, #tpu.memory_space<vmem>>, vector<16xi32>,
        %swap3A_1244 = vector.shape_cast %swap3A_1243 : vector<16xi32> to vector<16xi32>
        %swap3A_1245 = vector.shape_cast %add3A_1241 : vector<16xi32> to vector<16xi32>
        tpu.vector_store %arg10[%swap3A_1242], %swap3A_1245 {strides = array<i32>} : memref<128xi32, #tpu.memory_space<vmem>>, vector<16xi32>,
        %mul3A_1246 = arith.constant 128 : i32
        %mul3A_1247 = arith.muli %add3A_1219, %mul3A_1246 : i32
        %add3A_1248 = arith.constant 32 : i32
        %add3A_1249 = arith.addi %mul3A_1247, %add3A_1248 : i32
        %get3A_1250 = arith.index_cast %add3A_1249 : i32 to index
        %get3A_1251 = tpu.vector_load %arg6[%get3A_1250] {strides = array<i32>} : memref<20000xi32, #tpu.memory_space<vmem>>, vector<16xi32>,
        %get3A_1252 = vector.shape_cast %get3A_1251 : vector<16xi32> to vector<16xi32>
        %add3A_1253 = vector.broadcast %mul3A_11 : i32 to vector<16xi32>
        %add3A_1254 = arith.addi %get3A_1252, %add3A_1253 : vector<16xi32>
        %swap3A_1255 = arith.constant 32 : index
        %swap3A_1256 = tpu.vector_load %arg10[%swap3A_1255] {strides = array<i32>} : memref<128xi32, #tpu.memory_space<vmem>>, vector<16xi32>,
        %swap3A_1257 = vector.shape_cast %swap3A_1256 : vector<16xi32> to vector<16xi32>
        %swap3A_1258 = vector.shape_cast %add3A_1254 : vector<16xi32> to vector<16xi32>
        tpu.vector_store %arg10[%swap3A_1255], %swap3A_1258 {strides = array<i32>} : memref<128xi32, #tpu.memory_space<vmem>>, vector<16xi32>,
        %mul3A_1259 = arith.constant 128 : i32
        %mul3A_1260 = arith.muli %add3A_1219, %mul3A_1259 : i32
        %add3A_1261 = arith.constant 48 : i32
        %add3A_1262 = arith.addi %mul3A_1260, %add3A_1261 : i32
        %get3A_1263 = arith.index_cast %add3A_1262 : i32 to index
        %get3A_1264 = tpu.vector_load %arg6[%get3A_1263] {strides = array<i32>} : memref<20000xi32, #tpu.memory_space<vmem>>, vector<16xi32>,
        %get3A_1265 = vector.shape_cast %get3A_1264 : vector<16xi32> to vector<16xi32>
        %add3A_1266 = vector.broadcast %mul3A_11 : i32 to vector<16xi32>
        %add3A_1267 = arith.addi %get3A_1265, %add3A_1266 : vector<16xi32>
        %swap3A_1268 = arith.constant 48 : index
        %swap3A_1269 = tpu.vector_load %arg10[%swap3A_1268] {strides = array<i32>} : memref<128xi32, #tpu.memory_space<vmem>>, vector<16xi32>,
        %swap3A_1270 = vector.shape_cast %swap3A_1269 : vector<16xi32> to vector<16xi32>
        %swap3A_1271 = vector.shape_cast %add3A_1267 : vector<16xi32> to vector<16xi32>
        tpu.vector_store %arg10[%swap3A_1268], %swap3A_1271 {strides = array<i32>} : memref<128xi32, #tpu.memory_space<vmem>>, vector<16xi32>,
        %mul3A_1272 = arith.constant 128 : i32
        %mul3A_1273 = arith.muli %add3A_1219, %mul3A_1272 : i32
        %add3A_1274 = arith.constant 64 : i32
        %add3A_1275 = arith.addi %mul3A_1273, %add3A_1274 : i32
        %get3A_1276 = arith.index_cast %add3A_1275 : i32 to index
        %get3A_1277 = tpu.vector_load %arg6[%get3A_1276] {strides = array<i32>} : memref<20000xi32, #tpu.memory_space<vmem>>, vector<16xi32>,
        %get3A_1278 = vector.shape_cast %get3A_1277 : vector<16xi32> to vector<16xi32>
        %add3A_1279 = vector.broadcast %mul3A_11 : i32 to vector<16xi32>
        %add3A_1280 = arith.addi %get3A_1278, %add3A_1279 : vector<16xi32>
        %swap3A_1281 = arith.constant 64 : index
        %swap3A_1282 = tpu.vector_load %arg10[%swap3A_1281] {strides = array<i32>} : memref<128xi32, #tpu.memory_space<vmem>>, vector<16xi32>,
        %swap3A_1283 = vector.shape_cast %swap3A_1282 : vector<16xi32> to vector<16xi32>
        %swap3A_1284 = vector.shape_cast %add3A_1280 : vector<16xi32> to vector<16xi32>
        tpu.vector_store %arg10[%swap3A_1281], %swap3A_1284 {strides = array<i32>} : memref<128xi32, #tpu.memory_space<vmem>>, vector<16xi32>,
        %mul3A_1285 = arith.constant 128 : i32
        %mul3A_1286 = arith.muli %add3A_1219, %mul3A_1285 : i32
        %add3A_1287 = arith.constant 80 : i32
        %add3A_1288 = arith.addi %mul3A_1286, %add3A_1287 : i32
        %get3A_1289 = arith.index_cast %add3A_1288 : i32 to index
        %get3A_1290 = tpu.vector_load %arg6[%get3A_1289] {strides = array<i32>} : memref<20000xi32, #tpu.memory_space<vmem>>, vector<16xi32>,
        %get3A_1291 = vector.shape_cast %get3A_1290 : vector<16xi32> to vector<16xi32>
        %add3A_1292 = vector.broadcast %mul3A_11 : i32 to vector<16xi32>
        %add3A_1293 = arith.addi %get3A_1291, %add3A_1292 : vector<16xi32>
        %swap3A_1294 = arith.constant 80 : index
        %swap3A_1295 = tpu.vector_load %arg10[%swap3A_1294] {strides = array<i32>} : memref<128xi32, #tpu.memory_space<vmem>>, vector<16xi32>,
        %swap3A_1296 = vector.shape_cast %swap3A_1295 : vector<16xi32> to vector<16xi32>
        %swap3A_1297 = vector.shape_cast %add3A_1293 : vector<16xi32> to vector<16xi32>
        tpu.vector_store %arg10[%swap3A_1294], %swap3A_1297 {strides = array<i32>} : memref<128xi32, #tpu.memory_space<vmem>>, vector<16xi32>,
        %mul3A_1298 = arith.constant 128 : i32
        %mul3A_1299 = arith.muli %add3A_1219, %mul3A_1298 : i32
        %add3A_1300 = arith.constant 96 : i32
        %add3A_1301 = arith.addi %mul3A_1299, %add3A_1300 : i32
        %get3A_1302 = arith.index_cast %add3A_1301 : i32 to index
        %get3A_1303 = tpu.vector_load %arg6[%get3A_1302] {strides = array<i32>} : memref<20000xi32, #tpu.memory_space<vmem>>, vector<16xi32>,
        %get3A_1304 = vector.shape_cast %get3A_1303 : vector<16xi32> to vector<16xi32>
        %add3A_1305 = vector.broadcast %mul3A_11 : i32 to vector<16xi32>
        %add3A_1306 = arith.addi %get3A_1304, %add3A_1305 : vector<16xi32>
        %swap3A_1307 = arith.constant 96 : index
        %swap3A_1308 = tpu.vector_load %arg10[%swap3A_1307] {strides = array<i32>} : memref<128xi32, #tpu.memory_space<vmem>>, vector<16xi32>,
        %swap3A_1309 = vector.shape_cast %swap3A_1308 : vector<16xi32> to vector<16xi32>
        %swap3A_1310 = vector.shape_cast %add3A_1306 : vector<16xi32> to vector<16xi32>
        tpu.vector_store %arg10[%swap3A_1307], %swap3A_1310 {strides = array<i32>} : memref<128xi32, #tpu.memory_space<vmem>>, vector<16xi32>,
        %mul3A_1311 = arith.constant 128 : i32
        %mul3A_1312 = arith.muli %add3A_1219, %mul3A_1311 : i32
        %add3A_1313 = arith.constant 112 : i32
        %add3A_1314 = arith.addi %mul3A_1312, %add3A_1313 : i32
        %get3A_1315 = arith.index_cast %add3A_1314 : i32 to index
        %get3A_1316 = tpu.vector_load %arg6[%get3A_1315] {strides = array<i32>} : memref<20000xi32, #tpu.memory_space<vmem>>, vector<16xi32>,
        %get3A_1317 = vector.shape_cast %get3A_1316 : vector<16xi32> to vector<16xi32>
        %add3A_1318 = vector.broadcast %mul3A_11 : i32 to vector<16xi32>
        %add3A_1319 = arith.addi %get3A_1317, %add3A_1318 : vector<16xi32>
        %swap3A_1320 = arith.constant 112 : index
        %swap3A_1321 = tpu.vector_load %arg10[%swap3A_1320] {strides = array<i32>} : memref<128xi32, #tpu.memory_space<vmem>>, vector<16xi32>,
        %swap3A_1322 = vector.shape_cast %swap3A_1321 : vector<16xi32> to vector<16xi32>
        %swap3A_1323 = vector.shape_cast %add3A_1319 : vector<16xi32> to vector<16xi32>
        tpu.vector_store %arg10[%swap3A_1320], %swap3A_1323 {strides = array<i32>} : memref<128xi32, #tpu.memory_space<vmem>>, vector<16xi32>,
        %dma_start3A_1324 = arith.constant 0 : i32
        %dma_start3A_1325 = arith.constant 0 : i32
        %dma_start3A_1326 = tpu.memref_slice %arg2[%dma_start3A_1324, %dma_start3A_1325] : memref<40960x32xf32, #tpu.memory_space<hbm>> -> memref<40960x32xf32, #tpu.memory_space<hbm>>
        tpu.enqueue_indirect_dma source(%dma_start3A_1326 : memref<40960x32xf32, #tpu.memory_space<hbm>>) target(%arg22 : memref<128x32xf32, #tpu.memory_space<vmem>>) offsets(%arg10 : memref<128xi32, #tpu.memory_space<vmem>>) semaphore(%arg33 : memref<!tpu.dma_semaphore, #tpu.memory_space<semaphore_mem>>)
      } else {
      }
      %add3A_1180 = arith.constant 3 : i32
      %add3A_1181 = arith.addi %mul3A_1089, %add3A_1180 : i32
      %add3A_1182 = arith.constant 6 : i32
      %add3A_1183 = arith.addi %add3A_1181, %add3A_1182 : i32
      %lt3A_1184 = arith.constant 156 : i32
      %lt3A_1185 = arith.cmpi slt, %add3A_1183, %lt3A_1184 : i32
      %convert_element_type3A_1186 = arith.extui %lt3A_1185 : i1 to i32
      %cond3A_1187 = arith.constant 0 : i32
      %cond3A_1188 = arith.cmpi ne, %convert_element_type3A_1186, %cond3A_1187 : i32
      scf.if %cond3A_1188 {
        %add3A_1208 = arith.constant 3 : i32
        %add3A_1209 = arith.addi %mul3A_1089, %add3A_1208 : i32
        %mul3A_1210 = arith.constant 128 : i32
        %mul3A_1211 = arith.muli %add3A_1209, %mul3A_1210 : i32
        %dma_wait3A_1212 = tpu.memref_slice %arg7[%mul3A_1211] : memref<20000xi32, #tpu.memory_space<vmem>> -> memref<128xi32, #tpu.memory_space<vmem>>
        %dma_wait3A_1213 = arith.constant 0 : i32
        %dma_wait3A_1214 = arith.constant 0 : i32
        %dma_wait3A_1215 = tpu.memref_slice %arg30[%dma_wait3A_1213, %dma_wait3A_1214] : memref<10240x32xf32, #tpu.memory_space<vmem_shared>> -> memref<10240x32xf32, #tpu.memory_space<vmem_shared>>
        tpu.wait_indirect_dma semaphore(%arg40 : memref<!tpu.dma_semaphore, #tpu.memory_space<semaphore_mem>>) src(%arg23 : memref<128x32xf32, #tpu.memory_space<vmem>>) dst(%dma_wait3A_1215 : memref<10240x32xf32, #tpu.memory_space<vmem_shared>>)
        %add3A_1216 = arith.constant 3 : i32
        %add3A_1217 = arith.addi %mul3A_1089, %add3A_1216 : i32
        %add3A_1218 = arith.constant 6 : i32
        %add3A_1219 = arith.addi %add3A_1217, %add3A_1218 : i32
        %mul3A_1220 = arith.constant 128 : i32
        %mul3A_1221 = arith.muli %add3A_1219, %mul3A_1220 : i32
        %add3A_1222 = arith.constant 0 : i32
        %add3A_1223 = arith.addi %mul3A_1221, %add3A_1222 : i32
        %get3A_1224 = arith.index_cast %add3A_1223 : i32 to index
        %get3A_1225 = tpu.vector_load %arg6[%get3A_1224] {strides = array<i32>} : memref<20000xi32, #tpu.memory_space<vmem>>, vector<16xi32>,
        %get3A_1226 = vector.shape_cast %get3A_1225 : vector<16xi32> to vector<16xi32>
        %add3A_1227 = vector.broadcast %mul3A_11 : i32 to vector<16xi32>
        %add3A_1228 = arith.addi %get3A_1226, %add3A_1227 : vector<16xi32>
        %swap3A_1229 = arith.constant 0 : index
        %swap3A_1230 = tpu.vector_load %arg11[%swap3A_1229] {strides = array<i32>} : memref<128xi32, #tpu.memory_space<vmem>>, vector<16xi32>,
        %swap3A_1231 = vector.shape_cast %swap3A_1230 : vector<16xi32> to vector<16xi32>
        %swap3A_1232 = vector.shape_cast %add3A_1228 : vector<16xi32> to vector<16xi32>
        tpu.vector_store %arg11[%swap3A_1229], %swap3A_1232 {strides = array<i32>} : memref<128xi32, #tpu.memory_space<vmem>>, vector<16xi32>,
        %mul3A_1233 = arith.constant 128 : i32
        %mul3A_1234 = arith.muli %add3A_1219, %mul3A_1233 : i32
        %add3A_1235 = arith.constant 16 : i32
        %add3A_1236 = arith.addi %mul3A_1234, %add3A_1235 : i32
        %get3A_1237 = arith.index_cast %add3A_1236 : i32 to index
        %get3A_1238 = tpu.vector_load %arg6[%get3A_1237] {strides = array<i32>} : memref<20000xi32, #tpu.memory_space<vmem>>, vector<16xi32>,
        %get3A_1239 = vector.shape_cast %get3A_1238 : vector<16xi32> to vector<16xi32>
        %add3A_1240 = vector.broadcast %mul3A_11 : i32 to vector<16xi32>
        %add3A_1241 = arith.addi %get3A_1239, %add3A_1240 : vector<16xi32>
        %swap3A_1242 = arith.constant 16 : index
        %swap3A_1243 = tpu.vector_load %arg11[%swap3A_1242] {strides = array<i32>} : memref<128xi32, #tpu.memory_space<vmem>>, vector<16xi32>,
        %swap3A_1244 = vector.shape_cast %swap3A_1243 : vector<16xi32> to vector<16xi32>
        %swap3A_1245 = vector.shape_cast %add3A_1241 : vector<16xi32> to vector<16xi32>
        tpu.vector_store %arg11[%swap3A_1242], %swap3A_1245 {strides = array<i32>} : memref<128xi32, #tpu.memory_space<vmem>>, vector<16xi32>,
        %mul3A_1246 = arith.constant 128 : i32
        %mul3A_1247 = arith.muli %add3A_1219, %mul3A_1246 : i32
        %add3A_1248 = arith.constant 32 : i32
        %add3A_1249 = arith.addi %mul3A_1247, %add3A_1248 : i32
        %get3A_1250 = arith.index_cast %add3A_1249 : i32 to index
        %get3A_1251 = tpu.vector_load %arg6[%get3A_1250] {strides = array<i32>} : memref<20000xi32, #tpu.memory_space<vmem>>, vector<16xi32>,
        %get3A_1252 = vector.shape_cast %get3A_1251 : vector<16xi32> to vector<16xi32>
        %add3A_1253 = vector.broadcast %mul3A_11 : i32 to vector<16xi32>
        %add3A_1254 = arith.addi %get3A_1252, %add3A_1253 : vector<16xi32>
        %swap3A_1255 = arith.constant 32 : index
        %swap3A_1256 = tpu.vector_load %arg11[%swap3A_1255] {strides = array<i32>} : memref<128xi32, #tpu.memory_space<vmem>>, vector<16xi32>,
        %swap3A_1257 = vector.shape_cast %swap3A_1256 : vector<16xi32> to vector<16xi32>
        %swap3A_1258 = vector.shape_cast %add3A_1254 : vector<16xi32> to vector<16xi32>
        tpu.vector_store %arg11[%swap3A_1255], %swap3A_1258 {strides = array<i32>} : memref<128xi32, #tpu.memory_space<vmem>>, vector<16xi32>,
        %mul3A_1259 = arith.constant 128 : i32
        %mul3A_1260 = arith.muli %add3A_1219, %mul3A_1259 : i32
        %add3A_1261 = arith.constant 48 : i32
        %add3A_1262 = arith.addi %mul3A_1260, %add3A_1261 : i32
        %get3A_1263 = arith.index_cast %add3A_1262 : i32 to index
        %get3A_1264 = tpu.vector_load %arg6[%get3A_1263] {strides = array<i32>} : memref<20000xi32, #tpu.memory_space<vmem>>, vector<16xi32>,
        %get3A_1265 = vector.shape_cast %get3A_1264 : vector<16xi32> to vector<16xi32>
        %add3A_1266 = vector.broadcast %mul3A_11 : i32 to vector<16xi32>
        %add3A_1267 = arith.addi %get3A_1265, %add3A_1266 : vector<16xi32>
        %swap3A_1268 = arith.constant 48 : index
        %swap3A_1269 = tpu.vector_load %arg11[%swap3A_1268] {strides = array<i32>} : memref<128xi32, #tpu.memory_space<vmem>>, vector<16xi32>,
        %swap3A_1270 = vector.shape_cast %swap3A_1269 : vector<16xi32> to vector<16xi32>
        %swap3A_1271 = vector.shape_cast %add3A_1267 : vector<16xi32> to vector<16xi32>
        tpu.vector_store %arg11[%swap3A_1268], %swap3A_1271 {strides = array<i32>} : memref<128xi32, #tpu.memory_space<vmem>>, vector<16xi32>,
        %mul3A_1272 = arith.constant 128 : i32
        %mul3A_1273 = arith.muli %add3A_1219, %mul3A_1272 : i32
        %add3A_1274 = arith.constant 64 : i32
        %add3A_1275 = arith.addi %mul3A_1273, %add3A_1274 : i32
        %get3A_1276 = arith.index_cast %add3A_1275 : i32 to index
        %get3A_1277 = tpu.vector_load %arg6[%get3A_1276] {strides = array<i32>} : memref<20000xi32, #tpu.memory_space<vmem>>, vector<16xi32>,
        %get3A_1278 = vector.shape_cast %get3A_1277 : vector<16xi32> to vector<16xi32>
        %add3A_1279 = vector.broadcast %mul3A_11 : i32 to vector<16xi32>
        %add3A_1280 = arith.addi %get3A_1278, %add3A_1279 : vector<16xi32>
        %swap3A_1281 = arith.constant 64 : index
        %swap3A_1282 = tpu.vector_load %arg11[%swap3A_1281] {strides = array<i32>} : memref<128xi32, #tpu.memory_space<vmem>>, vector<16xi32>,
        %swap3A_1283 = vector.shape_cast %swap3A_1282 : vector<16xi32> to vector<16xi32>
        %swap3A_1284 = vector.shape_cast %add3A_1280 : vector<16xi32> to vector<16xi32>
        tpu.vector_store %arg11[%swap3A_1281], %swap3A_1284 {strides = array<i32>} : memref<128xi32, #tpu.memory_space<vmem>>, vector<16xi32>,
        %mul3A_1285 = arith.constant 128 : i32
        %mul3A_1286 = arith.muli %add3A_1219, %mul3A_1285 : i32
        %add3A_1287 = arith.constant 80 : i32
        %add3A_1288 = arith.addi %mul3A_1286, %add3A_1287 : i32
        %get3A_1289 = arith.index_cast %add3A_1288 : i32 to index
        %get3A_1290 = tpu.vector_load %arg6[%get3A_1289] {strides = array<i32>} : memref<20000xi32, #tpu.memory_space<vmem>>, vector<16xi32>,
        %get3A_1291 = vector.shape_cast %get3A_1290 : vector<16xi32> to vector<16xi32>
        %add3A_1292 = vector.broadcast %mul3A_11 : i32 to vector<16xi32>
        %add3A_1293 = arith.addi %get3A_1291, %add3A_1292 : vector<16xi32>
        %swap3A_1294 = arith.constant 80 : index
        %swap3A_1295 = tpu.vector_load %arg11[%swap3A_1294] {strides = array<i32>} : memref<128xi32, #tpu.memory_space<vmem>>, vector<16xi32>,
        %swap3A_1296 = vector.shape_cast %swap3A_1295 : vector<16xi32> to vector<16xi32>
        %swap3A_1297 = vector.shape_cast %add3A_1293 : vector<16xi32> to vector<16xi32>
        tpu.vector_store %arg11[%swap3A_1294], %swap3A_1297 {strides = array<i32>} : memref<128xi32, #tpu.memory_space<vmem>>, vector<16xi32>,
        %mul3A_1298 = arith.constant 128 : i32
        %mul3A_1299 = arith.muli %add3A_1219, %mul3A_1298 : i32
        %add3A_1300 = arith.constant 96 : i32
        %add3A_1301 = arith.addi %mul3A_1299, %add3A_1300 : i32
        %get3A_1302 = arith.index_cast %add3A_1301 : i32 to index
        %get3A_1303 = tpu.vector_load %arg6[%get3A_1302] {strides = array<i32>} : memref<20000xi32, #tpu.memory_space<vmem>>, vector<16xi32>,
        %get3A_1304 = vector.shape_cast %get3A_1303 : vector<16xi32> to vector<16xi32>
        %add3A_1305 = vector.broadcast %mul3A_11 : i32 to vector<16xi32>
        %add3A_1306 = arith.addi %get3A_1304, %add3A_1305 : vector<16xi32>
        %swap3A_1307 = arith.constant 96 : index
        %swap3A_1308 = tpu.vector_load %arg11[%swap3A_1307] {strides = array<i32>} : memref<128xi32, #tpu.memory_space<vmem>>, vector<16xi32>,
        %swap3A_1309 = vector.shape_cast %swap3A_1308 : vector<16xi32> to vector<16xi32>
        %swap3A_1310 = vector.shape_cast %add3A_1306 : vector<16xi32> to vector<16xi32>
        tpu.vector_store %arg11[%swap3A_1307], %swap3A_1310 {strides = array<i32>} : memref<128xi32, #tpu.memory_space<vmem>>, vector<16xi32>,
        %mul3A_1311 = arith.constant 128 : i32
        %mul3A_1312 = arith.muli %add3A_1219, %mul3A_1311 : i32
        %add3A_1313 = arith.constant 112 : i32
        %add3A_1314 = arith.addi %mul3A_1312, %add3A_1313 : i32
        %get3A_1315 = arith.index_cast %add3A_1314 : i32 to index
        %get3A_1316 = tpu.vector_load %arg6[%get3A_1315] {strides = array<i32>} : memref<20000xi32, #tpu.memory_space<vmem>>, vector<16xi32>,
        %get3A_1317 = vector.shape_cast %get3A_1316 : vector<16xi32> to vector<16xi32>
        %add3A_1318 = vector.broadcast %mul3A_11 : i32 to vector<16xi32>
        %add3A_1319 = arith.addi %get3A_1317, %add3A_1318 : vector<16xi32>
        %swap3A_1320 = arith.constant 112 : index
        %swap3A_1321 = tpu.vector_load %arg11[%swap3A_1320] {strides = array<i32>} : memref<128xi32, #tpu.memory_space<vmem>>, vector<16xi32>,
        %swap3A_1322 = vector.shape_cast %swap3A_1321 : vector<16xi32> to vector<16xi32>
        %swap3A_1323 = vector.shape_cast %add3A_1319 : vector<16xi32> to vector<16xi32>
        tpu.vector_store %arg11[%swap3A_1320], %swap3A_1323 {strides = array<i32>} : memref<128xi32, #tpu.memory_space<vmem>>, vector<16xi32>,
        %dma_start3A_1324 = arith.constant 0 : i32
        %dma_start3A_1325 = arith.constant 0 : i32
        %dma_start3A_1326 = tpu.memref_slice %arg2[%dma_start3A_1324, %dma_start3A_1325] : memref<40960x32xf32, #tpu.memory_space<hbm>> -> memref<40960x32xf32, #tpu.memory_space<hbm>>
        tpu.enqueue_indirect_dma source(%dma_start3A_1326 : memref<40960x32xf32, #tpu.memory_space<hbm>>) target(%arg23 : memref<128x32xf32, #tpu.memory_space<vmem>>) offsets(%arg11 : memref<128xi32, #tpu.memory_space<vmem>>) semaphore(%arg34 : memref<!tpu.dma_semaphore, #tpu.memory_space<semaphore_mem>>)
      } else {
      }
      %add3A_1189 = arith.constant 4 : i32
      %add3A_1190 = arith.addi %mul3A_1089, %add3A_1189 : i32
      %add3A_1191 = arith.constant 6 : i32
      %add3A_1192 = arith.addi %add3A_1190, %add3A_1191 : i32
      %lt3A_1193 = arith.constant 156 : i32
      %lt3A_1194 = arith.cmpi slt, %add3A_1192, %lt3A_1193 : i32
      %convert_element_type3A_1195 = arith.extui %lt3A_1194 : i1 to i32
      %cond3A_1196 = arith.constant 0 : i32
      %cond3A_1197 = arith.cmpi ne, %convert_element_type3A_1195, %cond3A_1196 : i32
      scf.if %cond3A_1197 {
        %add3A_1208 = arith.constant 4 : i32
        %add3A_1209 = arith.addi %mul3A_1089, %add3A_1208 : i32
        %mul3A_1210 = arith.constant 128 : i32
        %mul3A_1211 = arith.muli %add3A_1209, %mul3A_1210 : i32
        %dma_wait3A_1212 = tpu.memref_slice %arg7[%mul3A_1211] : memref<20000xi32, #tpu.memory_space<vmem>> -> memref<128xi32, #tpu.memory_space<vmem>>
        %dma_wait3A_1213 = arith.constant 0 : i32
        %dma_wait3A_1214 = arith.constant 0 : i32
        %dma_wait3A_1215 = tpu.memref_slice %arg30[%dma_wait3A_1213, %dma_wait3A_1214] : memref<10240x32xf32, #tpu.memory_space<vmem_shared>> -> memref<10240x32xf32, #tpu.memory_space<vmem_shared>>
        tpu.wait_indirect_dma semaphore(%arg41 : memref<!tpu.dma_semaphore, #tpu.memory_space<semaphore_mem>>) src(%arg24 : memref<128x32xf32, #tpu.memory_space<vmem>>) dst(%dma_wait3A_1215 : memref<10240x32xf32, #tpu.memory_space<vmem_shared>>)
        %add3A_1216 = arith.constant 4 : i32
        %add3A_1217 = arith.addi %mul3A_1089, %add3A_1216 : i32
        %add3A_1218 = arith.constant 6 : i32
        %add3A_1219 = arith.addi %add3A_1217, %add3A_1218 : i32
        %mul3A_1220 = arith.constant 128 : i32
        %mul3A_1221 = arith.muli %add3A_1219, %mul3A_1220 : i32
        %add3A_1222 = arith.constant 0 : i32
        %add3A_1223 = arith.addi %mul3A_1221, %add3A_1222 : i32
        %get3A_1224 = arith.index_cast %add3A_1223 : i32 to index
        %get3A_1225 = tpu.vector_load %arg6[%get3A_1224] {strides = array<i32>} : memref<20000xi32, #tpu.memory_space<vmem>>, vector<16xi32>,
        %get3A_1226 = vector.shape_cast %get3A_1225 : vector<16xi32> to vector<16xi32>
        %add3A_1227 = vector.broadcast %mul3A_11 : i32 to vector<16xi32>
        %add3A_1228 = arith.addi %get3A_1226, %add3A_1227 : vector<16xi32>
        %swap3A_1229 = arith.constant 0 : index
        %swap3A_1230 = tpu.vector_load %arg12[%swap3A_1229] {strides = array<i32>} : memref<128xi32, #tpu.memory_space<vmem>>, vector<16xi32>,
        %swap3A_1231 = vector.shape_cast %swap3A_1230 : vector<16xi32> to vector<16xi32>
        %swap3A_1232 = vector.shape_cast %add3A_1228 : vector<16xi32> to vector<16xi32>
        tpu.vector_store %arg12[%swap3A_1229], %swap3A_1232 {strides = array<i32>} : memref<128xi32, #tpu.memory_space<vmem>>, vector<16xi32>,
        %mul3A_1233 = arith.constant 128 : i32
        %mul3A_1234 = arith.muli %add3A_1219, %mul3A_1233 : i32
        %add3A_1235 = arith.constant 16 : i32
        %add3A_1236 = arith.addi %mul3A_1234, %add3A_1235 : i32
        %get3A_1237 = arith.index_cast %add3A_1236 : i32 to index
        %get3A_1238 = tpu.vector_load %arg6[%get3A_1237] {strides = array<i32>} : memref<20000xi32, #tpu.memory_space<vmem>>, vector<16xi32>,
        %get3A_1239 = vector.shape_cast %get3A_1238 : vector<16xi32> to vector<16xi32>
        %add3A_1240 = vector.broadcast %mul3A_11 : i32 to vector<16xi32>
        %add3A_1241 = arith.addi %get3A_1239, %add3A_1240 : vector<16xi32>
        %swap3A_1242 = arith.constant 16 : index
        %swap3A_1243 = tpu.vector_load %arg12[%swap3A_1242] {strides = array<i32>} : memref<128xi32, #tpu.memory_space<vmem>>, vector<16xi32>,
        %swap3A_1244 = vector.shape_cast %swap3A_1243 : vector<16xi32> to vector<16xi32>
        %swap3A_1245 = vector.shape_cast %add3A_1241 : vector<16xi32> to vector<16xi32>
        tpu.vector_store %arg12[%swap3A_1242], %swap3A_1245 {strides = array<i32>} : memref<128xi32, #tpu.memory_space<vmem>>, vector<16xi32>,
        %mul3A_1246 = arith.constant 128 : i32
        %mul3A_1247 = arith.muli %add3A_1219, %mul3A_1246 : i32
        %add3A_1248 = arith.constant 32 : i32
        %add3A_1249 = arith.addi %mul3A_1247, %add3A_1248 : i32
        %get3A_1250 = arith.index_cast %add3A_1249 : i32 to index
        %get3A_1251 = tpu.vector_load %arg6[%get3A_1250] {strides = array<i32>} : memref<20000xi32, #tpu.memory_space<vmem>>, vector<16xi32>,
        %get3A_1252 = vector.shape_cast %get3A_1251 : vector<16xi32> to vector<16xi32>
        %add3A_1253 = vector.broadcast %mul3A_11 : i32 to vector<16xi32>
        %add3A_1254 = arith.addi %get3A_1252, %add3A_1253 : vector<16xi32>
        %swap3A_1255 = arith.constant 32 : index
        %swap3A_1256 = tpu.vector_load %arg12[%swap3A_1255] {strides = array<i32>} : memref<128xi32, #tpu.memory_space<vmem>>, vector<16xi32>,
        %swap3A_1257 = vector.shape_cast %swap3A_1256 : vector<16xi32> to vector<16xi32>
        %swap3A_1258 = vector.shape_cast %add3A_1254 : vector<16xi32> to vector<16xi32>
        tpu.vector_store %arg12[%swap3A_1255], %swap3A_1258 {strides = array<i32>} : memref<128xi32, #tpu.memory_space<vmem>>, vector<16xi32>,
        %mul3A_1259 = arith.constant 128 : i32
        %mul3A_1260 = arith.muli %add3A_1219, %mul3A_1259 : i32
        %add3A_1261 = arith.constant 48 : i32
        %add3A_1262 = arith.addi %mul3A_1260, %add3A_1261 : i32
        %get3A_1263 = arith.index_cast %add3A_1262 : i32 to index
        %get3A_1264 = tpu.vector_load %arg6[%get3A_1263] {strides = array<i32>} : memref<20000xi32, #tpu.memory_space<vmem>>, vector<16xi32>,
        %get3A_1265 = vector.shape_cast %get3A_1264 : vector<16xi32> to vector<16xi32>
        %add3A_1266 = vector.broadcast %mul3A_11 : i32 to vector<16xi32>
        %add3A_1267 = arith.addi %get3A_1265, %add3A_1266 : vector<16xi32>
        %swap3A_1268 = arith.constant 48 : index
        %swap3A_1269 = tpu.vector_load %arg12[%swap3A_1268] {strides = array<i32>} : memref<128xi32, #tpu.memory_space<vmem>>, vector<16xi32>,
        %swap3A_1270 = vector.shape_cast %swap3A_1269 : vector<16xi32> to vector<16xi32>
        %swap3A_1271 = vector.shape_cast %add3A_1267 : vector<16xi32> to vector<16xi32>
        tpu.vector_store %arg12[%swap3A_1268], %swap3A_1271 {strides = array<i32>} : memref<128xi32, #tpu.memory_space<vmem>>, vector<16xi32>,
        %mul3A_1272 = arith.constant 128 : i32
        %mul3A_1273 = arith.muli %add3A_1219, %mul3A_1272 : i32
        %add3A_1274 = arith.constant 64 : i32
        %add3A_1275 = arith.addi %mul3A_1273, %add3A_1274 : i32
        %get3A_1276 = arith.index_cast %add3A_1275 : i32 to index
        %get3A_1277 = tpu.vector_load %arg6[%get3A_1276] {strides = array<i32>} : memref<20000xi32, #tpu.memory_space<vmem>>, vector<16xi32>,
        %get3A_1278 = vector.shape_cast %get3A_1277 : vector<16xi32> to vector<16xi32>
        %add3A_1279 = vector.broadcast %mul3A_11 : i32 to vector<16xi32>
        %add3A_1280 = arith.addi %get3A_1278, %add3A_1279 : vector<16xi32>
        %swap3A_1281 = arith.constant 64 : index
        %swap3A_1282 = tpu.vector_load %arg12[%swap3A_1281] {strides = array<i32>} : memref<128xi32, #tpu.memory_space<vmem>>, vector<16xi32>,
        %swap3A_1283 = vector.shape_cast %swap3A_1282 : vector<16xi32> to vector<16xi32>
        %swap3A_1284 = vector.shape_cast %add3A_1280 : vector<16xi32> to vector<16xi32>
        tpu.vector_store %arg12[%swap3A_1281], %swap3A_1284 {strides = array<i32>} : memref<128xi32, #tpu.memory_space<vmem>>, vector<16xi32>,
        %mul3A_1285 = arith.constant 128 : i32
        %mul3A_1286 = arith.muli %add3A_1219, %mul3A_1285 : i32
        %add3A_1287 = arith.constant 80 : i32
        %add3A_1288 = arith.addi %mul3A_1286, %add3A_1287 : i32
        %get3A_1289 = arith.index_cast %add3A_1288 : i32 to index
        %get3A_1290 = tpu.vector_load %arg6[%get3A_1289] {strides = array<i32>} : memref<20000xi32, #tpu.memory_space<vmem>>, vector<16xi32>,
        %get3A_1291 = vector.shape_cast %get3A_1290 : vector<16xi32> to vector<16xi32>
        %add3A_1292 = vector.broadcast %mul3A_11 : i32 to vector<16xi32>
        %add3A_1293 = arith.addi %get3A_1291, %add3A_1292 : vector<16xi32>
        %swap3A_1294 = arith.constant 80 : index
        %swap3A_1295 = tpu.vector_load %arg12[%swap3A_1294] {strides = array<i32>} : memref<128xi32, #tpu.memory_space<vmem>>, vector<16xi32>,
        %swap3A_1296 = vector.shape_cast %swap3A_1295 : vector<16xi32> to vector<16xi32>
        %swap3A_1297 = vector.shape_cast %add3A_1293 : vector<16xi32> to vector<16xi32>
        tpu.vector_store %arg12[%swap3A_1294], %swap3A_1297 {strides = array<i32>} : memref<128xi32, #tpu.memory_space<vmem>>, vector<16xi32>,
        %mul3A_1298 = arith.constant 128 : i32
        %mul3A_1299 = arith.muli %add3A_1219, %mul3A_1298 : i32
        %add3A_1300 = arith.constant 96 : i32
        %add3A_1301 = arith.addi %mul3A_1299, %add3A_1300 : i32
        %get3A_1302 = arith.index_cast %add3A_1301 : i32 to index
        %get3A_1303 = tpu.vector_load %arg6[%get3A_1302] {strides = array<i32>} : memref<20000xi32, #tpu.memory_space<vmem>>, vector<16xi32>,
        %get3A_1304 = vector.shape_cast %get3A_1303 : vector<16xi32> to vector<16xi32>
        %add3A_1305 = vector.broadcast %mul3A_11 : i32 to vector<16xi32>
        %add3A_1306 = arith.addi %get3A_1304, %add3A_1305 : vector<16xi32>
        %swap3A_1307 = arith.constant 96 : index
        %swap3A_1308 = tpu.vector_load %arg12[%swap3A_1307] {strides = array<i32>} : memref<128xi32, #tpu.memory_space<vmem>>, vector<16xi32>,
        %swap3A_1309 = vector.shape_cast %swap3A_1308 : vector<16xi32> to vector<16xi32>
        %swap3A_1310 = vector.shape_cast %add3A_1306 : vector<16xi32> to vector<16xi32>
        tpu.vector_store %arg12[%swap3A_1307], %swap3A_1310 {strides = array<i32>} : memref<128xi32, #tpu.memory_space<vmem>>, vector<16xi32>,
        %mul3A_1311 = arith.constant 128 : i32
        %mul3A_1312 = arith.muli %add3A_1219, %mul3A_1311 : i32
        %add3A_1313 = arith.constant 112 : i32
        %add3A_1314 = arith.addi %mul3A_1312, %add3A_1313 : i32
        %get3A_1315 = arith.index_cast %add3A_1314 : i32 to index
        %get3A_1316 = tpu.vector_load %arg6[%get3A_1315] {strides = array<i32>} : memref<20000xi32, #tpu.memory_space<vmem>>, vector<16xi32>,
        %get3A_1317 = vector.shape_cast %get3A_1316 : vector<16xi32> to vector<16xi32>
        %add3A_1318 = vector.broadcast %mul3A_11 : i32 to vector<16xi32>
        %add3A_1319 = arith.addi %get3A_1317, %add3A_1318 : vector<16xi32>
        %swap3A_1320 = arith.constant 112 : index
        %swap3A_1321 = tpu.vector_load %arg12[%swap3A_1320] {strides = array<i32>} : memref<128xi32, #tpu.memory_space<vmem>>, vector<16xi32>,
        %swap3A_1322 = vector.shape_cast %swap3A_1321 : vector<16xi32> to vector<16xi32>
        %swap3A_1323 = vector.shape_cast %add3A_1319 : vector<16xi32> to vector<16xi32>
        tpu.vector_store %arg12[%swap3A_1320], %swap3A_1323 {strides = array<i32>} : memref<128xi32, #tpu.memory_space<vmem>>, vector<16xi32>,
        %dma_start3A_1324 = arith.constant 0 : i32
        %dma_start3A_1325 = arith.constant 0 : i32
        %dma_start3A_1326 = tpu.memref_slice %arg2[%dma_start3A_1324, %dma_start3A_1325] : memref<40960x32xf32, #tpu.memory_space<hbm>> -> memref<40960x32xf32, #tpu.memory_space<hbm>>
        tpu.enqueue_indirect_dma source(%dma_start3A_1326 : memref<40960x32xf32, #tpu.memory_space<hbm>>) target(%arg24 : memref<128x32xf32, #tpu.memory_space<vmem>>) offsets(%arg12 : memref<128xi32, #tpu.memory_space<vmem>>) semaphore(%arg35 : memref<!tpu.dma_semaphore, #tpu.memory_space<semaphore_mem>>)
      } else {
      }
      %add3A_1198 = arith.constant 5 : i32
      %add3A_1199 = arith.addi %mul3A_1089, %add3A_1198 : i32
      %add3A_1200 = arith.constant 6 : i32
      %add3A_1201 = arith.addi %add3A_1199, %add3A_1200 : i32
      %lt3A_1202 = arith.constant 156 : i32
      %lt3A_1203 = arith.cmpi slt, %add3A_1201, %lt3A_1202 : i32
      %convert_element_type3A_1204 = arith.extui %lt3A_1203 : i1 to i32
      %cond3A_1205 = arith.constant 0 : i32
      %cond3A_1206 = arith.cmpi ne, %convert_element_type3A_1204, %cond3A_1205 : i32
      scf.if %cond3A_1206 {
        %add3A_1208 = arith.constant 5 : i32
        %add3A_1209 = arith.addi %mul3A_1089, %add3A_1208 : i32
        %mul3A_1210 = arith.constant 128 : i32
        %mul3A_1211 = arith.muli %add3A_1209, %mul3A_1210 : i32
        %dma_wait3A_1212 = tpu.memref_slice %arg7[%mul3A_1211] : memref<20000xi32, #tpu.memory_space<vmem>> -> memref<128xi32, #tpu.memory_space<vmem>>
        %dma_wait3A_1213 = arith.constant 0 : i32
        %dma_wait3A_1214 = arith.constant 0 : i32
        %dma_wait3A_1215 = tpu.memref_slice %arg30[%dma_wait3A_1213, %dma_wait3A_1214] : memref<10240x32xf32, #tpu.memory_space<vmem_shared>> -> memref<10240x32xf32, #tpu.memory_space<vmem_shared>>
        tpu.wait_indirect_dma semaphore(%arg42 : memref<!tpu.dma_semaphore, #tpu.memory_space<semaphore_mem>>) src(%arg25 : memref<128x32xf32, #tpu.memory_space<vmem>>) dst(%dma_wait3A_1215 : memref<10240x32xf32, #tpu.memory_space<vmem_shared>>)
        %add3A_1216 = arith.constant 5 : i32
        %add3A_1217 = arith.addi %mul3A_1089, %add3A_1216 : i32
        %add3A_1218 = arith.constant 6 : i32
        %add3A_1219 = arith.addi %add3A_1217, %add3A_1218 : i32
        %mul3A_1220 = arith.constant 128 : i32
        %mul3A_1221 = arith.muli %add3A_1219, %mul3A_1220 : i32
        %add3A_1222 = arith.constant 0 : i32
        %add3A_1223 = arith.addi %mul3A_1221, %add3A_1222 : i32
        %get3A_1224 = arith.index_cast %add3A_1223 : i32 to index
        %get3A_1225 = tpu.vector_load %arg6[%get3A_1224] {strides = array<i32>} : memref<20000xi32, #tpu.memory_space<vmem>>, vector<16xi32>,
        %get3A_1226 = vector.shape_cast %get3A_1225 : vector<16xi32> to vector<16xi32>
        %add3A_1227 = vector.broadcast %mul3A_11 : i32 to vector<16xi32>
        %add3A_1228 = arith.addi %get3A_1226, %add3A_1227 : vector<16xi32>
        %swap3A_1229 = arith.constant 0 : index
        %swap3A_1230 = tpu.vector_load %arg13[%swap3A_1229] {strides = array<i32>} : memref<128xi32, #tpu.memory_space<vmem>>, vector<16xi32>,
        %swap3A_1231 = vector.shape_cast %swap3A_1230 : vector<16xi32> to vector<16xi32>
        %swap3A_1232 = vector.shape_cast %add3A_1228 : vector<16xi32> to vector<16xi32>
        tpu.vector_store %arg13[%swap3A_1229], %swap3A_1232 {strides = array<i32>} : memref<128xi32, #tpu.memory_space<vmem>>, vector<16xi32>,
        %mul3A_1233 = arith.constant 128 : i32
        %mul3A_1234 = arith.muli %add3A_1219, %mul3A_1233 : i32
        %add3A_1235 = arith.constant 16 : i32
        %add3A_1236 = arith.addi %mul3A_1234, %add3A_1235 : i32
        %get3A_1237 = arith.index_cast %add3A_1236 : i32 to index
        %get3A_1238 = tpu.vector_load %arg6[%get3A_1237] {strides = array<i32>} : memref<20000xi32, #tpu.memory_space<vmem>>, vector<16xi32>,
        %get3A_1239 = vector.shape_cast %get3A_1238 : vector<16xi32> to vector<16xi32>
        %add3A_1240 = vector.broadcast %mul3A_11 : i32 to vector<16xi32>
        %add3A_1241 = arith.addi %get3A_1239, %add3A_1240 : vector<16xi32>
        %swap3A_1242 = arith.constant 16 : index
        %swap3A_1243 = tpu.vector_load %arg13[%swap3A_1242] {strides = array<i32>} : memref<128xi32, #tpu.memory_space<vmem>>, vector<16xi32>,
        %swap3A_1244 = vector.shape_cast %swap3A_1243 : vector<16xi32> to vector<16xi32>
        %swap3A_1245 = vector.shape_cast %add3A_1241 : vector<16xi32> to vector<16xi32>
        tpu.vector_store %arg13[%swap3A_1242], %swap3A_1245 {strides = array<i32>} : memref<128xi32, #tpu.memory_space<vmem>>, vector<16xi32>,
        %mul3A_1246 = arith.constant 128 : i32
        %mul3A_1247 = arith.muli %add3A_1219, %mul3A_1246 : i32
        %add3A_1248 = arith.constant 32 : i32
        %add3A_1249 = arith.addi %mul3A_1247, %add3A_1248 : i32
        %get3A_1250 = arith.index_cast %add3A_1249 : i32 to index
        %get3A_1251 = tpu.vector_load %arg6[%get3A_1250] {strides = array<i32>} : memref<20000xi32, #tpu.memory_space<vmem>>, vector<16xi32>,
        %get3A_1252 = vector.shape_cast %get3A_1251 : vector<16xi32> to vector<16xi32>
        %add3A_1253 = vector.broadcast %mul3A_11 : i32 to vector<16xi32>
        %add3A_1254 = arith.addi %get3A_1252, %add3A_1253 : vector<16xi32>
        %swap3A_1255 = arith.constant 32 : index
        %swap3A_1256 = tpu.vector_load %arg13[%swap3A_1255] {strides = array<i32>} : memref<128xi32, #tpu.memory_space<vmem>>, vector<16xi32>,
        %swap3A_1257 = vector.shape_cast %swap3A_1256 : vector<16xi32> to vector<16xi32>
        %swap3A_1258 = vector.shape_cast %add3A_1254 : vector<16xi32> to vector<16xi32>
        tpu.vector_store %arg13[%swap3A_1255], %swap3A_1258 {strides = array<i32>} : memref<128xi32, #tpu.memory_space<vmem>>, vector<16xi32>,
        %mul3A_1259 = arith.constant 128 : i32
        %mul3A_1260 = arith.muli %add3A_1219, %mul3A_1259 : i32
        %add3A_1261 = arith.constant 48 : i32
        %add3A_1262 = arith.addi %mul3A_1260, %add3A_1261 : i32
        %get3A_1263 = arith.index_cast %add3A_1262 : i32 to index
        %get3A_1264 = tpu.vector_load %arg6[%get3A_1263] {strides = array<i32>} : memref<20000xi32, #tpu.memory_space<vmem>>, vector<16xi32>,
        %get3A_1265 = vector.shape_cast %get3A_1264 : vector<16xi32> to vector<16xi32>
        %add3A_1266 = vector.broadcast %mul3A_11 : i32 to vector<16xi32>
        %add3A_1267 = arith.addi %get3A_1265, %add3A_1266 : vector<16xi32>
        %swap3A_1268 = arith.constant 48 : index
        %swap3A_1269 = tpu.vector_load %arg13[%swap3A_1268] {strides = array<i32>} : memref<128xi32, #tpu.memory_space<vmem>>, vector<16xi32>,
        %swap3A_1270 = vector.shape_cast %swap3A_1269 : vector<16xi32> to vector<16xi32>
        %swap3A_1271 = vector.shape_cast %add3A_1267 : vector<16xi32> to vector<16xi32>
        tpu.vector_store %arg13[%swap3A_1268], %swap3A_1271 {strides = array<i32>} : memref<128xi32, #tpu.memory_space<vmem>>, vector<16xi32>,
        %mul3A_1272 = arith.constant 128 : i32
        %mul3A_1273 = arith.muli %add3A_1219, %mul3A_1272 : i32
        %add3A_1274 = arith.constant 64 : i32
        %add3A_1275 = arith.addi %mul3A_1273, %add3A_1274 : i32
        %get3A_1276 = arith.index_cast %add3A_1275 : i32 to index
        %get3A_1277 = tpu.vector_load %arg6[%get3A_1276] {strides = array<i32>} : memref<20000xi32, #tpu.memory_space<vmem>>, vector<16xi32>,
        %get3A_1278 = vector.shape_cast %get3A_1277 : vector<16xi32> to vector<16xi32>
        %add3A_1279 = vector.broadcast %mul3A_11 : i32 to vector<16xi32>
        %add3A_1280 = arith.addi %get3A_1278, %add3A_1279 : vector<16xi32>
        %swap3A_1281 = arith.constant 64 : index
        %swap3A_1282 = tpu.vector_load %arg13[%swap3A_1281] {strides = array<i32>} : memref<128xi32, #tpu.memory_space<vmem>>, vector<16xi32>,
        %swap3A_1283 = vector.shape_cast %swap3A_1282 : vector<16xi32> to vector<16xi32>
        %swap3A_1284 = vector.shape_cast %add3A_1280 : vector<16xi32> to vector<16xi32>
        tpu.vector_store %arg13[%swap3A_1281], %swap3A_1284 {strides = array<i32>} : memref<128xi32, #tpu.memory_space<vmem>>, vector<16xi32>,
        %mul3A_1285 = arith.constant 128 : i32
        %mul3A_1286 = arith.muli %add3A_1219, %mul3A_1285 : i32
        %add3A_1287 = arith.constant 80 : i32
        %add3A_1288 = arith.addi %mul3A_1286, %add3A_1287 : i32
        %get3A_1289 = arith.index_cast %add3A_1288 : i32 to index
        %get3A_1290 = tpu.vector_load %arg6[%get3A_1289] {strides = array<i32>} : memref<20000xi32, #tpu.memory_space<vmem>>, vector<16xi32>,
        %get3A_1291 = vector.shape_cast %get3A_1290 : vector<16xi32> to vector<16xi32>
        %add3A_1292 = vector.broadcast %mul3A_11 : i32 to vector<16xi32>
        %add3A_1293 = arith.addi %get3A_1291, %add3A_1292 : vector<16xi32>
        %swap3A_1294 = arith.constant 80 : index
        %swap3A_1295 = tpu.vector_load %arg13[%swap3A_1294] {strides = array<i32>} : memref<128xi32, #tpu.memory_space<vmem>>, vector<16xi32>,
        %swap3A_1296 = vector.shape_cast %swap3A_1295 : vector<16xi32> to vector<16xi32>
        %swap3A_1297 = vector.shape_cast %add3A_1293 : vector<16xi32> to vector<16xi32>
        tpu.vector_store %arg13[%swap3A_1294], %swap3A_1297 {strides = array<i32>} : memref<128xi32, #tpu.memory_space<vmem>>, vector<16xi32>,
        %mul3A_1298 = arith.constant 128 : i32
        %mul3A_1299 = arith.muli %add3A_1219, %mul3A_1298 : i32
        %add3A_1300 = arith.constant 96 : i32
        %add3A_1301 = arith.addi %mul3A_1299, %add3A_1300 : i32
        %get3A_1302 = arith.index_cast %add3A_1301 : i32 to index
        %get3A_1303 = tpu.vector_load %arg6[%get3A_1302] {strides = array<i32>} : memref<20000xi32, #tpu.memory_space<vmem>>, vector<16xi32>,
        %get3A_1304 = vector.shape_cast %get3A_1303 : vector<16xi32> to vector<16xi32>
        %add3A_1305 = vector.broadcast %mul3A_11 : i32 to vector<16xi32>
        %add3A_1306 = arith.addi %get3A_1304, %add3A_1305 : vector<16xi32>
        %swap3A_1307 = arith.constant 96 : index
        %swap3A_1308 = tpu.vector_load %arg13[%swap3A_1307] {strides = array<i32>} : memref<128xi32, #tpu.memory_space<vmem>>, vector<16xi32>,
        %swap3A_1309 = vector.shape_cast %swap3A_1308 : vector<16xi32> to vector<16xi32>
        %swap3A_1310 = vector.shape_cast %add3A_1306 : vector<16xi32> to vector<16xi32>
        tpu.vector_store %arg13[%swap3A_1307], %swap3A_1310 {strides = array<i32>} : memref<128xi32, #tpu.memory_space<vmem>>, vector<16xi32>,
        %mul3A_1311 = arith.constant 128 : i32
        %mul3A_1312 = arith.muli %add3A_1219, %mul3A_1311 : i32
        %add3A_1313 = arith.constant 112 : i32
        %add3A_1314 = arith.addi %mul3A_1312, %add3A_1313 : i32
        %get3A_1315 = arith.index_cast %add3A_1314 : i32 to index
        %get3A_1316 = tpu.vector_load %arg6[%get3A_1315] {strides = array<i32>} : memref<20000xi32, #tpu.memory_space<vmem>>, vector<16xi32>,
        %get3A_1317 = vector.shape_cast %get3A_1316 : vector<16xi32> to vector<16xi32>
        %add3A_1318 = vector.broadcast %mul3A_11 : i32 to vector<16xi32>
        %add3A_1319 = arith.addi %get3A_1317, %add3A_1318 : vector<16xi32>
        %swap3A_1320 = arith.constant 112 : index
        %swap3A_1321 = tpu.vector_load %arg13[%swap3A_1320] {strides = array<i32>} : memref<128xi32, #tpu.memory_space<vmem>>, vector<16xi32>,
        %swap3A_1322 = vector.shape_cast %swap3A_1321 : vector<16xi32> to vector<16xi32>
        %swap3A_1323 = vector.shape_cast %add3A_1319 : vector<16xi32> to vector<16xi32>
        tpu.vector_store %arg13[%swap3A_1320], %swap3A_1323 {strides = array<i32>} : memref<128xi32, #tpu.memory_space<vmem>>, vector<16xi32>,
        %dma_start3A_1324 = arith.constant 0 : i32
        %dma_start3A_1325 = arith.constant 0 : i32
        %dma_start3A_1326 = tpu.memref_slice %arg2[%dma_start3A_1324, %dma_start3A_1325] : memref<40960x32xf32, #tpu.memory_space<hbm>> -> memref<40960x32xf32, #tpu.memory_space<hbm>>
        tpu.enqueue_indirect_dma source(%dma_start3A_1326 : memref<40960x32xf32, #tpu.memory_space<hbm>>) target(%arg25 : memref<128x32xf32, #tpu.memory_space<vmem>>) offsets(%arg13 : memref<128xi32, #tpu.memory_space<vmem>>) semaphore(%arg36 : memref<!tpu.dma_semaphore, #tpu.memory_space<semaphore_mem>>)
      } else {
      }
      %scan3A_1207 = arith.constant 0 : i32
      scf.yield %scan3A_1207 : i32
    }
    %scan3A_465 = arith.constant 26 : i32
    %dma_wait3A = arith.constant 0 : i32
    %dma_wait3A_466 = tpu.memref_slice %arg7[%dma_wait3A] : memref<20000xi32, #tpu.memory_space<vmem>> -> memref<128xi32, #tpu.memory_space<vmem>>
    %dma_wait3A_467 = arith.constant 0 : i32
    %dma_wait3A_468 = arith.constant 0 : i32
    %dma_wait3A_469 = tpu.memref_slice %arg30[%dma_wait3A_467, %dma_wait3A_468] : memref<10240x32xf32, #tpu.memory_space<vmem_shared>> -> memref<10240x32xf32, #tpu.memory_space<vmem_shared>>
    tpu.wait_indirect_dma semaphore(%arg37 : memref<!tpu.dma_semaphore, #tpu.memory_space<semaphore_mem>>) src(%arg20 : memref<128x32xf32, #tpu.memory_space<vmem>>) dst(%dma_wait3A_469 : memref<10240x32xf32, #tpu.memory_space<vmem_shared>>)
    %dma_wait3A_470 = arith.constant 128 : i32
    %dma_wait3A_471 = tpu.memref_slice %arg7[%dma_wait3A_470] : memref<20000xi32, #tpu.memory_space<vmem>> -> memref<128xi32, #tpu.memory_space<vmem>>
    %dma_wait3A_472 = arith.constant 0 : i32
    %dma_wait3A_473 = arith.constant 0 : i32
    %dma_wait3A_474 = tpu.memref_slice %arg30[%dma_wait3A_472, %dma_wait3A_473] : memref<10240x32xf32, #tpu.memory_space<vmem_shared>> -> memref<10240x32xf32, #tpu.memory_space<vmem_shared>>
    tpu.wait_indirect_dma semaphore(%arg38 : memref<!tpu.dma_semaphore, #tpu.memory_space<semaphore_mem>>) src(%arg21 : memref<128x32xf32, #tpu.memory_space<vmem>>) dst(%dma_wait3A_474 : memref<10240x32xf32, #tpu.memory_space<vmem_shared>>)
    %dma_wait3A_475 = arith.constant 256 : i32
    %dma_wait3A_476 = tpu.memref_slice %arg7[%dma_wait3A_475] : memref<20000xi32, #tpu.memory_space<vmem>> -> memref<128xi32, #tpu.memory_space<vmem>>
    %dma_wait3A_477 = arith.constant 0 : i32
    %dma_wait3A_478 = arith.constant 0 : i32
    %dma_wait3A_479 = tpu.memref_slice %arg30[%dma_wait3A_477, %dma_wait3A_478] : memref<10240x32xf32, #tpu.memory_space<vmem_shared>> -> memref<10240x32xf32, #tpu.memory_space<vmem_shared>>
    tpu.wait_indirect_dma semaphore(%arg39 : memref<!tpu.dma_semaphore, #tpu.memory_space<semaphore_mem>>) src(%arg22 : memref<128x32xf32, #tpu.memory_space<vmem>>) dst(%dma_wait3A_479 : memref<10240x32xf32, #tpu.memory_space<vmem_shared>>)
    %dma_wait3A_480 = arith.constant 384 : i32
    %dma_wait3A_481 = tpu.memref_slice %arg7[%dma_wait3A_480] : memref<20000xi32, #tpu.memory_space<vmem>> -> memref<128xi32, #tpu.memory_space<vmem>>
    %dma_wait3A_482 = arith.constant 0 : i32
    %dma_wait3A_483 = arith.constant 0 : i32
    %dma_wait3A_484 = tpu.memref_slice %arg30[%dma_wait3A_482, %dma_wait3A_483] : memref<10240x32xf32, #tpu.memory_space<vmem_shared>> -> memref<10240x32xf32, #tpu.memory_space<vmem_shared>>
    tpu.wait_indirect_dma semaphore(%arg40 : memref<!tpu.dma_semaphore, #tpu.memory_space<semaphore_mem>>) src(%arg23 : memref<128x32xf32, #tpu.memory_space<vmem>>) dst(%dma_wait3A_484 : memref<10240x32xf32, #tpu.memory_space<vmem_shared>>)
    %dma_wait3A_485 = arith.constant 512 : i32
    %dma_wait3A_486 = tpu.memref_slice %arg7[%dma_wait3A_485] : memref<20000xi32, #tpu.memory_space<vmem>> -> memref<128xi32, #tpu.memory_space<vmem>>
    %dma_wait3A_487 = arith.constant 0 : i32
    %dma_wait3A_488 = arith.constant 0 : i32
    %dma_wait3A_489 = tpu.memref_slice %arg30[%dma_wait3A_487, %dma_wait3A_488] : memref<10240x32xf32, #tpu.memory_space<vmem_shared>> -> memref<10240x32xf32, #tpu.memory_space<vmem_shared>>
    tpu.wait_indirect_dma semaphore(%arg41 : memref<!tpu.dma_semaphore, #tpu.memory_space<semaphore_mem>>) src(%arg24 : memref<128x32xf32, #tpu.memory_space<vmem>>) dst(%dma_wait3A_489 : memref<10240x32xf32, #tpu.memory_space<vmem_shared>>)
    %dma_wait3A_490 = arith.constant 640 : i32
    %dma_wait3A_491 = tpu.memref_slice %arg7[%dma_wait3A_490] : memref<20000xi32, #tpu.memory_space<vmem>> -> memref<128xi32, #tpu.memory_space<vmem>>
    %dma_wait3A_492 = arith.constant 0 : i32
    %dma_wait3A_493 = arith.constant 0 : i32
    %dma_wait3A_494 = tpu.memref_slice %arg30[%dma_wait3A_492, %dma_wait3A_493] : memref<10240x32xf32, #tpu.memory_space<vmem_shared>> -> memref<10240x32xf32, #tpu.memory_space<vmem_shared>>
    tpu.wait_indirect_dma semaphore(%arg42 : memref<!tpu.dma_semaphore, #tpu.memory_space<semaphore_mem>>) src(%arg25 : memref<128x32xf32, #tpu.memory_space<vmem>>) dst(%dma_wait3A_494 : memref<10240x32xf32, #tpu.memory_space<vmem_shared>>)
    %get3A_495 = arith.constant 19968 : index
    %get3A_496 = tpu.vector_load %arg6[%get3A_495] {strides = array<i32>} : memref<20000xi32, #tpu.memory_space<vmem>>, vector<16xi32>,
    %get3A_497 = vector.shape_cast %get3A_496 : vector<16xi32> to vector<16xi32>
    %add3A_498 = vector.broadcast %mul3A_11 : i32 to vector<16xi32>
    %add3A_499 = arith.addi %get3A_497, %add3A_498 : vector<16xi32>
    %swap3A_500 = arith.constant 0 : index
    %swap3A_501 = tpu.vector_load %arg26[%swap3A_500] {strides = array<i32>} : memref<32xi32, #tpu.memory_space<vmem>>, vector<16xi32>,
    %swap3A_502 = vector.shape_cast %swap3A_501 : vector<16xi32> to vector<16xi32>
    %swap3A_503 = vector.shape_cast %add3A_499 : vector<16xi32> to vector<16xi32>
    tpu.vector_store %arg26[%swap3A_500], %swap3A_503 {strides = array<i32>} : memref<32xi32, #tpu.memory_space<vmem>>, vector<16xi32>,
    %get3A_504 = arith.constant 19968 : index
    %get3A_505 = tpu.vector_load %arg7[%get3A_504] {strides = array<i32>} : memref<20000xi32, #tpu.memory_space<vmem>>, vector<16xi32>,
    %get3A_506 = vector.shape_cast %get3A_505 : vector<16xi32> to vector<16xi32>
    %swap3A_507 = arith.constant 0 : index
    %swap3A_508 = tpu.vector_load %arg27[%swap3A_507] {strides = array<i32>} : memref<32xi32, #tpu.memory_space<vmem>>, vector<16xi32>,
    %swap3A_509 = vector.shape_cast %swap3A_508 : vector<16xi32> to vector<16xi32>
    %swap3A_510 = vector.shape_cast %get3A_506 : vector<16xi32> to vector<16xi32>
    tpu.vector_store %arg27[%swap3A_507], %swap3A_510 {strides = array<i32>} : memref<32xi32, #tpu.memory_space<vmem>>, vector<16xi32>,
    %get3A_511 = arith.constant 19984 : index
    %get3A_512 = tpu.vector_load %arg6[%get3A_511] {strides = array<i32>} : memref<20000xi32, #tpu.memory_space<vmem>>, vector<16xi32>,
    %get3A_513 = vector.shape_cast %get3A_512 : vector<16xi32> to vector<16xi32>
    %add3A_514 = vector.broadcast %mul3A_11 : i32 to vector<16xi32>
    %add3A_515 = arith.addi %get3A_513, %add3A_514 : vector<16xi32>
    %swap3A_516 = arith.constant 16 : index
    %swap3A_517 = tpu.vector_load %arg26[%swap3A_516] {strides = array<i32>} : memref<32xi32, #tpu.memory_space<vmem>>, vector<16xi32>,
    %swap3A_518 = vector.shape_cast %swap3A_517 : vector<16xi32> to vector<16xi32>
    %swap3A_519 = vector.shape_cast %add3A_515 : vector<16xi32> to vector<16xi32>
    tpu.vector_store %arg26[%swap3A_516], %swap3A_519 {strides = array<i32>} : memref<32xi32, #tpu.memory_space<vmem>>, vector<16xi32>,
    %get3A_520 = arith.constant 19984 : index
    %get3A_521 = tpu.vector_load %arg7[%get3A_520] {strides = array<i32>} : memref<20000xi32, #tpu.memory_space<vmem>>, vector<16xi32>,
    %get3A_522 = vector.shape_cast %get3A_521 : vector<16xi32> to vector<16xi32>
    %swap3A_523 = arith.constant 16 : index
    %swap3A_524 = tpu.vector_load %arg27[%swap3A_523] {strides = array<i32>} : memref<32xi32, #tpu.memory_space<vmem>>, vector<16xi32>,
    %swap3A_525 = vector.shape_cast %swap3A_524 : vector<16xi32> to vector<16xi32>
    %swap3A_526 = vector.shape_cast %get3A_522 : vector<16xi32> to vector<16xi32>
    tpu.vector_store %arg27[%swap3A_523], %swap3A_526 {strides = array<i32>} : memref<32xi32, #tpu.memory_space<vmem>>, vector<16xi32>,
    %dma_start3A_527 = arith.constant 0 : i32
    %dma_start3A_528 = arith.constant 0 : i32
    %dma_start3A_529 = tpu.memref_slice %arg2[%dma_start3A_527, %dma_start3A_528] : memref<40960x32xf32, #tpu.memory_space<hbm>> -> memref<40960x32xf32, #tpu.memory_space<hbm>>
    tpu.enqueue_indirect_dma source(%dma_start3A_529 : memref<40960x32xf32, #tpu.memory_space<hbm>>) target(%arg28 : memref<32x32xf32, #tpu.memory_space<vmem>>) offsets(%arg26 : memref<32xi32, #tpu.memory_space<vmem>>) semaphore(%arg31 : memref<!tpu.dma_semaphore, #tpu.memory_space<semaphore_mem>>)
    %dma_wait3A_530 = arith.constant 0 : i32
    %dma_wait3A_531 = arith.constant 0 : i32
    %dma_wait3A_532 = tpu.memref_slice %arg2[%dma_wait3A_530, %dma_wait3A_531] : memref<40960x32xf32, #tpu.memory_space<hbm>> -> memref<40960x32xf32, #tpu.memory_space<hbm>>
    tpu.wait_indirect_dma semaphore(%arg31 : memref<!tpu.dma_semaphore, #tpu.memory_space<semaphore_mem>>) src(%dma_wait3A_532 : memref<40960x32xf32, #tpu.memory_space<hbm>>) dst(%arg28 : memref<32x32xf32, #tpu.memory_space<vmem>>)
    "tpu.region"() ({
      %run_scoped3A_1086 = tpu.sem_alloc : memref<!tpu.dma_semaphore, #tpu.memory_space<semaphore_mem>>
      %dma_start3A_1087 = arith.constant 0 : i32
      %dma_start3A_1088 = arith.constant 0 : i32
      %dma_start3A_1089 = tpu.memref_slice %arg30[%dma_start3A_1087, %dma_start3A_1088] : memref<10240x32xf32, #tpu.memory_space<vmem_shared>> -> memref<10240x32xf32, #tpu.memory_space<vmem_shared>>
      tpu.enqueue_indirect_dma source(%arg28 : memref<32x32xf32, #tpu.memory_space<vmem>>) target(%dma_start3A_1089 : memref<10240x32xf32, #tpu.memory_space<vmem_shared>>) offsets(%arg27 : memref<32xi32, #tpu.memory_space<vmem>>) semaphore(%run_scoped3A_1086 : memref<!tpu.dma_semaphore, #tpu.memory_space<semaphore_mem>>) {add = true}
      %dma_wait3A_1090 = arith.constant 0 : i32
      %dma_wait3A_1091 = arith.constant 0 : i32
      %dma_wait3A_1092 = tpu.memref_slice %arg30[%dma_wait3A_1090, %dma_wait3A_1091] : memref<10240x32xf32, #tpu.memory_space<vmem_shared>> -> memref<10240x32xf32, #tpu.memory_space<vmem_shared>>
      tpu.wait_indirect_dma semaphore(%run_scoped3A_1086 : memref<!tpu.dma_semaphore, #tpu.memory_space<semaphore_mem>>) src(%arg28 : memref<32x32xf32, #tpu.memory_space<vmem>>) dst(%dma_wait3A_1092 : memref<10240x32xf32, #tpu.memory_space<vmem_shared>>)
      tpu.yield
    }) : () -> ()
    %barrier3A_533 = arith.constant 0 : index
    tpu.barrier barrier_id(%barrier3A_533)
    %mul3A_534 = arith.constant 640 : i32
    %mul3A_535 = arith.muli %arg1, %mul3A_534 : i32
    "tpu.region"() ({
      %run_scoped3A_1086 = tpu.sem_alloc : memref<!tpu.dma_semaphore, #tpu.memory_space<semaphore_mem>>
      %dma_start3A_1087 = arith.constant 0 : i32
      %dma_start3A_1088 = tpu.memref_slice %arg30[%mul3A_535, %dma_start3A_1087] : memref<10240x32xf32, #tpu.memory_space<vmem_shared>> -> memref<640x32xf32, #tpu.memory_space<vmem_shared>>
      %dma_start3A_1089 = arith.constant 0 : i32
      %dma_start3A_1090 = tpu.memref_slice %arg30[%mul3A_535, %dma_start3A_1089] : memref<10240x32xf32, #tpu.memory_space<vmem_shared>> -> memref<640x32xf32, #tpu.memory_space<vmem_shared>>
      tpu.enqueue_dma source(%dma_start3A_1090 : memref<640x32xf32, #tpu.memory_space<vmem_shared>>) target(%arg29 : memref<640x32xf32, #tpu.memory_space<vmem>>) target_semaphore(%run_scoped3A_1086 : memref<!tpu.dma_semaphore, #tpu.memory_space<semaphore_mem>>)
      %dma_wait3A_1091 = arith.constant 0 : i32
      %dma_wait3A_1092 = tpu.memref_slice %arg30[%mul3A_535, %dma_wait3A_1091] : memref<10240x32xf32, #tpu.memory_space<vmem_shared>> -> memref<640x32xf32, #tpu.memory_space<vmem_shared>>
      %dma_wait3A_1093 = arith.constant 0 : i32
      %dma_wait3A_1094 = tpu.memref_slice %arg30[%mul3A_535, %dma_wait3A_1093] : memref<10240x32xf32, #tpu.memory_space<vmem_shared>> -> memref<640x32xf32, #tpu.memory_space<vmem_shared>>
      tpu.wait_dma2 semaphore(%run_scoped3A_1086 : memref<!tpu.dma_semaphore, #tpu.memory_space<semaphore_mem>>) src(%dma_wait3A_1094 : memref<640x32xf32, #tpu.memory_space<vmem_shared>>) dst(%arg29 : memref<640x32xf32, #tpu.memory_space<vmem>>)
      tpu.yield
    }) : () -> ()
    %mul3A_536 = arith.constant 640 : i32
    %mul3A_537 = arith.muli %arg1, %mul3A_536 : i32
    %run_scoped3A = arith.constant 0 : i32
    "tpu.region"() ({
      %run_scoped3A_1086 = tpu.sem_alloc : memref<!tpu.dma_semaphore, #tpu.memory_space<semaphore_mem>>
      %dma_start3A_1087 = arith.constant 0 : i32
      %dma_start3A_1088 = tpu.memref_slice %arg5[%arg0, %run_scoped3A, %mul3A_537, %dma_start3A_1087] : memref<2x2x10240x32xf32, #tpu.memory_space<hbm>> -> memref<1x1x640x32xf32, #tpu.memory_space<hbm>>
      %dma_start3A_1089 = tpu.memref_squeeze %dma_start3A_1088 : memref<1x1x640x32xf32, #tpu.memory_space<hbm>> -> memref<640x32xf32, #tpu.memory_space<hbm>>
      %dma_start3A_1090 = arith.constant 0 : i32
      %dma_start3A_1091 = tpu.memref_slice %arg5[%arg0, %run_scoped3A, %mul3A_537, %dma_start3A_1090] : memref<2x2x10240x32xf32, #tpu.memory_space<hbm>> -> memref<1x1x640x32xf32, #tpu.memory_space<hbm>>
      %dma_start3A_1092 = tpu.memref_squeeze %dma_start3A_1091 : memref<1x1x640x32xf32, #tpu.memory_space<hbm>> -> memref<640x32xf32, #tpu.memory_space<hbm>>
      tpu.enqueue_dma source(%arg29 : memref<640x32xf32, #tpu.memory_space<vmem>>) target(%dma_start3A_1092 : memref<640x32xf32, #tpu.memory_space<hbm>>) target_semaphore(%run_scoped3A_1086 : memref<!tpu.dma_semaphore, #tpu.memory_space<semaphore_mem>>)
      %dma_wait3A_1093 = arith.constant 0 : i32
      %dma_wait3A_1094 = tpu.memref_slice %arg5[%arg0, %run_scoped3A, %mul3A_537, %dma_wait3A_1093] : memref<2x2x10240x32xf32, #tpu.memory_space<hbm>> -> memref<1x1x640x32xf32, #tpu.memory_space<hbm>>
      %dma_wait3A_1095 = tpu.memref_squeeze %dma_wait3A_1094 : memref<1x1x640x32xf32, #tpu.memory_space<hbm>> -> memref<640x32xf32, #tpu.memory_space<hbm>>
      %dma_wait3A_1096 = arith.constant 0 : i32
      %dma_wait3A_1097 = tpu.memref_slice %arg5[%arg0, %run_scoped3A, %mul3A_537, %dma_wait3A_1096] : memref<2x2x10240x32xf32, #tpu.memory_space<hbm>> -> memref<1x1x640x32xf32, #tpu.memory_space<hbm>>
      %dma_wait3A_1098 = tpu.memref_squeeze %dma_wait3A_1097 : memref<1x1x640x32xf32, #tpu.memory_space<hbm>> -> memref<640x32xf32, #tpu.memory_space<hbm>>
      tpu.wait_dma2 semaphore(%run_scoped3A_1086 : memref<!tpu.dma_semaphore, #tpu.memory_space<semaphore_mem>>) src(%arg29 : memref<640x32xf32, #tpu.memory_space<vmem>>) dst(%dma_wait3A_1098 : memref<640x32xf32, #tpu.memory_space<hbm>>)
      tpu.yield
    }) : () -> ()
    %scan3A_538 = arith.constant 0 : i32
    %scan3A_539 = arith.constant 0 : i32
    %scan3A_540 = arith.constant 1280 : i32
    %scan3A_541 = arith.addi %scan3A_539, %scan3A_540 : i32
    %scan3A_542 = arith.constant 1 : i32
    %scan3A_543 = scf.for %scan3A_1086 = %scan3A_539 to %scan3A_541 step %scan3A_542 iter_args(%scan3A_1087 = %scan3A_538) -> (i32)  : i32 {
      %jit3A = arith.constant 2 : i32
      %div3A = arith.divsi %scan3A_1086, %jit3A : i32
      %sign3A = arith.constant 0 : i32
      %sign3A_1088 = arith.cmpi sgt, %scan3A_1086, %sign3A : i32
      %sign3A_1089 = arith.extui %sign3A_1088 : i1 to i32
      %sign3A_1090 = arith.constant 0 : i32
      %sign3A_1091 = arith.cmpi slt, %scan3A_1086, %sign3A_1090 : i32
      %sign3A_1092 = arith.extui %sign3A_1091 : i1 to i32
      %sign3A_1093 = arith.subi %sign3A_1089, %sign3A_1092 : i32
      %sign3A_1094 = arith.constant 0 : i32
      %sign3A_1095 = arith.cmpi sgt, %jit3A, %sign3A_1094 : i32
      %sign3A_1096 = arith.extui %sign3A_1095 : i1 to i32
      %sign3A_1097 = arith.constant 0 : i32
      %sign3A_1098 = arith.cmpi slt, %jit3A, %sign3A_1097 : i32
      %sign3A_1099 = arith.extui %sign3A_1098 : i1 to i32
      %sign3A_1100 = arith.subi %sign3A_1096, %sign3A_1099 : i32
      %ne3A = arith.cmpi ne, %sign3A_1093, %sign3A_1100 : i32
      %rem3A = arith.remsi %scan3A_1086, %jit3A : i32
      %ne3A_1101 = arith.constant 0 : i32
      %ne3A_1102 = arith.cmpi ne, %rem3A, %ne3A_1101 : i32
      %and3A = arith.andi %ne3A, %ne3A_1102 : i1
      %sub3A = arith.constant 1 : i32
      %sub3A_1103 = arith.subi %div3A, %sub3A : i32
      %select_n3A = arith.select %and3A, %sub3A_1103, %div3A : i32
      %jit3A_1104 = arith.constant 2 : i32
      %eq3A = arith.constant 0 : i32
      %eq3A_1105 = arith.cmpi eq, %jit3A_1104, %eq3A : i32
      %jit3A_1106 = arith.constant 1 : i32
      %select_n3A_1107 = arith.select %eq3A_1105, %jit3A_1106, %jit3A_1104 : i32
      %rem3A_1108 = arith.remsi %scan3A_1086, %select_n3A_1107 : i32
      %ne3A_1109 = arith.constant 0 : i32
      %ne3A_1110 = arith.cmpi ne, %rem3A_1108, %ne3A_1109 : i32
      %lt3A = arith.constant 0 : i32
      %lt3A_1111 = arith.cmpi slt, %rem3A_1108, %lt3A : i32
      %lt3A_1112 = arith.constant 0 : i32
      %lt3A_1113 = arith.cmpi slt, %select_n3A_1107, %lt3A_1112 : i32
      %ne3A_1114 = arith.xori %lt3A_1111, %lt3A_1113 : i1
      %and3A_1115 = arith.andi %ne3A_1114, %ne3A_1110 : i1
      %add3A_1116 = arith.addi %rem3A_1108, %select_n3A_1107 : i32
      %select_n3A_1117 = arith.select %and3A_1115, %add3A_1116, %rem3A_1108 : i32
      %mul3A_1118 = arith.constant 16 : i32
      %mul3A_1119 = arith.muli %select_n3A_1117, %mul3A_1118 : i32
      %broadcast_in_dim3A = arith.constant 0.000000e+00 : f32
      %broadcast_in_dim3A_1120 = vector.broadcast %broadcast_in_dim3A : f32 to vector<16xf32>
      %swap3A_1121 = arith.index_cast %select_n3A : i32 to index
      %swap3A_1122 = arith.index_cast %mul3A_1119 : i32 to index
      %swap3A_1123 = tpu.vector_load %arg29[%swap3A_1121, %swap3A_1122] {strides = array<i32>} : memref<640x32xf32, #tpu.memory_space<vmem>>, vector<1x16xf32>,
      %swap3A_1124 = vector.shape_cast %swap3A_1123 : vector<1x16xf32> to vector<16xf32>
      %swap3A_1125 = vector.shape_cast %broadcast_in_dim3A_1120 : vector<16xf32> to vector<1x16xf32>
      tpu.vector_store %arg29[%swap3A_1121, %swap3A_1122], %swap3A_1125 {strides = array<i32>} : memref<640x32xf32, #tpu.memory_space<vmem>>, vector<1x16xf32>,
      %scan3A_1126 = arith.constant 0 : i32
      scf.yield %scan3A_1126 : i32
    }
    %scan3A_544 = arith.constant 1280 : i32
    %barrier3A_545 = arith.constant 0 : index
    tpu.barrier barrier_id(%barrier3A_545)
    %mul3A_546 = arith.constant 640 : i32
    %mul3A_547 = arith.muli %arg1, %mul3A_546 : i32
    "tpu.region"() ({
      %run_scoped3A_1086 = tpu.sem_alloc : memref<!tpu.dma_semaphore, #tpu.memory_space<semaphore_mem>>
      %dma_start3A_1087 = arith.constant 0 : i32
      %dma_start3A_1088 = tpu.memref_slice %arg30[%mul3A_547, %dma_start3A_1087] : memref<10240x32xf32, #tpu.memory_space<vmem_shared>> -> memref<640x32xf32, #tpu.memory_space<vmem_shared>>
      %dma_start3A_1089 = arith.constant 0 : i32
      %dma_start3A_1090 = tpu.memref_slice %arg30[%mul3A_547, %dma_start3A_1089] : memref<10240x32xf32, #tpu.memory_space<vmem_shared>> -> memref<640x32xf32, #tpu.memory_space<vmem_shared>>
      tpu.enqueue_dma source(%arg29 : memref<640x32xf32, #tpu.memory_space<vmem>>) target(%dma_start3A_1090 : memref<640x32xf32, #tpu.memory_space<vmem_shared>>) target_semaphore(%run_scoped3A_1086 : memref<!tpu.dma_semaphore, #tpu.memory_space<semaphore_mem>>)
      %dma_wait3A_1091 = arith.constant 0 : i32
      %dma_wait3A_1092 = tpu.memref_slice %arg30[%mul3A_547, %dma_wait3A_1091] : memref<10240x32xf32, #tpu.memory_space<vmem_shared>> -> memref<640x32xf32, #tpu.memory_space<vmem_shared>>
      %dma_wait3A_1093 = arith.constant 0 : i32
      %dma_wait3A_1094 = tpu.memref_slice %arg30[%mul3A_547, %dma_wait3A_1093] : memref<10240x32xf32, #tpu.memory_space<vmem_shared>> -> memref<640x32xf32, #tpu.memory_space<vmem_shared>>
      tpu.wait_dma2 semaphore(%run_scoped3A_1086 : memref<!tpu.dma_semaphore, #tpu.memory_space<semaphore_mem>>) src(%arg29 : memref<640x32xf32, #tpu.memory_space<vmem>>) dst(%dma_wait3A_1094 : memref<640x32xf32, #tpu.memory_space<vmem_shared>>)
      tpu.yield
    }) : () -> ()
    %barrier3A_548 = arith.constant 0 : index
    tpu.barrier barrier_id(%barrier3A_548)
    %mul3A_549 = arith.constant 2 : i32
    %mul3A_550 = arith.muli %arg0, %mul3A_549 : i32
    %add3A_551 = arith.constant 1 : i32
    %add3A_552 = arith.addi %mul3A_550, %add3A_551 : i32
    %mul3A_553 = arith.constant 10240 : i32
    %mul3A_554 = arith.muli %add3A_552, %mul3A_553 : i32
    %get3A_555 = arith.constant 0 : index
    %get3A_556 = tpu.vector_load %arg6[%get3A_555] {strides = array<i32>} : memref<20000xi32, #tpu.memory_space<vmem>>, vector<16xi32>,
    %get3A_557 = vector.shape_cast %get3A_556 : vector<16xi32> to vector<16xi32>
    %add3A_558 = vector.broadcast %mul3A_554 : i32 to vector<16xi32>
    %add3A_559 = arith.addi %get3A_557, %add3A_558 : vector<16xi32>
    %swap3A_560 = arith.constant 0 : index
    %swap3A_561 = tpu.vector_load %arg8[%swap3A_560] {strides = array<i32>} : memref<128xi32, #tpu.memory_space<vmem>>, vector<16xi32>,
    %swap3A_562 = vector.shape_cast %swap3A_561 : vector<16xi32> to vector<16xi32>
    %swap3A_563 = vector.shape_cast %add3A_559 : vector<16xi32> to vector<16xi32>
    tpu.vector_store %arg8[%swap3A_560], %swap3A_563 {strides = array<i32>} : memref<128xi32, #tpu.memory_space<vmem>>, vector<16xi32>,
    %get3A_564 = arith.constant 16 : index
    %get3A_565 = tpu.vector_load %arg6[%get3A_564] {strides = array<i32>} : memref<20000xi32, #tpu.memory_space<vmem>>, vector<16xi32>,
    %get3A_566 = vector.shape_cast %get3A_565 : vector<16xi32> to vector<16xi32>
    %add3A_567 = vector.broadcast %mul3A_554 : i32 to vector<16xi32>
    %add3A_568 = arith.addi %get3A_566, %add3A_567 : vector<16xi32>
    %swap3A_569 = arith.constant 16 : index
    %swap3A_570 = tpu.vector_load %arg8[%swap3A_569] {strides = array<i32>} : memref<128xi32, #tpu.memory_space<vmem>>, vector<16xi32>,
    %swap3A_571 = vector.shape_cast %swap3A_570 : vector<16xi32> to vector<16xi32>
    %swap3A_572 = vector.shape_cast %add3A_568 : vector<16xi32> to vector<16xi32>
    tpu.vector_store %arg8[%swap3A_569], %swap3A_572 {strides = array<i32>} : memref<128xi32, #tpu.memory_space<vmem>>, vector<16xi32>,
    %get3A_573 = arith.constant 32 : index
    %get3A_574 = tpu.vector_load %arg6[%get3A_573] {strides = array<i32>} : memref<20000xi32, #tpu.memory_space<vmem>>, vector<16xi32>,
    %get3A_575 = vector.shape_cast %get3A_574 : vector<16xi32> to vector<16xi32>
    %add3A_576 = vector.broadcast %mul3A_554 : i32 to vector<16xi32>
    %add3A_577 = arith.addi %get3A_575, %add3A_576 : vector<16xi32>
    %swap3A_578 = arith.constant 32 : index
    %swap3A_579 = tpu.vector_load %arg8[%swap3A_578] {strides = array<i32>} : memref<128xi32, #tpu.memory_space<vmem>>, vector<16xi32>,
    %swap3A_580 = vector.shape_cast %swap3A_579 : vector<16xi32> to vector<16xi32>
    %swap3A_581 = vector.shape_cast %add3A_577 : vector<16xi32> to vector<16xi32>
    tpu.vector_store %arg8[%swap3A_578], %swap3A_581 {strides = array<i32>} : memref<128xi32, #tpu.memory_space<vmem>>, vector<16xi32>,
    %get3A_582 = arith.constant 48 : index
    %get3A_583 = tpu.vector_load %arg6[%get3A_582] {strides = array<i32>} : memref<20000xi32, #tpu.memory_space<vmem>>, vector<16xi32>,
    %get3A_584 = vector.shape_cast %get3A_583 : vector<16xi32> to vector<16xi32>
    %add3A_585 = vector.broadcast %mul3A_554 : i32 to vector<16xi32>
    %add3A_586 = arith.addi %get3A_584, %add3A_585 : vector<16xi32>
    %swap3A_587 = arith.constant 48 : index
    %swap3A_588 = tpu.vector_load %arg8[%swap3A_587] {strides = array<i32>} : memref<128xi32, #tpu.memory_space<vmem>>, vector<16xi32>,
    %swap3A_589 = vector.shape_cast %swap3A_588 : vector<16xi32> to vector<16xi32>
    %swap3A_590 = vector.shape_cast %add3A_586 : vector<16xi32> to vector<16xi32>
    tpu.vector_store %arg8[%swap3A_587], %swap3A_590 {strides = array<i32>} : memref<128xi32, #tpu.memory_space<vmem>>, vector<16xi32>,
    %get3A_591 = arith.constant 64 : index
    %get3A_592 = tpu.vector_load %arg6[%get3A_591] {strides = array<i32>} : memref<20000xi32, #tpu.memory_space<vmem>>, vector<16xi32>,
    %get3A_593 = vector.shape_cast %get3A_592 : vector<16xi32> to vector<16xi32>
    %add3A_594 = vector.broadcast %mul3A_554 : i32 to vector<16xi32>
    %add3A_595 = arith.addi %get3A_593, %add3A_594 : vector<16xi32>
    %swap3A_596 = arith.constant 64 : index
    %swap3A_597 = tpu.vector_load %arg8[%swap3A_596] {strides = array<i32>} : memref<128xi32, #tpu.memory_space<vmem>>, vector<16xi32>,
    %swap3A_598 = vector.shape_cast %swap3A_597 : vector<16xi32> to vector<16xi32>
    %swap3A_599 = vector.shape_cast %add3A_595 : vector<16xi32> to vector<16xi32>
    tpu.vector_store %arg8[%swap3A_596], %swap3A_599 {strides = array<i32>} : memref<128xi32, #tpu.memory_space<vmem>>, vector<16xi32>,
    %get3A_600 = arith.constant 80 : index
    %get3A_601 = tpu.vector_load %arg6[%get3A_600] {strides = array<i32>} : memref<20000xi32, #tpu.memory_space<vmem>>, vector<16xi32>,
    %get3A_602 = vector.shape_cast %get3A_601 : vector<16xi32> to vector<16xi32>
    %add3A_603 = vector.broadcast %mul3A_554 : i32 to vector<16xi32>
    %add3A_604 = arith.addi %get3A_602, %add3A_603 : vector<16xi32>
    %swap3A_605 = arith.constant 80 : index
    %swap3A_606 = tpu.vector_load %arg8[%swap3A_605] {strides = array<i32>} : memref<128xi32, #tpu.memory_space<vmem>>, vector<16xi32>,
    %swap3A_607 = vector.shape_cast %swap3A_606 : vector<16xi32> to vector<16xi32>
    %swap3A_608 = vector.shape_cast %add3A_604 : vector<16xi32> to vector<16xi32>
    tpu.vector_store %arg8[%swap3A_605], %swap3A_608 {strides = array<i32>} : memref<128xi32, #tpu.memory_space<vmem>>, vector<16xi32>,
    %get3A_609 = arith.constant 96 : index
    %get3A_610 = tpu.vector_load %arg6[%get3A_609] {strides = array<i32>} : memref<20000xi32, #tpu.memory_space<vmem>>, vector<16xi32>,
    %get3A_611 = vector.shape_cast %get3A_610 : vector<16xi32> to vector<16xi32>
    %add3A_612 = vector.broadcast %mul3A_554 : i32 to vector<16xi32>
    %add3A_613 = arith.addi %get3A_611, %add3A_612 : vector<16xi32>
    %swap3A_614 = arith.constant 96 : index
    %swap3A_615 = tpu.vector_load %arg8[%swap3A_614] {strides = array<i32>} : memref<128xi32, #tpu.memory_space<vmem>>, vector<16xi32>,
    %swap3A_616 = vector.shape_cast %swap3A_615 : vector<16xi32> to vector<16xi32>
    %swap3A_617 = vector.shape_cast %add3A_613 : vector<16xi32> to vector<16xi32>
    tpu.vector_store %arg8[%swap3A_614], %swap3A_617 {strides = array<i32>} : memref<128xi32, #tpu.memory_space<vmem>>, vector<16xi32>,
    %get3A_618 = arith.constant 112 : index
    %get3A_619 = tpu.vector_load %arg6[%get3A_618] {strides = array<i32>} : memref<20000xi32, #tpu.memory_space<vmem>>, vector<16xi32>,
    %get3A_620 = vector.shape_cast %get3A_619 : vector<16xi32> to vector<16xi32>
    %add3A_621 = vector.broadcast %mul3A_554 : i32 to vector<16xi32>
    %add3A_622 = arith.addi %get3A_620, %add3A_621 : vector<16xi32>
    %swap3A_623 = arith.constant 112 : index
    %swap3A_624 = tpu.vector_load %arg8[%swap3A_623] {strides = array<i32>} : memref<128xi32, #tpu.memory_space<vmem>>, vector<16xi32>,
    %swap3A_625 = vector.shape_cast %swap3A_624 : vector<16xi32> to vector<16xi32>
    %swap3A_626 = vector.shape_cast %add3A_622 : vector<16xi32> to vector<16xi32>
    tpu.vector_store %arg8[%swap3A_623], %swap3A_626 {strides = array<i32>} : memref<128xi32, #tpu.memory_space<vmem>>, vector<16xi32>,
    %dma_start3A_627 = arith.constant 0 : i32
    %dma_start3A_628 = arith.constant 0 : i32
    %dma_start3A_629 = tpu.memref_slice %arg2[%dma_start3A_627, %dma_start3A_628] : memref<40960x32xf32, #tpu.memory_space<hbm>> -> memref<40960x32xf32, #tpu.memory_space<hbm>>
    tpu.enqueue_indirect_dma source(%dma_start3A_629 : memref<40960x32xf32, #tpu.memory_space<hbm>>) target(%arg20 : memref<128x32xf32, #tpu.memory_space<vmem>>) offsets(%arg8 : memref<128xi32, #tpu.memory_space<vmem>>) semaphore(%arg31 : memref<!tpu.dma_semaphore, #tpu.memory_space<semaphore_mem>>)
    %get3A_630 = arith.constant 128 : index
    %get3A_631 = tpu.vector_load %arg6[%get3A_630] {strides = array<i32>} : memref<20000xi32, #tpu.memory_space<vmem>>, vector<16xi32>,
    %get3A_632 = vector.shape_cast %get3A_631 : vector<16xi32> to vector<16xi32>
    %add3A_633 = vector.broadcast %mul3A_554 : i32 to vector<16xi32>
    %add3A_634 = arith.addi %get3A_632, %add3A_633 : vector<16xi32>
    %swap3A_635 = arith.constant 0 : index
    %swap3A_636 = tpu.vector_load %arg9[%swap3A_635] {strides = array<i32>} : memref<128xi32, #tpu.memory_space<vmem>>, vector<16xi32>,
    %swap3A_637 = vector.shape_cast %swap3A_636 : vector<16xi32> to vector<16xi32>
    %swap3A_638 = vector.shape_cast %add3A_634 : vector<16xi32> to vector<16xi32>
    tpu.vector_store %arg9[%swap3A_635], %swap3A_638 {strides = array<i32>} : memref<128xi32, #tpu.memory_space<vmem>>, vector<16xi32>,
    %get3A_639 = arith.constant 144 : index
    %get3A_640 = tpu.vector_load %arg6[%get3A_639] {strides = array<i32>} : memref<20000xi32, #tpu.memory_space<vmem>>, vector<16xi32>,
    %get3A_641 = vector.shape_cast %get3A_640 : vector<16xi32> to vector<16xi32>
    %add3A_642 = vector.broadcast %mul3A_554 : i32 to vector<16xi32>
    %add3A_643 = arith.addi %get3A_641, %add3A_642 : vector<16xi32>
    %swap3A_644 = arith.constant 16 : index
    %swap3A_645 = tpu.vector_load %arg9[%swap3A_644] {strides = array<i32>} : memref<128xi32, #tpu.memory_space<vmem>>, vector<16xi32>,
    %swap3A_646 = vector.shape_cast %swap3A_645 : vector<16xi32> to vector<16xi32>
    %swap3A_647 = vector.shape_cast %add3A_643 : vector<16xi32> to vector<16xi32>
    tpu.vector_store %arg9[%swap3A_644], %swap3A_647 {strides = array<i32>} : memref<128xi32, #tpu.memory_space<vmem>>, vector<16xi32>,
    %get3A_648 = arith.constant 160 : index
    %get3A_649 = tpu.vector_load %arg6[%get3A_648] {strides = array<i32>} : memref<20000xi32, #tpu.memory_space<vmem>>, vector<16xi32>,
    %get3A_650 = vector.shape_cast %get3A_649 : vector<16xi32> to vector<16xi32>
    %add3A_651 = vector.broadcast %mul3A_554 : i32 to vector<16xi32>
    %add3A_652 = arith.addi %get3A_650, %add3A_651 : vector<16xi32>
    %swap3A_653 = arith.constant 32 : index
    %swap3A_654 = tpu.vector_load %arg9[%swap3A_653] {strides = array<i32>} : memref<128xi32, #tpu.memory_space<vmem>>, vector<16xi32>,
    %swap3A_655 = vector.shape_cast %swap3A_654 : vector<16xi32> to vector<16xi32>
    %swap3A_656 = vector.shape_cast %add3A_652 : vector<16xi32> to vector<16xi32>
    tpu.vector_store %arg9[%swap3A_653], %swap3A_656 {strides = array<i32>} : memref<128xi32, #tpu.memory_space<vmem>>, vector<16xi32>,
    %get3A_657 = arith.constant 176 : index
    %get3A_658 = tpu.vector_load %arg6[%get3A_657] {strides = array<i32>} : memref<20000xi32, #tpu.memory_space<vmem>>, vector<16xi32>,
    %get3A_659 = vector.shape_cast %get3A_658 : vector<16xi32> to vector<16xi32>
    %add3A_660 = vector.broadcast %mul3A_554 : i32 to vector<16xi32>
    %add3A_661 = arith.addi %get3A_659, %add3A_660 : vector<16xi32>
    %swap3A_662 = arith.constant 48 : index
    %swap3A_663 = tpu.vector_load %arg9[%swap3A_662] {strides = array<i32>} : memref<128xi32, #tpu.memory_space<vmem>>, vector<16xi32>,
    %swap3A_664 = vector.shape_cast %swap3A_663 : vector<16xi32> to vector<16xi32>
    %swap3A_665 = vector.shape_cast %add3A_661 : vector<16xi32> to vector<16xi32>
    tpu.vector_store %arg9[%swap3A_662], %swap3A_665 {strides = array<i32>} : memref<128xi32, #tpu.memory_space<vmem>>, vector<16xi32>,
    %get3A_666 = arith.constant 192 : index
    %get3A_667 = tpu.vector_load %arg6[%get3A_666] {strides = array<i32>} : memref<20000xi32, #tpu.memory_space<vmem>>, vector<16xi32>,
    %get3A_668 = vector.shape_cast %get3A_667 : vector<16xi32> to vector<16xi32>
    %add3A_669 = vector.broadcast %mul3A_554 : i32 to vector<16xi32>
    %add3A_670 = arith.addi %get3A_668, %add3A_669 : vector<16xi32>
    %swap3A_671 = arith.constant 64 : index
    %swap3A_672 = tpu.vector_load %arg9[%swap3A_671] {strides = array<i32>} : memref<128xi32, #tpu.memory_space<vmem>>, vector<16xi32>,
    %swap3A_673 = vector.shape_cast %swap3A_672 : vector<16xi32> to vector<16xi32>
    %swap3A_674 = vector.shape_cast %add3A_670 : vector<16xi32> to vector<16xi32>
    tpu.vector_store %arg9[%swap3A_671], %swap3A_674 {strides = array<i32>} : memref<128xi32, #tpu.memory_space<vmem>>, vector<16xi32>,
    %get3A_675 = arith.constant 208 : index
    %get3A_676 = tpu.vector_load %arg6[%get3A_675] {strides = array<i32>} : memref<20000xi32, #tpu.memory_space<vmem>>, vector<16xi32>,
    %get3A_677 = vector.shape_cast %get3A_676 : vector<16xi32> to vector<16xi32>
    %add3A_678 = vector.broadcast %mul3A_554 : i32 to vector<16xi32>
    %add3A_679 = arith.addi %get3A_677, %add3A_678 : vector<16xi32>
    %swap3A_680 = arith.constant 80 : index
    %swap3A_681 = tpu.vector_load %arg9[%swap3A_680] {strides = array<i32>} : memref<128xi32, #tpu.memory_space<vmem>>, vector<16xi32>,
    %swap3A_682 = vector.shape_cast %swap3A_681 : vector<16xi32> to vector<16xi32>
    %swap3A_683 = vector.shape_cast %add3A_679 : vector<16xi32> to vector<16xi32>
    tpu.vector_store %arg9[%swap3A_680], %swap3A_683 {strides = array<i32>} : memref<128xi32, #tpu.memory_space<vmem>>, vector<16xi32>,
    %get3A_684 = arith.constant 224 : index
    %get3A_685 = tpu.vector_load %arg6[%get3A_684] {strides = array<i32>} : memref<20000xi32, #tpu.memory_space<vmem>>, vector<16xi32>,
    %get3A_686 = vector.shape_cast %get3A_685 : vector<16xi32> to vector<16xi32>
    %add3A_687 = vector.broadcast %mul3A_554 : i32 to vector<16xi32>
    %add3A_688 = arith.addi %get3A_686, %add3A_687 : vector<16xi32>
    %swap3A_689 = arith.constant 96 : index
    %swap3A_690 = tpu.vector_load %arg9[%swap3A_689] {strides = array<i32>} : memref<128xi32, #tpu.memory_space<vmem>>, vector<16xi32>,
    %swap3A_691 = vector.shape_cast %swap3A_690 : vector<16xi32> to vector<16xi32>
    %swap3A_692 = vector.shape_cast %add3A_688 : vector<16xi32> to vector<16xi32>
    tpu.vector_store %arg9[%swap3A_689], %swap3A_692 {strides = array<i32>} : memref<128xi32, #tpu.memory_space<vmem>>, vector<16xi32>,
    %get3A_693 = arith.constant 240 : index
    %get3A_694 = tpu.vector_load %arg6[%get3A_693] {strides = array<i32>} : memref<20000xi32, #tpu.memory_space<vmem>>, vector<16xi32>,
    %get3A_695 = vector.shape_cast %get3A_694 : vector<16xi32> to vector<16xi32>
    %add3A_696 = vector.broadcast %mul3A_554 : i32 to vector<16xi32>
    %add3A_697 = arith.addi %get3A_695, %add3A_696 : vector<16xi32>
    %swap3A_698 = arith.constant 112 : index
    %swap3A_699 = tpu.vector_load %arg9[%swap3A_698] {strides = array<i32>} : memref<128xi32, #tpu.memory_space<vmem>>, vector<16xi32>,
    %swap3A_700 = vector.shape_cast %swap3A_699 : vector<16xi32> to vector<16xi32>
    %swap3A_701 = vector.shape_cast %add3A_697 : vector<16xi32> to vector<16xi32>
    tpu.vector_store %arg9[%swap3A_698], %swap3A_701 {strides = array<i32>} : memref<128xi32, #tpu.memory_space<vmem>>, vector<16xi32>,
    %dma_start3A_702 = arith.constant 0 : i32
    %dma_start3A_703 = arith.constant 0 : i32
    %dma_start3A_704 = tpu.memref_slice %arg2[%dma_start3A_702, %dma_start3A_703] : memref<40960x32xf32, #tpu.memory_space<hbm>> -> memref<40960x32xf32, #tpu.memory_space<hbm>>
    tpu.enqueue_indirect_dma source(%dma_start3A_704 : memref<40960x32xf32, #tpu.memory_space<hbm>>) target(%arg21 : memref<128x32xf32, #tpu.memory_space<vmem>>) offsets(%arg9 : memref<128xi32, #tpu.memory_space<vmem>>) semaphore(%arg32 : memref<!tpu.dma_semaphore, #tpu.memory_space<semaphore_mem>>)
    %get3A_705 = arith.constant 256 : index
    %get3A_706 = tpu.vector_load %arg6[%get3A_705] {strides = array<i32>} : memref<20000xi32, #tpu.memory_space<vmem>>, vector<16xi32>,
    %get3A_707 = vector.shape_cast %get3A_706 : vector<16xi32> to vector<16xi32>
    %add3A_708 = vector.broadcast %mul3A_554 : i32 to vector<16xi32>
    %add3A_709 = arith.addi %get3A_707, %add3A_708 : vector<16xi32>
    %swap3A_710 = arith.constant 0 : index
    %swap3A_711 = tpu.vector_load %arg10[%swap3A_710] {strides = array<i32>} : memref<128xi32, #tpu.memory_space<vmem>>, vector<16xi32>,
    %swap3A_712 = vector.shape_cast %swap3A_711 : vector<16xi32> to vector<16xi32>
    %swap3A_713 = vector.shape_cast %add3A_709 : vector<16xi32> to vector<16xi32>
    tpu.vector_store %arg10[%swap3A_710], %swap3A_713 {strides = array<i32>} : memref<128xi32, #tpu.memory_space<vmem>>, vector<16xi32>,
    %get3A_714 = arith.constant 272 : index
    %get3A_715 = tpu.vector_load %arg6[%get3A_714] {strides = array<i32>} : memref<20000xi32, #tpu.memory_space<vmem>>, vector<16xi32>,
    %get3A_716 = vector.shape_cast %get3A_715 : vector<16xi32> to vector<16xi32>
    %add3A_717 = vector.broadcast %mul3A_554 : i32 to vector<16xi32>
    %add3A_718 = arith.addi %get3A_716, %add3A_717 : vector<16xi32>
    %swap3A_719 = arith.constant 16 : index
    %swap3A_720 = tpu.vector_load %arg10[%swap3A_719] {strides = array<i32>} : memref<128xi32, #tpu.memory_space<vmem>>, vector<16xi32>,
    %swap3A_721 = vector.shape_cast %swap3A_720 : vector<16xi32> to vector<16xi32>
    %swap3A_722 = vector.shape_cast %add3A_718 : vector<16xi32> to vector<16xi32>
    tpu.vector_store %arg10[%swap3A_719], %swap3A_722 {strides = array<i32>} : memref<128xi32, #tpu.memory_space<vmem>>, vector<16xi32>,
    %get3A_723 = arith.constant 288 : index
    %get3A_724 = tpu.vector_load %arg6[%get3A_723] {strides = array<i32>} : memref<20000xi32, #tpu.memory_space<vmem>>, vector<16xi32>,
    %get3A_725 = vector.shape_cast %get3A_724 : vector<16xi32> to vector<16xi32>
    %add3A_726 = vector.broadcast %mul3A_554 : i32 to vector<16xi32>
    %add3A_727 = arith.addi %get3A_725, %add3A_726 : vector<16xi32>
    %swap3A_728 = arith.constant 32 : index
    %swap3A_729 = tpu.vector_load %arg10[%swap3A_728] {strides = array<i32>} : memref<128xi32, #tpu.memory_space<vmem>>, vector<16xi32>,
    %swap3A_730 = vector.shape_cast %swap3A_729 : vector<16xi32> to vector<16xi32>
    %swap3A_731 = vector.shape_cast %add3A_727 : vector<16xi32> to vector<16xi32>
    tpu.vector_store %arg10[%swap3A_728], %swap3A_731 {strides = array<i32>} : memref<128xi32, #tpu.memory_space<vmem>>, vector<16xi32>,
    %get3A_732 = arith.constant 304 : index
    %get3A_733 = tpu.vector_load %arg6[%get3A_732] {strides = array<i32>} : memref<20000xi32, #tpu.memory_space<vmem>>, vector<16xi32>,
    %get3A_734 = vector.shape_cast %get3A_733 : vector<16xi32> to vector<16xi32>
    %add3A_735 = vector.broadcast %mul3A_554 : i32 to vector<16xi32>
    %add3A_736 = arith.addi %get3A_734, %add3A_735 : vector<16xi32>
    %swap3A_737 = arith.constant 48 : index
    %swap3A_738 = tpu.vector_load %arg10[%swap3A_737] {strides = array<i32>} : memref<128xi32, #tpu.memory_space<vmem>>, vector<16xi32>,
    %swap3A_739 = vector.shape_cast %swap3A_738 : vector<16xi32> to vector<16xi32>
    %swap3A_740 = vector.shape_cast %add3A_736 : vector<16xi32> to vector<16xi32>
    tpu.vector_store %arg10[%swap3A_737], %swap3A_740 {strides = array<i32>} : memref<128xi32, #tpu.memory_space<vmem>>, vector<16xi32>,
    %get3A_741 = arith.constant 320 : index
    %get3A_742 = tpu.vector_load %arg6[%get3A_741] {strides = array<i32>} : memref<20000xi32, #tpu.memory_space<vmem>>, vector<16xi32>,
    %get3A_743 = vector.shape_cast %get3A_742 : vector<16xi32> to vector<16xi32>
    %add3A_744 = vector.broadcast %mul3A_554 : i32 to vector<16xi32>
    %add3A_745 = arith.addi %get3A_743, %add3A_744 : vector<16xi32>
    %swap3A_746 = arith.constant 64 : index
    %swap3A_747 = tpu.vector_load %arg10[%swap3A_746] {strides = array<i32>} : memref<128xi32, #tpu.memory_space<vmem>>, vector<16xi32>,
    %swap3A_748 = vector.shape_cast %swap3A_747 : vector<16xi32> to vector<16xi32>
    %swap3A_749 = vector.shape_cast %add3A_745 : vector<16xi32> to vector<16xi32>
    tpu.vector_store %arg10[%swap3A_746], %swap3A_749 {strides = array<i32>} : memref<128xi32, #tpu.memory_space<vmem>>, vector<16xi32>,
    %get3A_750 = arith.constant 336 : index
    %get3A_751 = tpu.vector_load %arg6[%get3A_750] {strides = array<i32>} : memref<20000xi32, #tpu.memory_space<vmem>>, vector<16xi32>,
    %get3A_752 = vector.shape_cast %get3A_751 : vector<16xi32> to vector<16xi32>
    %add3A_753 = vector.broadcast %mul3A_554 : i32 to vector<16xi32>
    %add3A_754 = arith.addi %get3A_752, %add3A_753 : vector<16xi32>
    %swap3A_755 = arith.constant 80 : index
    %swap3A_756 = tpu.vector_load %arg10[%swap3A_755] {strides = array<i32>} : memref<128xi32, #tpu.memory_space<vmem>>, vector<16xi32>,
    %swap3A_757 = vector.shape_cast %swap3A_756 : vector<16xi32> to vector<16xi32>
    %swap3A_758 = vector.shape_cast %add3A_754 : vector<16xi32> to vector<16xi32>
    tpu.vector_store %arg10[%swap3A_755], %swap3A_758 {strides = array<i32>} : memref<128xi32, #tpu.memory_space<vmem>>, vector<16xi32>,
    %get3A_759 = arith.constant 352 : index
    %get3A_760 = tpu.vector_load %arg6[%get3A_759] {strides = array<i32>} : memref<20000xi32, #tpu.memory_space<vmem>>, vector<16xi32>,
    %get3A_761 = vector.shape_cast %get3A_760 : vector<16xi32> to vector<16xi32>
    %add3A_762 = vector.broadcast %mul3A_554 : i32 to vector<16xi32>
    %add3A_763 = arith.addi %get3A_761, %add3A_762 : vector<16xi32>
    %swap3A_764 = arith.constant 96 : index
    %swap3A_765 = tpu.vector_load %arg10[%swap3A_764] {strides = array<i32>} : memref<128xi32, #tpu.memory_space<vmem>>, vector<16xi32>,
    %swap3A_766 = vector.shape_cast %swap3A_765 : vector<16xi32> to vector<16xi32>
    %swap3A_767 = vector.shape_cast %add3A_763 : vector<16xi32> to vector<16xi32>
    tpu.vector_store %arg10[%swap3A_764], %swap3A_767 {strides = array<i32>} : memref<128xi32, #tpu.memory_space<vmem>>, vector<16xi32>,
    %get3A_768 = arith.constant 368 : index
    %get3A_769 = tpu.vector_load %arg6[%get3A_768] {strides = array<i32>} : memref<20000xi32, #tpu.memory_space<vmem>>, vector<16xi32>,
    %get3A_770 = vector.shape_cast %get3A_769 : vector<16xi32> to vector<16xi32>
    %add3A_771 = vector.broadcast %mul3A_554 : i32 to vector<16xi32>
    %add3A_772 = arith.addi %get3A_770, %add3A_771 : vector<16xi32>
    %swap3A_773 = arith.constant 112 : index
    %swap3A_774 = tpu.vector_load %arg10[%swap3A_773] {strides = array<i32>} : memref<128xi32, #tpu.memory_space<vmem>>, vector<16xi32>,
    %swap3A_775 = vector.shape_cast %swap3A_774 : vector<16xi32> to vector<16xi32>
    %swap3A_776 = vector.shape_cast %add3A_772 : vector<16xi32> to vector<16xi32>
    tpu.vector_store %arg10[%swap3A_773], %swap3A_776 {strides = array<i32>} : memref<128xi32, #tpu.memory_space<vmem>>, vector<16xi32>,
    %dma_start3A_777 = arith.constant 0 : i32
    %dma_start3A_778 = arith.constant 0 : i32
    %dma_start3A_779 = tpu.memref_slice %arg2[%dma_start3A_777, %dma_start3A_778] : memref<40960x32xf32, #tpu.memory_space<hbm>> -> memref<40960x32xf32, #tpu.memory_space<hbm>>
    tpu.enqueue_indirect_dma source(%dma_start3A_779 : memref<40960x32xf32, #tpu.memory_space<hbm>>) target(%arg22 : memref<128x32xf32, #tpu.memory_space<vmem>>) offsets(%arg10 : memref<128xi32, #tpu.memory_space<vmem>>) semaphore(%arg33 : memref<!tpu.dma_semaphore, #tpu.memory_space<semaphore_mem>>)
    %get3A_780 = arith.constant 384 : index
    %get3A_781 = tpu.vector_load %arg6[%get3A_780] {strides = array<i32>} : memref<20000xi32, #tpu.memory_space<vmem>>, vector<16xi32>,
    %get3A_782 = vector.shape_cast %get3A_781 : vector<16xi32> to vector<16xi32>
    %add3A_783 = vector.broadcast %mul3A_554 : i32 to vector<16xi32>
    %add3A_784 = arith.addi %get3A_782, %add3A_783 : vector<16xi32>
    %swap3A_785 = arith.constant 0 : index
    %swap3A_786 = tpu.vector_load %arg11[%swap3A_785] {strides = array<i32>} : memref<128xi32, #tpu.memory_space<vmem>>, vector<16xi32>,
    %swap3A_787 = vector.shape_cast %swap3A_786 : vector<16xi32> to vector<16xi32>
    %swap3A_788 = vector.shape_cast %add3A_784 : vector<16xi32> to vector<16xi32>
    tpu.vector_store %arg11[%swap3A_785], %swap3A_788 {strides = array<i32>} : memref<128xi32, #tpu.memory_space<vmem>>, vector<16xi32>,
    %get3A_789 = arith.constant 400 : index
    %get3A_790 = tpu.vector_load %arg6[%get3A_789] {strides = array<i32>} : memref<20000xi32, #tpu.memory_space<vmem>>, vector<16xi32>,
    %get3A_791 = vector.shape_cast %get3A_790 : vector<16xi32> to vector<16xi32>
    %add3A_792 = vector.broadcast %mul3A_554 : i32 to vector<16xi32>
    %add3A_793 = arith.addi %get3A_791, %add3A_792 : vector<16xi32>
    %swap3A_794 = arith.constant 16 : index
    %swap3A_795 = tpu.vector_load %arg11[%swap3A_794] {strides = array<i32>} : memref<128xi32, #tpu.memory_space<vmem>>, vector<16xi32>,
    %swap3A_796 = vector.shape_cast %swap3A_795 : vector<16xi32> to vector<16xi32>
    %swap3A_797 = vector.shape_cast %add3A_793 : vector<16xi32> to vector<16xi32>
    tpu.vector_store %arg11[%swap3A_794], %swap3A_797 {strides = array<i32>} : memref<128xi32, #tpu.memory_space<vmem>>, vector<16xi32>,
    %get3A_798 = arith.constant 416 : index
    %get3A_799 = tpu.vector_load %arg6[%get3A_798] {strides = array<i32>} : memref<20000xi32, #tpu.memory_space<vmem>>, vector<16xi32>,
    %get3A_800 = vector.shape_cast %get3A_799 : vector<16xi32> to vector<16xi32>
    %add3A_801 = vector.broadcast %mul3A_554 : i32 to vector<16xi32>
    %add3A_802 = arith.addi %get3A_800, %add3A_801 : vector<16xi32>
    %swap3A_803 = arith.constant 32 : index
    %swap3A_804 = tpu.vector_load %arg11[%swap3A_803] {strides = array<i32>} : memref<128xi32, #tpu.memory_space<vmem>>, vector<16xi32>,
    %swap3A_805 = vector.shape_cast %swap3A_804 : vector<16xi32> to vector<16xi32>
    %swap3A_806 = vector.shape_cast %add3A_802 : vector<16xi32> to vector<16xi32>
    tpu.vector_store %arg11[%swap3A_803], %swap3A_806 {strides = array<i32>} : memref<128xi32, #tpu.memory_space<vmem>>, vector<16xi32>,
    %get3A_807 = arith.constant 432 : index
    %get3A_808 = tpu.vector_load %arg6[%get3A_807] {strides = array<i32>} : memref<20000xi32, #tpu.memory_space<vmem>>, vector<16xi32>,
    %get3A_809 = vector.shape_cast %get3A_808 : vector<16xi32> to vector<16xi32>
    %add3A_810 = vector.broadcast %mul3A_554 : i32 to vector<16xi32>
    %add3A_811 = arith.addi %get3A_809, %add3A_810 : vector<16xi32>
    %swap3A_812 = arith.constant 48 : index
    %swap3A_813 = tpu.vector_load %arg11[%swap3A_812] {strides = array<i32>} : memref<128xi32, #tpu.memory_space<vmem>>, vector<16xi32>,
    %swap3A_814 = vector.shape_cast %swap3A_813 : vector<16xi32> to vector<16xi32>
    %swap3A_815 = vector.shape_cast %add3A_811 : vector<16xi32> to vector<16xi32>
    tpu.vector_store %arg11[%swap3A_812], %swap3A_815 {strides = array<i32>} : memref<128xi32, #tpu.memory_space<vmem>>, vector<16xi32>,
    %get3A_816 = arith.constant 448 : index
    %get3A_817 = tpu.vector_load %arg6[%get3A_816] {strides = array<i32>} : memref<20000xi32, #tpu.memory_space<vmem>>, vector<16xi32>,
    %get3A_818 = vector.shape_cast %get3A_817 : vector<16xi32> to vector<16xi32>
    %add3A_819 = vector.broadcast %mul3A_554 : i32 to vector<16xi32>
    %add3A_820 = arith.addi %get3A_818, %add3A_819 : vector<16xi32>
    %swap3A_821 = arith.constant 64 : index
    %swap3A_822 = tpu.vector_load %arg11[%swap3A_821] {strides = array<i32>} : memref<128xi32, #tpu.memory_space<vmem>>, vector<16xi32>,
    %swap3A_823 = vector.shape_cast %swap3A_822 : vector<16xi32> to vector<16xi32>
    %swap3A_824 = vector.shape_cast %add3A_820 : vector<16xi32> to vector<16xi32>
    tpu.vector_store %arg11[%swap3A_821], %swap3A_824 {strides = array<i32>} : memref<128xi32, #tpu.memory_space<vmem>>, vector<16xi32>,
    %get3A_825 = arith.constant 464 : index
    %get3A_826 = tpu.vector_load %arg6[%get3A_825] {strides = array<i32>} : memref<20000xi32, #tpu.memory_space<vmem>>, vector<16xi32>,
    %get3A_827 = vector.shape_cast %get3A_826 : vector<16xi32> to vector<16xi32>
    %add3A_828 = vector.broadcast %mul3A_554 : i32 to vector<16xi32>
    %add3A_829 = arith.addi %get3A_827, %add3A_828 : vector<16xi32>
    %swap3A_830 = arith.constant 80 : index
    %swap3A_831 = tpu.vector_load %arg11[%swap3A_830] {strides = array<i32>} : memref<128xi32, #tpu.memory_space<vmem>>, vector<16xi32>,
    %swap3A_832 = vector.shape_cast %swap3A_831 : vector<16xi32> to vector<16xi32>
    %swap3A_833 = vector.shape_cast %add3A_829 : vector<16xi32> to vector<16xi32>
    tpu.vector_store %arg11[%swap3A_830], %swap3A_833 {strides = array<i32>} : memref<128xi32, #tpu.memory_space<vmem>>, vector<16xi32>,
    %get3A_834 = arith.constant 480 : index
    %get3A_835 = tpu.vector_load %arg6[%get3A_834] {strides = array<i32>} : memref<20000xi32, #tpu.memory_space<vmem>>, vector<16xi32>,
    %get3A_836 = vector.shape_cast %get3A_835 : vector<16xi32> to vector<16xi32>
    %add3A_837 = vector.broadcast %mul3A_554 : i32 to vector<16xi32>
    %add3A_838 = arith.addi %get3A_836, %add3A_837 : vector<16xi32>
    %swap3A_839 = arith.constant 96 : index
    %swap3A_840 = tpu.vector_load %arg11[%swap3A_839] {strides = array<i32>} : memref<128xi32, #tpu.memory_space<vmem>>, vector<16xi32>,
    %swap3A_841 = vector.shape_cast %swap3A_840 : vector<16xi32> to vector<16xi32>
    %swap3A_842 = vector.shape_cast %add3A_838 : vector<16xi32> to vector<16xi32>
    tpu.vector_store %arg11[%swap3A_839], %swap3A_842 {strides = array<i32>} : memref<128xi32, #tpu.memory_space<vmem>>, vector<16xi32>,
    %get3A_843 = arith.constant 496 : index
    %get3A_844 = tpu.vector_load %arg6[%get3A_843] {strides = array<i32>} : memref<20000xi32, #tpu.memory_space<vmem>>, vector<16xi32>,
    %get3A_845 = vector.shape_cast %get3A_844 : vector<16xi32> to vector<16xi32>
    %add3A_846 = vector.broadcast %mul3A_554 : i32 to vector<16xi32>
    %add3A_847 = arith.addi %get3A_845, %add3A_846 : vector<16xi32>
    %swap3A_848 = arith.constant 112 : index
    %swap3A_849 = tpu.vector_load %arg11[%swap3A_848] {strides = array<i32>} : memref<128xi32, #tpu.memory_space<vmem>>, vector<16xi32>,
    %swap3A_850 = vector.shape_cast %swap3A_849 : vector<16xi32> to vector<16xi32>
    %swap3A_851 = vector.shape_cast %add3A_847 : vector<16xi32> to vector<16xi32>
    tpu.vector_store %arg11[%swap3A_848], %swap3A_851 {strides = array<i32>} : memref<128xi32, #tpu.memory_space<vmem>>, vector<16xi32>,
    %dma_start3A_852 = arith.constant 0 : i32
    %dma_start3A_853 = arith.constant 0 : i32
    %dma_start3A_854 = tpu.memref_slice %arg2[%dma_start3A_852, %dma_start3A_853] : memref<40960x32xf32, #tpu.memory_space<hbm>> -> memref<40960x32xf32, #tpu.memory_space<hbm>>
    tpu.enqueue_indirect_dma source(%dma_start3A_854 : memref<40960x32xf32, #tpu.memory_space<hbm>>) target(%arg23 : memref<128x32xf32, #tpu.memory_space<vmem>>) offsets(%arg11 : memref<128xi32, #tpu.memory_space<vmem>>) semaphore(%arg34 : memref<!tpu.dma_semaphore, #tpu.memory_space<semaphore_mem>>)
    %get3A_855 = arith.constant 512 : index
    %get3A_856 = tpu.vector_load %arg6[%get3A_855] {strides = array<i32>} : memref<20000xi32, #tpu.memory_space<vmem>>, vector<16xi32>,
    %get3A_857 = vector.shape_cast %get3A_856 : vector<16xi32> to vector<16xi32>
    %add3A_858 = vector.broadcast %mul3A_554 : i32 to vector<16xi32>
    %add3A_859 = arith.addi %get3A_857, %add3A_858 : vector<16xi32>
    %swap3A_860 = arith.constant 0 : index
    %swap3A_861 = tpu.vector_load %arg12[%swap3A_860] {strides = array<i32>} : memref<128xi32, #tpu.memory_space<vmem>>, vector<16xi32>,
    %swap3A_862 = vector.shape_cast %swap3A_861 : vector<16xi32> to vector<16xi32>
    %swap3A_863 = vector.shape_cast %add3A_859 : vector<16xi32> to vector<16xi32>
    tpu.vector_store %arg12[%swap3A_860], %swap3A_863 {strides = array<i32>} : memref<128xi32, #tpu.memory_space<vmem>>, vector<16xi32>,
    %get3A_864 = arith.constant 528 : index
    %get3A_865 = tpu.vector_load %arg6[%get3A_864] {strides = array<i32>} : memref<20000xi32, #tpu.memory_space<vmem>>, vector<16xi32>,
    %get3A_866 = vector.shape_cast %get3A_865 : vector<16xi32> to vector<16xi32>
    %add3A_867 = vector.broadcast %mul3A_554 : i32 to vector<16xi32>
    %add3A_868 = arith.addi %get3A_866, %add3A_867 : vector<16xi32>
    %swap3A_869 = arith.constant 16 : index
    %swap3A_870 = tpu.vector_load %arg12[%swap3A_869] {strides = array<i32>} : memref<128xi32, #tpu.memory_space<vmem>>, vector<16xi32>,
    %swap3A_871 = vector.shape_cast %swap3A_870 : vector<16xi32> to vector<16xi32>
    %swap3A_872 = vector.shape_cast %add3A_868 : vector<16xi32> to vector<16xi32>
    tpu.vector_store %arg12[%swap3A_869], %swap3A_872 {strides = array<i32>} : memref<128xi32, #tpu.memory_space<vmem>>, vector<16xi32>,
    %get3A_873 = arith.constant 544 : index
    %get3A_874 = tpu.vector_load %arg6[%get3A_873] {strides = array<i32>} : memref<20000xi32, #tpu.memory_space<vmem>>, vector<16xi32>,
    %get3A_875 = vector.shape_cast %get3A_874 : vector<16xi32> to vector<16xi32>
    %add3A_876 = vector.broadcast %mul3A_554 : i32 to vector<16xi32>
    %add3A_877 = arith.addi %get3A_875, %add3A_876 : vector<16xi32>
    %swap3A_878 = arith.constant 32 : index
    %swap3A_879 = tpu.vector_load %arg12[%swap3A_878] {strides = array<i32>} : memref<128xi32, #tpu.memory_space<vmem>>, vector<16xi32>,
    %swap3A_880 = vector.shape_cast %swap3A_879 : vector<16xi32> to vector<16xi32>
    %swap3A_881 = vector.shape_cast %add3A_877 : vector<16xi32> to vector<16xi32>
    tpu.vector_store %arg12[%swap3A_878], %swap3A_881 {strides = array<i32>} : memref<128xi32, #tpu.memory_space<vmem>>, vector<16xi32>,
    %get3A_882 = arith.constant 560 : index
    %get3A_883 = tpu.vector_load %arg6[%get3A_882] {strides = array<i32>} : memref<20000xi32, #tpu.memory_space<vmem>>, vector<16xi32>,
    %get3A_884 = vector.shape_cast %get3A_883 : vector<16xi32> to vector<16xi32>
    %add3A_885 = vector.broadcast %mul3A_554 : i32 to vector<16xi32>
    %add3A_886 = arith.addi %get3A_884, %add3A_885 : vector<16xi32>
    %swap3A_887 = arith.constant 48 : index
    %swap3A_888 = tpu.vector_load %arg12[%swap3A_887] {strides = array<i32>} : memref<128xi32, #tpu.memory_space<vmem>>, vector<16xi32>,
    %swap3A_889 = vector.shape_cast %swap3A_888 : vector<16xi32> to vector<16xi32>
    %swap3A_890 = vector.shape_cast %add3A_886 : vector<16xi32> to vector<16xi32>
    tpu.vector_store %arg12[%swap3A_887], %swap3A_890 {strides = array<i32>} : memref<128xi32, #tpu.memory_space<vmem>>, vector<16xi32>,
    %get3A_891 = arith.constant 576 : index
    %get3A_892 = tpu.vector_load %arg6[%get3A_891] {strides = array<i32>} : memref<20000xi32, #tpu.memory_space<vmem>>, vector<16xi32>,
    %get3A_893 = vector.shape_cast %get3A_892 : vector<16xi32> to vector<16xi32>
    %add3A_894 = vector.broadcast %mul3A_554 : i32 to vector<16xi32>
    %add3A_895 = arith.addi %get3A_893, %add3A_894 : vector<16xi32>
    %swap3A_896 = arith.constant 64 : index
    %swap3A_897 = tpu.vector_load %arg12[%swap3A_896] {strides = array<i32>} : memref<128xi32, #tpu.memory_space<vmem>>, vector<16xi32>,
    %swap3A_898 = vector.shape_cast %swap3A_897 : vector<16xi32> to vector<16xi32>
    %swap3A_899 = vector.shape_cast %add3A_895 : vector<16xi32> to vector<16xi32>
    tpu.vector_store %arg12[%swap3A_896], %swap3A_899 {strides = array<i32>} : memref<128xi32, #tpu.memory_space<vmem>>, vector<16xi32>,
    %get3A_900 = arith.constant 592 : index
    %get3A_901 = tpu.vector_load %arg6[%get3A_900] {strides = array<i32>} : memref<20000xi32, #tpu.memory_space<vmem>>, vector<16xi32>,
    %get3A_902 = vector.shape_cast %get3A_901 : vector<16xi32> to vector<16xi32>
    %add3A_903 = vector.broadcast %mul3A_554 : i32 to vector<16xi32>
    %add3A_904 = arith.addi %get3A_902, %add3A_903 : vector<16xi32>
    %swap3A_905 = arith.constant 80 : index
    %swap3A_906 = tpu.vector_load %arg12[%swap3A_905] {strides = array<i32>} : memref<128xi32, #tpu.memory_space<vmem>>, vector<16xi32>,
    %swap3A_907 = vector.shape_cast %swap3A_906 : vector<16xi32> to vector<16xi32>
    %swap3A_908 = vector.shape_cast %add3A_904 : vector<16xi32> to vector<16xi32>
    tpu.vector_store %arg12[%swap3A_905], %swap3A_908 {strides = array<i32>} : memref<128xi32, #tpu.memory_space<vmem>>, vector<16xi32>,
    %get3A_909 = arith.constant 608 : index
    %get3A_910 = tpu.vector_load %arg6[%get3A_909] {strides = array<i32>} : memref<20000xi32, #tpu.memory_space<vmem>>, vector<16xi32>,
    %get3A_911 = vector.shape_cast %get3A_910 : vector<16xi32> to vector<16xi32>
    %add3A_912 = vector.broadcast %mul3A_554 : i32 to vector<16xi32>
    %add3A_913 = arith.addi %get3A_911, %add3A_912 : vector<16xi32>
    %swap3A_914 = arith.constant 96 : index
    %swap3A_915 = tpu.vector_load %arg12[%swap3A_914] {strides = array<i32>} : memref<128xi32, #tpu.memory_space<vmem>>, vector<16xi32>,
    %swap3A_916 = vector.shape_cast %swap3A_915 : vector<16xi32> to vector<16xi32>
    %swap3A_917 = vector.shape_cast %add3A_913 : vector<16xi32> to vector<16xi32>
    tpu.vector_store %arg12[%swap3A_914], %swap3A_917 {strides = array<i32>} : memref<128xi32, #tpu.memory_space<vmem>>, vector<16xi32>,
    %get3A_918 = arith.constant 624 : index
    %get3A_919 = tpu.vector_load %arg6[%get3A_918] {strides = array<i32>} : memref<20000xi32, #tpu.memory_space<vmem>>, vector<16xi32>,
    %get3A_920 = vector.shape_cast %get3A_919 : vector<16xi32> to vector<16xi32>
    %add3A_921 = vector.broadcast %mul3A_554 : i32 to vector<16xi32>
    %add3A_922 = arith.addi %get3A_920, %add3A_921 : vector<16xi32>
    %swap3A_923 = arith.constant 112 : index
    %swap3A_924 = tpu.vector_load %arg12[%swap3A_923] {strides = array<i32>} : memref<128xi32, #tpu.memory_space<vmem>>, vector<16xi32>,
    %swap3A_925 = vector.shape_cast %swap3A_924 : vector<16xi32> to vector<16xi32>
    %swap3A_926 = vector.shape_cast %add3A_922 : vector<16xi32> to vector<16xi32>
    tpu.vector_store %arg12[%swap3A_923], %swap3A_926 {strides = array<i32>} : memref<128xi32, #tpu.memory_space<vmem>>, vector<16xi32>,
    %dma_start3A_927 = arith.constant 0 : i32
    %dma_start3A_928 = arith.constant 0 : i32
    %dma_start3A_929 = tpu.memref_slice %arg2[%dma_start3A_927, %dma_start3A_928] : memref<40960x32xf32, #tpu.memory_space<hbm>> -> memref<40960x32xf32, #tpu.memory_space<hbm>>
    tpu.enqueue_indirect_dma source(%dma_start3A_929 : memref<40960x32xf32, #tpu.memory_space<hbm>>) target(%arg24 : memref<128x32xf32, #tpu.memory_space<vmem>>) offsets(%arg12 : memref<128xi32, #tpu.memory_space<vmem>>) semaphore(%arg35 : memref<!tpu.dma_semaphore, #tpu.memory_space<semaphore_mem>>)
    %get3A_930 = arith.constant 640 : index
    %get3A_931 = tpu.vector_load %arg6[%get3A_930] {strides = array<i32>} : memref<20000xi32, #tpu.memory_space<vmem>>, vector<16xi32>,
    %get3A_932 = vector.shape_cast %get3A_931 : vector<16xi32> to vector<16xi32>
    %add3A_933 = vector.broadcast %mul3A_554 : i32 to vector<16xi32>
    %add3A_934 = arith.addi %get3A_932, %add3A_933 : vector<16xi32>
    %swap3A_935 = arith.constant 0 : index
    %swap3A_936 = tpu.vector_load %arg13[%swap3A_935] {strides = array<i32>} : memref<128xi32, #tpu.memory_space<vmem>>, vector<16xi32>,
    %swap3A_937 = vector.shape_cast %swap3A_936 : vector<16xi32> to vector<16xi32>
    %swap3A_938 = vector.shape_cast %add3A_934 : vector<16xi32> to vector<16xi32>
    tpu.vector_store %arg13[%swap3A_935], %swap3A_938 {strides = array<i32>} : memref<128xi32, #tpu.memory_space<vmem>>, vector<16xi32>,
    %get3A_939 = arith.constant 656 : index
    %get3A_940 = tpu.vector_load %arg6[%get3A_939] {strides = array<i32>} : memref<20000xi32, #tpu.memory_space<vmem>>, vector<16xi32>,
    %get3A_941 = vector.shape_cast %get3A_940 : vector<16xi32> to vector<16xi32>
    %add3A_942 = vector.broadcast %mul3A_554 : i32 to vector<16xi32>
    %add3A_943 = arith.addi %get3A_941, %add3A_942 : vector<16xi32>
    %swap3A_944 = arith.constant 16 : index
    %swap3A_945 = tpu.vector_load %arg13[%swap3A_944] {strides = array<i32>} : memref<128xi32, #tpu.memory_space<vmem>>, vector<16xi32>,
    %swap3A_946 = vector.shape_cast %swap3A_945 : vector<16xi32> to vector<16xi32>
    %swap3A_947 = vector.shape_cast %add3A_943 : vector<16xi32> to vector<16xi32>
    tpu.vector_store %arg13[%swap3A_944], %swap3A_947 {strides = array<i32>} : memref<128xi32, #tpu.memory_space<vmem>>, vector<16xi32>,
    %get3A_948 = arith.constant 672 : index
    %get3A_949 = tpu.vector_load %arg6[%get3A_948] {strides = array<i32>} : memref<20000xi32, #tpu.memory_space<vmem>>, vector<16xi32>,
    %get3A_950 = vector.shape_cast %get3A_949 : vector<16xi32> to vector<16xi32>
    %add3A_951 = vector.broadcast %mul3A_554 : i32 to vector<16xi32>
    %add3A_952 = arith.addi %get3A_950, %add3A_951 : vector<16xi32>
    %swap3A_953 = arith.constant 32 : index
    %swap3A_954 = tpu.vector_load %arg13[%swap3A_953] {strides = array<i32>} : memref<128xi32, #tpu.memory_space<vmem>>, vector<16xi32>,
    %swap3A_955 = vector.shape_cast %swap3A_954 : vector<16xi32> to vector<16xi32>
    %swap3A_956 = vector.shape_cast %add3A_952 : vector<16xi32> to vector<16xi32>
    tpu.vector_store %arg13[%swap3A_953], %swap3A_956 {strides = array<i32>} : memref<128xi32, #tpu.memory_space<vmem>>, vector<16xi32>,
    %get3A_957 = arith.constant 688 : index
    %get3A_958 = tpu.vector_load %arg6[%get3A_957] {strides = array<i32>} : memref<20000xi32, #tpu.memory_space<vmem>>, vector<16xi32>,
    %get3A_959 = vector.shape_cast %get3A_958 : vector<16xi32> to vector<16xi32>
    %add3A_960 = vector.broadcast %mul3A_554 : i32 to vector<16xi32>
    %add3A_961 = arith.addi %get3A_959, %add3A_960 : vector<16xi32>
    %swap3A_962 = arith.constant 48 : index
    %swap3A_963 = tpu.vector_load %arg13[%swap3A_962] {strides = array<i32>} : memref<128xi32, #tpu.memory_space<vmem>>, vector<16xi32>,
    %swap3A_964 = vector.shape_cast %swap3A_963 : vector<16xi32> to vector<16xi32>
    %swap3A_965 = vector.shape_cast %add3A_961 : vector<16xi32> to vector<16xi32>
    tpu.vector_store %arg13[%swap3A_962], %swap3A_965 {strides = array<i32>} : memref<128xi32, #tpu.memory_space<vmem>>, vector<16xi32>,
    %get3A_966 = arith.constant 704 : index
    %get3A_967 = tpu.vector_load %arg6[%get3A_966] {strides = array<i32>} : memref<20000xi32, #tpu.memory_space<vmem>>, vector<16xi32>,
    %get3A_968 = vector.shape_cast %get3A_967 : vector<16xi32> to vector<16xi32>
    %add3A_969 = vector.broadcast %mul3A_554 : i32 to vector<16xi32>
    %add3A_970 = arith.addi %get3A_968, %add3A_969 : vector<16xi32>
    %swap3A_971 = arith.constant 64 : index
    %swap3A_972 = tpu.vector_load %arg13[%swap3A_971] {strides = array<i32>} : memref<128xi32, #tpu.memory_space<vmem>>, vector<16xi32>,
    %swap3A_973 = vector.shape_cast %swap3A_972 : vector<16xi32> to vector<16xi32>
    %swap3A_974 = vector.shape_cast %add3A_970 : vector<16xi32> to vector<16xi32>
    tpu.vector_store %arg13[%swap3A_971], %swap3A_974 {strides = array<i32>} : memref<128xi32, #tpu.memory_space<vmem>>, vector<16xi32>,
    %get3A_975 = arith.constant 720 : index
    %get3A_976 = tpu.vector_load %arg6[%get3A_975] {strides = array<i32>} : memref<20000xi32, #tpu.memory_space<vmem>>, vector<16xi32>,
    %get3A_977 = vector.shape_cast %get3A_976 : vector<16xi32> to vector<16xi32>
    %add3A_978 = vector.broadcast %mul3A_554 : i32 to vector<16xi32>
    %add3A_979 = arith.addi %get3A_977, %add3A_978 : vector<16xi32>
    %swap3A_980 = arith.constant 80 : index
    %swap3A_981 = tpu.vector_load %arg13[%swap3A_980] {strides = array<i32>} : memref<128xi32, #tpu.memory_space<vmem>>, vector<16xi32>,
    %swap3A_982 = vector.shape_cast %swap3A_981 : vector<16xi32> to vector<16xi32>
    %swap3A_983 = vector.shape_cast %add3A_979 : vector<16xi32> to vector<16xi32>
    tpu.vector_store %arg13[%swap3A_980], %swap3A_983 {strides = array<i32>} : memref<128xi32, #tpu.memory_space<vmem>>, vector<16xi32>,
    %get3A_984 = arith.constant 736 : index
    %get3A_985 = tpu.vector_load %arg6[%get3A_984] {strides = array<i32>} : memref<20000xi32, #tpu.memory_space<vmem>>, vector<16xi32>,
    %get3A_986 = vector.shape_cast %get3A_985 : vector<16xi32> to vector<16xi32>
    %add3A_987 = vector.broadcast %mul3A_554 : i32 to vector<16xi32>
    %add3A_988 = arith.addi %get3A_986, %add3A_987 : vector<16xi32>
    %swap3A_989 = arith.constant 96 : index
    %swap3A_990 = tpu.vector_load %arg13[%swap3A_989] {strides = array<i32>} : memref<128xi32, #tpu.memory_space<vmem>>, vector<16xi32>,
    %swap3A_991 = vector.shape_cast %swap3A_990 : vector<16xi32> to vector<16xi32>
    %swap3A_992 = vector.shape_cast %add3A_988 : vector<16xi32> to vector<16xi32>
    tpu.vector_store %arg13[%swap3A_989], %swap3A_992 {strides = array<i32>} : memref<128xi32, #tpu.memory_space<vmem>>, vector<16xi32>,
    %get3A_993 = arith.constant 752 : index
    %get3A_994 = tpu.vector_load %arg6[%get3A_993] {strides = array<i32>} : memref<20000xi32, #tpu.memory_space<vmem>>, vector<16xi32>,
    %get3A_995 = vector.shape_cast %get3A_994 : vector<16xi32> to vector<16xi32>
    %add3A_996 = vector.broadcast %mul3A_554 : i32 to vector<16xi32>
    %add3A_997 = arith.addi %get3A_995, %add3A_996 : vector<16xi32>
    %swap3A_998 = arith.constant 112 : index
    %swap3A_999 = tpu.vector_load %arg13[%swap3A_998] {strides = array<i32>} : memref<128xi32, #tpu.memory_space<vmem>>, vector<16xi32>,
    %swap3A_1000 = vector.shape_cast %swap3A_999 : vector<16xi32> to vector<16xi32>
    %swap3A_1001 = vector.shape_cast %add3A_997 : vector<16xi32> to vector<16xi32>
    tpu.vector_store %arg13[%swap3A_998], %swap3A_1001 {strides = array<i32>} : memref<128xi32, #tpu.memory_space<vmem>>, vector<16xi32>,
    %dma_start3A_1002 = arith.constant 0 : i32
    %dma_start3A_1003 = arith.constant 0 : i32
    %dma_start3A_1004 = tpu.memref_slice %arg2[%dma_start3A_1002, %dma_start3A_1003] : memref<40960x32xf32, #tpu.memory_space<hbm>> -> memref<40960x32xf32, #tpu.memory_space<hbm>>
    tpu.enqueue_indirect_dma source(%dma_start3A_1004 : memref<40960x32xf32, #tpu.memory_space<hbm>>) target(%arg25 : memref<128x32xf32, #tpu.memory_space<vmem>>) offsets(%arg13 : memref<128xi32, #tpu.memory_space<vmem>>) semaphore(%arg36 : memref<!tpu.dma_semaphore, #tpu.memory_space<semaphore_mem>>)
    %scan3A_1005 = arith.constant 0 : i32
    %scan3A_1006 = arith.constant 0 : i32
    %scan3A_1007 = arith.constant 26 : i32
    %scan3A_1008 = arith.addi %scan3A_1006, %scan3A_1007 : i32
    %scan3A_1009 = arith.constant 1 : i32
    %scan3A_1010 = scf.for %scan3A_1086 = %scan3A_1006 to %scan3A_1008 step %scan3A_1009 iter_args(%scan3A_1087 = %scan3A_1005) -> (i32)  : i32 {
      %mul3A_1088 = arith.constant 6 : i32
      %mul3A_1089 = arith.muli %scan3A_1086, %mul3A_1088 : i32
      %dma_wait3A_1090 = arith.constant 0 : i32
      %dma_wait3A_1091 = arith.constant 0 : i32
      %dma_wait3A_1092 = tpu.memref_slice %arg2[%dma_wait3A_1090, %dma_wait3A_1091] : memref<40960x32xf32, #tpu.memory_space<hbm>> -> memref<40960x32xf32, #tpu.memory_space<hbm>>
      tpu.wait_indirect_dma semaphore(%arg31 : memref<!tpu.dma_semaphore, #tpu.memory_space<semaphore_mem>>) src(%dma_wait3A_1092 : memref<40960x32xf32, #tpu.memory_space<hbm>>) dst(%arg20 : memref<128x32xf32, #tpu.memory_space<vmem>>)
      %add3A_1093 = arith.constant 0 : i32
      %add3A_1094 = arith.addi %mul3A_1089, %add3A_1093 : i32
      %mul3A_1095 = arith.constant 128 : i32
      %mul3A_1096 = arith.muli %add3A_1094, %mul3A_1095 : i32
      %dma_start3A_1097 = tpu.memref_slice %arg7[%mul3A_1096] : memref<20000xi32, #tpu.memory_space<vmem>> -> memref<128xi32, #tpu.memory_space<vmem>>
      %dma_start3A_1098 = arith.constant 0 : i32
      %dma_start3A_1099 = arith.constant 0 : i32
      %dma_start3A_1100 = tpu.memref_slice %arg30[%dma_start3A_1098, %dma_start3A_1099] : memref<10240x32xf32, #tpu.memory_space<vmem_shared>> -> memref<10240x32xf32, #tpu.memory_space<vmem_shared>>
      tpu.enqueue_indirect_dma source(%arg20 : memref<128x32xf32, #tpu.memory_space<vmem>>) target(%dma_start3A_1100 : memref<10240x32xf32, #tpu.memory_space<vmem_shared>>) offsets(%dma_start3A_1097 : memref<128xi32, #tpu.memory_space<vmem>>) semaphore(%arg37 : memref<!tpu.dma_semaphore, #tpu.memory_space<semaphore_mem>>) {add = true}
      %dma_wait3A_1101 = arith.constant 0 : i32
      %dma_wait3A_1102 = arith.constant 0 : i32
      %dma_wait3A_1103 = tpu.memref_slice %arg2[%dma_wait3A_1101, %dma_wait3A_1102] : memref<40960x32xf32, #tpu.memory_space<hbm>> -> memref<40960x32xf32, #tpu.memory_space<hbm>>
      tpu.wait_indirect_dma semaphore(%arg32 : memref<!tpu.dma_semaphore, #tpu.memory_space<semaphore_mem>>) src(%dma_wait3A_1103 : memref<40960x32xf32, #tpu.memory_space<hbm>>) dst(%arg21 : memref<128x32xf32, #tpu.memory_space<vmem>>)
      %add3A_1104 = arith.constant 1 : i32
      %add3A_1105 = arith.addi %mul3A_1089, %add3A_1104 : i32
      %mul3A_1106 = arith.constant 128 : i32
      %mul3A_1107 = arith.muli %add3A_1105, %mul3A_1106 : i32
      %dma_start3A_1108 = tpu.memref_slice %arg7[%mul3A_1107] : memref<20000xi32, #tpu.memory_space<vmem>> -> memref<128xi32, #tpu.memory_space<vmem>>
      %dma_start3A_1109 = arith.constant 0 : i32
      %dma_start3A_1110 = arith.constant 0 : i32
      %dma_start3A_1111 = tpu.memref_slice %arg30[%dma_start3A_1109, %dma_start3A_1110] : memref<10240x32xf32, #tpu.memory_space<vmem_shared>> -> memref<10240x32xf32, #tpu.memory_space<vmem_shared>>
      tpu.enqueue_indirect_dma source(%arg21 : memref<128x32xf32, #tpu.memory_space<vmem>>) target(%dma_start3A_1111 : memref<10240x32xf32, #tpu.memory_space<vmem_shared>>) offsets(%dma_start3A_1108 : memref<128xi32, #tpu.memory_space<vmem>>) semaphore(%arg38 : memref<!tpu.dma_semaphore, #tpu.memory_space<semaphore_mem>>) {add = true}
      %dma_wait3A_1112 = arith.constant 0 : i32
      %dma_wait3A_1113 = arith.constant 0 : i32
      %dma_wait3A_1114 = tpu.memref_slice %arg2[%dma_wait3A_1112, %dma_wait3A_1113] : memref<40960x32xf32, #tpu.memory_space<hbm>> -> memref<40960x32xf32, #tpu.memory_space<hbm>>
      tpu.wait_indirect_dma semaphore(%arg33 : memref<!tpu.dma_semaphore, #tpu.memory_space<semaphore_mem>>) src(%dma_wait3A_1114 : memref<40960x32xf32, #tpu.memory_space<hbm>>) dst(%arg22 : memref<128x32xf32, #tpu.memory_space<vmem>>)
      %add3A_1115 = arith.constant 2 : i32
      %add3A_1116 = arith.addi %mul3A_1089, %add3A_1115 : i32
      %mul3A_1117 = arith.constant 128 : i32
      %mul3A_1118 = arith.muli %add3A_1116, %mul3A_1117 : i32
      %dma_start3A_1119 = tpu.memref_slice %arg7[%mul3A_1118] : memref<20000xi32, #tpu.memory_space<vmem>> -> memref<128xi32, #tpu.memory_space<vmem>>
      %dma_start3A_1120 = arith.constant 0 : i32
      %dma_start3A_1121 = arith.constant 0 : i32
      %dma_start3A_1122 = tpu.memref_slice %arg30[%dma_start3A_1120, %dma_start3A_1121] : memref<10240x32xf32, #tpu.memory_space<vmem_shared>> -> memref<10240x32xf32, #tpu.memory_space<vmem_shared>>
      tpu.enqueue_indirect_dma source(%arg22 : memref<128x32xf32, #tpu.memory_space<vmem>>) target(%dma_start3A_1122 : memref<10240x32xf32, #tpu.memory_space<vmem_shared>>) offsets(%dma_start3A_1119 : memref<128xi32, #tpu.memory_space<vmem>>) semaphore(%arg39 : memref<!tpu.dma_semaphore, #tpu.memory_space<semaphore_mem>>) {add = true}
      %dma_wait3A_1123 = arith.constant 0 : i32
      %dma_wait3A_1124 = arith.constant 0 : i32
      %dma_wait3A_1125 = tpu.memref_slice %arg2[%dma_wait3A_1123, %dma_wait3A_1124] : memref<40960x32xf32, #tpu.memory_space<hbm>> -> memref<40960x32xf32, #tpu.memory_space<hbm>>
      tpu.wait_indirect_dma semaphore(%arg34 : memref<!tpu.dma_semaphore, #tpu.memory_space<semaphore_mem>>) src(%dma_wait3A_1125 : memref<40960x32xf32, #tpu.memory_space<hbm>>) dst(%arg23 : memref<128x32xf32, #tpu.memory_space<vmem>>)
      %add3A_1126 = arith.constant 3 : i32
      %add3A_1127 = arith.addi %mul3A_1089, %add3A_1126 : i32
      %mul3A_1128 = arith.constant 128 : i32
      %mul3A_1129 = arith.muli %add3A_1127, %mul3A_1128 : i32
      %dma_start3A_1130 = tpu.memref_slice %arg7[%mul3A_1129] : memref<20000xi32, #tpu.memory_space<vmem>> -> memref<128xi32, #tpu.memory_space<vmem>>
      %dma_start3A_1131 = arith.constant 0 : i32
      %dma_start3A_1132 = arith.constant 0 : i32
      %dma_start3A_1133 = tpu.memref_slice %arg30[%dma_start3A_1131, %dma_start3A_1132] : memref<10240x32xf32, #tpu.memory_space<vmem_shared>> -> memref<10240x32xf32, #tpu.memory_space<vmem_shared>>
      tpu.enqueue_indirect_dma source(%arg23 : memref<128x32xf32, #tpu.memory_space<vmem>>) target(%dma_start3A_1133 : memref<10240x32xf32, #tpu.memory_space<vmem_shared>>) offsets(%dma_start3A_1130 : memref<128xi32, #tpu.memory_space<vmem>>) semaphore(%arg40 : memref<!tpu.dma_semaphore, #tpu.memory_space<semaphore_mem>>) {add = true}
      %dma_wait3A_1134 = arith.constant 0 : i32
      %dma_wait3A_1135 = arith.constant 0 : i32
      %dma_wait3A_1136 = tpu.memref_slice %arg2[%dma_wait3A_1134, %dma_wait3A_1135] : memref<40960x32xf32, #tpu.memory_space<hbm>> -> memref<40960x32xf32, #tpu.memory_space<hbm>>
      tpu.wait_indirect_dma semaphore(%arg35 : memref<!tpu.dma_semaphore, #tpu.memory_space<semaphore_mem>>) src(%dma_wait3A_1136 : memref<40960x32xf32, #tpu.memory_space<hbm>>) dst(%arg24 : memref<128x32xf32, #tpu.memory_space<vmem>>)
      %add3A_1137 = arith.constant 4 : i32
      %add3A_1138 = arith.addi %mul3A_1089, %add3A_1137 : i32
      %mul3A_1139 = arith.constant 128 : i32
      %mul3A_1140 = arith.muli %add3A_1138, %mul3A_1139 : i32
      %dma_start3A_1141 = tpu.memref_slice %arg7[%mul3A_1140] : memref<20000xi32, #tpu.memory_space<vmem>> -> memref<128xi32, #tpu.memory_space<vmem>>
      %dma_start3A_1142 = arith.constant 0 : i32
      %dma_start3A_1143 = arith.constant 0 : i32
      %dma_start3A_1144 = tpu.memref_slice %arg30[%dma_start3A_1142, %dma_start3A_1143] : memref<10240x32xf32, #tpu.memory_space<vmem_shared>> -> memref<10240x32xf32, #tpu.memory_space<vmem_shared>>
      tpu.enqueue_indirect_dma source(%arg24 : memref<128x32xf32, #tpu.memory_space<vmem>>) target(%dma_start3A_1144 : memref<10240x32xf32, #tpu.memory_space<vmem_shared>>) offsets(%dma_start3A_1141 : memref<128xi32, #tpu.memory_space<vmem>>) semaphore(%arg41 : memref<!tpu.dma_semaphore, #tpu.memory_space<semaphore_mem>>) {add = true}
      %dma_wait3A_1145 = arith.constant 0 : i32
      %dma_wait3A_1146 = arith.constant 0 : i32
      %dma_wait3A_1147 = tpu.memref_slice %arg2[%dma_wait3A_1145, %dma_wait3A_1146] : memref<40960x32xf32, #tpu.memory_space<hbm>> -> memref<40960x32xf32, #tpu.memory_space<hbm>>
      tpu.wait_indirect_dma semaphore(%arg36 : memref<!tpu.dma_semaphore, #tpu.memory_space<semaphore_mem>>) src(%dma_wait3A_1147 : memref<40960x32xf32, #tpu.memory_space<hbm>>) dst(%arg25 : memref<128x32xf32, #tpu.memory_space<vmem>>)
      %add3A_1148 = arith.constant 5 : i32
      %add3A_1149 = arith.addi %mul3A_1089, %add3A_1148 : i32
      %mul3A_1150 = arith.constant 128 : i32
      %mul3A_1151 = arith.muli %add3A_1149, %mul3A_1150 : i32
      %dma_start3A_1152 = tpu.memref_slice %arg7[%mul3A_1151] : memref<20000xi32, #tpu.memory_space<vmem>> -> memref<128xi32, #tpu.memory_space<vmem>>
      %dma_start3A_1153 = arith.constant 0 : i32
      %dma_start3A_1154 = arith.constant 0 : i32
      %dma_start3A_1155 = tpu.memref_slice %arg30[%dma_start3A_1153, %dma_start3A_1154] : memref<10240x32xf32, #tpu.memory_space<vmem_shared>> -> memref<10240x32xf32, #tpu.memory_space<vmem_shared>>
      tpu.enqueue_indirect_dma source(%arg25 : memref<128x32xf32, #tpu.memory_space<vmem>>) target(%dma_start3A_1155 : memref<10240x32xf32, #tpu.memory_space<vmem_shared>>) offsets(%dma_start3A_1152 : memref<128xi32, #tpu.memory_space<vmem>>) semaphore(%arg42 : memref<!tpu.dma_semaphore, #tpu.memory_space<semaphore_mem>>) {add = true}
      %add3A_1156 = arith.constant 0 : i32
      %add3A_1157 = arith.addi %mul3A_1089, %add3A_1156 : i32
      %add3A_1158 = arith.constant 6 : i32
      %add3A_1159 = arith.addi %add3A_1157, %add3A_1158 : i32
      %lt3A = arith.constant 156 : i32
      %lt3A_1160 = arith.cmpi slt, %add3A_1159, %lt3A : i32
      %convert_element_type3A = arith.extui %lt3A_1160 : i1 to i32
      %cond3A = arith.constant 0 : i32
      %cond3A_1161 = arith.cmpi ne, %convert_element_type3A, %cond3A : i32
      scf.if %cond3A_1161 {
        %add3A_1208 = arith.constant 0 : i32
        %add3A_1209 = arith.addi %mul3A_1089, %add3A_1208 : i32
        %mul3A_1210 = arith.constant 128 : i32
        %mul3A_1211 = arith.muli %add3A_1209, %mul3A_1210 : i32
        %dma_wait3A_1212 = tpu.memref_slice %arg7[%mul3A_1211] : memref<20000xi32, #tpu.memory_space<vmem>> -> memref<128xi32, #tpu.memory_space<vmem>>
        %dma_wait3A_1213 = arith.constant 0 : i32
        %dma_wait3A_1214 = arith.constant 0 : i32
        %dma_wait3A_1215 = tpu.memref_slice %arg30[%dma_wait3A_1213, %dma_wait3A_1214] : memref<10240x32xf32, #tpu.memory_space<vmem_shared>> -> memref<10240x32xf32, #tpu.memory_space<vmem_shared>>
        tpu.wait_indirect_dma semaphore(%arg37 : memref<!tpu.dma_semaphore, #tpu.memory_space<semaphore_mem>>) src(%arg20 : memref<128x32xf32, #tpu.memory_space<vmem>>) dst(%dma_wait3A_1215 : memref<10240x32xf32, #tpu.memory_space<vmem_shared>>)
        %add3A_1216 = arith.constant 0 : i32
        %add3A_1217 = arith.addi %mul3A_1089, %add3A_1216 : i32
        %add3A_1218 = arith.constant 6 : i32
        %add3A_1219 = arith.addi %add3A_1217, %add3A_1218 : i32
        %mul3A_1220 = arith.constant 128 : i32
        %mul3A_1221 = arith.muli %add3A_1219, %mul3A_1220 : i32
        %add3A_1222 = arith.constant 0 : i32
        %add3A_1223 = arith.addi %mul3A_1221, %add3A_1222 : i32
        %get3A_1224 = arith.index_cast %add3A_1223 : i32 to index
        %get3A_1225 = tpu.vector_load %arg6[%get3A_1224] {strides = array<i32>} : memref<20000xi32, #tpu.memory_space<vmem>>, vector<16xi32>,
        %get3A_1226 = vector.shape_cast %get3A_1225 : vector<16xi32> to vector<16xi32>
        %add3A_1227 = vector.broadcast %mul3A_554 : i32 to vector<16xi32>
        %add3A_1228 = arith.addi %get3A_1226, %add3A_1227 : vector<16xi32>
        %swap3A_1229 = arith.constant 0 : index
        %swap3A_1230 = tpu.vector_load %arg8[%swap3A_1229] {strides = array<i32>} : memref<128xi32, #tpu.memory_space<vmem>>, vector<16xi32>,
        %swap3A_1231 = vector.shape_cast %swap3A_1230 : vector<16xi32> to vector<16xi32>
        %swap3A_1232 = vector.shape_cast %add3A_1228 : vector<16xi32> to vector<16xi32>
        tpu.vector_store %arg8[%swap3A_1229], %swap3A_1232 {strides = array<i32>} : memref<128xi32, #tpu.memory_space<vmem>>, vector<16xi32>,
        %mul3A_1233 = arith.constant 128 : i32
        %mul3A_1234 = arith.muli %add3A_1219, %mul3A_1233 : i32
        %add3A_1235 = arith.constant 16 : i32
        %add3A_1236 = arith.addi %mul3A_1234, %add3A_1235 : i32
        %get3A_1237 = arith.index_cast %add3A_1236 : i32 to index
        %get3A_1238 = tpu.vector_load %arg6[%get3A_1237] {strides = array<i32>} : memref<20000xi32, #tpu.memory_space<vmem>>, vector<16xi32>,
        %get3A_1239 = vector.shape_cast %get3A_1238 : vector<16xi32> to vector<16xi32>
        %add3A_1240 = vector.broadcast %mul3A_554 : i32 to vector<16xi32>
        %add3A_1241 = arith.addi %get3A_1239, %add3A_1240 : vector<16xi32>
        %swap3A_1242 = arith.constant 16 : index
        %swap3A_1243 = tpu.vector_load %arg8[%swap3A_1242] {strides = array<i32>} : memref<128xi32, #tpu.memory_space<vmem>>, vector<16xi32>,
        %swap3A_1244 = vector.shape_cast %swap3A_1243 : vector<16xi32> to vector<16xi32>
        %swap3A_1245 = vector.shape_cast %add3A_1241 : vector<16xi32> to vector<16xi32>
        tpu.vector_store %arg8[%swap3A_1242], %swap3A_1245 {strides = array<i32>} : memref<128xi32, #tpu.memory_space<vmem>>, vector<16xi32>,
        %mul3A_1246 = arith.constant 128 : i32
        %mul3A_1247 = arith.muli %add3A_1219, %mul3A_1246 : i32
        %add3A_1248 = arith.constant 32 : i32
        %add3A_1249 = arith.addi %mul3A_1247, %add3A_1248 : i32
        %get3A_1250 = arith.index_cast %add3A_1249 : i32 to index
        %get3A_1251 = tpu.vector_load %arg6[%get3A_1250] {strides = array<i32>} : memref<20000xi32, #tpu.memory_space<vmem>>, vector<16xi32>,
        %get3A_1252 = vector.shape_cast %get3A_1251 : vector<16xi32> to vector<16xi32>
        %add3A_1253 = vector.broadcast %mul3A_554 : i32 to vector<16xi32>
        %add3A_1254 = arith.addi %get3A_1252, %add3A_1253 : vector<16xi32>
        %swap3A_1255 = arith.constant 32 : index
        %swap3A_1256 = tpu.vector_load %arg8[%swap3A_1255] {strides = array<i32>} : memref<128xi32, #tpu.memory_space<vmem>>, vector<16xi32>,
        %swap3A_1257 = vector.shape_cast %swap3A_1256 : vector<16xi32> to vector<16xi32>
        %swap3A_1258 = vector.shape_cast %add3A_1254 : vector<16xi32> to vector<16xi32>
        tpu.vector_store %arg8[%swap3A_1255], %swap3A_1258 {strides = array<i32>} : memref<128xi32, #tpu.memory_space<vmem>>, vector<16xi32>,
        %mul3A_1259 = arith.constant 128 : i32
        %mul3A_1260 = arith.muli %add3A_1219, %mul3A_1259 : i32
        %add3A_1261 = arith.constant 48 : i32
        %add3A_1262 = arith.addi %mul3A_1260, %add3A_1261 : i32
        %get3A_1263 = arith.index_cast %add3A_1262 : i32 to index
        %get3A_1264 = tpu.vector_load %arg6[%get3A_1263] {strides = array<i32>} : memref<20000xi32, #tpu.memory_space<vmem>>, vector<16xi32>,
        %get3A_1265 = vector.shape_cast %get3A_1264 : vector<16xi32> to vector<16xi32>
        %add3A_1266 = vector.broadcast %mul3A_554 : i32 to vector<16xi32>
        %add3A_1267 = arith.addi %get3A_1265, %add3A_1266 : vector<16xi32>
        %swap3A_1268 = arith.constant 48 : index
        %swap3A_1269 = tpu.vector_load %arg8[%swap3A_1268] {strides = array<i32>} : memref<128xi32, #tpu.memory_space<vmem>>, vector<16xi32>,
        %swap3A_1270 = vector.shape_cast %swap3A_1269 : vector<16xi32> to vector<16xi32>
        %swap3A_1271 = vector.shape_cast %add3A_1267 : vector<16xi32> to vector<16xi32>
        tpu.vector_store %arg8[%swap3A_1268], %swap3A_1271 {strides = array<i32>} : memref<128xi32, #tpu.memory_space<vmem>>, vector<16xi32>,
        %mul3A_1272 = arith.constant 128 : i32
        %mul3A_1273 = arith.muli %add3A_1219, %mul3A_1272 : i32
        %add3A_1274 = arith.constant 64 : i32
        %add3A_1275 = arith.addi %mul3A_1273, %add3A_1274 : i32
        %get3A_1276 = arith.index_cast %add3A_1275 : i32 to index
        %get3A_1277 = tpu.vector_load %arg6[%get3A_1276] {strides = array<i32>} : memref<20000xi32, #tpu.memory_space<vmem>>, vector<16xi32>,
        %get3A_1278 = vector.shape_cast %get3A_1277 : vector<16xi32> to vector<16xi32>
        %add3A_1279 = vector.broadcast %mul3A_554 : i32 to vector<16xi32>
        %add3A_1280 = arith.addi %get3A_1278, %add3A_1279 : vector<16xi32>
        %swap3A_1281 = arith.constant 64 : index
        %swap3A_1282 = tpu.vector_load %arg8[%swap3A_1281] {strides = array<i32>} : memref<128xi32, #tpu.memory_space<vmem>>, vector<16xi32>,
        %swap3A_1283 = vector.shape_cast %swap3A_1282 : vector<16xi32> to vector<16xi32>
        %swap3A_1284 = vector.shape_cast %add3A_1280 : vector<16xi32> to vector<16xi32>
        tpu.vector_store %arg8[%swap3A_1281], %swap3A_1284 {strides = array<i32>} : memref<128xi32, #tpu.memory_space<vmem>>, vector<16xi32>,
        %mul3A_1285 = arith.constant 128 : i32
        %mul3A_1286 = arith.muli %add3A_1219, %mul3A_1285 : i32
        %add3A_1287 = arith.constant 80 : i32
        %add3A_1288 = arith.addi %mul3A_1286, %add3A_1287 : i32
        %get3A_1289 = arith.index_cast %add3A_1288 : i32 to index
        %get3A_1290 = tpu.vector_load %arg6[%get3A_1289] {strides = array<i32>} : memref<20000xi32, #tpu.memory_space<vmem>>, vector<16xi32>,
        %get3A_1291 = vector.shape_cast %get3A_1290 : vector<16xi32> to vector<16xi32>
        %add3A_1292 = vector.broadcast %mul3A_554 : i32 to vector<16xi32>
        %add3A_1293 = arith.addi %get3A_1291, %add3A_1292 : vector<16xi32>
        %swap3A_1294 = arith.constant 80 : index
        %swap3A_1295 = tpu.vector_load %arg8[%swap3A_1294] {strides = array<i32>} : memref<128xi32, #tpu.memory_space<vmem>>, vector<16xi32>,
        %swap3A_1296 = vector.shape_cast %swap3A_1295 : vector<16xi32> to vector<16xi32>
        %swap3A_1297 = vector.shape_cast %add3A_1293 : vector<16xi32> to vector<16xi32>
        tpu.vector_store %arg8[%swap3A_1294], %swap3A_1297 {strides = array<i32>} : memref<128xi32, #tpu.memory_space<vmem>>, vector<16xi32>,
        %mul3A_1298 = arith.constant 128 : i32
        %mul3A_1299 = arith.muli %add3A_1219, %mul3A_1298 : i32
        %add3A_1300 = arith.constant 96 : i32
        %add3A_1301 = arith.addi %mul3A_1299, %add3A_1300 : i32
        %get3A_1302 = arith.index_cast %add3A_1301 : i32 to index
        %get3A_1303 = tpu.vector_load %arg6[%get3A_1302] {strides = array<i32>} : memref<20000xi32, #tpu.memory_space<vmem>>, vector<16xi32>,
        %get3A_1304 = vector.shape_cast %get3A_1303 : vector<16xi32> to vector<16xi32>
        %add3A_1305 = vector.broadcast %mul3A_554 : i32 to vector<16xi32>
        %add3A_1306 = arith.addi %get3A_1304, %add3A_1305 : vector<16xi32>
        %swap3A_1307 = arith.constant 96 : index
        %swap3A_1308 = tpu.vector_load %arg8[%swap3A_1307] {strides = array<i32>} : memref<128xi32, #tpu.memory_space<vmem>>, vector<16xi32>,
        %swap3A_1309 = vector.shape_cast %swap3A_1308 : vector<16xi32> to vector<16xi32>
        %swap3A_1310 = vector.shape_cast %add3A_1306 : vector<16xi32> to vector<16xi32>
        tpu.vector_store %arg8[%swap3A_1307], %swap3A_1310 {strides = array<i32>} : memref<128xi32, #tpu.memory_space<vmem>>, vector<16xi32>,
        %mul3A_1311 = arith.constant 128 : i32
        %mul3A_1312 = arith.muli %add3A_1219, %mul3A_1311 : i32
        %add3A_1313 = arith.constant 112 : i32
        %add3A_1314 = arith.addi %mul3A_1312, %add3A_1313 : i32
        %get3A_1315 = arith.index_cast %add3A_1314 : i32 to index
        %get3A_1316 = tpu.vector_load %arg6[%get3A_1315] {strides = array<i32>} : memref<20000xi32, #tpu.memory_space<vmem>>, vector<16xi32>,
        %get3A_1317 = vector.shape_cast %get3A_1316 : vector<16xi32> to vector<16xi32>
        %add3A_1318 = vector.broadcast %mul3A_554 : i32 to vector<16xi32>
        %add3A_1319 = arith.addi %get3A_1317, %add3A_1318 : vector<16xi32>
        %swap3A_1320 = arith.constant 112 : index
        %swap3A_1321 = tpu.vector_load %arg8[%swap3A_1320] {strides = array<i32>} : memref<128xi32, #tpu.memory_space<vmem>>, vector<16xi32>,
        %swap3A_1322 = vector.shape_cast %swap3A_1321 : vector<16xi32> to vector<16xi32>
        %swap3A_1323 = vector.shape_cast %add3A_1319 : vector<16xi32> to vector<16xi32>
        tpu.vector_store %arg8[%swap3A_1320], %swap3A_1323 {strides = array<i32>} : memref<128xi32, #tpu.memory_space<vmem>>, vector<16xi32>,
        %dma_start3A_1324 = arith.constant 0 : i32
        %dma_start3A_1325 = arith.constant 0 : i32
        %dma_start3A_1326 = tpu.memref_slice %arg2[%dma_start3A_1324, %dma_start3A_1325] : memref<40960x32xf32, #tpu.memory_space<hbm>> -> memref<40960x32xf32, #tpu.memory_space<hbm>>
        tpu.enqueue_indirect_dma source(%dma_start3A_1326 : memref<40960x32xf32, #tpu.memory_space<hbm>>) target(%arg20 : memref<128x32xf32, #tpu.memory_space<vmem>>) offsets(%arg8 : memref<128xi32, #tpu.memory_space<vmem>>) semaphore(%arg31 : memref<!tpu.dma_semaphore, #tpu.memory_space<semaphore_mem>>)
      } else {
      }
      %add3A_1162 = arith.constant 1 : i32
      %add3A_1163 = arith.addi %mul3A_1089, %add3A_1162 : i32
      %add3A_1164 = arith.constant 6 : i32
      %add3A_1165 = arith.addi %add3A_1163, %add3A_1164 : i32
      %lt3A_1166 = arith.constant 156 : i32
      %lt3A_1167 = arith.cmpi slt, %add3A_1165, %lt3A_1166 : i32
      %convert_element_type3A_1168 = arith.extui %lt3A_1167 : i1 to i32
      %cond3A_1169 = arith.constant 0 : i32
      %cond3A_1170 = arith.cmpi ne, %convert_element_type3A_1168, %cond3A_1169 : i32
      scf.if %cond3A_1170 {
        %add3A_1208 = arith.constant 1 : i32
        %add3A_1209 = arith.addi %mul3A_1089, %add3A_1208 : i32
        %mul3A_1210 = arith.constant 128 : i32
        %mul3A_1211 = arith.muli %add3A_1209, %mul3A_1210 : i32
        %dma_wait3A_1212 = tpu.memref_slice %arg7[%mul3A_1211] : memref<20000xi32, #tpu.memory_space<vmem>> -> memref<128xi32, #tpu.memory_space<vmem>>
        %dma_wait3A_1213 = arith.constant 0 : i32
        %dma_wait3A_1214 = arith.constant 0 : i32
        %dma_wait3A_1215 = tpu.memref_slice %arg30[%dma_wait3A_1213, %dma_wait3A_1214] : memref<10240x32xf32, #tpu.memory_space<vmem_shared>> -> memref<10240x32xf32, #tpu.memory_space<vmem_shared>>
        tpu.wait_indirect_dma semaphore(%arg38 : memref<!tpu.dma_semaphore, #tpu.memory_space<semaphore_mem>>) src(%arg21 : memref<128x32xf32, #tpu.memory_space<vmem>>) dst(%dma_wait3A_1215 : memref<10240x32xf32, #tpu.memory_space<vmem_shared>>)
        %add3A_1216 = arith.constant 1 : i32
        %add3A_1217 = arith.addi %mul3A_1089, %add3A_1216 : i32
        %add3A_1218 = arith.constant 6 : i32
        %add3A_1219 = arith.addi %add3A_1217, %add3A_1218 : i32
        %mul3A_1220 = arith.constant 128 : i32
        %mul3A_1221 = arith.muli %add3A_1219, %mul3A_1220 : i32
        %add3A_1222 = arith.constant 0 : i32
        %add3A_1223 = arith.addi %mul3A_1221, %add3A_1222 : i32
        %get3A_1224 = arith.index_cast %add3A_1223 : i32 to index
        %get3A_1225 = tpu.vector_load %arg6[%get3A_1224] {strides = array<i32>} : memref<20000xi32, #tpu.memory_space<vmem>>, vector<16xi32>,
        %get3A_1226 = vector.shape_cast %get3A_1225 : vector<16xi32> to vector<16xi32>
        %add3A_1227 = vector.broadcast %mul3A_554 : i32 to vector<16xi32>
        %add3A_1228 = arith.addi %get3A_1226, %add3A_1227 : vector<16xi32>
        %swap3A_1229 = arith.constant 0 : index
        %swap3A_1230 = tpu.vector_load %arg9[%swap3A_1229] {strides = array<i32>} : memref<128xi32, #tpu.memory_space<vmem>>, vector<16xi32>,
        %swap3A_1231 = vector.shape_cast %swap3A_1230 : vector<16xi32> to vector<16xi32>
        %swap3A_1232 = vector.shape_cast %add3A_1228 : vector<16xi32> to vector<16xi32>
        tpu.vector_store %arg9[%swap3A_1229], %swap3A_1232 {strides = array<i32>} : memref<128xi32, #tpu.memory_space<vmem>>, vector<16xi32>,
        %mul3A_1233 = arith.constant 128 : i32
        %mul3A_1234 = arith.muli %add3A_1219, %mul3A_1233 : i32
        %add3A_1235 = arith.constant 16 : i32
        %add3A_1236 = arith.addi %mul3A_1234, %add3A_1235 : i32
        %get3A_1237 = arith.index_cast %add3A_1236 : i32 to index
        %get3A_1238 = tpu.vector_load %arg6[%get3A_1237] {strides = array<i32>} : memref<20000xi32, #tpu.memory_space<vmem>>, vector<16xi32>,
        %get3A_1239 = vector.shape_cast %get3A_1238 : vector<16xi32> to vector<16xi32>
        %add3A_1240 = vector.broadcast %mul3A_554 : i32 to vector<16xi32>
        %add3A_1241 = arith.addi %get3A_1239, %add3A_1240 : vector<16xi32>
        %swap3A_1242 = arith.constant 16 : index
        %swap3A_1243 = tpu.vector_load %arg9[%swap3A_1242] {strides = array<i32>} : memref<128xi32, #tpu.memory_space<vmem>>, vector<16xi32>,
        %swap3A_1244 = vector.shape_cast %swap3A_1243 : vector<16xi32> to vector<16xi32>
        %swap3A_1245 = vector.shape_cast %add3A_1241 : vector<16xi32> to vector<16xi32>
        tpu.vector_store %arg9[%swap3A_1242], %swap3A_1245 {strides = array<i32>} : memref<128xi32, #tpu.memory_space<vmem>>, vector<16xi32>,
        %mul3A_1246 = arith.constant 128 : i32
        %mul3A_1247 = arith.muli %add3A_1219, %mul3A_1246 : i32
        %add3A_1248 = arith.constant 32 : i32
        %add3A_1249 = arith.addi %mul3A_1247, %add3A_1248 : i32
        %get3A_1250 = arith.index_cast %add3A_1249 : i32 to index
        %get3A_1251 = tpu.vector_load %arg6[%get3A_1250] {strides = array<i32>} : memref<20000xi32, #tpu.memory_space<vmem>>, vector<16xi32>,
        %get3A_1252 = vector.shape_cast %get3A_1251 : vector<16xi32> to vector<16xi32>
        %add3A_1253 = vector.broadcast %mul3A_554 : i32 to vector<16xi32>
        %add3A_1254 = arith.addi %get3A_1252, %add3A_1253 : vector<16xi32>
        %swap3A_1255 = arith.constant 32 : index
        %swap3A_1256 = tpu.vector_load %arg9[%swap3A_1255] {strides = array<i32>} : memref<128xi32, #tpu.memory_space<vmem>>, vector<16xi32>,
        %swap3A_1257 = vector.shape_cast %swap3A_1256 : vector<16xi32> to vector<16xi32>
        %swap3A_1258 = vector.shape_cast %add3A_1254 : vector<16xi32> to vector<16xi32>
        tpu.vector_store %arg9[%swap3A_1255], %swap3A_1258 {strides = array<i32>} : memref<128xi32, #tpu.memory_space<vmem>>, vector<16xi32>,
        %mul3A_1259 = arith.constant 128 : i32
        %mul3A_1260 = arith.muli %add3A_1219, %mul3A_1259 : i32
        %add3A_1261 = arith.constant 48 : i32
        %add3A_1262 = arith.addi %mul3A_1260, %add3A_1261 : i32
        %get3A_1263 = arith.index_cast %add3A_1262 : i32 to index
        %get3A_1264 = tpu.vector_load %arg6[%get3A_1263] {strides = array<i32>} : memref<20000xi32, #tpu.memory_space<vmem>>, vector<16xi32>,
        %get3A_1265 = vector.shape_cast %get3A_1264 : vector<16xi32> to vector<16xi32>
        %add3A_1266 = vector.broadcast %mul3A_554 : i32 to vector<16xi32>
        %add3A_1267 = arith.addi %get3A_1265, %add3A_1266 : vector<16xi32>
        %swap3A_1268 = arith.constant 48 : index
        %swap3A_1269 = tpu.vector_load %arg9[%swap3A_1268] {strides = array<i32>} : memref<128xi32, #tpu.memory_space<vmem>>, vector<16xi32>,
        %swap3A_1270 = vector.shape_cast %swap3A_1269 : vector<16xi32> to vector<16xi32>
        %swap3A_1271 = vector.shape_cast %add3A_1267 : vector<16xi32> to vector<16xi32>
        tpu.vector_store %arg9[%swap3A_1268], %swap3A_1271 {strides = array<i32>} : memref<128xi32, #tpu.memory_space<vmem>>, vector<16xi32>,
        %mul3A_1272 = arith.constant 128 : i32
        %mul3A_1273 = arith.muli %add3A_1219, %mul3A_1272 : i32
        %add3A_1274 = arith.constant 64 : i32
        %add3A_1275 = arith.addi %mul3A_1273, %add3A_1274 : i32
        %get3A_1276 = arith.index_cast %add3A_1275 : i32 to index
        %get3A_1277 = tpu.vector_load %arg6[%get3A_1276] {strides = array<i32>} : memref<20000xi32, #tpu.memory_space<vmem>>, vector<16xi32>,
        %get3A_1278 = vector.shape_cast %get3A_1277 : vector<16xi32> to vector<16xi32>
        %add3A_1279 = vector.broadcast %mul3A_554 : i32 to vector<16xi32>
        %add3A_1280 = arith.addi %get3A_1278, %add3A_1279 : vector<16xi32>
        %swap3A_1281 = arith.constant 64 : index
        %swap3A_1282 = tpu.vector_load %arg9[%swap3A_1281] {strides = array<i32>} : memref<128xi32, #tpu.memory_space<vmem>>, vector<16xi32>,
        %swap3A_1283 = vector.shape_cast %swap3A_1282 : vector<16xi32> to vector<16xi32>
        %swap3A_1284 = vector.shape_cast %add3A_1280 : vector<16xi32> to vector<16xi32>
        tpu.vector_store %arg9[%swap3A_1281], %swap3A_1284 {strides = array<i32>} : memref<128xi32, #tpu.memory_space<vmem>>, vector<16xi32>,
        %mul3A_1285 = arith.constant 128 : i32
        %mul3A_1286 = arith.muli %add3A_1219, %mul3A_1285 : i32
        %add3A_1287 = arith.constant 80 : i32
        %add3A_1288 = arith.addi %mul3A_1286, %add3A_1287 : i32
        %get3A_1289 = arith.index_cast %add3A_1288 : i32 to index
        %get3A_1290 = tpu.vector_load %arg6[%get3A_1289] {strides = array<i32>} : memref<20000xi32, #tpu.memory_space<vmem>>, vector<16xi32>,
        %get3A_1291 = vector.shape_cast %get3A_1290 : vector<16xi32> to vector<16xi32>
        %add3A_1292 = vector.broadcast %mul3A_554 : i32 to vector<16xi32>
        %add3A_1293 = arith.addi %get3A_1291, %add3A_1292 : vector<16xi32>
        %swap3A_1294 = arith.constant 80 : index
        %swap3A_1295 = tpu.vector_load %arg9[%swap3A_1294] {strides = array<i32>} : memref<128xi32, #tpu.memory_space<vmem>>, vector<16xi32>,
        %swap3A_1296 = vector.shape_cast %swap3A_1295 : vector<16xi32> to vector<16xi32>
        %swap3A_1297 = vector.shape_cast %add3A_1293 : vector<16xi32> to vector<16xi32>
        tpu.vector_store %arg9[%swap3A_1294], %swap3A_1297 {strides = array<i32>} : memref<128xi32, #tpu.memory_space<vmem>>, vector<16xi32>,
        %mul3A_1298 = arith.constant 128 : i32
        %mul3A_1299 = arith.muli %add3A_1219, %mul3A_1298 : i32
        %add3A_1300 = arith.constant 96 : i32
        %add3A_1301 = arith.addi %mul3A_1299, %add3A_1300 : i32
        %get3A_1302 = arith.index_cast %add3A_1301 : i32 to index
        %get3A_1303 = tpu.vector_load %arg6[%get3A_1302] {strides = array<i32>} : memref<20000xi32, #tpu.memory_space<vmem>>, vector<16xi32>,
        %get3A_1304 = vector.shape_cast %get3A_1303 : vector<16xi32> to vector<16xi32>
        %add3A_1305 = vector.broadcast %mul3A_554 : i32 to vector<16xi32>
        %add3A_1306 = arith.addi %get3A_1304, %add3A_1305 : vector<16xi32>
        %swap3A_1307 = arith.constant 96 : index
        %swap3A_1308 = tpu.vector_load %arg9[%swap3A_1307] {strides = array<i32>} : memref<128xi32, #tpu.memory_space<vmem>>, vector<16xi32>,
        %swap3A_1309 = vector.shape_cast %swap3A_1308 : vector<16xi32> to vector<16xi32>
        %swap3A_1310 = vector.shape_cast %add3A_1306 : vector<16xi32> to vector<16xi32>
        tpu.vector_store %arg9[%swap3A_1307], %swap3A_1310 {strides = array<i32>} : memref<128xi32, #tpu.memory_space<vmem>>, vector<16xi32>,
        %mul3A_1311 = arith.constant 128 : i32
        %mul3A_1312 = arith.muli %add3A_1219, %mul3A_1311 : i32
        %add3A_1313 = arith.constant 112 : i32
        %add3A_1314 = arith.addi %mul3A_1312, %add3A_1313 : i32
        %get3A_1315 = arith.index_cast %add3A_1314 : i32 to index
        %get3A_1316 = tpu.vector_load %arg6[%get3A_1315] {strides = array<i32>} : memref<20000xi32, #tpu.memory_space<vmem>>, vector<16xi32>,
        %get3A_1317 = vector.shape_cast %get3A_1316 : vector<16xi32> to vector<16xi32>
        %add3A_1318 = vector.broadcast %mul3A_554 : i32 to vector<16xi32>
        %add3A_1319 = arith.addi %get3A_1317, %add3A_1318 : vector<16xi32>
        %swap3A_1320 = arith.constant 112 : index
        %swap3A_1321 = tpu.vector_load %arg9[%swap3A_1320] {strides = array<i32>} : memref<128xi32, #tpu.memory_space<vmem>>, vector<16xi32>,
        %swap3A_1322 = vector.shape_cast %swap3A_1321 : vector<16xi32> to vector<16xi32>
        %swap3A_1323 = vector.shape_cast %add3A_1319 : vector<16xi32> to vector<16xi32>
        tpu.vector_store %arg9[%swap3A_1320], %swap3A_1323 {strides = array<i32>} : memref<128xi32, #tpu.memory_space<vmem>>, vector<16xi32>,
        %dma_start3A_1324 = arith.constant 0 : i32
        %dma_start3A_1325 = arith.constant 0 : i32
        %dma_start3A_1326 = tpu.memref_slice %arg2[%dma_start3A_1324, %dma_start3A_1325] : memref<40960x32xf32, #tpu.memory_space<hbm>> -> memref<40960x32xf32, #tpu.memory_space<hbm>>
        tpu.enqueue_indirect_dma source(%dma_start3A_1326 : memref<40960x32xf32, #tpu.memory_space<hbm>>) target(%arg21 : memref<128x32xf32, #tpu.memory_space<vmem>>) offsets(%arg9 : memref<128xi32, #tpu.memory_space<vmem>>) semaphore(%arg32 : memref<!tpu.dma_semaphore, #tpu.memory_space<semaphore_mem>>)
      } else {
      }
      %add3A_1171 = arith.constant 2 : i32
      %add3A_1172 = arith.addi %mul3A_1089, %add3A_1171 : i32
      %add3A_1173 = arith.constant 6 : i32
      %add3A_1174 = arith.addi %add3A_1172, %add3A_1173 : i32
      %lt3A_1175 = arith.constant 156 : i32
      %lt3A_1176 = arith.cmpi slt, %add3A_1174, %lt3A_1175 : i32
      %convert_element_type3A_1177 = arith.extui %lt3A_1176 : i1 to i32
      %cond3A_1178 = arith.constant 0 : i32
      %cond3A_1179 = arith.cmpi ne, %convert_element_type3A_1177, %cond3A_1178 : i32
      scf.if %cond3A_1179 {
        %add3A_1208 = arith.constant 2 : i32
        %add3A_1209 = arith.addi %mul3A_1089, %add3A_1208 : i32
        %mul3A_1210 = arith.constant 128 : i32
        %mul3A_1211 = arith.muli %add3A_1209, %mul3A_1210 : i32
        %dma_wait3A_1212 = tpu.memref_slice %arg7[%mul3A_1211] : memref<20000xi32, #tpu.memory_space<vmem>> -> memref<128xi32, #tpu.memory_space<vmem>>
        %dma_wait3A_1213 = arith.constant 0 : i32
        %dma_wait3A_1214 = arith.constant 0 : i32
        %dma_wait3A_1215 = tpu.memref_slice %arg30[%dma_wait3A_1213, %dma_wait3A_1214] : memref<10240x32xf32, #tpu.memory_space<vmem_shared>> -> memref<10240x32xf32, #tpu.memory_space<vmem_shared>>
        tpu.wait_indirect_dma semaphore(%arg39 : memref<!tpu.dma_semaphore, #tpu.memory_space<semaphore_mem>>) src(%arg22 : memref<128x32xf32, #tpu.memory_space<vmem>>) dst(%dma_wait3A_1215 : memref<10240x32xf32, #tpu.memory_space<vmem_shared>>)
        %add3A_1216 = arith.constant 2 : i32
        %add3A_1217 = arith.addi %mul3A_1089, %add3A_1216 : i32
        %add3A_1218 = arith.constant 6 : i32
        %add3A_1219 = arith.addi %add3A_1217, %add3A_1218 : i32
        %mul3A_1220 = arith.constant 128 : i32
        %mul3A_1221 = arith.muli %add3A_1219, %mul3A_1220 : i32
        %add3A_1222 = arith.constant 0 : i32
        %add3A_1223 = arith.addi %mul3A_1221, %add3A_1222 : i32
        %get3A_1224 = arith.index_cast %add3A_1223 : i32 to index
        %get3A_1225 = tpu.vector_load %arg6[%get3A_1224] {strides = array<i32>} : memref<20000xi32, #tpu.memory_space<vmem>>, vector<16xi32>,
        %get3A_1226 = vector.shape_cast %get3A_1225 : vector<16xi32> to vector<16xi32>
        %add3A_1227 = vector.broadcast %mul3A_554 : i32 to vector<16xi32>
        %add3A_1228 = arith.addi %get3A_1226, %add3A_1227 : vector<16xi32>
        %swap3A_1229 = arith.constant 0 : index
        %swap3A_1230 = tpu.vector_load %arg10[%swap3A_1229] {strides = array<i32>} : memref<128xi32, #tpu.memory_space<vmem>>, vector<16xi32>,
        %swap3A_1231 = vector.shape_cast %swap3A_1230 : vector<16xi32> to vector<16xi32>
        %swap3A_1232 = vector.shape_cast %add3A_1228 : vector<16xi32> to vector<16xi32>
        tpu.vector_store %arg10[%swap3A_1229], %swap3A_1232 {strides = array<i32>} : memref<128xi32, #tpu.memory_space<vmem>>, vector<16xi32>,
        %mul3A_1233 = arith.constant 128 : i32
        %mul3A_1234 = arith.muli %add3A_1219, %mul3A_1233 : i32
        %add3A_1235 = arith.constant 16 : i32
        %add3A_1236 = arith.addi %mul3A_1234, %add3A_1235 : i32
        %get3A_1237 = arith.index_cast %add3A_1236 : i32 to index
        %get3A_1238 = tpu.vector_load %arg6[%get3A_1237] {strides = array<i32>} : memref<20000xi32, #tpu.memory_space<vmem>>, vector<16xi32>,
        %get3A_1239 = vector.shape_cast %get3A_1238 : vector<16xi32> to vector<16xi32>
        %add3A_1240 = vector.broadcast %mul3A_554 : i32 to vector<16xi32>
        %add3A_1241 = arith.addi %get3A_1239, %add3A_1240 : vector<16xi32>
        %swap3A_1242 = arith.constant 16 : index
        %swap3A_1243 = tpu.vector_load %arg10[%swap3A_1242] {strides = array<i32>} : memref<128xi32, #tpu.memory_space<vmem>>, vector<16xi32>,
        %swap3A_1244 = vector.shape_cast %swap3A_1243 : vector<16xi32> to vector<16xi32>
        %swap3A_1245 = vector.shape_cast %add3A_1241 : vector<16xi32> to vector<16xi32>
        tpu.vector_store %arg10[%swap3A_1242], %swap3A_1245 {strides = array<i32>} : memref<128xi32, #tpu.memory_space<vmem>>, vector<16xi32>,
        %mul3A_1246 = arith.constant 128 : i32
        %mul3A_1247 = arith.muli %add3A_1219, %mul3A_1246 : i32
        %add3A_1248 = arith.constant 32 : i32
        %add3A_1249 = arith.addi %mul3A_1247, %add3A_1248 : i32
        %get3A_1250 = arith.index_cast %add3A_1249 : i32 to index
        %get3A_1251 = tpu.vector_load %arg6[%get3A_1250] {strides = array<i32>} : memref<20000xi32, #tpu.memory_space<vmem>>, vector<16xi32>,
        %get3A_1252 = vector.shape_cast %get3A_1251 : vector<16xi32> to vector<16xi32>
        %add3A_1253 = vector.broadcast %mul3A_554 : i32 to vector<16xi32>
        %add3A_1254 = arith.addi %get3A_1252, %add3A_1253 : vector<16xi32>
        %swap3A_1255 = arith.constant 32 : index
        %swap3A_1256 = tpu.vector_load %arg10[%swap3A_1255] {strides = array<i32>} : memref<128xi32, #tpu.memory_space<vmem>>, vector<16xi32>,
        %swap3A_1257 = vector.shape_cast %swap3A_1256 : vector<16xi32> to vector<16xi32>
        %swap3A_1258 = vector.shape_cast %add3A_1254 : vector<16xi32> to vector<16xi32>
        tpu.vector_store %arg10[%swap3A_1255], %swap3A_1258 {strides = array<i32>} : memref<128xi32, #tpu.memory_space<vmem>>, vector<16xi32>,
        %mul3A_1259 = arith.constant 128 : i32
        %mul3A_1260 = arith.muli %add3A_1219, %mul3A_1259 : i32
        %add3A_1261 = arith.constant 48 : i32
        %add3A_1262 = arith.addi %mul3A_1260, %add3A_1261 : i32
        %get3A_1263 = arith.index_cast %add3A_1262 : i32 to index
        %get3A_1264 = tpu.vector_load %arg6[%get3A_1263] {strides = array<i32>} : memref<20000xi32, #tpu.memory_space<vmem>>, vector<16xi32>,
        %get3A_1265 = vector.shape_cast %get3A_1264 : vector<16xi32> to vector<16xi32>
        %add3A_1266 = vector.broadcast %mul3A_554 : i32 to vector<16xi32>
        %add3A_1267 = arith.addi %get3A_1265, %add3A_1266 : vector<16xi32>
        %swap3A_1268 = arith.constant 48 : index
        %swap3A_1269 = tpu.vector_load %arg10[%swap3A_1268] {strides = array<i32>} : memref<128xi32, #tpu.memory_space<vmem>>, vector<16xi32>,
        %swap3A_1270 = vector.shape_cast %swap3A_1269 : vector<16xi32> to vector<16xi32>
        %swap3A_1271 = vector.shape_cast %add3A_1267 : vector<16xi32> to vector<16xi32>
        tpu.vector_store %arg10[%swap3A_1268], %swap3A_1271 {strides = array<i32>} : memref<128xi32, #tpu.memory_space<vmem>>, vector<16xi32>,
        %mul3A_1272 = arith.constant 128 : i32
        %mul3A_1273 = arith.muli %add3A_1219, %mul3A_1272 : i32
        %add3A_1274 = arith.constant 64 : i32
        %add3A_1275 = arith.addi %mul3A_1273, %add3A_1274 : i32
        %get3A_1276 = arith.index_cast %add3A_1275 : i32 to index
        %get3A_1277 = tpu.vector_load %arg6[%get3A_1276] {strides = array<i32>} : memref<20000xi32, #tpu.memory_space<vmem>>, vector<16xi32>,
        %get3A_1278 = vector.shape_cast %get3A_1277 : vector<16xi32> to vector<16xi32>
        %add3A_1279 = vector.broadcast %mul3A_554 : i32 to vector<16xi32>
        %add3A_1280 = arith.addi %get3A_1278, %add3A_1279 : vector<16xi32>
        %swap3A_1281 = arith.constant 64 : index
        %swap3A_1282 = tpu.vector_load %arg10[%swap3A_1281] {strides = array<i32>} : memref<128xi32, #tpu.memory_space<vmem>>, vector<16xi32>,
        %swap3A_1283 = vector.shape_cast %swap3A_1282 : vector<16xi32> to vector<16xi32>
        %swap3A_1284 = vector.shape_cast %add3A_1280 : vector<16xi32> to vector<16xi32>
        tpu.vector_store %arg10[%swap3A_1281], %swap3A_1284 {strides = array<i32>} : memref<128xi32, #tpu.memory_space<vmem>>, vector<16xi32>,
        %mul3A_1285 = arith.constant 128 : i32
        %mul3A_1286 = arith.muli %add3A_1219, %mul3A_1285 : i32
        %add3A_1287 = arith.constant 80 : i32
        %add3A_1288 = arith.addi %mul3A_1286, %add3A_1287 : i32
        %get3A_1289 = arith.index_cast %add3A_1288 : i32 to index
        %get3A_1290 = tpu.vector_load %arg6[%get3A_1289] {strides = array<i32>} : memref<20000xi32, #tpu.memory_space<vmem>>, vector<16xi32>,
        %get3A_1291 = vector.shape_cast %get3A_1290 : vector<16xi32> to vector<16xi32>
        %add3A_1292 = vector.broadcast %mul3A_554 : i32 to vector<16xi32>
        %add3A_1293 = arith.addi %get3A_1291, %add3A_1292 : vector<16xi32>
        %swap3A_1294 = arith.constant 80 : index
        %swap3A_1295 = tpu.vector_load %arg10[%swap3A_1294] {strides = array<i32>} : memref<128xi32, #tpu.memory_space<vmem>>, vector<16xi32>,
        %swap3A_1296 = vector.shape_cast %swap3A_1295 : vector<16xi32> to vector<16xi32>
        %swap3A_1297 = vector.shape_cast %add3A_1293 : vector<16xi32> to vector<16xi32>
        tpu.vector_store %arg10[%swap3A_1294], %swap3A_1297 {strides = array<i32>} : memref<128xi32, #tpu.memory_space<vmem>>, vector<16xi32>,
        %mul3A_1298 = arith.constant 128 : i32
        %mul3A_1299 = arith.muli %add3A_1219, %mul3A_1298 : i32
        %add3A_1300 = arith.constant 96 : i32
        %add3A_1301 = arith.addi %mul3A_1299, %add3A_1300 : i32
        %get3A_1302 = arith.index_cast %add3A_1301 : i32 to index
        %get3A_1303 = tpu.vector_load %arg6[%get3A_1302] {strides = array<i32>} : memref<20000xi32, #tpu.memory_space<vmem>>, vector<16xi32>,
        %get3A_1304 = vector.shape_cast %get3A_1303 : vector<16xi32> to vector<16xi32>
        %add3A_1305 = vector.broadcast %mul3A_554 : i32 to vector<16xi32>
        %add3A_1306 = arith.addi %get3A_1304, %add3A_1305 : vector<16xi32>
        %swap3A_1307 = arith.constant 96 : index
        %swap3A_1308 = tpu.vector_load %arg10[%swap3A_1307] {strides = array<i32>} : memref<128xi32, #tpu.memory_space<vmem>>, vector<16xi32>,
        %swap3A_1309 = vector.shape_cast %swap3A_1308 : vector<16xi32> to vector<16xi32>
        %swap3A_1310 = vector.shape_cast %add3A_1306 : vector<16xi32> to vector<16xi32>
        tpu.vector_store %arg10[%swap3A_1307], %swap3A_1310 {strides = array<i32>} : memref<128xi32, #tpu.memory_space<vmem>>, vector<16xi32>,
        %mul3A_1311 = arith.constant 128 : i32
        %mul3A_1312 = arith.muli %add3A_1219, %mul3A_1311 : i32
        %add3A_1313 = arith.constant 112 : i32
        %add3A_1314 = arith.addi %mul3A_1312, %add3A_1313 : i32
        %get3A_1315 = arith.index_cast %add3A_1314 : i32 to index
        %get3A_1316 = tpu.vector_load %arg6[%get3A_1315] {strides = array<i32>} : memref<20000xi32, #tpu.memory_space<vmem>>, vector<16xi32>,
        %get3A_1317 = vector.shape_cast %get3A_1316 : vector<16xi32> to vector<16xi32>
        %add3A_1318 = vector.broadcast %mul3A_554 : i32 to vector<16xi32>
        %add3A_1319 = arith.addi %get3A_1317, %add3A_1318 : vector<16xi32>
        %swap3A_1320 = arith.constant 112 : index
        %swap3A_1321 = tpu.vector_load %arg10[%swap3A_1320] {strides = array<i32>} : memref<128xi32, #tpu.memory_space<vmem>>, vector<16xi32>,
        %swap3A_1322 = vector.shape_cast %swap3A_1321 : vector<16xi32> to vector<16xi32>
        %swap3A_1323 = vector.shape_cast %add3A_1319 : vector<16xi32> to vector<16xi32>
        tpu.vector_store %arg10[%swap3A_1320], %swap3A_1323 {strides = array<i32>} : memref<128xi32, #tpu.memory_space<vmem>>, vector<16xi32>,
        %dma_start3A_1324 = arith.constant 0 : i32
        %dma_start3A_1325 = arith.constant 0 : i32
        %dma_start3A_1326 = tpu.memref_slice %arg2[%dma_start3A_1324, %dma_start3A_1325] : memref<40960x32xf32, #tpu.memory_space<hbm>> -> memref<40960x32xf32, #tpu.memory_space<hbm>>
        tpu.enqueue_indirect_dma source(%dma_start3A_1326 : memref<40960x32xf32, #tpu.memory_space<hbm>>) target(%arg22 : memref<128x32xf32, #tpu.memory_space<vmem>>) offsets(%arg10 : memref<128xi32, #tpu.memory_space<vmem>>) semaphore(%arg33 : memref<!tpu.dma_semaphore, #tpu.memory_space<semaphore_mem>>)
      } else {
      }
      %add3A_1180 = arith.constant 3 : i32
      %add3A_1181 = arith.addi %mul3A_1089, %add3A_1180 : i32
      %add3A_1182 = arith.constant 6 : i32
      %add3A_1183 = arith.addi %add3A_1181, %add3A_1182 : i32
      %lt3A_1184 = arith.constant 156 : i32
      %lt3A_1185 = arith.cmpi slt, %add3A_1183, %lt3A_1184 : i32
      %convert_element_type3A_1186 = arith.extui %lt3A_1185 : i1 to i32
      %cond3A_1187 = arith.constant 0 : i32
      %cond3A_1188 = arith.cmpi ne, %convert_element_type3A_1186, %cond3A_1187 : i32
      scf.if %cond3A_1188 {
        %add3A_1208 = arith.constant 3 : i32
        %add3A_1209 = arith.addi %mul3A_1089, %add3A_1208 : i32
        %mul3A_1210 = arith.constant 128 : i32
        %mul3A_1211 = arith.muli %add3A_1209, %mul3A_1210 : i32
        %dma_wait3A_1212 = tpu.memref_slice %arg7[%mul3A_1211] : memref<20000xi32, #tpu.memory_space<vmem>> -> memref<128xi32, #tpu.memory_space<vmem>>
        %dma_wait3A_1213 = arith.constant 0 : i32
        %dma_wait3A_1214 = arith.constant 0 : i32
        %dma_wait3A_1215 = tpu.memref_slice %arg30[%dma_wait3A_1213, %dma_wait3A_1214] : memref<10240x32xf32, #tpu.memory_space<vmem_shared>> -> memref<10240x32xf32, #tpu.memory_space<vmem_shared>>
        tpu.wait_indirect_dma semaphore(%arg40 : memref<!tpu.dma_semaphore, #tpu.memory_space<semaphore_mem>>) src(%arg23 : memref<128x32xf32, #tpu.memory_space<vmem>>) dst(%dma_wait3A_1215 : memref<10240x32xf32, #tpu.memory_space<vmem_shared>>)
        %add3A_1216 = arith.constant 3 : i32
        %add3A_1217 = arith.addi %mul3A_1089, %add3A_1216 : i32
        %add3A_1218 = arith.constant 6 : i32
        %add3A_1219 = arith.addi %add3A_1217, %add3A_1218 : i32
        %mul3A_1220 = arith.constant 128 : i32
        %mul3A_1221 = arith.muli %add3A_1219, %mul3A_1220 : i32
        %add3A_1222 = arith.constant 0 : i32
        %add3A_1223 = arith.addi %mul3A_1221, %add3A_1222 : i32
        %get3A_1224 = arith.index_cast %add3A_1223 : i32 to index
        %get3A_1225 = tpu.vector_load %arg6[%get3A_1224] {strides = array<i32>} : memref<20000xi32, #tpu.memory_space<vmem>>, vector<16xi32>,
        %get3A_1226 = vector.shape_cast %get3A_1225 : vector<16xi32> to vector<16xi32>
        %add3A_1227 = vector.broadcast %mul3A_554 : i32 to vector<16xi32>
        %add3A_1228 = arith.addi %get3A_1226, %add3A_1227 : vector<16xi32>
        %swap3A_1229 = arith.constant 0 : index
        %swap3A_1230 = tpu.vector_load %arg11[%swap3A_1229] {strides = array<i32>} : memref<128xi32, #tpu.memory_space<vmem>>, vector<16xi32>,
        %swap3A_1231 = vector.shape_cast %swap3A_1230 : vector<16xi32> to vector<16xi32>
        %swap3A_1232 = vector.shape_cast %add3A_1228 : vector<16xi32> to vector<16xi32>
        tpu.vector_store %arg11[%swap3A_1229], %swap3A_1232 {strides = array<i32>} : memref<128xi32, #tpu.memory_space<vmem>>, vector<16xi32>,
        %mul3A_1233 = arith.constant 128 : i32
        %mul3A_1234 = arith.muli %add3A_1219, %mul3A_1233 : i32
        %add3A_1235 = arith.constant 16 : i32
        %add3A_1236 = arith.addi %mul3A_1234, %add3A_1235 : i32
        %get3A_1237 = arith.index_cast %add3A_1236 : i32 to index
        %get3A_1238 = tpu.vector_load %arg6[%get3A_1237] {strides = array<i32>} : memref<20000xi32, #tpu.memory_space<vmem>>, vector<16xi32>,
        %get3A_1239 = vector.shape_cast %get3A_1238 : vector<16xi32> to vector<16xi32>
        %add3A_1240 = vector.broadcast %mul3A_554 : i32 to vector<16xi32>
        %add3A_1241 = arith.addi %get3A_1239, %add3A_1240 : vector<16xi32>
        %swap3A_1242 = arith.constant 16 : index
        %swap3A_1243 = tpu.vector_load %arg11[%swap3A_1242] {strides = array<i32>} : memref<128xi32, #tpu.memory_space<vmem>>, vector<16xi32>,
        %swap3A_1244 = vector.shape_cast %swap3A_1243 : vector<16xi32> to vector<16xi32>
        %swap3A_1245 = vector.shape_cast %add3A_1241 : vector<16xi32> to vector<16xi32>
        tpu.vector_store %arg11[%swap3A_1242], %swap3A_1245 {strides = array<i32>} : memref<128xi32, #tpu.memory_space<vmem>>, vector<16xi32>,
        %mul3A_1246 = arith.constant 128 : i32
        %mul3A_1247 = arith.muli %add3A_1219, %mul3A_1246 : i32
        %add3A_1248 = arith.constant 32 : i32
        %add3A_1249 = arith.addi %mul3A_1247, %add3A_1248 : i32
        %get3A_1250 = arith.index_cast %add3A_1249 : i32 to index
        %get3A_1251 = tpu.vector_load %arg6[%get3A_1250] {strides = array<i32>} : memref<20000xi32, #tpu.memory_space<vmem>>, vector<16xi32>,
        %get3A_1252 = vector.shape_cast %get3A_1251 : vector<16xi32> to vector<16xi32>
        %add3A_1253 = vector.broadcast %mul3A_554 : i32 to vector<16xi32>
        %add3A_1254 = arith.addi %get3A_1252, %add3A_1253 : vector<16xi32>
        %swap3A_1255 = arith.constant 32 : index
        %swap3A_1256 = tpu.vector_load %arg11[%swap3A_1255] {strides = array<i32>} : memref<128xi32, #tpu.memory_space<vmem>>, vector<16xi32>,
        %swap3A_1257 = vector.shape_cast %swap3A_1256 : vector<16xi32> to vector<16xi32>
        %swap3A_1258 = vector.shape_cast %add3A_1254 : vector<16xi32> to vector<16xi32>
        tpu.vector_store %arg11[%swap3A_1255], %swap3A_1258 {strides = array<i32>} : memref<128xi32, #tpu.memory_space<vmem>>, vector<16xi32>,
        %mul3A_1259 = arith.constant 128 : i32
        %mul3A_1260 = arith.muli %add3A_1219, %mul3A_1259 : i32
        %add3A_1261 = arith.constant 48 : i32
        %add3A_1262 = arith.addi %mul3A_1260, %add3A_1261 : i32
        %get3A_1263 = arith.index_cast %add3A_1262 : i32 to index
        %get3A_1264 = tpu.vector_load %arg6[%get3A_1263] {strides = array<i32>} : memref<20000xi32, #tpu.memory_space<vmem>>, vector<16xi32>,
        %get3A_1265 = vector.shape_cast %get3A_1264 : vector<16xi32> to vector<16xi32>
        %add3A_1266 = vector.broadcast %mul3A_554 : i32 to vector<16xi32>
        %add3A_1267 = arith.addi %get3A_1265, %add3A_1266 : vector<16xi32>
        %swap3A_1268 = arith.constant 48 : index
        %swap3A_1269 = tpu.vector_load %arg11[%swap3A_1268] {strides = array<i32>} : memref<128xi32, #tpu.memory_space<vmem>>, vector<16xi32>,
        %swap3A_1270 = vector.shape_cast %swap3A_1269 : vector<16xi32> to vector<16xi32>
        %swap3A_1271 = vector.shape_cast %add3A_1267 : vector<16xi32> to vector<16xi32>
        tpu.vector_store %arg11[%swap3A_1268], %swap3A_1271 {strides = array<i32>} : memref<128xi32, #tpu.memory_space<vmem>>, vector<16xi32>,
        %mul3A_1272 = arith.constant 128 : i32
        %mul3A_1273 = arith.muli %add3A_1219, %mul3A_1272 : i32
        %add3A_1274 = arith.constant 64 : i32
        %add3A_1275 = arith.addi %mul3A_1273, %add3A_1274 : i32
        %get3A_1276 = arith.index_cast %add3A_1275 : i32 to index
        %get3A_1277 = tpu.vector_load %arg6[%get3A_1276] {strides = array<i32>} : memref<20000xi32, #tpu.memory_space<vmem>>, vector<16xi32>,
        %get3A_1278 = vector.shape_cast %get3A_1277 : vector<16xi32> to vector<16xi32>
        %add3A_1279 = vector.broadcast %mul3A_554 : i32 to vector<16xi32>
        %add3A_1280 = arith.addi %get3A_1278, %add3A_1279 : vector<16xi32>
        %swap3A_1281 = arith.constant 64 : index
        %swap3A_1282 = tpu.vector_load %arg11[%swap3A_1281] {strides = array<i32>} : memref<128xi32, #tpu.memory_space<vmem>>, vector<16xi32>,
        %swap3A_1283 = vector.shape_cast %swap3A_1282 : vector<16xi32> to vector<16xi32>
        %swap3A_1284 = vector.shape_cast %add3A_1280 : vector<16xi32> to vector<16xi32>
        tpu.vector_store %arg11[%swap3A_1281], %swap3A_1284 {strides = array<i32>} : memref<128xi32, #tpu.memory_space<vmem>>, vector<16xi32>,
        %mul3A_1285 = arith.constant 128 : i32
        %mul3A_1286 = arith.muli %add3A_1219, %mul3A_1285 : i32
        %add3A_1287 = arith.constant 80 : i32
        %add3A_1288 = arith.addi %mul3A_1286, %add3A_1287 : i32
        %get3A_1289 = arith.index_cast %add3A_1288 : i32 to index
        %get3A_1290 = tpu.vector_load %arg6[%get3A_1289] {strides = array<i32>} : memref<20000xi32, #tpu.memory_space<vmem>>, vector<16xi32>,
        %get3A_1291 = vector.shape_cast %get3A_1290 : vector<16xi32> to vector<16xi32>
        %add3A_1292 = vector.broadcast %mul3A_554 : i32 to vector<16xi32>
        %add3A_1293 = arith.addi %get3A_1291, %add3A_1292 : vector<16xi32>
        %swap3A_1294 = arith.constant 80 : index
        %swap3A_1295 = tpu.vector_load %arg11[%swap3A_1294] {strides = array<i32>} : memref<128xi32, #tpu.memory_space<vmem>>, vector<16xi32>,
        %swap3A_1296 = vector.shape_cast %swap3A_1295 : vector<16xi32> to vector<16xi32>
        %swap3A_1297 = vector.shape_cast %add3A_1293 : vector<16xi32> to vector<16xi32>
        tpu.vector_store %arg11[%swap3A_1294], %swap3A_1297 {strides = array<i32>} : memref<128xi32, #tpu.memory_space<vmem>>, vector<16xi32>,
        %mul3A_1298 = arith.constant 128 : i32
        %mul3A_1299 = arith.muli %add3A_1219, %mul3A_1298 : i32
        %add3A_1300 = arith.constant 96 : i32
        %add3A_1301 = arith.addi %mul3A_1299, %add3A_1300 : i32
        %get3A_1302 = arith.index_cast %add3A_1301 : i32 to index
        %get3A_1303 = tpu.vector_load %arg6[%get3A_1302] {strides = array<i32>} : memref<20000xi32, #tpu.memory_space<vmem>>, vector<16xi32>,
        %get3A_1304 = vector.shape_cast %get3A_1303 : vector<16xi32> to vector<16xi32>
        %add3A_1305 = vector.broadcast %mul3A_554 : i32 to vector<16xi32>
        %add3A_1306 = arith.addi %get3A_1304, %add3A_1305 : vector<16xi32>
        %swap3A_1307 = arith.constant 96 : index
        %swap3A_1308 = tpu.vector_load %arg11[%swap3A_1307] {strides = array<i32>} : memref<128xi32, #tpu.memory_space<vmem>>, vector<16xi32>,
        %swap3A_1309 = vector.shape_cast %swap3A_1308 : vector<16xi32> to vector<16xi32>
        %swap3A_1310 = vector.shape_cast %add3A_1306 : vector<16xi32> to vector<16xi32>
        tpu.vector_store %arg11[%swap3A_1307], %swap3A_1310 {strides = array<i32>} : memref<128xi32, #tpu.memory_space<vmem>>, vector<16xi32>,
        %mul3A_1311 = arith.constant 128 : i32
        %mul3A_1312 = arith.muli %add3A_1219, %mul3A_1311 : i32
        %add3A_1313 = arith.constant 112 : i32
        %add3A_1314 = arith.addi %mul3A_1312, %add3A_1313 : i32
        %get3A_1315 = arith.index_cast %add3A_1314 : i32 to index
        %get3A_1316 = tpu.vector_load %arg6[%get3A_1315] {strides = array<i32>} : memref<20000xi32, #tpu.memory_space<vmem>>, vector<16xi32>,
        %get3A_1317 = vector.shape_cast %get3A_1316 : vector<16xi32> to vector<16xi32>
        %add3A_1318 = vector.broadcast %mul3A_554 : i32 to vector<16xi32>
        %add3A_1319 = arith.addi %get3A_1317, %add3A_1318 : vector<16xi32>
        %swap3A_1320 = arith.constant 112 : index
        %swap3A_1321 = tpu.vector_load %arg11[%swap3A_1320] {strides = array<i32>} : memref<128xi32, #tpu.memory_space<vmem>>, vector<16xi32>,
        %swap3A_1322 = vector.shape_cast %swap3A_1321 : vector<16xi32> to vector<16xi32>
        %swap3A_1323 = vector.shape_cast %add3A_1319 : vector<16xi32> to vector<16xi32>
        tpu.vector_store %arg11[%swap3A_1320], %swap3A_1323 {strides = array<i32>} : memref<128xi32, #tpu.memory_space<vmem>>, vector<16xi32>,
        %dma_start3A_1324 = arith.constant 0 : i32
        %dma_start3A_1325 = arith.constant 0 : i32
        %dma_start3A_1326 = tpu.memref_slice %arg2[%dma_start3A_1324, %dma_start3A_1325] : memref<40960x32xf32, #tpu.memory_space<hbm>> -> memref<40960x32xf32, #tpu.memory_space<hbm>>
        tpu.enqueue_indirect_dma source(%dma_start3A_1326 : memref<40960x32xf32, #tpu.memory_space<hbm>>) target(%arg23 : memref<128x32xf32, #tpu.memory_space<vmem>>) offsets(%arg11 : memref<128xi32, #tpu.memory_space<vmem>>) semaphore(%arg34 : memref<!tpu.dma_semaphore, #tpu.memory_space<semaphore_mem>>)
      } else {
      }
      %add3A_1189 = arith.constant 4 : i32
      %add3A_1190 = arith.addi %mul3A_1089, %add3A_1189 : i32
      %add3A_1191 = arith.constant 6 : i32
      %add3A_1192 = arith.addi %add3A_1190, %add3A_1191 : i32
      %lt3A_1193 = arith.constant 156 : i32
      %lt3A_1194 = arith.cmpi slt, %add3A_1192, %lt3A_1193 : i32
      %convert_element_type3A_1195 = arith.extui %lt3A_1194 : i1 to i32
      %cond3A_1196 = arith.constant 0 : i32
      %cond3A_1197 = arith.cmpi ne, %convert_element_type3A_1195, %cond3A_1196 : i32
      scf.if %cond3A_1197 {
        %add3A_1208 = arith.constant 4 : i32
        %add3A_1209 = arith.addi %mul3A_1089, %add3A_1208 : i32
        %mul3A_1210 = arith.constant 128 : i32
        %mul3A_1211 = arith.muli %add3A_1209, %mul3A_1210 : i32
        %dma_wait3A_1212 = tpu.memref_slice %arg7[%mul3A_1211] : memref<20000xi32, #tpu.memory_space<vmem>> -> memref<128xi32, #tpu.memory_space<vmem>>
        %dma_wait3A_1213 = arith.constant 0 : i32
        %dma_wait3A_1214 = arith.constant 0 : i32
        %dma_wait3A_1215 = tpu.memref_slice %arg30[%dma_wait3A_1213, %dma_wait3A_1214] : memref<10240x32xf32, #tpu.memory_space<vmem_shared>> -> memref<10240x32xf32, #tpu.memory_space<vmem_shared>>
        tpu.wait_indirect_dma semaphore(%arg41 : memref<!tpu.dma_semaphore, #tpu.memory_space<semaphore_mem>>) src(%arg24 : memref<128x32xf32, #tpu.memory_space<vmem>>) dst(%dma_wait3A_1215 : memref<10240x32xf32, #tpu.memory_space<vmem_shared>>)
        %add3A_1216 = arith.constant 4 : i32
        %add3A_1217 = arith.addi %mul3A_1089, %add3A_1216 : i32
        %add3A_1218 = arith.constant 6 : i32
        %add3A_1219 = arith.addi %add3A_1217, %add3A_1218 : i32
        %mul3A_1220 = arith.constant 128 : i32
        %mul3A_1221 = arith.muli %add3A_1219, %mul3A_1220 : i32
        %add3A_1222 = arith.constant 0 : i32
        %add3A_1223 = arith.addi %mul3A_1221, %add3A_1222 : i32
        %get3A_1224 = arith.index_cast %add3A_1223 : i32 to index
        %get3A_1225 = tpu.vector_load %arg6[%get3A_1224] {strides = array<i32>} : memref<20000xi32, #tpu.memory_space<vmem>>, vector<16xi32>,
        %get3A_1226 = vector.shape_cast %get3A_1225 : vector<16xi32> to vector<16xi32>
        %add3A_1227 = vector.broadcast %mul3A_554 : i32 to vector<16xi32>
        %add3A_1228 = arith.addi %get3A_1226, %add3A_1227 : vector<16xi32>
        %swap3A_1229 = arith.constant 0 : index
        %swap3A_1230 = tpu.vector_load %arg12[%swap3A_1229] {strides = array<i32>} : memref<128xi32, #tpu.memory_space<vmem>>, vector<16xi32>,
        %swap3A_1231 = vector.shape_cast %swap3A_1230 : vector<16xi32> to vector<16xi32>
        %swap3A_1232 = vector.shape_cast %add3A_1228 : vector<16xi32> to vector<16xi32>
        tpu.vector_store %arg12[%swap3A_1229], %swap3A_1232 {strides = array<i32>} : memref<128xi32, #tpu.memory_space<vmem>>, vector<16xi32>,
        %mul3A_1233 = arith.constant 128 : i32
        %mul3A_1234 = arith.muli %add3A_1219, %mul3A_1233 : i32
        %add3A_1235 = arith.constant 16 : i32
        %add3A_1236 = arith.addi %mul3A_1234, %add3A_1235 : i32
        %get3A_1237 = arith.index_cast %add3A_1236 : i32 to index
        %get3A_1238 = tpu.vector_load %arg6[%get3A_1237] {strides = array<i32>} : memref<20000xi32, #tpu.memory_space<vmem>>, vector<16xi32>,
        %get3A_1239 = vector.shape_cast %get3A_1238 : vector<16xi32> to vector<16xi32>
        %add3A_1240 = vector.broadcast %mul3A_554 : i32 to vector<16xi32>
        %add3A_1241 = arith.addi %get3A_1239, %add3A_1240 : vector<16xi32>
        %swap3A_1242 = arith.constant 16 : index
        %swap3A_1243 = tpu.vector_load %arg12[%swap3A_1242] {strides = array<i32>} : memref<128xi32, #tpu.memory_space<vmem>>, vector<16xi32>,
        %swap3A_1244 = vector.shape_cast %swap3A_1243 : vector<16xi32> to vector<16xi32>
        %swap3A_1245 = vector.shape_cast %add3A_1241 : vector<16xi32> to vector<16xi32>
        tpu.vector_store %arg12[%swap3A_1242], %swap3A_1245 {strides = array<i32>} : memref<128xi32, #tpu.memory_space<vmem>>, vector<16xi32>,
        %mul3A_1246 = arith.constant 128 : i32
        %mul3A_1247 = arith.muli %add3A_1219, %mul3A_1246 : i32
        %add3A_1248 = arith.constant 32 : i32
        %add3A_1249 = arith.addi %mul3A_1247, %add3A_1248 : i32
        %get3A_1250 = arith.index_cast %add3A_1249 : i32 to index
        %get3A_1251 = tpu.vector_load %arg6[%get3A_1250] {strides = array<i32>} : memref<20000xi32, #tpu.memory_space<vmem>>, vector<16xi32>,
        %get3A_1252 = vector.shape_cast %get3A_1251 : vector<16xi32> to vector<16xi32>
        %add3A_1253 = vector.broadcast %mul3A_554 : i32 to vector<16xi32>
        %add3A_1254 = arith.addi %get3A_1252, %add3A_1253 : vector<16xi32>
        %swap3A_1255 = arith.constant 32 : index
        %swap3A_1256 = tpu.vector_load %arg12[%swap3A_1255] {strides = array<i32>} : memref<128xi32, #tpu.memory_space<vmem>>, vector<16xi32>,
        %swap3A_1257 = vector.shape_cast %swap3A_1256 : vector<16xi32> to vector<16xi32>
        %swap3A_1258 = vector.shape_cast %add3A_1254 : vector<16xi32> to vector<16xi32>
        tpu.vector_store %arg12[%swap3A_1255], %swap3A_1258 {strides = array<i32>} : memref<128xi32, #tpu.memory_space<vmem>>, vector<16xi32>,
        %mul3A_1259 = arith.constant 128 : i32
        %mul3A_1260 = arith.muli %add3A_1219, %mul3A_1259 : i32
        %add3A_1261 = arith.constant 48 : i32
        %add3A_1262 = arith.addi %mul3A_1260, %add3A_1261 : i32
        %get3A_1263 = arith.index_cast %add3A_1262 : i32 to index
        %get3A_1264 = tpu.vector_load %arg6[%get3A_1263] {strides = array<i32>} : memref<20000xi32, #tpu.memory_space<vmem>>, vector<16xi32>,
        %get3A_1265 = vector.shape_cast %get3A_1264 : vector<16xi32> to vector<16xi32>
        %add3A_1266 = vector.broadcast %mul3A_554 : i32 to vector<16xi32>
        %add3A_1267 = arith.addi %get3A_1265, %add3A_1266 : vector<16xi32>
        %swap3A_1268 = arith.constant 48 : index
        %swap3A_1269 = tpu.vector_load %arg12[%swap3A_1268] {strides = array<i32>} : memref<128xi32, #tpu.memory_space<vmem>>, vector<16xi32>,
        %swap3A_1270 = vector.shape_cast %swap3A_1269 : vector<16xi32> to vector<16xi32>
        %swap3A_1271 = vector.shape_cast %add3A_1267 : vector<16xi32> to vector<16xi32>
        tpu.vector_store %arg12[%swap3A_1268], %swap3A_1271 {strides = array<i32>} : memref<128xi32, #tpu.memory_space<vmem>>, vector<16xi32>,
        %mul3A_1272 = arith.constant 128 : i32
        %mul3A_1273 = arith.muli %add3A_1219, %mul3A_1272 : i32
        %add3A_1274 = arith.constant 64 : i32
        %add3A_1275 = arith.addi %mul3A_1273, %add3A_1274 : i32
        %get3A_1276 = arith.index_cast %add3A_1275 : i32 to index
        %get3A_1277 = tpu.vector_load %arg6[%get3A_1276] {strides = array<i32>} : memref<20000xi32, #tpu.memory_space<vmem>>, vector<16xi32>,
        %get3A_1278 = vector.shape_cast %get3A_1277 : vector<16xi32> to vector<16xi32>
        %add3A_1279 = vector.broadcast %mul3A_554 : i32 to vector<16xi32>
        %add3A_1280 = arith.addi %get3A_1278, %add3A_1279 : vector<16xi32>
        %swap3A_1281 = arith.constant 64 : index
        %swap3A_1282 = tpu.vector_load %arg12[%swap3A_1281] {strides = array<i32>} : memref<128xi32, #tpu.memory_space<vmem>>, vector<16xi32>,
        %swap3A_1283 = vector.shape_cast %swap3A_1282 : vector<16xi32> to vector<16xi32>
        %swap3A_1284 = vector.shape_cast %add3A_1280 : vector<16xi32> to vector<16xi32>
        tpu.vector_store %arg12[%swap3A_1281], %swap3A_1284 {strides = array<i32>} : memref<128xi32, #tpu.memory_space<vmem>>, vector<16xi32>,
        %mul3A_1285 = arith.constant 128 : i32
        %mul3A_1286 = arith.muli %add3A_1219, %mul3A_1285 : i32
        %add3A_1287 = arith.constant 80 : i32
        %add3A_1288 = arith.addi %mul3A_1286, %add3A_1287 : i32
        %get3A_1289 = arith.index_cast %add3A_1288 : i32 to index
        %get3A_1290 = tpu.vector_load %arg6[%get3A_1289] {strides = array<i32>} : memref<20000xi32, #tpu.memory_space<vmem>>, vector<16xi32>,
        %get3A_1291 = vector.shape_cast %get3A_1290 : vector<16xi32> to vector<16xi32>
        %add3A_1292 = vector.broadcast %mul3A_554 : i32 to vector<16xi32>
        %add3A_1293 = arith.addi %get3A_1291, %add3A_1292 : vector<16xi32>
        %swap3A_1294 = arith.constant 80 : index
        %swap3A_1295 = tpu.vector_load %arg12[%swap3A_1294] {strides = array<i32>} : memref<128xi32, #tpu.memory_space<vmem>>, vector<16xi32>,
        %swap3A_1296 = vector.shape_cast %swap3A_1295 : vector<16xi32> to vector<16xi32>
        %swap3A_1297 = vector.shape_cast %add3A_1293 : vector<16xi32> to vector<16xi32>
        tpu.vector_store %arg12[%swap3A_1294], %swap3A_1297 {strides = array<i32>} : memref<128xi32, #tpu.memory_space<vmem>>, vector<16xi32>,
        %mul3A_1298 = arith.constant 128 : i32
        %mul3A_1299 = arith.muli %add3A_1219, %mul3A_1298 : i32
        %add3A_1300 = arith.constant 96 : i32
        %add3A_1301 = arith.addi %mul3A_1299, %add3A_1300 : i32
        %get3A_1302 = arith.index_cast %add3A_1301 : i32 to index
        %get3A_1303 = tpu.vector_load %arg6[%get3A_1302] {strides = array<i32>} : memref<20000xi32, #tpu.memory_space<vmem>>, vector<16xi32>,
        %get3A_1304 = vector.shape_cast %get3A_1303 : vector<16xi32> to vector<16xi32>
        %add3A_1305 = vector.broadcast %mul3A_554 : i32 to vector<16xi32>
        %add3A_1306 = arith.addi %get3A_1304, %add3A_1305 : vector<16xi32>
        %swap3A_1307 = arith.constant 96 : index
        %swap3A_1308 = tpu.vector_load %arg12[%swap3A_1307] {strides = array<i32>} : memref<128xi32, #tpu.memory_space<vmem>>, vector<16xi32>,
        %swap3A_1309 = vector.shape_cast %swap3A_1308 : vector<16xi32> to vector<16xi32>
        %swap3A_1310 = vector.shape_cast %add3A_1306 : vector<16xi32> to vector<16xi32>
        tpu.vector_store %arg12[%swap3A_1307], %swap3A_1310 {strides = array<i32>} : memref<128xi32, #tpu.memory_space<vmem>>, vector<16xi32>,
        %mul3A_1311 = arith.constant 128 : i32
        %mul3A_1312 = arith.muli %add3A_1219, %mul3A_1311 : i32
        %add3A_1313 = arith.constant 112 : i32
        %add3A_1314 = arith.addi %mul3A_1312, %add3A_1313 : i32
        %get3A_1315 = arith.index_cast %add3A_1314 : i32 to index
        %get3A_1316 = tpu.vector_load %arg6[%get3A_1315] {strides = array<i32>} : memref<20000xi32, #tpu.memory_space<vmem>>, vector<16xi32>,
        %get3A_1317 = vector.shape_cast %get3A_1316 : vector<16xi32> to vector<16xi32>
        %add3A_1318 = vector.broadcast %mul3A_554 : i32 to vector<16xi32>
        %add3A_1319 = arith.addi %get3A_1317, %add3A_1318 : vector<16xi32>
        %swap3A_1320 = arith.constant 112 : index
        %swap3A_1321 = tpu.vector_load %arg12[%swap3A_1320] {strides = array<i32>} : memref<128xi32, #tpu.memory_space<vmem>>, vector<16xi32>,
        %swap3A_1322 = vector.shape_cast %swap3A_1321 : vector<16xi32> to vector<16xi32>
        %swap3A_1323 = vector.shape_cast %add3A_1319 : vector<16xi32> to vector<16xi32>
        tpu.vector_store %arg12[%swap3A_1320], %swap3A_1323 {strides = array<i32>} : memref<128xi32, #tpu.memory_space<vmem>>, vector<16xi32>,
        %dma_start3A_1324 = arith.constant 0 : i32
        %dma_start3A_1325 = arith.constant 0 : i32
        %dma_start3A_1326 = tpu.memref_slice %arg2[%dma_start3A_1324, %dma_start3A_1325] : memref<40960x32xf32, #tpu.memory_space<hbm>> -> memref<40960x32xf32, #tpu.memory_space<hbm>>
        tpu.enqueue_indirect_dma source(%dma_start3A_1326 : memref<40960x32xf32, #tpu.memory_space<hbm>>) target(%arg24 : memref<128x32xf32, #tpu.memory_space<vmem>>) offsets(%arg12 : memref<128xi32, #tpu.memory_space<vmem>>) semaphore(%arg35 : memref<!tpu.dma_semaphore, #tpu.memory_space<semaphore_mem>>)
      } else {
      }
      %add3A_1198 = arith.constant 5 : i32
      %add3A_1199 = arith.addi %mul3A_1089, %add3A_1198 : i32
      %add3A_1200 = arith.constant 6 : i32
      %add3A_1201 = arith.addi %add3A_1199, %add3A_1200 : i32
      %lt3A_1202 = arith.constant 156 : i32
      %lt3A_1203 = arith.cmpi slt, %add3A_1201, %lt3A_1202 : i32
      %convert_element_type3A_1204 = arith.extui %lt3A_1203 : i1 to i32
      %cond3A_1205 = arith.constant 0 : i32
      %cond3A_1206 = arith.cmpi ne, %convert_element_type3A_1204, %cond3A_1205 : i32
      scf.if %cond3A_1206 {
        %add3A_1208 = arith.constant 5 : i32
        %add3A_1209 = arith.addi %mul3A_1089, %add3A_1208 : i32
        %mul3A_1210 = arith.constant 128 : i32
        %mul3A_1211 = arith.muli %add3A_1209, %mul3A_1210 : i32
        %dma_wait3A_1212 = tpu.memref_slice %arg7[%mul3A_1211] : memref<20000xi32, #tpu.memory_space<vmem>> -> memref<128xi32, #tpu.memory_space<vmem>>
        %dma_wait3A_1213 = arith.constant 0 : i32
        %dma_wait3A_1214 = arith.constant 0 : i32
        %dma_wait3A_1215 = tpu.memref_slice %arg30[%dma_wait3A_1213, %dma_wait3A_1214] : memref<10240x32xf32, #tpu.memory_space<vmem_shared>> -> memref<10240x32xf32, #tpu.memory_space<vmem_shared>>
        tpu.wait_indirect_dma semaphore(%arg42 : memref<!tpu.dma_semaphore, #tpu.memory_space<semaphore_mem>>) src(%arg25 : memref<128x32xf32, #tpu.memory_space<vmem>>) dst(%dma_wait3A_1215 : memref<10240x32xf32, #tpu.memory_space<vmem_shared>>)
        %add3A_1216 = arith.constant 5 : i32
        %add3A_1217 = arith.addi %mul3A_1089, %add3A_1216 : i32
        %add3A_1218 = arith.constant 6 : i32
        %add3A_1219 = arith.addi %add3A_1217, %add3A_1218 : i32
        %mul3A_1220 = arith.constant 128 : i32
        %mul3A_1221 = arith.muli %add3A_1219, %mul3A_1220 : i32
        %add3A_1222 = arith.constant 0 : i32
        %add3A_1223 = arith.addi %mul3A_1221, %add3A_1222 : i32
        %get3A_1224 = arith.index_cast %add3A_1223 : i32 to index
        %get3A_1225 = tpu.vector_load %arg6[%get3A_1224] {strides = array<i32>} : memref<20000xi32, #tpu.memory_space<vmem>>, vector<16xi32>,
        %get3A_1226 = vector.shape_cast %get3A_1225 : vector<16xi32> to vector<16xi32>
        %add3A_1227 = vector.broadcast %mul3A_554 : i32 to vector<16xi32>
        %add3A_1228 = arith.addi %get3A_1226, %add3A_1227 : vector<16xi32>
        %swap3A_1229 = arith.constant 0 : index
        %swap3A_1230 = tpu.vector_load %arg13[%swap3A_1229] {strides = array<i32>} : memref<128xi32, #tpu.memory_space<vmem>>, vector<16xi32>,
        %swap3A_1231 = vector.shape_cast %swap3A_1230 : vector<16xi32> to vector<16xi32>
        %swap3A_1232 = vector.shape_cast %add3A_1228 : vector<16xi32> to vector<16xi32>
        tpu.vector_store %arg13[%swap3A_1229], %swap3A_1232 {strides = array<i32>} : memref<128xi32, #tpu.memory_space<vmem>>, vector<16xi32>,
        %mul3A_1233 = arith.constant 128 : i32
        %mul3A_1234 = arith.muli %add3A_1219, %mul3A_1233 : i32
        %add3A_1235 = arith.constant 16 : i32
        %add3A_1236 = arith.addi %mul3A_1234, %add3A_1235 : i32
        %get3A_1237 = arith.index_cast %add3A_1236 : i32 to index
        %get3A_1238 = tpu.vector_load %arg6[%get3A_1237] {strides = array<i32>} : memref<20000xi32, #tpu.memory_space<vmem>>, vector<16xi32>,
        %get3A_1239 = vector.shape_cast %get3A_1238 : vector<16xi32> to vector<16xi32>
        %add3A_1240 = vector.broadcast %mul3A_554 : i32 to vector<16xi32>
        %add3A_1241 = arith.addi %get3A_1239, %add3A_1240 : vector<16xi32>
        %swap3A_1242 = arith.constant 16 : index
        %swap3A_1243 = tpu.vector_load %arg13[%swap3A_1242] {strides = array<i32>} : memref<128xi32, #tpu.memory_space<vmem>>, vector<16xi32>,
        %swap3A_1244 = vector.shape_cast %swap3A_1243 : vector<16xi32> to vector<16xi32>
        %swap3A_1245 = vector.shape_cast %add3A_1241 : vector<16xi32> to vector<16xi32>
        tpu.vector_store %arg13[%swap3A_1242], %swap3A_1245 {strides = array<i32>} : memref<128xi32, #tpu.memory_space<vmem>>, vector<16xi32>,
        %mul3A_1246 = arith.constant 128 : i32
        %mul3A_1247 = arith.muli %add3A_1219, %mul3A_1246 : i32
        %add3A_1248 = arith.constant 32 : i32
        %add3A_1249 = arith.addi %mul3A_1247, %add3A_1248 : i32
        %get3A_1250 = arith.index_cast %add3A_1249 : i32 to index
        %get3A_1251 = tpu.vector_load %arg6[%get3A_1250] {strides = array<i32>} : memref<20000xi32, #tpu.memory_space<vmem>>, vector<16xi32>,
        %get3A_1252 = vector.shape_cast %get3A_1251 : vector<16xi32> to vector<16xi32>
        %add3A_1253 = vector.broadcast %mul3A_554 : i32 to vector<16xi32>
        %add3A_1254 = arith.addi %get3A_1252, %add3A_1253 : vector<16xi32>
        %swap3A_1255 = arith.constant 32 : index
        %swap3A_1256 = tpu.vector_load %arg13[%swap3A_1255] {strides = array<i32>} : memref<128xi32, #tpu.memory_space<vmem>>, vector<16xi32>,
        %swap3A_1257 = vector.shape_cast %swap3A_1256 : vector<16xi32> to vector<16xi32>
        %swap3A_1258 = vector.shape_cast %add3A_1254 : vector<16xi32> to vector<16xi32>
        tpu.vector_store %arg13[%swap3A_1255], %swap3A_1258 {strides = array<i32>} : memref<128xi32, #tpu.memory_space<vmem>>, vector<16xi32>,
        %mul3A_1259 = arith.constant 128 : i32
        %mul3A_1260 = arith.muli %add3A_1219, %mul3A_1259 : i32
        %add3A_1261 = arith.constant 48 : i32
        %add3A_1262 = arith.addi %mul3A_1260, %add3A_1261 : i32
        %get3A_1263 = arith.index_cast %add3A_1262 : i32 to index
        %get3A_1264 = tpu.vector_load %arg6[%get3A_1263] {strides = array<i32>} : memref<20000xi32, #tpu.memory_space<vmem>>, vector<16xi32>,
        %get3A_1265 = vector.shape_cast %get3A_1264 : vector<16xi32> to vector<16xi32>
        %add3A_1266 = vector.broadcast %mul3A_554 : i32 to vector<16xi32>
        %add3A_1267 = arith.addi %get3A_1265, %add3A_1266 : vector<16xi32>
        %swap3A_1268 = arith.constant 48 : index
        %swap3A_1269 = tpu.vector_load %arg13[%swap3A_1268] {strides = array<i32>} : memref<128xi32, #tpu.memory_space<vmem>>, vector<16xi32>,
        %swap3A_1270 = vector.shape_cast %swap3A_1269 : vector<16xi32> to vector<16xi32>
        %swap3A_1271 = vector.shape_cast %add3A_1267 : vector<16xi32> to vector<16xi32>
        tpu.vector_store %arg13[%swap3A_1268], %swap3A_1271 {strides = array<i32>} : memref<128xi32, #tpu.memory_space<vmem>>, vector<16xi32>,
        %mul3A_1272 = arith.constant 128 : i32
        %mul3A_1273 = arith.muli %add3A_1219, %mul3A_1272 : i32
        %add3A_1274 = arith.constant 64 : i32
        %add3A_1275 = arith.addi %mul3A_1273, %add3A_1274 : i32
        %get3A_1276 = arith.index_cast %add3A_1275 : i32 to index
        %get3A_1277 = tpu.vector_load %arg6[%get3A_1276] {strides = array<i32>} : memref<20000xi32, #tpu.memory_space<vmem>>, vector<16xi32>,
        %get3A_1278 = vector.shape_cast %get3A_1277 : vector<16xi32> to vector<16xi32>
        %add3A_1279 = vector.broadcast %mul3A_554 : i32 to vector<16xi32>
        %add3A_1280 = arith.addi %get3A_1278, %add3A_1279 : vector<16xi32>
        %swap3A_1281 = arith.constant 64 : index
        %swap3A_1282 = tpu.vector_load %arg13[%swap3A_1281] {strides = array<i32>} : memref<128xi32, #tpu.memory_space<vmem>>, vector<16xi32>,
        %swap3A_1283 = vector.shape_cast %swap3A_1282 : vector<16xi32> to vector<16xi32>
        %swap3A_1284 = vector.shape_cast %add3A_1280 : vector<16xi32> to vector<16xi32>
        tpu.vector_store %arg13[%swap3A_1281], %swap3A_1284 {strides = array<i32>} : memref<128xi32, #tpu.memory_space<vmem>>, vector<16xi32>,
        %mul3A_1285 = arith.constant 128 : i32
        %mul3A_1286 = arith.muli %add3A_1219, %mul3A_1285 : i32
        %add3A_1287 = arith.constant 80 : i32
        %add3A_1288 = arith.addi %mul3A_1286, %add3A_1287 : i32
        %get3A_1289 = arith.index_cast %add3A_1288 : i32 to index
        %get3A_1290 = tpu.vector_load %arg6[%get3A_1289] {strides = array<i32>} : memref<20000xi32, #tpu.memory_space<vmem>>, vector<16xi32>,
        %get3A_1291 = vector.shape_cast %get3A_1290 : vector<16xi32> to vector<16xi32>
        %add3A_1292 = vector.broadcast %mul3A_554 : i32 to vector<16xi32>
        %add3A_1293 = arith.addi %get3A_1291, %add3A_1292 : vector<16xi32>
        %swap3A_1294 = arith.constant 80 : index
        %swap3A_1295 = tpu.vector_load %arg13[%swap3A_1294] {strides = array<i32>} : memref<128xi32, #tpu.memory_space<vmem>>, vector<16xi32>,
        %swap3A_1296 = vector.shape_cast %swap3A_1295 : vector<16xi32> to vector<16xi32>
        %swap3A_1297 = vector.shape_cast %add3A_1293 : vector<16xi32> to vector<16xi32>
        tpu.vector_store %arg13[%swap3A_1294], %swap3A_1297 {strides = array<i32>} : memref<128xi32, #tpu.memory_space<vmem>>, vector<16xi32>,
        %mul3A_1298 = arith.constant 128 : i32
        %mul3A_1299 = arith.muli %add3A_1219, %mul3A_1298 : i32
        %add3A_1300 = arith.constant 96 : i32
        %add3A_1301 = arith.addi %mul3A_1299, %add3A_1300 : i32
        %get3A_1302 = arith.index_cast %add3A_1301 : i32 to index
        %get3A_1303 = tpu.vector_load %arg6[%get3A_1302] {strides = array<i32>} : memref<20000xi32, #tpu.memory_space<vmem>>, vector<16xi32>,
        %get3A_1304 = vector.shape_cast %get3A_1303 : vector<16xi32> to vector<16xi32>
        %add3A_1305 = vector.broadcast %mul3A_554 : i32 to vector<16xi32>
        %add3A_1306 = arith.addi %get3A_1304, %add3A_1305 : vector<16xi32>
        %swap3A_1307 = arith.constant 96 : index
        %swap3A_1308 = tpu.vector_load %arg13[%swap3A_1307] {strides = array<i32>} : memref<128xi32, #tpu.memory_space<vmem>>, vector<16xi32>,
        %swap3A_1309 = vector.shape_cast %swap3A_1308 : vector<16xi32> to vector<16xi32>
        %swap3A_1310 = vector.shape_cast %add3A_1306 : vector<16xi32> to vector<16xi32>
        tpu.vector_store %arg13[%swap3A_1307], %swap3A_1310 {strides = array<i32>} : memref<128xi32, #tpu.memory_space<vmem>>, vector<16xi32>,
        %mul3A_1311 = arith.constant 128 : i32
        %mul3A_1312 = arith.muli %add3A_1219, %mul3A_1311 : i32
        %add3A_1313 = arith.constant 112 : i32
        %add3A_1314 = arith.addi %mul3A_1312, %add3A_1313 : i32
        %get3A_1315 = arith.index_cast %add3A_1314 : i32 to index
        %get3A_1316 = tpu.vector_load %arg6[%get3A_1315] {strides = array<i32>} : memref<20000xi32, #tpu.memory_space<vmem>>, vector<16xi32>,
        %get3A_1317 = vector.shape_cast %get3A_1316 : vector<16xi32> to vector<16xi32>
        %add3A_1318 = vector.broadcast %mul3A_554 : i32 to vector<16xi32>
        %add3A_1319 = arith.addi %get3A_1317, %add3A_1318 : vector<16xi32>
        %swap3A_1320 = arith.constant 112 : index
        %swap3A_1321 = tpu.vector_load %arg13[%swap3A_1320] {strides = array<i32>} : memref<128xi32, #tpu.memory_space<vmem>>, vector<16xi32>,
        %swap3A_1322 = vector.shape_cast %swap3A_1321 : vector<16xi32> to vector<16xi32>
        %swap3A_1323 = vector.shape_cast %add3A_1319 : vector<16xi32> to vector<16xi32>
        tpu.vector_store %arg13[%swap3A_1320], %swap3A_1323 {strides = array<i32>} : memref<128xi32, #tpu.memory_space<vmem>>, vector<16xi32>,
        %dma_start3A_1324 = arith.constant 0 : i32
        %dma_start3A_1325 = arith.constant 0 : i32
        %dma_start3A_1326 = tpu.memref_slice %arg2[%dma_start3A_1324, %dma_start3A_1325] : memref<40960x32xf32, #tpu.memory_space<hbm>> -> memref<40960x32xf32, #tpu.memory_space<hbm>>
        tpu.enqueue_indirect_dma source(%dma_start3A_1326 : memref<40960x32xf32, #tpu.memory_space<hbm>>) target(%arg25 : memref<128x32xf32, #tpu.memory_space<vmem>>) offsets(%arg13 : memref<128xi32, #tpu.memory_space<vmem>>) semaphore(%arg36 : memref<!tpu.dma_semaphore, #tpu.memory_space<semaphore_mem>>)
      } else {
      }
      %scan3A_1207 = arith.constant 0 : i32
      scf.yield %scan3A_1207 : i32
    }
    %scan3A_1011 = arith.constant 26 : i32
    %dma_wait3A_1012 = arith.constant 0 : i32
    %dma_wait3A_1013 = tpu.memref_slice %arg7[%dma_wait3A_1012] : memref<20000xi32, #tpu.memory_space<vmem>> -> memref<128xi32, #tpu.memory_space<vmem>>
    %dma_wait3A_1014 = arith.constant 0 : i32
    %dma_wait3A_1015 = arith.constant 0 : i32
    %dma_wait3A_1016 = tpu.memref_slice %arg30[%dma_wait3A_1014, %dma_wait3A_1015] : memref<10240x32xf32, #tpu.memory_space<vmem_shared>> -> memref<10240x32xf32, #tpu.memory_space<vmem_shared>>
    tpu.wait_indirect_dma semaphore(%arg37 : memref<!tpu.dma_semaphore, #tpu.memory_space<semaphore_mem>>) src(%arg20 : memref<128x32xf32, #tpu.memory_space<vmem>>) dst(%dma_wait3A_1016 : memref<10240x32xf32, #tpu.memory_space<vmem_shared>>)
    %dma_wait3A_1017 = arith.constant 128 : i32
    %dma_wait3A_1018 = tpu.memref_slice %arg7[%dma_wait3A_1017] : memref<20000xi32, #tpu.memory_space<vmem>> -> memref<128xi32, #tpu.memory_space<vmem>>
    %dma_wait3A_1019 = arith.constant 0 : i32
    %dma_wait3A_1020 = arith.constant 0 : i32
    %dma_wait3A_1021 = tpu.memref_slice %arg30[%dma_wait3A_1019, %dma_wait3A_1020] : memref<10240x32xf32, #tpu.memory_space<vmem_shared>> -> memref<10240x32xf32, #tpu.memory_space<vmem_shared>>
    tpu.wait_indirect_dma semaphore(%arg38 : memref<!tpu.dma_semaphore, #tpu.memory_space<semaphore_mem>>) src(%arg21 : memref<128x32xf32, #tpu.memory_space<vmem>>) dst(%dma_wait3A_1021 : memref<10240x32xf32, #tpu.memory_space<vmem_shared>>)
    %dma_wait3A_1022 = arith.constant 256 : i32
    %dma_wait3A_1023 = tpu.memref_slice %arg7[%dma_wait3A_1022] : memref<20000xi32, #tpu.memory_space<vmem>> -> memref<128xi32, #tpu.memory_space<vmem>>
    %dma_wait3A_1024 = arith.constant 0 : i32
    %dma_wait3A_1025 = arith.constant 0 : i32
    %dma_wait3A_1026 = tpu.memref_slice %arg30[%dma_wait3A_1024, %dma_wait3A_1025] : memref<10240x32xf32, #tpu.memory_space<vmem_shared>> -> memref<10240x32xf32, #tpu.memory_space<vmem_shared>>
    tpu.wait_indirect_dma semaphore(%arg39 : memref<!tpu.dma_semaphore, #tpu.memory_space<semaphore_mem>>) src(%arg22 : memref<128x32xf32, #tpu.memory_space<vmem>>) dst(%dma_wait3A_1026 : memref<10240x32xf32, #tpu.memory_space<vmem_shared>>)
    %dma_wait3A_1027 = arith.constant 384 : i32
    %dma_wait3A_1028 = tpu.memref_slice %arg7[%dma_wait3A_1027] : memref<20000xi32, #tpu.memory_space<vmem>> -> memref<128xi32, #tpu.memory_space<vmem>>
    %dma_wait3A_1029 = arith.constant 0 : i32
    %dma_wait3A_1030 = arith.constant 0 : i32
    %dma_wait3A_1031 = tpu.memref_slice %arg30[%dma_wait3A_1029, %dma_wait3A_1030] : memref<10240x32xf32, #tpu.memory_space<vmem_shared>> -> memref<10240x32xf32, #tpu.memory_space<vmem_shared>>
    tpu.wait_indirect_dma semaphore(%arg40 : memref<!tpu.dma_semaphore, #tpu.memory_space<semaphore_mem>>) src(%arg23 : memref<128x32xf32, #tpu.memory_space<vmem>>) dst(%dma_wait3A_1031 : memref<10240x32xf32, #tpu.memory_space<vmem_shared>>)
    %dma_wait3A_1032 = arith.constant 512 : i32
    %dma_wait3A_1033 = tpu.memref_slice %arg7[%dma_wait3A_1032] : memref<20000xi32, #tpu.memory_space<vmem>> -> memref<128xi32, #tpu.memory_space<vmem>>
    %dma_wait3A_1034 = arith.constant 0 : i32
    %dma_wait3A_1035 = arith.constant 0 : i32
    %dma_wait3A_1036 = tpu.memref_slice %arg30[%dma_wait3A_1034, %dma_wait3A_1035] : memref<10240x32xf32, #tpu.memory_space<vmem_shared>> -> memref<10240x32xf32, #tpu.memory_space<vmem_shared>>
    tpu.wait_indirect_dma semaphore(%arg41 : memref<!tpu.dma_semaphore, #tpu.memory_space<semaphore_mem>>) src(%arg24 : memref<128x32xf32, #tpu.memory_space<vmem>>) dst(%dma_wait3A_1036 : memref<10240x32xf32, #tpu.memory_space<vmem_shared>>)
    %dma_wait3A_1037 = arith.constant 640 : i32
    %dma_wait3A_1038 = tpu.memref_slice %arg7[%dma_wait3A_1037] : memref<20000xi32, #tpu.memory_space<vmem>> -> memref<128xi32, #tpu.memory_space<vmem>>
    %dma_wait3A_1039 = arith.constant 0 : i32
    %dma_wait3A_1040 = arith.constant 0 : i32
    %dma_wait3A_1041 = tpu.memref_slice %arg30[%dma_wait3A_1039, %dma_wait3A_1040] : memref<10240x32xf32, #tpu.memory_space<vmem_shared>> -> memref<10240x32xf32, #tpu.memory_space<vmem_shared>>
    tpu.wait_indirect_dma semaphore(%arg42 : memref<!tpu.dma_semaphore, #tpu.memory_space<semaphore_mem>>) src(%arg25 : memref<128x32xf32, #tpu.memory_space<vmem>>) dst(%dma_wait3A_1041 : memref<10240x32xf32, #tpu.memory_space<vmem_shared>>)
    %get3A_1042 = arith.constant 19968 : index
    %get3A_1043 = tpu.vector_load %arg6[%get3A_1042] {strides = array<i32>} : memref<20000xi32, #tpu.memory_space<vmem>>, vector<16xi32>,
    %get3A_1044 = vector.shape_cast %get3A_1043 : vector<16xi32> to vector<16xi32>
    %add3A_1045 = vector.broadcast %mul3A_554 : i32 to vector<16xi32>
    %add3A_1046 = arith.addi %get3A_1044, %add3A_1045 : vector<16xi32>
    %swap3A_1047 = arith.constant 0 : index
    %swap3A_1048 = tpu.vector_load %arg26[%swap3A_1047] {strides = array<i32>} : memref<32xi32, #tpu.memory_space<vmem>>, vector<16xi32>,
    %swap3A_1049 = vector.shape_cast %swap3A_1048 : vector<16xi32> to vector<16xi32>
    %swap3A_1050 = vector.shape_cast %add3A_1046 : vector<16xi32> to vector<16xi32>
    tpu.vector_store %arg26[%swap3A_1047], %swap3A_1050 {strides = array<i32>} : memref<32xi32, #tpu.memory_space<vmem>>, vector<16xi32>,
    %get3A_1051 = arith.constant 19968 : index
    %get3A_1052 = tpu.vector_load %arg7[%get3A_1051] {strides = array<i32>} : memref<20000xi32, #tpu.memory_space<vmem>>, vector<16xi32>,
    %get3A_1053 = vector.shape_cast %get3A_1052 : vector<16xi32> to vector<16xi32>
    %swap3A_1054 = arith.constant 0 : index
    %swap3A_1055 = tpu.vector_load %arg27[%swap3A_1054] {strides = array<i32>} : memref<32xi32, #tpu.memory_space<vmem>>, vector<16xi32>,
    %swap3A_1056 = vector.shape_cast %swap3A_1055 : vector<16xi32> to vector<16xi32>
    %swap3A_1057 = vector.shape_cast %get3A_1053 : vector<16xi32> to vector<16xi32>
    tpu.vector_store %arg27[%swap3A_1054], %swap3A_1057 {strides = array<i32>} : memref<32xi32, #tpu.memory_space<vmem>>, vector<16xi32>,
    %get3A_1058 = arith.constant 19984 : index
    %get3A_1059 = tpu.vector_load %arg6[%get3A_1058] {strides = array<i32>} : memref<20000xi32, #tpu.memory_space<vmem>>, vector<16xi32>,
    %get3A_1060 = vector.shape_cast %get3A_1059 : vector<16xi32> to vector<16xi32>
    %add3A_1061 = vector.broadcast %mul3A_554 : i32 to vector<16xi32>
    %add3A_1062 = arith.addi %get3A_1060, %add3A_1061 : vector<16xi32>
    %swap3A_1063 = arith.constant 16 : index
    %swap3A_1064 = tpu.vector_load %arg26[%swap3A_1063] {strides = array<i32>} : memref<32xi32, #tpu.memory_space<vmem>>, vector<16xi32>,
    %swap3A_1065 = vector.shape_cast %swap3A_1064 : vector<16xi32> to vector<16xi32>
    %swap3A_1066 = vector.shape_cast %add3A_1062 : vector<16xi32> to vector<16xi32>
    tpu.vector_store %arg26[%swap3A_1063], %swap3A_1066 {strides = array<i32>} : memref<32xi32, #tpu.memory_space<vmem>>, vector<16xi32>,
    %get3A_1067 = arith.constant 19984 : index
    %get3A_1068 = tpu.vector_load %arg7[%get3A_1067] {strides = array<i32>} : memref<20000xi32, #tpu.memory_space<vmem>>, vector<16xi32>,
    %get3A_1069 = vector.shape_cast %get3A_1068 : vector<16xi32> to vector<16xi32>
    %swap3A_1070 = arith.constant 16 : index
    %swap3A_1071 = tpu.vector_load %arg27[%swap3A_1070] {strides = array<i32>} : memref<32xi32, #tpu.memory_space<vmem>>, vector<16xi32>,
    %swap3A_1072 = vector.shape_cast %swap3A_1071 : vector<16xi32> to vector<16xi32>
    %swap3A_1073 = vector.shape_cast %get3A_1069 : vector<16xi32> to vector<16xi32>
    tpu.vector_store %arg27[%swap3A_1070], %swap3A_1073 {strides = array<i32>} : memref<32xi32, #tpu.memory_space<vmem>>, vector<16xi32>,
    %dma_start3A_1074 = arith.constant 0 : i32
    %dma_start3A_1075 = arith.constant 0 : i32
    %dma_start3A_1076 = tpu.memref_slice %arg2[%dma_start3A_1074, %dma_start3A_1075] : memref<40960x32xf32, #tpu.memory_space<hbm>> -> memref<40960x32xf32, #tpu.memory_space<hbm>>
    tpu.enqueue_indirect_dma source(%dma_start3A_1076 : memref<40960x32xf32, #tpu.memory_space<hbm>>) target(%arg28 : memref<32x32xf32, #tpu.memory_space<vmem>>) offsets(%arg26 : memref<32xi32, #tpu.memory_space<vmem>>) semaphore(%arg31 : memref<!tpu.dma_semaphore, #tpu.memory_space<semaphore_mem>>)
    %dma_wait3A_1077 = arith.constant 0 : i32
    %dma_wait3A_1078 = arith.constant 0 : i32
    %dma_wait3A_1079 = tpu.memref_slice %arg2[%dma_wait3A_1077, %dma_wait3A_1078] : memref<40960x32xf32, #tpu.memory_space<hbm>> -> memref<40960x32xf32, #tpu.memory_space<hbm>>
    tpu.wait_indirect_dma semaphore(%arg31 : memref<!tpu.dma_semaphore, #tpu.memory_space<semaphore_mem>>) src(%dma_wait3A_1079 : memref<40960x32xf32, #tpu.memory_space<hbm>>) dst(%arg28 : memref<32x32xf32, #tpu.memory_space<vmem>>)
    "tpu.region"() ({
      %run_scoped3A_1086 = tpu.sem_alloc : memref<!tpu.dma_semaphore, #tpu.memory_space<semaphore_mem>>
      %dma_start3A_1087 = arith.constant 0 : i32
      %dma_start3A_1088 = arith.constant 0 : i32
      %dma_start3A_1089 = tpu.memref_slice %arg30[%dma_start3A_1087, %dma_start3A_1088] : memref<10240x32xf32, #tpu.memory_space<vmem_shared>> -> memref<10240x32xf32, #tpu.memory_space<vmem_shared>>
      tpu.enqueue_indirect_dma source(%arg28 : memref<32x32xf32, #tpu.memory_space<vmem>>) target(%dma_start3A_1089 : memref<10240x32xf32, #tpu.memory_space<vmem_shared>>) offsets(%arg27 : memref<32xi32, #tpu.memory_space<vmem>>) semaphore(%run_scoped3A_1086 : memref<!tpu.dma_semaphore, #tpu.memory_space<semaphore_mem>>) {add = true}
      %dma_wait3A_1090 = arith.constant 0 : i32
      %dma_wait3A_1091 = arith.constant 0 : i32
      %dma_wait3A_1092 = tpu.memref_slice %arg30[%dma_wait3A_1090, %dma_wait3A_1091] : memref<10240x32xf32, #tpu.memory_space<vmem_shared>> -> memref<10240x32xf32, #tpu.memory_space<vmem_shared>>
      tpu.wait_indirect_dma semaphore(%run_scoped3A_1086 : memref<!tpu.dma_semaphore, #tpu.memory_space<semaphore_mem>>) src(%arg28 : memref<32x32xf32, #tpu.memory_space<vmem>>) dst(%dma_wait3A_1092 : memref<10240x32xf32, #tpu.memory_space<vmem_shared>>)
      tpu.yield
    }) : () -> ()
    %barrier3A_1080 = arith.constant 0 : index
    tpu.barrier barrier_id(%barrier3A_1080)
    %mul3A_1081 = arith.constant 640 : i32
    %mul3A_1082 = arith.muli %arg1, %mul3A_1081 : i32
    "tpu.region"() ({
      %run_scoped3A_1086 = tpu.sem_alloc : memref<!tpu.dma_semaphore, #tpu.memory_space<semaphore_mem>>
      %dma_start3A_1087 = arith.constant 0 : i32
      %dma_start3A_1088 = tpu.memref_slice %arg30[%mul3A_1082, %dma_start3A_1087] : memref<10240x32xf32, #tpu.memory_space<vmem_shared>> -> memref<640x32xf32, #tpu.memory_space<vmem_shared>>
      %dma_start3A_1089 = arith.constant 0 : i32
      %dma_start3A_1090 = tpu.memref_slice %arg30[%mul3A_1082, %dma_start3A_1089] : memref<10240x32xf32, #tpu.memory_space<vmem_shared>> -> memref<640x32xf32, #tpu.memory_space<vmem_shared>>
      tpu.enqueue_dma source(%dma_start3A_1090 : memref<640x32xf32, #tpu.memory_space<vmem_shared>>) target(%arg29 : memref<640x32xf32, #tpu.memory_space<vmem>>) target_semaphore(%run_scoped3A_1086 : memref<!tpu.dma_semaphore, #tpu.memory_space<semaphore_mem>>)
      %dma_wait3A_1091 = arith.constant 0 : i32
      %dma_wait3A_1092 = tpu.memref_slice %arg30[%mul3A_1082, %dma_wait3A_1091] : memref<10240x32xf32, #tpu.memory_space<vmem_shared>> -> memref<640x32xf32, #tpu.memory_space<vmem_shared>>
      %dma_wait3A_1093 = arith.constant 0 : i32
      %dma_wait3A_1094 = tpu.memref_slice %arg30[%mul3A_1082, %dma_wait3A_1093] : memref<10240x32xf32, #tpu.memory_space<vmem_shared>> -> memref<640x32xf32, #tpu.memory_space<vmem_shared>>
      tpu.wait_dma2 semaphore(%run_scoped3A_1086 : memref<!tpu.dma_semaphore, #tpu.memory_space<semaphore_mem>>) src(%dma_wait3A_1094 : memref<640x32xf32, #tpu.memory_space<vmem_shared>>) dst(%arg29 : memref<640x32xf32, #tpu.memory_space<vmem>>)
      tpu.yield
    }) : () -> ()
    %mul3A_1083 = arith.constant 640 : i32
    %mul3A_1084 = arith.muli %arg1, %mul3A_1083 : i32
    %run_scoped3A_1085 = arith.constant 1 : i32
    "tpu.region"() ({
      %run_scoped3A_1086 = tpu.sem_alloc : memref<!tpu.dma_semaphore, #tpu.memory_space<semaphore_mem>>
      %dma_start3A_1087 = arith.constant 0 : i32
      %dma_start3A_1088 = tpu.memref_slice %arg5[%arg0, %run_scoped3A_1085, %mul3A_1084, %dma_start3A_1087] : memref<2x2x10240x32xf32, #tpu.memory_space<hbm>> -> memref<1x1x640x32xf32, #tpu.memory_space<hbm>>
      %dma_start3A_1089 = tpu.memref_squeeze %dma_start3A_1088 : memref<1x1x640x32xf32, #tpu.memory_space<hbm>> -> memref<640x32xf32, #tpu.memory_space<hbm>>
      %dma_start3A_1090 = arith.constant 0 : i32
      %dma_start3A_1091 = tpu.memref_slice %arg5[%arg0, %run_scoped3A_1085, %mul3A_1084, %dma_start3A_1090] : memref<2x2x10240x32xf32, #tpu.memory_space<hbm>> -> memref<1x1x640x32xf32, #tpu.memory_space<hbm>>
      %dma_start3A_1092 = tpu.memref_squeeze %dma_start3A_1091 : memref<1x1x640x32xf32, #tpu.memory_space<hbm>> -> memref<640x32xf32, #tpu.memory_space<hbm>>
      tpu.enqueue_dma source(%arg29 : memref<640x32xf32, #tpu.memory_space<vmem>>) target(%dma_start3A_1092 : memref<640x32xf32, #tpu.memory_space<hbm>>) target_semaphore(%run_scoped3A_1086 : memref<!tpu.dma_semaphore, #tpu.memory_space<semaphore_mem>>)
      %dma_wait3A_1093 = arith.constant 0 : i32
      %dma_wait3A_1094 = tpu.memref_slice %arg5[%arg0, %run_scoped3A_1085, %mul3A_1084, %dma_wait3A_1093] : memref<2x2x10240x32xf32, #tpu.memory_space<hbm>> -> memref<1x1x640x32xf32, #tpu.memory_space<hbm>>
      %dma_wait3A_1095 = tpu.memref_squeeze %dma_wait3A_1094 : memref<1x1x640x32xf32, #tpu.memory_space<hbm>> -> memref<640x32xf32, #tpu.memory_space<hbm>>
      %dma_wait3A_1096 = arith.constant 0 : i32
      %dma_wait3A_1097 = tpu.memref_slice %arg5[%arg0, %run_scoped3A_1085, %mul3A_1084, %dma_wait3A_1096] : memref<2x2x10240x32xf32, #tpu.memory_space<hbm>> -> memref<1x1x640x32xf32, #tpu.memory_space<hbm>>
      %dma_wait3A_1098 = tpu.memref_squeeze %dma_wait3A_1097 : memref<1x1x640x32xf32, #tpu.memory_space<hbm>> -> memref<640x32xf32, #tpu.memory_space<hbm>>
      tpu.wait_dma2 semaphore(%run_scoped3A_1086 : memref<!tpu.dma_semaphore, #tpu.memory_space<semaphore_mem>>) src(%arg29 : memref<640x32xf32, #tpu.memory_space<vmem>>) dst(%dma_wait3A_1098 : memref<640x32xf32, #tpu.memory_space<hbm>>)
      tpu.yield
    }) : () -> ()
    return
  }
}

module attributes {stable_mosaic.version = 14 : i64} {
  func.func @_lin0_body(%arg0: i32, %arg1: memref<2000x128xf32, #tpu.memory_space<vmem>>, %arg2: memref<128x128xf32, #tpu.memory_space<vmem>>, %arg3: memref<1x128xf32, #tpu.memory_space<vmem>>, %arg4: memref<2x2x2000x32xf32, #tpu.memory_space<vmem>>) attributes {dimension_semantics = [#tpu.dimension_semantics<arbitrary>], iteration_bounds = array<i64: 5>, scalar_prefetch = 0 : i64, scratch_operands = 0 : i64, tpu.core_type = #tpu.core_type<tc>, window_params = [{transform_indices = @transform_0, window_bounds = array<i64: 2000, 128>}, {pipeline_mode = #tpu.pipeline_mode<synchronous>, transform_indices = @transform_1, window_bounds = array<i64: 128, 128>}, {pipeline_mode = #tpu.pipeline_mode<synchronous>, transform_indices = @transform_2, window_bounds = array<i64: 1, 128>}, {transform_indices = @transform_3, window_bounds = array<i64: 2, 2, 2000, 32>}]} {
    %get3A = arith.constant 0 : index
    %get3A_0 = arith.constant 0 : index
    %get3A_1 = vector.load %arg1[%get3A, %get3A_0] : memref<2000x128xf32, #tpu.memory_space<vmem>>, vector<2000x128xf32>
    %get3A_2 = arith.constant 0 : index
    %get3A_3 = arith.constant 0 : index
    %get3A_4 = vector.load %arg2[%get3A_2, %get3A_3] : memref<128x128xf32, #tpu.memory_space<vmem>>, vector<128x128xf32>
    %dot_general3A = arith.constant dense<0.000000e+00> : vector<2000x128xf32>
    %dot_general3A_5 = tpu.matmul %get3A_1, %get3A_4, %dot_general3A {dimension_numbers = #tpu.dot_dimension_numbers<[1], [0], [0], [1], [0, 0, 1, 1], [], []>, transpose_lhs_hint = false} : vector<2000x128xf32>, vector<128x128xf32>, vector<2000x128xf32> -> vector<2000x128xf32>
    %get3A_6 = arith.constant 0 : index
    %get3A_7 = arith.constant 0 : index
    %get3A_8 = vector.load %arg3[%get3A_6, %get3A_7] : memref<1x128xf32, #tpu.memory_space<vmem>>, vector<1x128xf32>
    %add3A = vector.broadcast %get3A_8 : vector<1x128xf32> to vector<2000x128xf32>
    %add3A_9 = arith.addf %dot_general3A_5, %add3A : vector<2000x128xf32>
    %slice3A = vector.extract_strided_slice %add3A_9 {offsets = [0, 0], sizes = [2000, 32], strides = [1, 1]} : vector<2000x128xf32> to vector<2000x32xf32>
    %swap3A = arith.constant 0 : index
    %swap3A_10 = arith.constant 0 : index
    %swap3A_11 = arith.constant 0 : index
    %swap3A_12 = arith.constant 0 : index
    %swap3A_13 = vector.load %arg4[%swap3A, %swap3A_10, %swap3A_11, %swap3A_12] : memref<2x2x2000x32xf32, #tpu.memory_space<vmem>>, vector<1x1x2000x32xf32>
    %swap3A_14 = vector.shape_cast %swap3A_13 : vector<1x1x2000x32xf32> to vector<2000x32xf32>
    %swap3A_15 = vector.shape_cast %slice3A : vector<2000x32xf32> to vector<1x1x2000x32xf32>
    tpu.vector_store %arg4[%swap3A, %swap3A_10, %swap3A_11, %swap3A_12], %swap3A_15 {strides = array<i32>} : memref<2x2x2000x32xf32, #tpu.memory_space<vmem>>, vector<1x1x2000x32xf32>,
    %slice3A_16 = vector.extract_strided_slice %add3A_9 {offsets = [0, 32], sizes = [2000, 32], strides = [1, 1]} : vector<2000x128xf32> to vector<2000x32xf32>
    %swap3A_17 = arith.constant 0 : index
    %swap3A_18 = arith.constant 1 : index
    %swap3A_19 = arith.constant 0 : index
    %swap3A_20 = arith.constant 0 : index
    %swap3A_21 = vector.load %arg4[%swap3A_17, %swap3A_18, %swap3A_19, %swap3A_20] : memref<2x2x2000x32xf32, #tpu.memory_space<vmem>>, vector<1x1x2000x32xf32>
    %swap3A_22 = vector.shape_cast %swap3A_21 : vector<1x1x2000x32xf32> to vector<2000x32xf32>
    %swap3A_23 = vector.shape_cast %slice3A_16 : vector<2000x32xf32> to vector<1x1x2000x32xf32>
    tpu.vector_store %arg4[%swap3A_17, %swap3A_18, %swap3A_19, %swap3A_20], %swap3A_23 {strides = array<i32>} : memref<2x2x2000x32xf32, #tpu.memory_space<vmem>>, vector<1x1x2000x32xf32>,
    %slice3A_24 = vector.extract_strided_slice %add3A_9 {offsets = [0, 64], sizes = [2000, 32], strides = [1, 1]} : vector<2000x128xf32> to vector<2000x32xf32>
    %swap3A_25 = arith.constant 1 : index
    %swap3A_26 = arith.constant 0 : index
    %swap3A_27 = arith.constant 0 : index
    %swap3A_28 = arith.constant 0 : index
    %swap3A_29 = vector.load %arg4[%swap3A_25, %swap3A_26, %swap3A_27, %swap3A_28] : memref<2x2x2000x32xf32, #tpu.memory_space<vmem>>, vector<1x1x2000x32xf32>
    %swap3A_30 = vector.shape_cast %swap3A_29 : vector<1x1x2000x32xf32> to vector<2000x32xf32>
    %swap3A_31 = vector.shape_cast %slice3A_24 : vector<2000x32xf32> to vector<1x1x2000x32xf32>
    tpu.vector_store %arg4[%swap3A_25, %swap3A_26, %swap3A_27, %swap3A_28], %swap3A_31 {strides = array<i32>} : memref<2x2x2000x32xf32, #tpu.memory_space<vmem>>, vector<1x1x2000x32xf32>,
    %slice3A_32 = vector.extract_strided_slice %add3A_9 {offsets = [0, 96], sizes = [2000, 32], strides = [1, 1]} : vector<2000x128xf32> to vector<2000x32xf32>
    %swap3A_33 = arith.constant 1 : index
    %swap3A_34 = arith.constant 1 : index
    %swap3A_35 = arith.constant 0 : index
    %swap3A_36 = arith.constant 0 : index
    %swap3A_37 = vector.load %arg4[%swap3A_33, %swap3A_34, %swap3A_35, %swap3A_36] : memref<2x2x2000x32xf32, #tpu.memory_space<vmem>>, vector<1x1x2000x32xf32>
    %swap3A_38 = vector.shape_cast %swap3A_37 : vector<1x1x2000x32xf32> to vector<2000x32xf32>
    %swap3A_39 = vector.shape_cast %slice3A_32 : vector<2000x32xf32> to vector<1x1x2000x32xf32>
    tpu.vector_store %arg4[%swap3A_33, %swap3A_34, %swap3A_35, %swap3A_36], %swap3A_39 {strides = array<i32>} : memref<2x2x2000x32xf32, #tpu.memory_space<vmem>>, vector<1x1x2000x32xf32>,
    return
  }
  func.func @transform_0(%arg0: i32) -> (i32, i32) {
    %c0_i32 = arith.constant 0 : i32
    %c0_i32_0 = arith.constant 0 : i32
    return %arg0, %c0_i32 : i32, i32
  }
  func.func @transform_1(%arg0: i32) -> (i32, i32) {
    %c0_i32 = arith.constant 0 : i32
    %c0_i32_0 = arith.constant 0 : i32
    %c0_i32_1 = arith.constant 0 : i32
    return %c0_i32, %c0_i32_0 : i32, i32
  }
  func.func @transform_2(%arg0: i32) -> (i32, i32) {
    %c0_i32 = arith.constant 0 : i32
    %c0_i32_0 = arith.constant 0 : i32
    %c0_i32_1 = arith.constant 0 : i32
    return %c0_i32, %c0_i32_0 : i32, i32
  }
  func.func @transform_3(%arg0: i32) -> (i32, i32, i32, i32) {
    %c0_i32 = arith.constant 0 : i32
    %c0_i32_0 = arith.constant 0 : i32
    %c0_i32_1 = arith.constant 0 : i32
    %c0_i32_2 = arith.constant 0 : i32
    return %c0_i32, %c0_i32_0, %arg0, %c0_i32_1 : i32, i32, i32, i32
  }
}

module attributes {stable_mosaic.version = 14 : i64} {
  func.func @_mlp1_body(%arg0: i32, %arg1: memref<2x2x2000x32xf32, #tpu.memory_space<vmem>>, %arg2: memref<2x2x2000x32xf32, #tpu.memory_space<vmem>>, %arg3: memref<128x128xf32, #tpu.memory_space<vmem>>, %arg4: memref<1x128xf32, #tpu.memory_space<vmem>>, %arg5: memref<128x128xf32, #tpu.memory_space<vmem>>, %arg6: memref<1x128xf32, #tpu.memory_space<vmem>>, %arg7: memref<2000x128xf32, #tpu.memory_space<vmem>>, %arg8: memref<1x128xf32, #tpu.memory_space<vmem>>, %arg9: memref<1x128xf32, #tpu.memory_space<vmem>>, %arg10: memref<8x128xf32, #tpu.memory_space<vmem>>) attributes {dimension_semantics = [#tpu.dimension_semantics<arbitrary>], iteration_bounds = array<i64: 5>, scalar_prefetch = 0 : i64, scratch_operands = 1 : i64, tpu.core_type = #tpu.core_type<tc>, window_params = [{transform_indices = @transform_0, window_bounds = array<i64: 2, 2, 2000, 32>}, {transform_indices = @transform_1, window_bounds = array<i64: 2, 2, 2000, 32>}, {pipeline_mode = #tpu.pipeline_mode<synchronous>, transform_indices = @transform_2, window_bounds = array<i64: 128, 128>}, {pipeline_mode = #tpu.pipeline_mode<synchronous>, transform_indices = @transform_3, window_bounds = array<i64: 1, 128>}, {pipeline_mode = #tpu.pipeline_mode<synchronous>, transform_indices = @transform_4, window_bounds = array<i64: 128, 128>}, {pipeline_mode = #tpu.pipeline_mode<synchronous>, transform_indices = @transform_5, window_bounds = array<i64: 1, 128>}, {transform_indices = @transform_6, window_bounds = array<i64: 2000, 128>}, {pipeline_mode = #tpu.pipeline_mode<synchronous>, transform_indices = @transform_7, window_bounds = array<i64: 1, 128>}, {pipeline_mode = #tpu.pipeline_mode<synchronous>, transform_indices = @transform_8, window_bounds = array<i64: 1, 128>}]} {
    %get3A = arith.constant 0 : index
    %get3A_0 = arith.constant 0 : index
    %get3A_1 = arith.constant 0 : index
    %get3A_2 = arith.constant 0 : index
    %get3A_3 = vector.load %arg1[%get3A, %get3A_0, %get3A_1, %get3A_2] : memref<2x2x2000x32xf32, #tpu.memory_space<vmem>>, vector<1x1x2000x32xf32>
    %get3A_4 = vector.shape_cast %get3A_3 : vector<1x1x2000x32xf32> to vector<2000x32xf32>
    %get3A_5 = arith.constant 0 : index
    %get3A_6 = arith.constant 0 : index
    %get3A_7 = arith.constant 0 : index
    %get3A_8 = arith.constant 0 : index
    %get3A_9 = vector.load %arg2[%get3A_5, %get3A_6, %get3A_7, %get3A_8] : memref<2x2x2000x32xf32, #tpu.memory_space<vmem>>, vector<1x1x2000x32xf32>
    %get3A_10 = vector.shape_cast %get3A_9 : vector<1x1x2000x32xf32> to vector<2000x32xf32>
    %add3A = arith.addf %get3A_4, %get3A_10 : vector<2000x32xf32>
    %get3A_11 = arith.constant 0 : index
    %get3A_12 = arith.constant 1 : index
    %get3A_13 = arith.constant 0 : index
    %get3A_14 = arith.constant 0 : index
    %get3A_15 = vector.load %arg1[%get3A_11, %get3A_12, %get3A_13, %get3A_14] : memref<2x2x2000x32xf32, #tpu.memory_space<vmem>>, vector<1x1x2000x32xf32>
    %get3A_16 = vector.shape_cast %get3A_15 : vector<1x1x2000x32xf32> to vector<2000x32xf32>
    %get3A_17 = arith.constant 0 : index
    %get3A_18 = arith.constant 1 : index
    %get3A_19 = arith.constant 0 : index
    %get3A_20 = arith.constant 0 : index
    %get3A_21 = vector.load %arg2[%get3A_17, %get3A_18, %get3A_19, %get3A_20] : memref<2x2x2000x32xf32, #tpu.memory_space<vmem>>, vector<1x1x2000x32xf32>
    %get3A_22 = vector.shape_cast %get3A_21 : vector<1x1x2000x32xf32> to vector<2000x32xf32>
    %add3A_23 = arith.addf %get3A_16, %get3A_22 : vector<2000x32xf32>
    %get3A_24 = arith.constant 1 : index
    %get3A_25 = arith.constant 0 : index
    %get3A_26 = arith.constant 0 : index
    %get3A_27 = arith.constant 0 : index
    %get3A_28 = vector.load %arg1[%get3A_24, %get3A_25, %get3A_26, %get3A_27] : memref<2x2x2000x32xf32, #tpu.memory_space<vmem>>, vector<1x1x2000x32xf32>
    %get3A_29 = vector.shape_cast %get3A_28 : vector<1x1x2000x32xf32> to vector<2000x32xf32>
    %get3A_30 = arith.constant 1 : index
    %get3A_31 = arith.constant 0 : index
    %get3A_32 = arith.constant 0 : index
    %get3A_33 = arith.constant 0 : index
    %get3A_34 = vector.load %arg2[%get3A_30, %get3A_31, %get3A_32, %get3A_33] : memref<2x2x2000x32xf32, #tpu.memory_space<vmem>>, vector<1x1x2000x32xf32>
    %get3A_35 = vector.shape_cast %get3A_34 : vector<1x1x2000x32xf32> to vector<2000x32xf32>
    %add3A_36 = arith.addf %get3A_29, %get3A_35 : vector<2000x32xf32>
    %get3A_37 = arith.constant 1 : index
    %get3A_38 = arith.constant 1 : index
    %get3A_39 = arith.constant 0 : index
    %get3A_40 = arith.constant 0 : index
    %get3A_41 = vector.load %arg1[%get3A_37, %get3A_38, %get3A_39, %get3A_40] : memref<2x2x2000x32xf32, #tpu.memory_space<vmem>>, vector<1x1x2000x32xf32>
    %get3A_42 = vector.shape_cast %get3A_41 : vector<1x1x2000x32xf32> to vector<2000x32xf32>
    %get3A_43 = arith.constant 1 : index
    %get3A_44 = arith.constant 1 : index
    %get3A_45 = arith.constant 0 : index
    %get3A_46 = arith.constant 0 : index
    %get3A_47 = vector.load %arg2[%get3A_43, %get3A_44, %get3A_45, %get3A_46] : memref<2x2x2000x32xf32, #tpu.memory_space<vmem>>, vector<1x1x2000x32xf32>
    %get3A_48 = vector.shape_cast %get3A_47 : vector<1x1x2000x32xf32> to vector<2000x32xf32>
    %add3A_49 = arith.addf %get3A_42, %get3A_48 : vector<2000x32xf32>
    %concatenate3A = tpu.concatenate %add3A, %add3A_23, %add3A_36, %add3A_49 in 1 : vector<2000x32xf32>, vector<2000x32xf32>, vector<2000x32xf32>, vector<2000x32xf32> -> vector<2000x128xf32>
    %get3A_50 = arith.constant 0 : index
    %get3A_51 = arith.constant 0 : index
    %get3A_52 = vector.load %arg3[%get3A_50, %get3A_51] : memref<128x128xf32, #tpu.memory_space<vmem>>, vector<128x128xf32>
    %dot_general3A = arith.constant dense<0.000000e+00> : vector<2000x128xf32>
    %dot_general3A_53 = tpu.matmul %concatenate3A, %get3A_52, %dot_general3A {dimension_numbers = #tpu.dot_dimension_numbers<[1], [0], [0], [1], [0, 0, 1, 1], [], []>, transpose_lhs_hint = false} : vector<2000x128xf32>, vector<128x128xf32>, vector<2000x128xf32> -> vector<2000x128xf32>
    %get3A_54 = arith.constant 0 : index
    %get3A_55 = arith.constant 0 : index
    %get3A_56 = vector.load %arg4[%get3A_54, %get3A_55] : memref<1x128xf32, #tpu.memory_space<vmem>>, vector<1x128xf32>
    %add3A_57 = vector.broadcast %get3A_56 : vector<1x128xf32> to vector<2000x128xf32>
    %add3A_58 = arith.addf %dot_general3A_53, %add3A_57 : vector<2000x128xf32>
    %max3A = arith.constant 0.000000e+00 : f32
    %max3A_59 = vector.broadcast %max3A : f32 to vector<2000x128xf32>
    %max3A_60 = arith.maximumf %add3A_58, %max3A_59 : vector<2000x128xf32>
    %get3A_61 = arith.constant 0 : index
    %get3A_62 = arith.constant 0 : index
    %get3A_63 = vector.load %arg5[%get3A_61, %get3A_62] : memref<128x128xf32, #tpu.memory_space<vmem>>, vector<128x128xf32>
    %dot_general3A_64 = arith.constant dense<0.000000e+00> : vector<2000x128xf32>
    %dot_general3A_65 = tpu.matmul %max3A_60, %get3A_63, %dot_general3A_64 {dimension_numbers = #tpu.dot_dimension_numbers<[1], [0], [0], [1], [0, 0, 1, 1], [], []>, transpose_lhs_hint = false} : vector<2000x128xf32>, vector<128x128xf32>, vector<2000x128xf32> -> vector<2000x128xf32>
    %get3A_66 = arith.constant 0 : index
    %get3A_67 = arith.constant 0 : index
    %get3A_68 = vector.load %arg6[%get3A_66, %get3A_67] : memref<1x128xf32, #tpu.memory_space<vmem>>, vector<1x128xf32>
    %add3A_69 = vector.broadcast %get3A_68 : vector<1x128xf32> to vector<2000x128xf32>
    %add3A_70 = arith.addf %dot_general3A_65, %add3A_69 : vector<2000x128xf32>
    %max3A_71 = arith.constant 0.000000e+00 : f32
    %max3A_72 = vector.broadcast %max3A_71 : f32 to vector<2000x128xf32>
    %max3A_73 = arith.maximumf %add3A_70, %max3A_72 : vector<2000x128xf32>
    %swap3A = arith.constant 0 : index
    %swap3A_74 = arith.constant 0 : index
    %swap3A_75 = vector.load %arg7[%swap3A, %swap3A_74] : memref<2000x128xf32, #tpu.memory_space<vmem>>, vector<2000x128xf32>
    tpu.vector_store %arg7[%swap3A, %swap3A_74], %max3A_73 {strides = array<i32>} : memref<2000x128xf32, #tpu.memory_space<vmem>>, vector<2000x128xf32>,
    %reduce_sum3A = arith.constant dense<0.000000e+00> : vector<128xf32>
    %reduce_sum3A_76 = vector.multi_reduction <add>, %max3A_73, %reduce_sum3A [0] : vector<2000x128xf32> to vector<128xf32>
    %broadcast_in_dim3A = vector.shape_cast %reduce_sum3A_76 : vector<128xf32> to vector<1x128xf32>
    %mul3A = arith.mulf %max3A_73, %max3A_73 : vector<2000x128xf32>
    %reduce_sum3A_77 = arith.constant dense<0.000000e+00> : vector<128xf32>
    %reduce_sum3A_78 = vector.multi_reduction <add>, %mul3A, %reduce_sum3A_77 [0] : vector<2000x128xf32> to vector<128xf32>
    %broadcast_in_dim3A_79 = vector.shape_cast %reduce_sum3A_78 : vector<128xf32> to vector<1x128xf32>
    %eq3A = arith.constant 0 : i32
    %eq3A_80 = arith.cmpi eq, %arg0, %eq3A : i32
    %convert_element_type3A = arith.extui %eq3A_80 : i1 to i32
    %cond3A = arith.constant 0 : i32
    %cond3A_81 = arith.cmpi ne, %convert_element_type3A, %cond3A : i32
    scf.if %cond3A_81 {
      %swap3A_98 = arith.constant 0 : index
      %swap3A_99 = arith.constant 0 : index
      %swap3A_100 = vector.load %arg10[%swap3A_98, %swap3A_99] : memref<8x128xf32, #tpu.memory_space<vmem>>, vector<1x128xf32>
      tpu.vector_store %arg10[%swap3A_98, %swap3A_99], %broadcast_in_dim3A {strides = array<i32>} : memref<8x128xf32, #tpu.memory_space<vmem>>, vector<1x128xf32>,
      %swap3A_101 = arith.constant 1 : index
      %swap3A_102 = arith.constant 0 : index
      %swap3A_103 = vector.load %arg10[%swap3A_101, %swap3A_102] : memref<8x128xf32, #tpu.memory_space<vmem>>, vector<1x128xf32>
      tpu.vector_store %arg10[%swap3A_101, %swap3A_102], %broadcast_in_dim3A_79 {strides = array<i32>} : memref<8x128xf32, #tpu.memory_space<vmem>>, vector<1x128xf32>,
    } else {
    }
    %gt3A = arith.constant 0 : i32
    %gt3A_82 = arith.cmpi sgt, %arg0, %gt3A : i32
    %convert_element_type3A_83 = arith.extui %gt3A_82 : i1 to i32
    %cond3A_84 = arith.constant 0 : i32
    %cond3A_85 = arith.cmpi ne, %convert_element_type3A_83, %cond3A_84 : i32
    scf.if %cond3A_85 {
      %get3A_98 = arith.constant 0 : index
      %get3A_99 = arith.constant 0 : index
      %get3A_100 = vector.load %arg10[%get3A_98, %get3A_99] : memref<8x128xf32, #tpu.memory_space<vmem>>, vector<1x128xf32>
      %add3A_101 = arith.addf %get3A_100, %broadcast_in_dim3A : vector<1x128xf32>
      %swap3A_102 = arith.constant 0 : index
      %swap3A_103 = arith.constant 0 : index
      %swap3A_104 = vector.load %arg10[%swap3A_102, %swap3A_103] : memref<8x128xf32, #tpu.memory_space<vmem>>, vector<1x128xf32>
      tpu.vector_store %arg10[%swap3A_102, %swap3A_103], %add3A_101 {strides = array<i32>} : memref<8x128xf32, #tpu.memory_space<vmem>>, vector<1x128xf32>,
      %get3A_105 = arith.constant 1 : index
      %get3A_106 = arith.constant 0 : index
      %get3A_107 = vector.load %arg10[%get3A_105, %get3A_106] : memref<8x128xf32, #tpu.memory_space<vmem>>, vector<1x128xf32>
      %add3A_108 = arith.addf %get3A_107, %broadcast_in_dim3A_79 : vector<1x128xf32>
      %swap3A_109 = arith.constant 1 : index
      %swap3A_110 = arith.constant 0 : index
      %swap3A_111 = vector.load %arg10[%swap3A_109, %swap3A_110] : memref<8x128xf32, #tpu.memory_space<vmem>>, vector<1x128xf32>
      tpu.vector_store %arg10[%swap3A_109, %swap3A_110], %add3A_108 {strides = array<i32>} : memref<8x128xf32, #tpu.memory_space<vmem>>, vector<1x128xf32>,
    } else {
    }
    %get3A_86 = arith.constant 0 : index
    %get3A_87 = arith.constant 0 : index
    %get3A_88 = vector.load %arg10[%get3A_86, %get3A_87] : memref<8x128xf32, #tpu.memory_space<vmem>>, vector<1x128xf32>
    %swap3A_89 = arith.constant 0 : index
    %swap3A_90 = arith.constant 0 : index
    %swap3A_91 = vector.load %arg8[%swap3A_89, %swap3A_90] : memref<1x128xf32, #tpu.memory_space<vmem>>, vector<1x128xf32>
    tpu.vector_store %arg8[%swap3A_89, %swap3A_90], %get3A_88 {strides = array<i32>} : memref<1x128xf32, #tpu.memory_space<vmem>>, vector<1x128xf32>,
    %get3A_92 = arith.constant 1 : index
    %get3A_93 = arith.constant 0 : index
    %get3A_94 = vector.load %arg10[%get3A_92, %get3A_93] : memref<8x128xf32, #tpu.memory_space<vmem>>, vector<1x128xf32>
    %swap3A_95 = arith.constant 0 : index
    %swap3A_96 = arith.constant 0 : index
    %swap3A_97 = vector.load %arg9[%swap3A_95, %swap3A_96] : memref<1x128xf32, #tpu.memory_space<vmem>>, vector<1x128xf32>
    tpu.vector_store %arg9[%swap3A_95, %swap3A_96], %get3A_94 {strides = array<i32>} : memref<1x128xf32, #tpu.memory_space<vmem>>, vector<1x128xf32>,
    return
  }
  func.func @transform_0(%arg0: i32) -> (i32, i32, i32, i32) {
    %c0_i32 = arith.constant 0 : i32
    %c0_i32_0 = arith.constant 0 : i32
    %c0_i32_1 = arith.constant 0 : i32
    %c0_i32_2 = arith.constant 0 : i32
    return %c0_i32, %c0_i32_0, %arg0, %c0_i32_1 : i32, i32, i32, i32
  }
  func.func @transform_1(%arg0: i32) -> (i32, i32, i32, i32) {
    %c0_i32 = arith.constant 0 : i32
    %c0_i32_0 = arith.constant 0 : i32
    %c0_i32_1 = arith.constant 0 : i32
    %c0_i32_2 = arith.constant 0 : i32
    return %c0_i32, %c0_i32_0, %arg0, %c0_i32_1 : i32, i32, i32, i32
  }
  func.func @transform_2(%arg0: i32) -> (i32, i32) {
    %c0_i32 = arith.constant 0 : i32
    %c0_i32_0 = arith.constant 0 : i32
    %c0_i32_1 = arith.constant 0 : i32
    return %c0_i32, %c0_i32_0 : i32, i32
  }
  func.func @transform_3(%arg0: i32) -> (i32, i32) {
    %c0_i32 = arith.constant 0 : i32
    %c0_i32_0 = arith.constant 0 : i32
    %c0_i32_1 = arith.constant 0 : i32
    return %c0_i32, %c0_i32_0 : i32, i32
  }
  func.func @transform_4(%arg0: i32) -> (i32, i32) {
    %c0_i32 = arith.constant 0 : i32
    %c0_i32_0 = arith.constant 0 : i32
    %c0_i32_1 = arith.constant 0 : i32
    return %c0_i32, %c0_i32_0 : i32, i32
  }
  func.func @transform_5(%arg0: i32) -> (i32, i32) {
    %c0_i32 = arith.constant 0 : i32
    %c0_i32_0 = arith.constant 0 : i32
    %c0_i32_1 = arith.constant 0 : i32
    return %c0_i32, %c0_i32_0 : i32, i32
  }
  func.func @transform_6(%arg0: i32) -> (i32, i32) {
    %c0_i32 = arith.constant 0 : i32
    %c0_i32_0 = arith.constant 0 : i32
    return %arg0, %c0_i32 : i32, i32
  }
  func.func @transform_7(%arg0: i32) -> (i32, i32) {
    %c0_i32 = arith.constant 0 : i32
    %c0_i32_0 = arith.constant 0 : i32
    %c0_i32_1 = arith.constant 0 : i32
    return %c0_i32, %c0_i32_0 : i32, i32
  }
  func.func @transform_8(%arg0: i32) -> (i32, i32) {
    %c0_i32 = arith.constant 0 : i32
    %c0_i32_0 = arith.constant 0 : i32
    %c0_i32_1 = arith.constant 0 : i32
    return %c0_i32, %c0_i32_0 : i32, i32
  }
}

module attributes {stable_mosaic.version = 14 : i64} {
  func.func @_mlp2_body(%arg0: i32, %arg1: memref<2000x128xf32, #tpu.memory_space<vmem>>, %arg2: memref<1x128xf32, #tpu.memory_space<vmem>>, %arg3: memref<1x128xf32, #tpu.memory_space<vmem>>, %arg4: memref<1x128xf32, #tpu.memory_space<vmem>>, %arg5: memref<1x128xf32, #tpu.memory_space<vmem>>, %arg6: memref<2000x128xf32, #tpu.memory_space<vmem>>, %arg7: memref<2x2x2000x32xf32, #tpu.memory_space<vmem>>) attributes {dimension_semantics = [#tpu.dimension_semantics<arbitrary>], iteration_bounds = array<i64: 5>, scalar_prefetch = 0 : i64, scratch_operands = 0 : i64, tpu.core_type = #tpu.core_type<tc>, window_params = [{transform_indices = @transform_0, window_bounds = array<i64: 2000, 128>}, {pipeline_mode = #tpu.pipeline_mode<synchronous>, transform_indices = @transform_1, window_bounds = array<i64: 1, 128>}, {pipeline_mode = #tpu.pipeline_mode<synchronous>, transform_indices = @transform_2, window_bounds = array<i64: 1, 128>}, {pipeline_mode = #tpu.pipeline_mode<synchronous>, transform_indices = @transform_3, window_bounds = array<i64: 1, 128>}, {pipeline_mode = #tpu.pipeline_mode<synchronous>, transform_indices = @transform_4, window_bounds = array<i64: 1, 128>}, {transform_indices = @transform_5, window_bounds = array<i64: 2000, 128>}, {transform_indices = @transform_6, window_bounds = array<i64: 2, 2, 2000, 32>}]} {
    %get3A = arith.constant 0 : index
    %get3A_0 = arith.constant 0 : index
    %get3A_1 = vector.load %arg2[%get3A, %get3A_0] : memref<1x128xf32, #tpu.memory_space<vmem>>, vector<1x128xf32>
    %div3A = arith.constant 1.000000e+04 : f32
    %div3A_2 = vector.broadcast %div3A : f32 to vector<1x128xf32>
    %div3A_3 = arith.divf %get3A_1, %div3A_2 : vector<1x128xf32>
    %get3A_4 = arith.constant 0 : index
    %get3A_5 = arith.constant 0 : index
    %get3A_6 = vector.load %arg3[%get3A_4, %get3A_5] : memref<1x128xf32, #tpu.memory_space<vmem>>, vector<1x128xf32>
    %div3A_7 = arith.constant 1.000000e+04 : f32
    %div3A_8 = vector.broadcast %div3A_7 : f32 to vector<1x128xf32>
    %div3A_9 = arith.divf %get3A_6, %div3A_8 : vector<1x128xf32>
    %mul3A = arith.mulf %div3A_3, %div3A_3 : vector<1x128xf32>
    %sub3A = arith.subf %div3A_9, %mul3A : vector<1x128xf32>
    %get3A_10 = arith.constant 0 : index
    %get3A_11 = arith.constant 0 : index
    %get3A_12 = vector.load %arg1[%get3A_10, %get3A_11] : memref<2000x128xf32, #tpu.memory_space<vmem>>, vector<2000x128xf32>
    %sub3A_13 = vector.broadcast %div3A_3 : vector<1x128xf32> to vector<2000x128xf32>
    %sub3A_14 = arith.subf %get3A_12, %sub3A_13 : vector<2000x128xf32>
    %add3A = arith.constant 9.99999974E-6 : f32
    %add3A_15 = vector.broadcast %add3A : f32 to vector<1x128xf32>
    %add3A_16 = arith.addf %sub3A, %add3A_15 : vector<1x128xf32>
    %rsqrt3A = math.rsqrt %add3A_16 : vector<1x128xf32>
    %mul3A_17 = vector.broadcast %rsqrt3A : vector<1x128xf32> to vector<2000x128xf32>
    %mul3A_18 = arith.mulf %sub3A_14, %mul3A_17 : vector<2000x128xf32>
    %get3A_19 = arith.constant 0 : index
    %get3A_20 = arith.constant 0 : index
    %get3A_21 = vector.load %arg4[%get3A_19, %get3A_20] : memref<1x128xf32, #tpu.memory_space<vmem>>, vector<1x128xf32>
    %mul3A_22 = vector.broadcast %get3A_21 : vector<1x128xf32> to vector<2000x128xf32>
    %mul3A_23 = arith.mulf %mul3A_18, %mul3A_22 : vector<2000x128xf32>
    %get3A_24 = arith.constant 0 : index
    %get3A_25 = arith.constant 0 : index
    %get3A_26 = vector.load %arg5[%get3A_24, %get3A_25] : memref<1x128xf32, #tpu.memory_space<vmem>>, vector<1x128xf32>
    %add3A_27 = vector.broadcast %get3A_26 : vector<1x128xf32> to vector<2000x128xf32>
    %add3A_28 = arith.addf %mul3A_23, %add3A_27 : vector<2000x128xf32>
    %tanh3A = math.tanh %add3A_28 : vector<2000x128xf32>
    %swap3A = arith.constant 0 : index
    %swap3A_29 = arith.constant 0 : index
    %swap3A_30 = vector.load %arg6[%swap3A, %swap3A_29] : memref<2000x128xf32, #tpu.memory_space<vmem>>, vector<2000x128xf32>
    tpu.vector_store %arg6[%swap3A, %swap3A_29], %tanh3A {strides = array<i32>} : memref<2000x128xf32, #tpu.memory_space<vmem>>, vector<2000x128xf32>,
    %slice3A = vector.extract_strided_slice %tanh3A {offsets = [0, 0], sizes = [2000, 32], strides = [1, 1]} : vector<2000x128xf32> to vector<2000x32xf32>
    %swap3A_31 = arith.constant 0 : index
    %swap3A_32 = arith.constant 0 : index
    %swap3A_33 = arith.constant 0 : index
    %swap3A_34 = arith.constant 0 : index
    %swap3A_35 = vector.load %arg7[%swap3A_31, %swap3A_32, %swap3A_33, %swap3A_34] : memref<2x2x2000x32xf32, #tpu.memory_space<vmem>>, vector<1x1x2000x32xf32>
    %swap3A_36 = vector.shape_cast %swap3A_35 : vector<1x1x2000x32xf32> to vector<2000x32xf32>
    %swap3A_37 = vector.shape_cast %slice3A : vector<2000x32xf32> to vector<1x1x2000x32xf32>
    tpu.vector_store %arg7[%swap3A_31, %swap3A_32, %swap3A_33, %swap3A_34], %swap3A_37 {strides = array<i32>} : memref<2x2x2000x32xf32, #tpu.memory_space<vmem>>, vector<1x1x2000x32xf32>,
    %slice3A_38 = vector.extract_strided_slice %tanh3A {offsets = [0, 32], sizes = [2000, 32], strides = [1, 1]} : vector<2000x128xf32> to vector<2000x32xf32>
    %swap3A_39 = arith.constant 0 : index
    %swap3A_40 = arith.constant 1 : index
    %swap3A_41 = arith.constant 0 : index
    %swap3A_42 = arith.constant 0 : index
    %swap3A_43 = vector.load %arg7[%swap3A_39, %swap3A_40, %swap3A_41, %swap3A_42] : memref<2x2x2000x32xf32, #tpu.memory_space<vmem>>, vector<1x1x2000x32xf32>
    %swap3A_44 = vector.shape_cast %swap3A_43 : vector<1x1x2000x32xf32> to vector<2000x32xf32>
    %swap3A_45 = vector.shape_cast %slice3A_38 : vector<2000x32xf32> to vector<1x1x2000x32xf32>
    tpu.vector_store %arg7[%swap3A_39, %swap3A_40, %swap3A_41, %swap3A_42], %swap3A_45 {strides = array<i32>} : memref<2x2x2000x32xf32, #tpu.memory_space<vmem>>, vector<1x1x2000x32xf32>,
    %slice3A_46 = vector.extract_strided_slice %tanh3A {offsets = [0, 64], sizes = [2000, 32], strides = [1, 1]} : vector<2000x128xf32> to vector<2000x32xf32>
    %swap3A_47 = arith.constant 1 : index
    %swap3A_48 = arith.constant 0 : index
    %swap3A_49 = arith.constant 0 : index
    %swap3A_50 = arith.constant 0 : index
    %swap3A_51 = vector.load %arg7[%swap3A_47, %swap3A_48, %swap3A_49, %swap3A_50] : memref<2x2x2000x32xf32, #tpu.memory_space<vmem>>, vector<1x1x2000x32xf32>
    %swap3A_52 = vector.shape_cast %swap3A_51 : vector<1x1x2000x32xf32> to vector<2000x32xf32>
    %swap3A_53 = vector.shape_cast %slice3A_46 : vector<2000x32xf32> to vector<1x1x2000x32xf32>
    tpu.vector_store %arg7[%swap3A_47, %swap3A_48, %swap3A_49, %swap3A_50], %swap3A_53 {strides = array<i32>} : memref<2x2x2000x32xf32, #tpu.memory_space<vmem>>, vector<1x1x2000x32xf32>,
    %slice3A_54 = vector.extract_strided_slice %tanh3A {offsets = [0, 96], sizes = [2000, 32], strides = [1, 1]} : vector<2000x128xf32> to vector<2000x32xf32>
    %swap3A_55 = arith.constant 1 : index
    %swap3A_56 = arith.constant 1 : index
    %swap3A_57 = arith.constant 0 : index
    %swap3A_58 = arith.constant 0 : index
    %swap3A_59 = vector.load %arg7[%swap3A_55, %swap3A_56, %swap3A_57, %swap3A_58] : memref<2x2x2000x32xf32, #tpu.memory_space<vmem>>, vector<1x1x2000x32xf32>
    %swap3A_60 = vector.shape_cast %swap3A_59 : vector<1x1x2000x32xf32> to vector<2000x32xf32>
    %swap3A_61 = vector.shape_cast %slice3A_54 : vector<2000x32xf32> to vector<1x1x2000x32xf32>
    tpu.vector_store %arg7[%swap3A_55, %swap3A_56, %swap3A_57, %swap3A_58], %swap3A_61 {strides = array<i32>} : memref<2x2x2000x32xf32, #tpu.memory_space<vmem>>, vector<1x1x2000x32xf32>,
    return
  }
  func.func @transform_0(%arg0: i32) -> (i32, i32) {
    %c0_i32 = arith.constant 0 : i32
    %c0_i32_0 = arith.constant 0 : i32
    return %arg0, %c0_i32 : i32, i32
  }
  func.func @transform_1(%arg0: i32) -> (i32, i32) {
    %c0_i32 = arith.constant 0 : i32
    %c0_i32_0 = arith.constant 0 : i32
    %c0_i32_1 = arith.constant 0 : i32
    return %c0_i32, %c0_i32_0 : i32, i32
  }
  func.func @transform_2(%arg0: i32) -> (i32, i32) {
    %c0_i32 = arith.constant 0 : i32
    %c0_i32_0 = arith.constant 0 : i32
    %c0_i32_1 = arith.constant 0 : i32
    return %c0_i32, %c0_i32_0 : i32, i32
  }
  func.func @transform_3(%arg0: i32) -> (i32, i32) {
    %c0_i32 = arith.constant 0 : i32
    %c0_i32_0 = arith.constant 0 : i32
    %c0_i32_1 = arith.constant 0 : i32
    return %c0_i32, %c0_i32_0 : i32, i32
  }
  func.func @transform_4(%arg0: i32) -> (i32, i32) {
    %c0_i32 = arith.constant 0 : i32
    %c0_i32_0 = arith.constant 0 : i32
    %c0_i32_1 = arith.constant 0 : i32
    return %c0_i32, %c0_i32_0 : i32, i32
  }
  func.func @transform_5(%arg0: i32) -> (i32, i32) {
    %c0_i32 = arith.constant 0 : i32
    %c0_i32_0 = arith.constant 0 : i32
    return %arg0, %c0_i32 : i32, i32
  }
  func.func @transform_6(%arg0: i32) -> (i32, i32, i32, i32) {
    %c0_i32 = arith.constant 0 : i32
    %c0_i32_0 = arith.constant 0 : i32
    %c0_i32_1 = arith.constant 0 : i32
    %c0_i32_2 = arith.constant 0 : i32
    return %c0_i32, %c0_i32_0, %arg0, %c0_i32_1 : i32, i32, i32, i32
  }
}

</mosaic_0001>

<sc_bundles>
// kernel: closed_call.17.cloned.1.call-start
scs
__scs_entry_jumppad:
0x0: {  	(pc) =	sbr.rel $0x88, $3  }
0x1: {  	(tag) =	ssettag $0x0;
	lr =	simm.s32 $0x1  }
0x2: {  	[smem:$0x3F97] =	sst lr;
	_ =	strace $0xD0000000  }
0x3: {  	_ = 	snop  }
0x4: {  	_ = 	snop  }
0x5: {  	_ = 	snop  }
0x6: {  	_ = 	snop  }
0x7: {  	_ = 	snop  }
__scs_overlays_trampoline_lowered:
0x8: {  	[smem:$0x3FA6] =	sst s0  }
0x9: {  	[smem:$0x3FA7] =	sst s1  }
0xa: {  	[smem:$0x3FA8] =	sst s2  }
0xb: {  	[smem:$0x3FA9] =	sst s3  }
0xc: {  	[smem:$0x3FAA] =	sst s4  }
0xd: {  	[smem:$0x3FAB] =	sst s5  }
0xe: {  	[smem:$0x3FAC] =	sst s6  }
0xf: {  	[smem:$0x3FAD] =	sst s7  }
0x10: {  	[smem:$0x3FAE] =	sst s8  }
0x11: {  	[smem:$0x3FAF] =	sst s9;
	s0 =	simm.s32 @!p0 $0x0  }
0x12: {  	s1 =	sld [smem:$0x3F95];
	s0 =	simm.s32 @p0 $0x1  }
0x13: {  	[smem:$0x3FB0] =	sst s0;
	s0 =	simm.s32 @!p1 $0x0  }
0x14: {  	s2 =	sld [smem:$0x3F94];
	s0 =	simm.s32 @p1 $0x1  }
0x15: {  	[smem:$0x3FB1] =	sst s0;
	s0 =	simm.s32 @!p2 $0x0  }
0x16: {  	s3 =	sld [smem:$0x3FDB];
	s0 =	simm.s32 @p2 $0x1  }
0x17: {  	s4 =	simm.s32 $0x1BF5;
	[smem:$0x3FB3] =	sst s0  }
0x18: {  	s0 =	sld [smem:$0x3F96];
	_ =	swait.ge [sflag:s4], $0x0  }
0x19: {  	s7 =	sld [smem:$0x3F97]  }
0x1a: {  	s8 =	sadd.s32 $0xFFFFE003, lr  }
0x1b: {  	s9 =	sadd.s32 $0xFFFFFEF7, lr;
	s5 =	simm.s32 $0xFFFFFFFF;
	p2 =	slt.u32 s8, $0xFFFFF086  }
0x1c: {  	p1 =	slt.u32 s9, $0xF7A;
	s5 =	simm.s32 @!p2 $0x0  }
0x1d: {  	s5 =	simm.s32 @p1 $0x1;
	p0 =	seq.s32 s7, s2  }
0x1e: {  	s7 =	smul.u32 @!p0 $0xF7A, s2;
	p2 =	seq.s32 @!p0 s5, $0x0  }
0x1f: {  	s9 =	smul.u32 $0xF7A, s1;
	s8 =	simm.s32 @!p0 $0x1BF5;
	p2 =	por !p2, p0  }
0x20: {  	[sflag:s8] =	ssyncset.s32 @!p0 $0xFFFFF086;
	s6 =	sadd.s32 @!p0 s3, s7;
	s7 =	simm.s32 @!p0 $0x108  }
0x21: {  	s3 =	sadd.s32 s3, s9;
	s6 =	sadd.s32 @!p0 $0x88, s6;
	s7 =	simm.s32 @p2 $0x1082  }
0x22: {  	[simem:s7], [sflag:s8] =	dma.local @!p0 [hbm:s6], $0xF7A  }
0x23: {  	s9 =	sor.u32 $0xD0000000, s2;
	s6 =	simm.s32 $0x108;
	_ =	swait.ge @!p0 [sflag:s8], $0x0  }
0x24: {  	s3 =	sadd.s32 $0x88, s3;
	s6 =	simm.s32 @!p1 $0x1082;
	[sflag:s4] =	ssyncset.s32 $0xFFFFF086  }
0x25: {  	[simem:s6], [sflag:s4] =	dma.local [hbm:s3], $0xF7A  }
0x26: {  	[smem:$0x3F97] =	sst s1;
	(tag) =	ssettag s2;
	_ =	strace s9  }
0x27: {  	s1 =	sld [smem:$0x3FA7]  }
0x28: {  	s2 =	sld [smem:$0x3FA8]  }
0x29: {  	s4 =	sld [smem:$0x3FAA]  }
0x2a: {  	p0 =	seq.s32 s5, $0x0;
	s5 =	sld [smem:$0x3FAB]  }
0x2b: {  	s6 =	sld [smem:$0x3FAC]  }
0x2c: {  	s7 =	sld [smem:$0x3FAD]  }
0x2d: {  	s3 =	simm.s32 $0x108;
	s8 =	sld [smem:$0x3FAE]  }
0x2e: {  	s3 =	simm.s32 @!p0 $0x1082;
	s9 =	sld [smem:$0x3FAF]  }
0x2f: {  	lr =	sadd.s32 s0, s3;
	s0 =	sld [smem:$0x3FA6]  }
0x30: {  	s3 =	sld [smem:$0x3FA9]  }
0x31: {  	[smem:$0x3FB2] =	sst s10  }
0x32: {  	s10 =	sld [smem:$0x3FB0];
	_ =	sdelay $0x3  }
0x33: {  	p0 =	seq.s32 s10, $0x1;
	s10 =	sld [smem:$0x3FB2];
	_ =	sdelay $0x3  }
0x34: {  	[smem:$0x3FB2] =	sst s10  }
0x35: {  	s10 =	sld [smem:$0x3FB1];
	_ =	sdelay $0x3  }
0x36: {  	p1 =	seq.s32 s10, $0x1;
	s10 =	sld [smem:$0x3FB2];
	_ =	sdelay $0x3  }
0x37: {  	[smem:$0x3FB2] =	sst s10  }
0x38: {  	s10 =	sld [smem:$0x3FB3]  }
0x39: {  	_ = 	snop;
	(pc) =	sbr.ind lr, $3  }
0x3a: {  	_ = 	snop  }
0x3b: {  	_ = 	snop  }
0x3c: {  	p2 =	seq.s32 s10, $0x1;
	s10 =	sld [smem:$0x3FB2]  }
0x3d: {  	_ =	shalt  }
0x3e: {  	_ =	shalt  }
0x3f: {  	_ =	shalt  }
0x40: {  	_ =	shalt  }
0x41: {  	_ =	shalt  }
0x42: {  	_ =	shalt  }
0x43: {  	_ =	shalt  }
0x44: {  	_ =	shalt  }
0x45: {  	_ =	shalt  }
0x46: {  	_ =	shalt  }
0x47: {  	_ =	shalt  }
0x48: {  	_ =	shalt  }
0x49: {  	_ =	shalt  }
0x4a: {  	_ =	shalt  }
0x4b: {  	_ =	shalt  }
0x4c: {  	_ =	shalt  }
0x4d: {  	_ =	shalt  }
0x4e: {  	_ =	shalt  }
0x4f: {  	_ =	shalt  }
0x50: {  	_ =	shalt  }
0x51: {  	_ =	shalt  }
0x52: {  	_ =	shalt  }
0x53: {  	_ =	shalt  }
0x54: {  	_ =	shalt  }
0x55: {  	_ =	shalt  }
0x56: {  	_ =	shalt  }
0x57: {  	_ =	shalt  }
0x58: {  	_ =	shalt  }
0x59: {  	_ =	shalt  }
0x5a: {  	_ =	shalt  }
0x5b: {  	_ =	shalt  }
0x5c: {  	_ =	shalt  }
0x5d: {  	_ =	shalt  }
0x5e: {  	_ =	shalt  }
0x5f: {  	_ =	shalt  }
0x60: {  	_ =	shalt  }
0x61: {  	_ =	shalt  }
0x62: {  	_ =	shalt  }
0x63: {  	_ =	shalt  }
0x64: {  	_ =	shalt  }
0x65: {  	_ =	shalt  }
0x66: {  	_ =	shalt  }
0x67: {  	_ =	shalt  }
0x68: {  	_ =	shalt  }
0x69: {  	_ =	shalt  }
0x6a: {  	_ =	shalt  }
0x6b: {  	_ =	shalt  }
0x6c: {  	_ =	shalt  }
0x6d: {  	_ =	shalt  }
0x6e: {  	_ =	shalt  }
0x6f: {  	_ =	shalt  }
0x70: {  	_ =	shalt  }
0x71: {  	_ =	shalt  }
0x72: {  	_ =	shalt  }
0x73: {  	_ =	shalt  }
0x74: {  	_ =	shalt  }
0x75: {  	_ =	shalt  }
0x76: {  	_ =	shalt  }
0x77: {  	_ =	shalt  }
0x78: {  	_ =	shalt  }
0x79: {  	_ =	shalt  }
0x7a: {  	_ =	shalt  }
0x7b: {  	_ =	shalt  }
0x7c: {  	_ =	shalt  }
0x7d: {  	_ =	shalt  }
0x7e: {  	_ =	shalt  }
0x7f: {  	_ =	shalt  }
0x80: {  	_ =	shalt  }
0x81: {  	_ =	shalt  }
0x82: {  	_ =	shalt  }
0x83: {  	_ =	shalt  }
0x84: {  	_ =	shalt  }
0x85: {  	_ =	shalt  }
0x86: {  	_ =	shalt  }
0x87: {  	_ =	shalt  }
.Lfunc_end0:
.L_simem_size_0:
called_computation_lowered:
.L_overlay_start_0:
0x88: {  	s2 =	sld [smem:$0x3FD9]  }
0x89: {  	s3 =	sld [smem:$0x3FFE];
	_ =	sdelay $0x1  }
0x8a: {  	s1 =	srdreg.scid  }
0x8b: {  	s0 =	sand.u32 $0x1, s1  }
0x8c: {  	s14 =	sshll.u32 s0, $0xA;
	s2 =	sadd.s32 s3, s2  }
0x8d: {  	s2 =	sadd.s32 s2, s14  }
0x8e: {  	[smem:$0x3FBE] =	sst s2  }
0x8f: {  	_ = 	snop  }
0x90: {  	s2 =	sld [smem:$0x3FD0];
	_ =	sdelay $0x2  }
0x91: {  	s15 =	simm.s32 $0xA;
	s4 =	simm.s32 $0x10  }
0x92: {  	[smem:s4], [sflag:s15] =	dma.local [hbm:s2], $0x1  }
0x93: {  	_ =	swait.eq [sflag:s15], $0x1  }
0x94: {  	[sflag:s15] =	ssyncset.done $0x0  }
0x95: {  	s16 =	sld [smem:$0x10];
	[sflag:s15] =	ssyncadd.s32 $0xFFFFFFFF  }
0x96: {  	s17 =	sld [smem:$0x13];
	(tm) =	ssettm $0x1  }
0x97: {  	s18 =	sld [smem:$0x3FFB];
	_ =	sdelay $0x3  }
0x98: {  	_ =	strace s18  }
0x99: {  	s4 =	sld [smem:$0x3FFC];
	_ =	sdelay $0x3  }
0x9a: {  	_ =	strace s4  }
0x9b: {  	s4 =	sld [smem:$0x3FFD];
	_ =	sdelay $0x3  }
0x9c: {  	_ =	strace s4  }
0x9d: {  	_ =	strace $0x8FFFFFFF  }
0x9e: {  	s19 =	sld [smem:$0x3FDB];
	_ =	sdelay $0x1  }
0x9f: {  	s5 =	simm.s32 $_scs_section_size  }
0xa0: {  	s6 =	simm.s32 $_size__tile_overlayer_lowered;
	s7 =	simm.s32 $_tile_overlayer_lowered  }
0xa1: {  	s22 =	simm.s32 $0x1BFF;
	s21 =	sshll.u32 s7, $0x1;
	s4 =	sadd.s32 s5, s19  }
0xa2: {  	s8 =	simm.s32 $0x0;
	s20 =	sshll.u32 s6, $0x1;
	s6 =	sadd.s32 s21, s4  }
0xa3: {  	[timem:s8], [sflag:s22] =	dma.local [hbm:s6], s20  }
0xa4: {  	_ =	swait.ge [sflag:s22], s20  }
0xa5: {  	s5 =	ssub.s32 $0x0, s20;
	[sflag:s22] =	ssyncset.done $0x0  }
0xa6: {  	[sflag:s22] =	ssyncadd.s32 s5;
	_ =	sdelay $0x1  }
0xa7: {  	s23 =	simm.s32 $0x1B8B  }
0xa8: {  	_ =	swait.ge [sflag:s23], $0x1  }
0xa9: {  	[sflag:s23] =	ssyncset.done $0x0  }
0xaa: {  	s25 =	simm.s32 $0x1B8E;
	s24 =	sld [smem:$0x3FFE];
	[sflag:s23] =	ssyncadd.s32 $0xFFFFFFFF  }
0xab: {  	s26 =	simm.s32 $execute0_lowered;
	[smem:$0x3FD2] =	sst s25  }
0xac: {  	s6 =	sshll.u32 s26, $0x1;
	_ =	strace $0x80000046;
	[dreg:$0x1] =	wrdreg $0xFFFFFFFF  }
0xad: {  	s28 =	simm.s32 $_size_execute0_lowered;
	s4 =	sadd.s32 s4, s6;
	[dreg:$0x0] =	wrdreg $0x0  }
0xae: {  	s6 =	sshll.u32 s28, $0x1;
	[dreg:$0x2] =	wrdreg s4  }
0xaf: {  	[dreg:$0x3] =	wrdreg s6  }
0xb0: {  	[dreg:$0x4] =	wrdreg $0xC0  }
0xb1: {  	_ =	task [dreg:s8], $0x5FFFF  }
0xb2: {  	[dreg:$0x1] =	wrdreg $0xFFFFFFFF  }
0xb3: {  	[dreg:$0x0] =	wrdreg $0x60  }
0xb4: {  	[dreg:$0x2] =	wrdreg s24  }
0xb5: {  	[dreg:$0x3] =	wrdreg s17  }
0xb6: {  	[dreg:$0x4] =	wrdreg s16  }
0xb7: {  	[dreg:$0x5] =	wrdreg $0x153800  }
0xb8: {  	[dreg:$0x6] =	wrdreg $0x9  }
0xb9: {  	_ =	task.clear_ibuf [dreg:s8], $0x7FFFF;
	_ =	strace $0x90000046  }
0xba: {  	s29 =	simm.s32 $0x9;
	_ =	strace $0x80000048  }
0xbb: {  	_ =	swait.ge [sflag:s29], $0x1  }
0xbc: {  	[sflag:s29] =	ssyncadd.s32 $0xFFFFFFFF  }
0xbd: {  	_ =	strace $0x90000048  }
0xbe: {  	_ =	sfence  }
0xbf: {  	s30 =	sld [smem:$0x0];
	_ =	sdelay $0x2  }
0xc0: {  	s31 =	sshll.u32 s1, $0xD;
	s1 =	sshrl.u32 s1, $0x2  }
0xc1: {  	s3 =	sand.u32 $0x4000, s31;
	s1 =	sadd.s32 s1, s30  }
0xc2: {  	s0 =	sor.u32 s3, s0;
	s1 =	sshll.u32 s1, $0x11  }
0xc3: {  	s0 =	sor.u32 s1, s0  }
0xc4: {  	s0 =	sadd.s32 $0x8F2B, s0  }
0xc5: {  	[sflag:s0] =	ssyncadd.remote.s32 $0x1  }
0xc6: {  	_ =	sfence.sel $0xFFFF  }
0xc7: {  	[dreg:$0x0] =	wrdreg $0xFFFFFFFF;
	(pc) =	sbr.abs _section_cstart, $3  }
0xc8: {  	[dreg:$0x1] =	wrdreg $0xFFFFFFFF  }
0xc9: {  	_ =	task.clear_ibuf [dreg:s8], $0x2FFFF;
	_ =	strace $0x9FFFFFFF  }
0xca: {  	(tm) =	ssettm $0x7FFFFFFF  }
0xcb: {  	_ =	shalt  }
tec
execute0_lowered:
.L_overlay_start_1:
0x0: {  	(tag) =	ssettag $0x1  }
0x1: {  	s0 =	rddreg [dreg:$0x0]  }
0x2: {  	s1 =	rddreg [dreg:$0x1]  }
0x3: {  	s3 =	rddreg [dreg:$0x2]  }
0x4: {  	s4 =	srdreg.scid;
	s9 =	stileid.u32  }
0x5: {  	s2 =	rddreg [dreg:$0x3];
	s11 =	simm.s32 $0x0;
	s15 =	simm.s32 $0x10380  }
0x6: {  	s14 =	simm.s32 $0x80;
	s16 =	simm.s32 $0x9F40;
	s17 =	simm.s32 $0x9CC0  }
0x7: {  	s18 =	simm.s32 $0xAF40;
	s19 =	simm.s32 $0x9D40;
	s20 =	simm.s32 $0xBF40  }
0x8: {  	s21 =	simm.s32 $0x9DC0;
	s28 =	simm.s32 $0x1;
	s29 =	simm.s32 $0x2  }
0x9: {  	s30 =	simm.s32 $0x3;
	s31 =	simm.s32 $0x4;
	s6 =	smul.u32 $0x5000, s9  }
0xa: {  	s12 =	simm.s32 $0x7;
	s5 =	sand.u32 $0x1, s4;
	s9 =	smul.u32 $0x9C4, s9  }
0xb: {  	s10 =	simm.s32 $0xC;
	[smem:$0x7FF] =	sst s11;
	s4 =	smul.u32 $0xA0000, s5  }
0xc: {  	_ =	strace $0x80000047;
	s8 =	ssub.s32 $0x2, s5;
	s13 =	smul.u32 $0x5000, s5  }
0xd: {  	s5 =	simm.s32 $0x8;
	s22 =	sshrl.u32 s8, $0x1;
	s1 =	sadd.s32 s1, s9  }
0xe: {  	s23 =	sadd.s32 s3, s9;
	s24 =	sadd.s32 s6, s2;
	[dreg:$0x5] =	wrdreg s1  }
0xf: {  	s9 =	simm.s32 $0xB;
	s4 =	sadd.s32 s6, s4;
	[dreg:$0x6] =	wrdreg s23  }
0x10: {  	[dreg:$0x7] =	wrdreg s24;
	s3 =	sadd.s32 $0x2800, s13;
	s23 =	simm.s32 $0x9E40  }
0x11: {  	s24 =	simm.s32 $0xDF40;
	s1 =	simm.s32 $0x5;
	s7 =	sshrl.u32 s4, $0x3  }
0x12: {  	s6 =	simm.s32 $0x9;
	s4 =	sadd.s32 $0x78200, s0;
	s0 =	sadd.s32 s7, s0  }
.Ltmp0:
0x13: {  	v0 =	vmov s13;
	s13 =	simm.s32 $0x0;
	s25 =	sadd.s32 $0xA0200, s0;
	(pc) =	sbr.rel .LBB2_1-.Ltmp0, $4  }
0x14: {  	s7 =	ssub.s32 s8, s22;
	s0 =	sadd.s32 $0xAA200, s0;
	[dreg:$0x8] =	wrdreg s25  }
0x15: {  	s22 =	simm.s32 $0xCF40;
	s26 =	smax.u32 s7, $0x1;
	[dreg:$0x9] =	wrdreg s0  }
0x16: {  	s8 =	simm.s32 $0xA;
	s7 =	simm.s32 $0xD;
	[dreg:$0xa] =	wrdreg s26  }
0x17: {  	v2 =	vimm.f32 $0.0e+00;
	v1 =	vmov s3;
	s25 =	simm.s32 $0x9EC0;
	s26 =	simm.s32 $0xEF40;
	s0 =	simm.s32 $0x6  }
.LBB2_11:
0x18: {  	_ =	swait.ge [sflag:s5], $0x1000  }
0x19: {  	[sflag:s5] =	ssyncset.done $0x0  }
0x1a: {  	[sflag:s5] =	ssyncadd.s32 $0xFFFFF000  }
0x1b: {  	_ =	swait.ge [sflag:s6], $0x1000  }
0x1c: {  	[sflag:s6] =	ssyncset.done $0x0  }
0x1d: {  	[sflag:s6] =	ssyncadd.s32 $0xFFFFF000  }
0x1e: {  	_ =	swait.ge [sflag:s8], $0x1000  }
0x1f: {  	[sflag:s8] =	ssyncset.done $0x0  }
0x20: {  	[sflag:s8] =	ssyncadd.s32 $0xFFFFF000  }
0x21: {  	_ =	swait.ge [sflag:s9], $0x1000  }
0x22: {  	[sflag:s9] =	ssyncset.done $0x0  }
0x23: {  	[sflag:s9] =	ssyncadd.s32 $0xFFFFF000  }
0x24: {  	_ =	swait.ge [sflag:s10], $0x1000  }
0x25: {  	[sflag:s10] =	ssyncset.done $0x0  }
0x26: {  	[sflag:s10] =	ssyncadd.s32 $0xFFFFF000  }
0x27: {  	v3 =	vld [tilespmem:$0x4E00]  }
0x28: {  	v4 =	vld [tilespmem:$0x9C20]  }
0x29: {  	v6 =	vld [tilespmem:$0x9C30]  }
0x2a: {  	v5 =	vld [tilespmem:$0x4E10];
	_ =	sdelay $0x2  }
0x2b: {  	[tilespmem:$0xFF60] =	vst v4  }
0x2c: {  	v3 =	vadd.s32 v1, v3;
	[tilespmem:$0xFF70] =	vst v6  }
0x2d: {  	[tilespmem:$0xFF40] =	vst v3;
	v3 =	vadd.s32 v1, v5  }
0x2e: {  	s3 =	simm.s32 $0x20;
	s7 =	simm.s32 $0xFF40;
	s13 =	simm.s32 $0xFF80;
	[tilespmem:$0xFF50] =	vst v3  }
0x2f: {  	[tilespmem:s13], [sflag:$0x1] =	stream.indirect.gather [hbm4b:s4+s3], $0x20, s7, s3, $0xb8;
	[tilespmem:$0x1A380] =	vst v63  }
0x30: {  	_ =	swait.ge [sflag:s28], $0x400  }
0x31: {  	[sflag:s28] =	ssyncset.done $0x0  }
0x32: {  	s15 =	simm.s32 $0xFF60;
	s7 =	simm.s32 $0xD;
	[sflag:s28] =	ssyncadd.s32 $0xFFFFFC00  }
0x33: {  	[spmem:s2] =	stream.indirect.scatter.add.f32 [tilespmem:s13], [sflag:$0xD], $0x20, s15, s3, $0xb8;
	[tilespmem:$0x1A380] =	vst v63  }
0x34: {  	_ =	swait.ge [sflag:s7], $0x400  }
0x35: {  	[sflag:s7] =	ssyncset.done $0x0  }
0x36: {  	[sflag:s7] =	ssyncadd.s32 $0xFFFFFC00  }
0x37: {  	[bflag:$0x0] =	sbarrier.arrive $0xFFFF  }
0x38: {  	s13 =	simm.s32 $0x10380;
	s15 =	rddreg [dreg:$0x7]  }
0x39: {  	[tilespmem:s13], [sflag:$0xD] =	stream.linear.gather [spmem:s15], $0x5000, $0x38;
	[tilespmem:$0x1A380] =	vst v63  }
0x3a: {  	_ =	swait.ge [sflag:s7], $0x5000  }
0x3b: {  	[sflag:s7] =	ssyncset.done $0x0  }
0x3c: {  	s3 =	rddreg [dreg:$0x9];
	[sflag:s7] =	ssyncadd.s32 $0xFFFFB000  }
0x3d: {  	[hbm4b:s3+s11] =	stream.linear.scatter [tilespmem:s13], [sflag:$0xD], $0x5000, $0x38;
	[tilespmem:$0x1A380] =	vst v63  }
0x3e: {  	_ =	swait.ge [sflag:s7], $0x5000  }
0x3f: {  	s3 =	rddreg [dreg:$0xb]  }
0x40: {  	s13 =	sadd.s32 $0x1, s3;
	s3 =	rddreg [dreg:$0xa]  }
0x41: {  	p0 =	sne.s32 s13, s3  }
.Ltmp1:
0x42: {  	_ = 	snop;
	(pc) =	sbr.rel @!p0 .LBB2_12-.Ltmp1, $3  }
0x43: {  	_ =	sdelay $0x1  }
0x44: {  	[sflag:s7] =	ssyncset.done $0x0  }
0x45: {  	s15 =	simm.s32 $0x10380;
	[sflag:s7] =	ssyncadd.s32 $0xFFFFB000  }
.LBB2_1:
0x46: {  	[dreg:$0xb] =	wrdreg s13  }
0x47: {  	s3 =	rddreg [dreg:$0x5]  }
0x48: {  	[tilespmem:s11], [sflag:$0xD] =	stream.linear.gather [hbm4b:s3+s11], $0x4E20, $0x38;
	[tilespmem:$0x1A380] =	vst v63  }
0x49: {  	_ =	swait.ge [sflag:s7], $0x4E20  }
0x4a: {  	[sflag:s7] =	ssyncset.done $0x0  }
0x4b: {  	s13 =	simm.s32 $0x4E20;
	s3 =	rddreg [dreg:$0x6];
	[sflag:s7] =	ssyncadd.s32 $0xFFFFB1E0  }
0x4c: {  	[tilespmem:s13], [sflag:$0xD] =	stream.linear.gather [hbm4b:s3+s11], $0x4E20, $0x38;
	[tilespmem:$0x1A380] =	vst v63  }
0x4d: {  	s13 =	sand.u32 $0x1FF80, s11;
	s11 =	sand.u32 $0x10, s11;
	_ =	swait.ge [sflag:s7], $0x4E20  }
0x4e: {  	s3 =	sshrl.u32 s13, $0x2;
	s13 =	simm.s32 $0x0;
	[sflag:s7] =	ssyncset.done $0x0  }
0x4f: {  	s3 =	sor.u32 s11, s3;
	[sflag:s7] =	ssyncadd.s32 $0xFFFFB1E0;
	s7 =	simm.s32 $0x40  }
.LBB2_2:
0x50: {  	p0 =	sne.s32 s7, $0x13FC0  }
0x51: {  	[tilespmem:s3+$0x10380] =	vst v2;
	s13 =	sadd.s32 $0x10, s13;
	s3 =	smov.u32 s7;
	s7 =	sadd.s32 $0x40, s7  }
.Ltmp2:
0x52: {  	(pc) =	sbr.rel @p0 .LBB2_2-.Ltmp2, $4  }
0x53: {  	_ = 	snop  }
0x54: {  	s3 =	sand.u32 $0x1FF80, s3  }
0x55: {  	s11 =	sand.u32 $0x10, s13;
	s3 =	sshrl.u32 s3, $0x2  }
0x56: {  	s3 =	sor.u32 s11, s3  }
0x57: {  	[tilespmem:s3+$0x10380] =	vst v2;
	s13 =	rddreg [dreg:$0x7]  }
0x58: {  	[spmem:s13] =	stream.linear.scatter [tilespmem:s15], [sflag:$0xD], $0x5000, $0x38;
	[tilespmem:$0x1A380] =	vst v63  }
0x59: {  	s15 =	simm.s32 $0xD  }
0x5a: {  	_ =	swait.ge [sflag:s15], $0x5000  }
0x5b: {  	[sflag:s15] =	ssyncset.done $0x0  }
0x5c: {  	[sflag:s15] =	ssyncadd.s32 $0xFFFFB000  }
0x5d: {  	[bflag:$0x0] =	sbarrier.arrive $0xFFFF  }
0x5e: {  	v3 =	vld [tilespmem:$0x0]  }
0x5f: {  	v4 =	vld [tilespmem:$0x10]  }
0x60: {  	v5 =	vld [tilespmem:$0x20]  }
0x61: {  	v6 =	vld [tilespmem:$0x30]  }
0x62: {  	v7 =	vld [tilespmem:$0x40]  }
0x63: {  	v8 =	vld [tilespmem:$0x50];
	v3 =	vadd.s32 v0, v3  }
0x64: {  	v27 =	vld [tilespmem:$0x60];
	[tilespmem:$0x9C40] =	vst v3;
	v3 =	vadd.s32 v0, v4  }
0x65: {  	v28 =	vld [tilespmem:$0x70];
	[tilespmem:$0x9C50] =	vst v3;
	v3 =	vadd.s32 v0, v5  }
0x66: {  	[tilespmem:$0x9C60] =	vst v3;
	v3 =	vadd.s32 v0, v6  }
0x67: {  	[tilespmem:$0x9C70] =	vst v3;
	v3 =	vadd.s32 v0, v7  }
0x68: {  	[tilespmem:$0x9C80] =	vst v3;
	v3 =	vadd.s32 v0, v8  }
0x69: {  	[tilespmem:$0x9C90] =	vst v3;
	v3 =	vadd.s32 v0, v27  }
0x6a: {  	[tilespmem:$0x9CA0] =	vst v3;
	v3 =	vadd.s32 v0, v28  }
0x6b: {  	s11 =	simm.s32 $0x9C40;
	[tilespmem:$0x9CB0] =	vst v3  }
0x6c: {  	[tilespmem:s16], [sflag:$0x1] =	stream.indirect.gather [hbm4b:s4+s14], $0x20, s11, s14, $0xb8;
	[tilespmem:$0x1A380] =	vst v63  }
0x6d: {  	v3 =	vld [tilespmem:$0x80]  }
0x6e: {  	v29 =	vld [tilespmem:$0x90]  }
0x6f: {  	v30 =	vld [tilespmem:$0xA0]  }
0x70: {  	v31 =	vld [tilespmem:$0xB0]  }
0x71: {  	v32 =	vld [tilespmem:$0xC0]  }
0x72: {  	v33 =	vld [tilespmem:$0xD0];
	v3 =	vadd.s32 v0, v3  }
0x73: {  	v34 =	vld [tilespmem:$0xE0];
	[tilespmem:$0x9CC0] =	vst v3;
	v3 =	vadd.s32 v0, v29  }
0x74: {  	v35 =	vld [tilespmem:$0xF0];
	[tilespmem:$0x9CD0] =	vst v3;
	v3 =	vadd.s32 v0, v30  }
0x75: {  	[tilespmem:$0x9CE0] =	vst v3;
	v3 =	vadd.s32 v0, v31  }
0x76: {  	[tilespmem:$0x9CF0] =	vst v3;
	v3 =	vadd.s32 v0, v32  }
0x77: {  	[tilespmem:$0x9D00] =	vst v3;
	v3 =	vadd.s32 v0, v33  }
0x78: {  	[tilespmem:$0x9D10] =	vst v3;
	v3 =	vadd.s32 v0, v34  }
0x79: {  	[tilespmem:$0x9D20] =	vst v3;
	v3 =	vadd.s32 v0, v35  }
0x7a: {  	[tilespmem:$0x9D30] =	vst v3  }
0x7b: {  	[tilespmem:s18], [sflag:$0x2] =	stream.indirect.gather [hbm4b:s4+s14], $0x20, s17, s14, $0xb8;
	[tilespmem:$0x1A380] =	vst v63  }
0x7c: {  	v3 =	vld [tilespmem:$0x100]  }
0x7d: {  	v36 =	vld [tilespmem:$0x110]  }
0x7e: {  	v37 =	vld [tilespmem:$0x120]  }
0x7f: {  	v38 =	vld [tilespmem:$0x130]  }
0x80: {  	v39 =	vld [tilespmem:$0x140]  }
0x81: {  	v40 =	vld [tilespmem:$0x150];
	v3 =	vadd.s32 v0, v3  }
0x82: {  	v41 =	vld [tilespmem:$0x160];
	[tilespmem:$0x9D40] =	vst v3;
	v3 =	vadd.s32 v0, v36  }
0x83: {  	v42 =	vld [tilespmem:$0x170];
	[tilespmem:$0x9D50] =	vst v3;
	v3 =	vadd.s32 v0, v37  }
0x84: {  	[tilespmem:$0x9D60] =	vst v3;
	v3 =	vadd.s32 v0, v38  }
0x85: {  	[tilespmem:$0x9D70] =	vst v3;
	v3 =	vadd.s32 v0, v39  }
0x86: {  	[tilespmem:$0x9D80] =	vst v3;
	v3 =	vadd.s32 v0, v40  }
0x87: {  	[tilespmem:$0x9D90] =	vst v3;
	v3 =	vadd.s32 v0, v41  }
0x88: {  	[tilespmem:$0x9DA0] =	vst v3;
	v3 =	vadd.s32 v0, v42  }
0x89: {  	[tilespmem:$0x9DB0] =	vst v3  }
0x8a: {  	[tilespmem:s20], [sflag:$0x3] =	stream.indirect.gather [hbm4b:s4+s14], $0x20, s19, s14, $0xb8;
	[tilespmem:$0x1A380] =	vst v63  }
0x8b: {  	v3 =	vld [tilespmem:$0x180]  }
0x8c: {  	v43 =	vld [tilespmem:$0x190]  }
0x8d: {  	v44 =	vld [tilespmem:$0x1A0]  }
0x8e: {  	v45 =	vld [tilespmem:$0x1B0]  }
0x8f: {  	v46 =	vld [tilespmem:$0x1C0]  }
0x90: {  	v47 =	vld [tilespmem:$0x1D0];
	v3 =	vadd.s32 v0, v3  }
0x91: {  	v48 =	vld [tilespmem:$0x1E0];
	[tilespmem:$0x9DC0] =	vst v3;
	v3 =	vadd.s32 v0, v43  }
0x92: {  	v49 =	vld [tilespmem:$0x1F0];
	[tilespmem:$0x9DD0] =	vst v3;
	v3 =	vadd.s32 v0, v44  }
0x93: {  	[tilespmem:$0x9DE0] =	vst v3;
	v3 =	vadd.s32 v0, v45  }
0x94: {  	[tilespmem:$0x9DF0] =	vst v3;
	v3 =	vadd.s32 v0, v46  }
0x95: {  	[tilespmem:$0x9E00] =	vst v3;
	v3 =	vadd.s32 v0, v47  }
0x96: {  	[tilespmem:$0x9E10] =	vst v3;
	v3 =	vadd.s32 v0, v48  }
0x97: {  	[tilespmem:$0x9E20] =	vst v3;
	v3 =	vadd.s32 v0, v49  }
0x98: {  	[tilespmem:$0x9E30] =	vst v3  }
0x99: {  	[tilespmem:s22], [sflag:$0x4] =	stream.indirect.gather [hbm4b:s4+s14], $0x20, s21, s14, $0xb8;
	[tilespmem:$0x1A380] =	vst v63  }
0x9a: {  	v3 =	vld [tilespmem:$0x200]  }
0x9b: {  	v50 =	vld [tilespmem:$0x210]  }
0x9c: {  	v51 =	vld [tilespmem:$0x220]  }
0x9d: {  	v52 =	vld [tilespmem:$0x230]  }
0x9e: {  	v53 =	vld [tilespmem:$0x240]  }
0x9f: {  	v54 =	vld [tilespmem:$0x250];
	v3 =	vadd.s32 v0, v3  }
0xa0: {  	v55 =	vld [tilespmem:$0x260];
	[tilespmem:$0x9E40] =	vst v3;
	v3 =	vadd.s32 v0, v50  }
0xa1: {  	v56 =	vld [tilespmem:$0x270];
	[tilespmem:$0x9E50] =	vst v3;
	v3 =	vadd.s32 v0, v51  }
0xa2: {  	[tilespmem:$0x9E60] =	vst v3;
	v3 =	vadd.s32 v0, v52  }
0xa3: {  	[tilespmem:$0x9E70] =	vst v3;
	v3 =	vadd.s32 v0, v53  }
0xa4: {  	[tilespmem:$0x9E80] =	vst v3;
	v3 =	vadd.s32 v0, v54  }
0xa5: {  	[tilespmem:$0x9E90] =	vst v3;
	v3 =	vadd.s32 v0, v55  }
0xa6: {  	[tilespmem:$0x9EA0] =	vst v3;
	v3 =	vadd.s32 v0, v56  }
0xa7: {  	[tilespmem:$0x9EB0] =	vst v3  }
0xa8: {  	[tilespmem:s24], [sflag:$0x5] =	stream.indirect.gather [hbm4b:s4+s14], $0x20, s23, s14, $0xb8;
	[tilespmem:$0x1A380] =	vst v63  }
0xa9: {  	v3 =	vld [tilespmem:$0x280]  }
0xaa: {  	v57 =	vld [tilespmem:$0x290]  }
0xab: {  	v58 =	vld [tilespmem:$0x2A0]  }
0xac: {  	v59 =	vld [tilespmem:$0x2B0]  }
0xad: {  	v60 =	vld [tilespmem:$0x2C0]  }
0xae: {  	v61 =	vld [tilespmem:$0x2D0];
	v3 =	vadd.s32 v0, v3  }
0xaf: {  	v62 =	vld [tilespmem:$0x2E0];
	[tilespmem:$0x9EC0] =	vst v3;
	v3 =	vadd.s32 v0, v57  }
0xb0: {  	v63 =	vld [tilespmem:$0x2F0];
	[tilespmem:$0x9ED0] =	vst v3;
	v3 =	vadd.s32 v0, v58  }
0xb1: {  	[tilespmem:$0x9EE0] =	vst v3;
	v3 =	vadd.s32 v0, v59  }
0xb2: {  	[tilespmem:$0x9EF0] =	vst v3;
	v3 =	vadd.s32 v0, v60  }
0xb3: {  	[tilespmem:$0x9F00] =	vst v3;
	v3 =	vadd.s32 v0, v61  }
0xb4: {  	[tilespmem:$0x9F10] =	vst v3;
	v3 =	vadd.s32 v0, v62  }
0xb5: {  	[tilespmem:$0x9F20] =	vst v3;
	v3 =	vadd.s32 v0, v63  }
0xb6: {  	s13 =	simm.s32 $0x0;
	[tilespmem:$0x9F30] =	vst v3  }
0xb7: {  	[tilespmem:s26], [sflag:$0x6] =	stream.indirect.gather [hbm4b:s4+s14], $0x20, s25, s14, $0xb8;
	[tilespmem:$0x1A380] =	vst v63  }
.LBB2_4:
0xb8: {  	_ =	swait.ge [sflag:s28], $0x1000  }
0xb9: {  	s7 =	sshra.s32 s13, $0x2;
	[sflag:s28] =	ssyncset.done $0x0  }
0xba: {  	s3 =	sadd.s32 $0x4E20, s7;
	[sflag:s28] =	ssyncadd.s32 $0xFFFFF000  }
0xbb: {  	[spmem:s2] =	stream.indirect.scatter.add.f32 [tilespmem:s16], [sflag:$0x7], $0x20, s3, s14, $0xb8;
	[tilespmem:$0x1A380] =	vst v63  }
0xbc: {  	_ =	swait.ge [sflag:s29], $0x1000  }
0xbd: {  	[sflag:s29] =	ssyncset.done $0x0  }
0xbe: {  	s15 =	sadd.s32 $0x4EA0, s7;
	[sflag:s29] =	ssyncadd.s32 $0xFFFFF000  }
0xbf: {  	[spmem:s2] =	stream.indirect.scatter.add.f32 [tilespmem:s18], [sflag:$0x8], $0x20, s15, s14, $0xb8;
	[tilespmem:$0x1A380] =	vst v63  }
0xc0: {  	_ =	swait.ge [sflag:s30], $0x1000  }
0xc1: {  	[sflag:s30] =	ssyncset.done $0x0  }
0xc2: {  	s15 =	sadd.s32 $0x4F20, s7;
	[sflag:s30] =	ssyncadd.s32 $0xFFFFF000  }
0xc3: {  	[spmem:s2] =	stream.indirect.scatter.add.f32 [tilespmem:s20], [sflag:$0x9], $0x20, s15, s14, $0xb8;
	[tilespmem:$0x1A380] =	vst v63  }
0xc4: {  	_ =	swait.ge [sflag:s31], $0x1000  }
0xc5: {  	[sflag:s31] =	ssyncset.done $0x0  }
0xc6: {  	s15 =	sadd.s32 $0x4FA0, s7;
	[sflag:s31] =	ssyncadd.s32 $0xFFFFF000  }
0xc7: {  	[spmem:s2] =	stream.indirect.scatter.add.f32 [tilespmem:s22], [sflag:$0xA], $0x20, s15, s14, $0xb8;
	[tilespmem:$0x1A380] =	vst v63  }
0xc8: {  	_ =	swait.ge [sflag:s1], $0x1000  }
0xc9: {  	[sflag:s1] =	ssyncset.done $0x0  }
0xca: {  	s15 =	sadd.s32 $0x5020, s7;
	[sflag:s1] =	ssyncadd.s32 $0xFFFFF000  }
0xcb: {  	[spmem:s2] =	stream.indirect.scatter.add.f32 [tilespmem:s24], [sflag:$0xB], $0x20, s15, s14, $0xb8;
	[tilespmem:$0x1A380] =	vst v63  }
0xcc: {  	_ =	swait.ge [sflag:s0], $0x1000  }
0xcd: {  	p0 =	seq.s32 s13, $0x12C00;
	[sflag:s0] =	ssyncset.done $0x0  }
.Ltmp3:
0xce: {  	s15 =	sadd.s32 $0x50A0, s7;
	[sflag:s0] =	ssyncadd.s32 $0xFFFFF000;
	(pc) =	sbr.rel @p0 .LBB2_6-.Ltmp3, $4  }
0xcf: {  	[spmem:s2] =	stream.indirect.scatter.add.f32 [tilespmem:s26], [sflag:$0xC], $0x20, s15, s14, $0xb8;
	[tilespmem:$0x1A380] =	vst v63  }
0xd0: {  	_ =	swait.ge [sflag:s12], $0x1000  }
0xd1: {  	[sflag:s12] =	ssyncset.done $0x0  }
0xd2: {  	[sflag:s12] =	ssyncadd.s32 $0xFFFFF000  }
0xd3: {  	v3 =	vld [tilespmem:s7+$0x300];
	_ =	sdelay $0x4  }
0xd4: {  	v3 =	vadd.s32 v0, v3  }
0xd5: {  	[tilespmem:$0x9C40] =	vst v3  }
0xd6: {  	v3 =	vld [tilespmem:s7+$0x310];
	_ =	sdelay $0x4  }
0xd7: {  	v3 =	vadd.s32 v0, v3  }
0xd8: {  	[tilespmem:$0x9C50] =	vst v3  }
0xd9: {  	v3 =	vld [tilespmem:s7+$0x320];
	_ =	sdelay $0x4  }
0xda: {  	v3 =	vadd.s32 v0, v3  }
0xdb: {  	[tilespmem:$0x9C60] =	vst v3  }
0xdc: {  	v3 =	vld [tilespmem:s7+$0x330];
	_ =	sdelay $0x4  }
0xdd: {  	v3 =	vadd.s32 v0, v3  }
0xde: {  	[tilespmem:$0x9C70] =	vst v3  }
0xdf: {  	v3 =	vld [tilespmem:s7+$0x340];
	_ =	sdelay $0x4  }
0xe0: {  	v3 =	vadd.s32 v0, v3  }
0xe1: {  	[tilespmem:$0x9C80] =	vst v3  }
0xe2: {  	v3 =	vld [tilespmem:s7+$0x350];
	_ =	sdelay $0x4  }
0xe3: {  	v3 =	vadd.s32 v0, v3  }
0xe4: {  	[tilespmem:$0x9C90] =	vst v3  }
0xe5: {  	v3 =	vld [tilespmem:s7+$0x360];
	_ =	sdelay $0x4  }
0xe6: {  	v3 =	vadd.s32 v0, v3  }
0xe7: {  	[tilespmem:$0x9CA0] =	vst v3  }
0xe8: {  	v3 =	vld [tilespmem:s7+$0x370];
	_ =	sdelay $0x4  }
0xe9: {  	v3 =	vadd.s32 v0, v3  }
0xea: {  	[tilespmem:$0x9CB0] =	vst v3  }
0xeb: {  	[tilespmem:s16], [sflag:$0x1] =	stream.indirect.gather [hbm4b:s4+s14], $0x20, s11, s14, $0xb8;
	[tilespmem:$0x1A380] =	vst v63  }
0xec: {  	_ =	swait.ge [sflag:s5], $0x1000  }
0xed: {  	[sflag:s5] =	ssyncset.done $0x0  }
0xee: {  	[sflag:s5] =	ssyncadd.s32 $0xFFFFF000  }
0xef: {  	v3 =	vld [tilespmem:s7+$0x380];
	_ =	sdelay $0x4  }
0xf0: {  	v3 =	vadd.s32 v0, v3  }
0xf1: {  	[tilespmem:$0x9CC0] =	vst v3  }
0xf2: {  	v3 =	vld [tilespmem:s7+$0x390];
	_ =	sdelay $0x4  }
0xf3: {  	v3 =	vadd.s32 v0, v3  }
0xf4: {  	[tilespmem:$0x9CD0] =	vst v3  }
0xf5: {  	v3 =	vld [tilespmem:s7+$0x3A0];
	_ =	sdelay $0x4  }
0xf6: {  	v3 =	vadd.s32 v0, v3  }
0xf7: {  	[tilespmem:$0x9CE0] =	vst v3  }
0xf8: {  	v3 =	vld [tilespmem:s7+$0x3B0];
	_ =	sdelay $0x4  }
0xf9: {  	v3 =	vadd.s32 v0, v3  }
0xfa: {  	[tilespmem:$0x9CF0] =	vst v3  }
0xfb: {  	v3 =	vld [tilespmem:s7+$0x3C0];
	_ =	sdelay $0x4  }
0xfc: {  	v3 =	vadd.s32 v0, v3  }
0xfd: {  	[tilespmem:$0x9D00] =	vst v3  }
0xfe: {  	v3 =	vld [tilespmem:s7+$0x3D0];
	_ =	sdelay $0x4  }
0xff: {  	v3 =	vadd.s32 v0, v3  }
0x100: {  	[tilespmem:$0x9D10] =	vst v3  }
0x101: {  	v3 =	vld [tilespmem:s7+$0x3E0];
	_ =	sdelay $0x4  }
0x102: {  	v3 =	vadd.s32 v0, v3  }
0x103: {  	[tilespmem:$0x9D20] =	vst v3  }
0x104: {  	v3 =	vld [tilespmem:s7+$0x3F0];
	_ =	sdelay $0x4  }
0x105: {  	v3 =	vadd.s32 v0, v3  }
0x106: {  	[tilespmem:$0x9D30] =	vst v3  }
0x107: {  	[tilespmem:s18], [sflag:$0x2] =	stream.indirect.gather [hbm4b:s4+s14], $0x20, s17, s14, $0xb8;
	[tilespmem:$0x1A380] =	vst v63  }
0x108: {  	_ =	swait.ge [sflag:s6], $0x1000  }
0x109: {  	[sflag:s6] =	ssyncset.done $0x0  }
0x10a: {  	[sflag:s6] =	ssyncadd.s32 $0xFFFFF000  }
0x10b: {  	v3 =	vld [tilespmem:s7+$0x400];
	_ =	sdelay $0x4  }
0x10c: {  	v3 =	vadd.s32 v0, v3  }
0x10d: {  	[tilespmem:$0x9D40] =	vst v3  }
0x10e: {  	v3 =	vld [tilespmem:s7+$0x410];
	_ =	sdelay $0x4  }
0x10f: {  	v3 =	vadd.s32 v0, v3  }
0x110: {  	[tilespmem:$0x9D50] =	vst v3  }
0x111: {  	v3 =	vld [tilespmem:s7+$0x420];
	_ =	sdelay $0x4  }
0x112: {  	v3 =	vadd.s32 v0, v3  }
0x113: {  	[tilespmem:$0x9D60] =	vst v3  }
0x114: {  	v3 =	vld [tilespmem:s7+$0x430];
	_ =	sdelay $0x4  }
0x115: {  	v3 =	vadd.s32 v0, v3  }
0x116: {  	[tilespmem:$0x9D70] =	vst v3  }
0x117: {  	v3 =	vld [tilespmem:s7+$0x440];
	_ =	sdelay $0x4  }
0x118: {  	v3 =	vadd.s32 v0, v3  }
0x119: {  	[tilespmem:$0x9D80] =	vst v3  }
0x11a: {  	v3 =	vld [tilespmem:s7+$0x450];
	_ =	sdelay $0x4  }
0x11b: {  	v3 =	vadd.s32 v0, v3  }
0x11c: {  	[tilespmem:$0x9D90] =	vst v3  }
0x11d: {  	v3 =	vld [tilespmem:s7+$0x460];
	_ =	sdelay $0x4  }
0x11e: {  	v3 =	vadd.s32 v0, v3  }
0x11f: {  	[tilespmem:$0x9DA0] =	vst v3  }
0x120: {  	v3 =	vld [tilespmem:s7+$0x470];
	_ =	sdelay $0x4  }
0x121: {  	v3 =	vadd.s32 v0, v3  }
0x122: {  	[tilespmem:$0x9DB0] =	vst v3  }
0x123: {  	[tilespmem:s20], [sflag:$0x3] =	stream.indirect.gather [hbm4b:s4+s14], $0x20, s19, s14, $0xb8;
	[tilespmem:$0x1A380] =	vst v63  }
0x124: {  	_ =	swait.ge [sflag:s8], $0x1000  }
0x125: {  	[sflag:s8] =	ssyncset.done $0x0  }
0x126: {  	[sflag:s8] =	ssyncadd.s32 $0xFFFFF000  }
0x127: {  	v3 =	vld [tilespmem:s7+$0x480];
	_ =	sdelay $0x4  }
0x128: {  	v3 =	vadd.s32 v0, v3  }
0x129: {  	[tilespmem:$0x9DC0] =	vst v3  }
0x12a: {  	v3 =	vld [tilespmem:s7+$0x490];
	_ =	sdelay $0x4  }
0x12b: {  	v3 =	vadd.s32 v0, v3  }
0x12c: {  	[tilespmem:$0x9DD0] =	vst v3  }
0x12d: {  	v3 =	vld [tilespmem:s7+$0x4A0];
	_ =	sdelay $0x4  }
0x12e: {  	v3 =	vadd.s32 v0, v3  }
0x12f: {  	[tilespmem:$0x9DE0] =	vst v3  }
0x130: {  	v3 =	vld [tilespmem:s7+$0x4B0];
	_ =	sdelay $0x4  }
0x131: {  	v3 =	vadd.s32 v0, v3  }
0x132: {  	[tilespmem:$0x9DF0] =	vst v3  }
0x133: {  	v3 =	vld [tilespmem:s7+$0x4C0];
	_ =	sdelay $0x4  }
0x134: {  	v3 =	vadd.s32 v0, v3  }
0x135: {  	[tilespmem:$0x9E00] =	vst v3  }
0x136: {  	v3 =	vld [tilespmem:s7+$0x4D0];
	_ =	sdelay $0x4  }
0x137: {  	v3 =	vadd.s32 v0, v3  }
0x138: {  	[tilespmem:$0x9E10] =	vst v3  }
0x139: {  	v3 =	vld [tilespmem:s7+$0x4E0];
	_ =	sdelay $0x4  }
0x13a: {  	v3 =	vadd.s32 v0, v3  }
0x13b: {  	[tilespmem:$0x9E20] =	vst v3  }
0x13c: {  	v3 =	vld [tilespmem:s7+$0x4F0];
	_ =	sdelay $0x4  }
0x13d: {  	v3 =	vadd.s32 v0, v3  }
0x13e: {  	[tilespmem:$0x9E30] =	vst v3  }
0x13f: {  	[tilespmem:s22], [sflag:$0x4] =	stream.indirect.gather [hbm4b:s4+s14], $0x20, s21, s14, $0xb8;
	[tilespmem:$0x1A380] =	vst v63  }
0x140: {  	_ =	swait.ge [sflag:s9], $0x1000  }
0x141: {  	[sflag:s9] =	ssyncset.done $0x0  }
0x142: {  	[sflag:s9] =	ssyncadd.s32 $0xFFFFF000  }
0x143: {  	v3 =	vld [tilespmem:s7+$0x500];
	_ =	sdelay $0x4  }
0x144: {  	v3 =	vadd.s32 v0, v3  }
0x145: {  	[tilespmem:$0x9E40] =	vst v3  }
0x146: {  	v3 =	vld [tilespmem:s7+$0x510];
	_ =	sdelay $0x4  }
0x147: {  	v3 =	vadd.s32 v0, v3  }
0x148: {  	[tilespmem:$0x9E50] =	vst v3  }
0x149: {  	v3 =	vld [tilespmem:s7+$0x520];
	_ =	sdelay $0x4  }
0x14a: {  	v3 =	vadd.s32 v0, v3  }
0x14b: {  	[tilespmem:$0x9E60] =	vst v3  }
0x14c: {  	v3 =	vld [tilespmem:s7+$0x530];
	_ =	sdelay $0x4  }
0x14d: {  	v3 =	vadd.s32 v0, v3  }
0x14e: {  	[tilespmem:$0x9E70] =	vst v3  }
0x14f: {  	v3 =	vld [tilespmem:s7+$0x540];
	_ =	sdelay $0x4  }
0x150: {  	v3 =	vadd.s32 v0, v3  }
0x151: {  	[tilespmem:$0x9E80] =	vst v3  }
0x152: {  	v3 =	vld [tilespmem:s7+$0x550];
	_ =	sdelay $0x4  }
0x153: {  	v3 =	vadd.s32 v0, v3  }
0x154: {  	[tilespmem:$0x9E90] =	vst v3  }
0x155: {  	v3 =	vld [tilespmem:s7+$0x560];
	_ =	sdelay $0x4  }
0x156: {  	v3 =	vadd.s32 v0, v3  }
0x157: {  	[tilespmem:$0x9EA0] =	vst v3  }
0x158: {  	v3 =	vld [tilespmem:s7+$0x570];
	_ =	sdelay $0x4  }
0x159: {  	v3 =	vadd.s32 v0, v3  }
0x15a: {  	[tilespmem:$0x9EB0] =	vst v3  }
0x15b: {  	[tilespmem:s24], [sflag:$0x5] =	stream.indirect.gather [hbm4b:s4+s14], $0x20, s23, s14, $0xb8;
	[tilespmem:$0x1A380] =	vst v63  }
0x15c: {  	_ =	swait.ge [sflag:s10], $0x1000  }
0x15d: {  	[sflag:s10] =	ssyncset.done $0x0  }
0x15e: {  	[sflag:s10] =	ssyncadd.s32 $0xFFFFF000  }
0x15f: {  	v3 =	vld [tilespmem:s7+$0x580];
	_ =	sdelay $0x4  }
0x160: {  	v3 =	vadd.s32 v0, v3  }
0x161: {  	[tilespmem:$0x9EC0] =	vst v3  }
0x162: {  	v3 =	vld [tilespmem:s7+$0x590];
	_ =	sdelay $0x4  }
0x163: {  	v3 =	vadd.s32 v0, v3  }
0x164: {  	[tilespmem:$0x9ED0] =	vst v3  }
0x165: {  	v3 =	vld [tilespmem:s7+$0x5A0];
	_ =	sdelay $0x4  }
0x166: {  	v3 =	vadd.s32 v0, v3  }
0x167: {  	[tilespmem:$0x9EE0] =	vst v3  }
0x168: {  	v3 =	vld [tilespmem:s7+$0x5B0];
	_ =	sdelay $0x4  }
0x169: {  	v3 =	vadd.s32 v0, v3  }
0x16a: {  	[tilespmem:$0x9EF0] =	vst v3  }
0x16b: {  	v3 =	vld [tilespmem:s7+$0x5C0];
	_ =	sdelay $0x4  }
0x16c: {  	v3 =	vadd.s32 v0, v3  }
0x16d: {  	[tilespmem:$0x9F00] =	vst v3  }
0x16e: {  	v3 =	vld [tilespmem:s7+$0x5D0];
	_ =	sdelay $0x4  }
0x16f: {  	v3 =	vadd.s32 v0, v3  }
0x170: {  	[tilespmem:$0x9F10] =	vst v3  }
0x171: {  	v3 =	vld [tilespmem:s7+$0x5E0];
	_ =	sdelay $0x4  }
0x172: {  	v3 =	vadd.s32 v0, v3  }
0x173: {  	[tilespmem:$0x9F20] =	vst v3  }
0x174: {  	v3 =	vld [tilespmem:s7+$0x5F0];
	_ =	sdelay $0x2  }
.Ltmp4:
0x175: {  	_ = 	snop;
	(pc) =	sbr.rel .LBB2_4-.Ltmp4, $4  }
0x176: {  	_ = 	snop  }
0x177: {  	v3 =	vadd.s32 v0, v3  }
0x178: {  	s13 =	sadd.s32 $0xC00, s13;
	[tilespmem:$0x9F30] =	vst v3  }
0x179: {  	[tilespmem:s26], [sflag:$0x6] =	stream.indirect.gather [hbm4b:s4+s14], $0x20, s25, s14, $0xb8;
	[tilespmem:$0x1A380] =	vst v63  }
.LBB2_6:
0x17a: {  	_ =	swait.ge [sflag:s5], $0x1000  }
0x17b: {  	[sflag:s5] =	ssyncset.done $0x0  }
0x17c: {  	[sflag:s5] =	ssyncadd.s32 $0xFFFFF000  }
0x17d: {  	_ =	swait.ge [sflag:s6], $0x1000  }
0x17e: {  	[sflag:s6] =	ssyncset.done $0x0  }
0x17f: {  	[sflag:s6] =	ssyncadd.s32 $0xFFFFF000  }
0x180: {  	_ =	swait.ge [sflag:s8], $0x1000  }
0x181: {  	[sflag:s8] =	ssyncset.done $0x0  }
0x182: {  	[sflag:s8] =	ssyncadd.s32 $0xFFFFF000  }
0x183: {  	_ =	swait.ge [sflag:s9], $0x1000  }
0x184: {  	[sflag:s9] =	ssyncset.done $0x0  }
0x185: {  	[sflag:s9] =	ssyncadd.s32 $0xFFFFF000  }
0x186: {  	_ =	swait.ge [sflag:s10], $0x1000  }
0x187: {  	[sflag:s10] =	ssyncset.done $0x0  }
0x188: {  	[sflag:s10] =	ssyncadd.s32 $0xFFFFF000  }
0x189: {  	v3 =	vld [tilespmem:$0x4E00]  }
0x18a: {  	v4 =	vld [tilespmem:$0x9C20]  }
0x18b: {  	v6 =	vld [tilespmem:$0x9C30]  }
0x18c: {  	v5 =	vld [tilespmem:$0x4E10];
	_ =	sdelay $0x2  }
0x18d: {  	[tilespmem:$0xFF60] =	vst v4  }
0x18e: {  	v3 =	vadd.s32 v0, v3;
	[tilespmem:$0xFF70] =	vst v6  }
0x18f: {  	[tilespmem:$0xFF40] =	vst v3;
	v3 =	vadd.s32 v0, v5  }
0x190: {  	s3 =	simm.s32 $0x20;
	s7 =	simm.s32 $0xFF40;
	s11 =	simm.s32 $0xFF80;
	[tilespmem:$0xFF50] =	vst v3  }
0x191: {  	[tilespmem:s11], [sflag:$0x1] =	stream.indirect.gather [hbm4b:s4+s3], $0x20, s7, s3, $0xb8;
	[tilespmem:$0x1A380] =	vst v63  }
0x192: {  	_ =	swait.ge [sflag:s28], $0x400  }
0x193: {  	[sflag:s28] =	ssyncset.done $0x0  }
0x194: {  	s13 =	simm.s32 $0xFF60;
	[sflag:s28] =	ssyncadd.s32 $0xFFFFFC00  }
0x195: {  	[spmem:s2] =	stream.indirect.scatter.add.f32 [tilespmem:s11], [sflag:$0xD], $0x20, s13, s3, $0xb8;
	[tilespmem:$0x1A380] =	vst v63  }
0x196: {  	s13 =	simm.s32 $0xD  }
0x197: {  	_ =	swait.ge [sflag:s13], $0x400  }
0x198: {  	[sflag:s13] =	ssyncset.done $0x0  }
0x199: {  	[sflag:s13] =	ssyncadd.s32 $0xFFFFFC00  }
0x19a: {  	[bflag:$0x0] =	sbarrier.arrive $0xFFFF  }
0x19b: {  	s11 =	simm.s32 $0x10380;
	s15 =	rddreg [dreg:$0x7]  }
0x19c: {  	[tilespmem:s11], [sflag:$0xD] =	stream.linear.gather [spmem:s15], $0x5000, $0x38;
	[tilespmem:$0x1A380] =	vst v63  }
0x19d: {  	_ =	swait.ge [sflag:s13], $0x5000  }
0x19e: {  	[sflag:s13] =	ssyncset.done $0x0  }
0x19f: {  	s7 =	simm.s32 $0x0;
	s3 =	rddreg [dreg:$0x8];
	[sflag:s13] =	ssyncadd.s32 $0xFFFFB000  }
0x1a0: {  	[hbm4b:s3+s7] =	stream.linear.scatter [tilespmem:s11], [sflag:$0xD], $0x5000, $0x38;
	[tilespmem:$0x1A380] =	vst v63  }
0x1a1: {  	s15 =	simm.s32 $0x10380;
	s3 =	sand.u32 $0x1FF80, s7;
	_ =	swait.ge [sflag:s13], $0x5000  }
0x1a2: {  	s11 =	sand.u32 $0x10, s7;
	s3 =	sshrl.u32 s3, $0x2;
	[sflag:s13] =	ssyncset.done $0x0  }
0x1a3: {  	s3 =	sor.u32 s11, s3;
	[sflag:s13] =	ssyncadd.s32 $0xFFFFB000;
	s13 =	simm.s32 $0x40  }
.LBB2_7:
0x1a4: {  	p0 =	sne.s32 s13, $0x13FC0  }
0x1a5: {  	[tilespmem:s3+$0x10380] =	vst v2;
	s7 =	sadd.s32 $0x10, s7;
	s3 =	smov.u32 s13;
	s13 =	sadd.s32 $0x40, s13  }
.Ltmp5:
0x1a6: {  	(pc) =	sbr.rel @p0 .LBB2_7-.Ltmp5, $4  }
0x1a7: {  	_ = 	snop  }
0x1a8: {  	s3 =	sand.u32 $0x1FF80, s3  }
0x1a9: {  	s11 =	sand.u32 $0x10, s7;
	s3 =	sshrl.u32 s3, $0x2  }
0x1aa: {  	s3 =	sor.u32 s11, s3  }
0x1ab: {  	[tilespmem:s3+$0x10380] =	vst v2  }
0x1ac: {  	[bflag:$0x0] =	sbarrier.arrive $0xFFFF  }
0x1ad: {  	s13 =	rddreg [dreg:$0x7]  }
0x1ae: {  	[spmem:s13] =	stream.linear.scatter [tilespmem:s15], [sflag:$0xD], $0x5000, $0x38;
	[tilespmem:$0x1A380] =	vst v63  }
0x1af: {  	s15 =	simm.s32 $0xD  }
0x1b0: {  	_ =	swait.ge [sflag:s15], $0x5000  }
0x1b1: {  	[sflag:s15] =	ssyncset.done $0x0  }
0x1b2: {  	[sflag:s15] =	ssyncadd.s32 $0xFFFFB000  }
0x1b3: {  	[bflag:$0x0] =	sbarrier.arrive $0xFFFF  }
0x1b4: {  	v3 =	vld [tilespmem:$0x0]  }
0x1b5: {  	v4 =	vld [tilespmem:$0x10]  }
0x1b6: {  	v5 =	vld [tilespmem:$0x20]  }
0x1b7: {  	v6 =	vld [tilespmem:$0x30]  }
0x1b8: {  	v7 =	vld [tilespmem:$0x40]  }
0x1b9: {  	v8 =	vld [tilespmem:$0x50];
	v3 =	vadd.s32 v1, v3  }
0x1ba: {  	v27 =	vld [tilespmem:$0x60];
	[tilespmem:$0x9C40] =	vst v3;
	v3 =	vadd.s32 v1, v4  }
0x1bb: {  	v28 =	vld [tilespmem:$0x70];
	[tilespmem:$0x9C50] =	vst v3;
	v3 =	vadd.s32 v1, v5  }
0x1bc: {  	[tilespmem:$0x9C60] =	vst v3;
	v3 =	vadd.s32 v1, v6  }
0x1bd: {  	[tilespmem:$0x9C70] =	vst v3;
	v3 =	vadd.s32 v1, v7  }
0x1be: {  	[tilespmem:$0x9C80] =	vst v3;
	v3 =	vadd.s32 v1, v8  }
0x1bf: {  	[tilespmem:$0x9C90] =	vst v3;
	v3 =	vadd.s32 v1, v27  }
0x1c0: {  	[tilespmem:$0x9CA0] =	vst v3;
	v3 =	vadd.s32 v1, v28  }
0x1c1: {  	s15 =	simm.s32 $0x9C40;
	[tilespmem:$0x9CB0] =	vst v3  }
0x1c2: {  	[tilespmem:s16], [sflag:$0x1] =	stream.indirect.gather [hbm4b:s4+s14], $0x20, s15, s14, $0xb8;
	[tilespmem:$0x1A380] =	vst v63  }
0x1c3: {  	v3 =	vld [tilespmem:$0x80]  }
0x1c4: {  	v29 =	vld [tilespmem:$0x90]  }
0x1c5: {  	v30 =	vld [tilespmem:$0xA0]  }
0x1c6: {  	v31 =	vld [tilespmem:$0xB0]  }
0x1c7: {  	v32 =	vld [tilespmem:$0xC0]  }
0x1c8: {  	v33 =	vld [tilespmem:$0xD0];
	v3 =	vadd.s32 v1, v3  }
0x1c9: {  	v34 =	vld [tilespmem:$0xE0];
	[tilespmem:$0x9CC0] =	vst v3;
	v3 =	vadd.s32 v1, v29  }
0x1ca: {  	v35 =	vld [tilespmem:$0xF0];
	[tilespmem:$0x9CD0] =	vst v3;
	v3 =	vadd.s32 v1, v30  }
0x1cb: {  	[tilespmem:$0x9CE0] =	vst v3;
	v3 =	vadd.s32 v1, v31  }
0x1cc: {  	[tilespmem:$0x9CF0] =	vst v3;
	v3 =	vadd.s32 v1, v32  }
0x1cd: {  	[tilespmem:$0x9D00] =	vst v3;
	v3 =	vadd.s32 v1, v33  }
0x1ce: {  	[tilespmem:$0x9D10] =	vst v3;
	v3 =	vadd.s32 v1, v34  }
0x1cf: {  	[tilespmem:$0x9D20] =	vst v3;
	v3 =	vadd.s32 v1, v35  }
0x1d0: {  	[tilespmem:$0x9D30] =	vst v3  }
0x1d1: {  	[tilespmem:s18], [sflag:$0x2] =	stream.indirect.gather [hbm4b:s4+s14], $0x20, s17, s14, $0xb8;
	[tilespmem:$0x1A380] =	vst v63  }
0x1d2: {  	v3 =	vld [tilespmem:$0x100]  }
0x1d3: {  	v36 =	vld [tilespmem:$0x110]  }
0x1d4: {  	v37 =	vld [tilespmem:$0x120]  }
0x1d5: {  	v38 =	vld [tilespmem:$0x130]  }
0x1d6: {  	v39 =	vld [tilespmem:$0x140]  }
0x1d7: {  	v40 =	vld [tilespmem:$0x150];
	v3 =	vadd.s32 v1, v3  }
0x1d8: {  	v41 =	vld [tilespmem:$0x160];
	[tilespmem:$0x9D40] =	vst v3;
	v3 =	vadd.s32 v1, v36  }
0x1d9: {  	v42 =	vld [tilespmem:$0x170];
	[tilespmem:$0x9D50] =	vst v3;
	v3 =	vadd.s32 v1, v37  }
0x1da: {  	[tilespmem:$0x9D60] =	vst v3;
	v3 =	vadd.s32 v1, v38  }
0x1db: {  	[tilespmem:$0x9D70] =	vst v3;
	v3 =	vadd.s32 v1, v39  }
0x1dc: {  	[tilespmem:$0x9D80] =	vst v3;
	v3 =	vadd.s32 v1, v40  }
0x1dd: {  	[tilespmem:$0x9D90] =	vst v3;
	v3 =	vadd.s32 v1, v41  }
0x1de: {  	[tilespmem:$0x9DA0] =	vst v3;
	v3 =	vadd.s32 v1, v42  }
0x1df: {  	[tilespmem:$0x9DB0] =	vst v3  }
0x1e0: {  	[tilespmem:s20], [sflag:$0x3] =	stream.indirect.gather [hbm4b:s4+s14], $0x20, s19, s14, $0xb8;
	[tilespmem:$0x1A380] =	vst v63  }
0x1e1: {  	v3 =	vld [tilespmem:$0x180]  }
0x1e2: {  	v43 =	vld [tilespmem:$0x190]  }
0x1e3: {  	v44 =	vld [tilespmem:$0x1A0]  }
0x1e4: {  	v45 =	vld [tilespmem:$0x1B0]  }
0x1e5: {  	v46 =	vld [tilespmem:$0x1C0]  }
0x1e6: {  	v47 =	vld [tilespmem:$0x1D0];
	v3 =	vadd.s32 v1, v3  }
0x1e7: {  	v48 =	vld [tilespmem:$0x1E0];
	[tilespmem:$0x9DC0] =	vst v3;
	v3 =	vadd.s32 v1, v43  }
0x1e8: {  	v49 =	vld [tilespmem:$0x1F0];
	[tilespmem:$0x9DD0] =	vst v3;
	v3 =	vadd.s32 v1, v44  }
0x1e9: {  	[tilespmem:$0x9DE0] =	vst v3;
	v3 =	vadd.s32 v1, v45  }
0x1ea: {  	[tilespmem:$0x9DF0] =	vst v3;
	v3 =	vadd.s32 v1, v46  }
0x1eb: {  	[tilespmem:$0x9E00] =	vst v3;
	v3 =	vadd.s32 v1, v47  }
0x1ec: {  	[tilespmem:$0x9E10] =	vst v3;
	v3 =	vadd.s32 v1, v48  }
0x1ed: {  	[tilespmem:$0x9E20] =	vst v3;
	v3 =	vadd.s32 v1, v49  }
0x1ee: {  	[tilespmem:$0x9E30] =	vst v3  }
0x1ef: {  	[tilespmem:s22], [sflag:$0x4] =	stream.indirect.gather [hbm4b:s4+s14], $0x20, s21, s14, $0xb8;
	[tilespmem:$0x1A380] =	vst v63  }
0x1f0: {  	v3 =	vld [tilespmem:$0x200]  }
0x1f1: {  	v50 =	vld [tilespmem:$0x210]  }
0x1f2: {  	v51 =	vld [tilespmem:$0x220]  }
0x1f3: {  	v52 =	vld [tilespmem:$0x230]  }
0x1f4: {  	v53 =	vld [tilespmem:$0x240]  }
0x1f5: {  	v54 =	vld [tilespmem:$0x250];
	v3 =	vadd.s32 v1, v3  }
0x1f6: {  	v55 =	vld [tilespmem:$0x260];
	[tilespmem:$0x9E40] =	vst v3;
	v3 =	vadd.s32 v1, v50  }
0x1f7: {  	v56 =	vld [tilespmem:$0x270];
	[tilespmem:$0x9E50] =	vst v3;
	v3 =	vadd.s32 v1, v51  }
0x1f8: {  	[tilespmem:$0x9E60] =	vst v3;
	v3 =	vadd.s32 v1, v52  }
0x1f9: {  	[tilespmem:$0x9E70] =	vst v3;
	v3 =	vadd.s32 v1, v53  }
0x1fa: {  	[tilespmem:$0x9E80] =	vst v3;
	v3 =	vadd.s32 v1, v54  }
0x1fb: {  	[tilespmem:$0x9E90] =	vst v3;
	v3 =	vadd.s32 v1, v55  }
0x1fc: {  	[tilespmem:$0x9EA0] =	vst v3;
	v3 =	vadd.s32 v1, v56  }
0x1fd: {  	[tilespmem:$0x9EB0] =	vst v3  }
0x1fe: {  	[tilespmem:s24], [sflag:$0x5] =	stream.indirect.gather [hbm4b:s4+s14], $0x20, s23, s14, $0xb8;
	[tilespmem:$0x1A380] =	vst v63  }
0x1ff: {  	v3 =	vld [tilespmem:$0x280]  }
0x200: {  	v57 =	vld [tilespmem:$0x290]  }
0x201: {  	v58 =	vld [tilespmem:$0x2A0]  }
0x202: {  	v59 =	vld [tilespmem:$0x2B0]  }
0x203: {  	v60 =	vld [tilespmem:$0x2C0]  }
0x204: {  	v61 =	vld [tilespmem:$0x2D0];
	v3 =	vadd.s32 v1, v3  }
0x205: {  	v62 =	vld [tilespmem:$0x2E0];
	[tilespmem:$0x9EC0] =	vst v3;
	v3 =	vadd.s32 v1, v57  }
0x206: {  	v63 =	vld [tilespmem:$0x2F0];
	[tilespmem:$0x9ED0] =	vst v3;
	v3 =	vadd.s32 v1, v58  }
0x207: {  	[tilespmem:$0x9EE0] =	vst v3;
	v3 =	vadd.s32 v1, v59  }
0x208: {  	[tilespmem:$0x9EF0] =	vst v3;
	v3 =	vadd.s32 v1, v60  }
0x209: {  	[tilespmem:$0x9F00] =	vst v3;
	v3 =	vadd.s32 v1, v61  }
0x20a: {  	[tilespmem:$0x9F10] =	vst v3;
	v3 =	vadd.s32 v1, v62  }
0x20b: {  	[tilespmem:$0x9F20] =	vst v3;
	v3 =	vadd.s32 v1, v63  }
0x20c: {  	s11 =	simm.s32 $0x0;
	s13 =	simm.s32 $0x0;
	[tilespmem:$0x9F30] =	vst v3  }
0x20d: {  	[tilespmem:s26], [sflag:$0x6] =	stream.indirect.gather [hbm4b:s4+s14], $0x20, s25, s14, $0xb8;
	[tilespmem:$0x1A380] =	vst v63  }
.LBB2_9:
0x20e: {  	_ =	swait.ge [sflag:s28], $0x1000  }
0x20f: {  	s7 =	sshra.s32 s13, $0x2;
	[sflag:s28] =	ssyncset.done $0x0  }
0x210: {  	s3 =	sadd.s32 $0x4E20, s7;
	[sflag:s28] =	ssyncadd.s32 $0xFFFFF000  }
0x211: {  	[spmem:s2] =	stream.indirect.scatter.add.f32 [tilespmem:s16], [sflag:$0x7], $0x20, s3, s14, $0xb8;
	[tilespmem:$0x1A380] =	vst v63  }
0x212: {  	_ =	swait.ge [sflag:s29], $0x1000  }
0x213: {  	[sflag:s29] =	ssyncset.done $0x0  }
0x214: {  	s3 =	sadd.s32 $0x4EA0, s7;
	[sflag:s29] =	ssyncadd.s32 $0xFFFFF000  }
0x215: {  	[spmem:s2] =	stream.indirect.scatter.add.f32 [tilespmem:s18], [sflag:$0x8], $0x20, s3, s14, $0xb8;
	[tilespmem:$0x1A380] =	vst v63  }
0x216: {  	_ =	swait.ge [sflag:s30], $0x1000  }
0x217: {  	[sflag:s30] =	ssyncset.done $0x0  }
0x218: {  	s3 =	sadd.s32 $0x4F20, s7;
	[sflag:s30] =	ssyncadd.s32 $0xFFFFF000  }
0x219: {  	[spmem:s2] =	stream.indirect.scatter.add.f32 [tilespmem:s20], [sflag:$0x9], $0x20, s3, s14, $0xb8;
	[tilespmem:$0x1A380] =	vst v63  }
0x21a: {  	_ =	swait.ge [sflag:s31], $0x1000  }
0x21b: {  	[sflag:s31] =	ssyncset.done $0x0  }
0x21c: {  	s3 =	sadd.s32 $0x4FA0, s7;
	[sflag:s31] =	ssyncadd.s32 $0xFFFFF000  }
0x21d: {  	[spmem:s2] =	stream.indirect.scatter.add.f32 [tilespmem:s22], [sflag:$0xA], $0x20, s3, s14, $0xb8;
	[tilespmem:$0x1A380] =	vst v63  }
0x21e: {  	_ =	swait.ge [sflag:s1], $0x1000  }
0x21f: {  	[sflag:s1] =	ssyncset.done $0x0  }
0x220: {  	s3 =	sadd.s32 $0x5020, s7;
	[sflag:s1] =	ssyncadd.s32 $0xFFFFF000  }
0x221: {  	[spmem:s2] =	stream.indirect.scatter.add.f32 [tilespmem:s24], [sflag:$0xB], $0x20, s3, s14, $0xb8;
	[tilespmem:$0x1A380] =	vst v63  }
0x222: {  	_ =	swait.ge [sflag:s0], $0x1000  }
0x223: {  	p0 =	seq.s32 s13, $0x12C00;
	[sflag:s0] =	ssyncset.done $0x0  }
.Ltmp6:
0x224: {  	s3 =	sadd.s32 $0x50A0, s7;
	[sflag:s0] =	ssyncadd.s32 $0xFFFFF000;
	(pc) =	sbr.rel @p0 .LBB2_11-.Ltmp6, $4  }
0x225: {  	[spmem:s2] =	stream.indirect.scatter.add.f32 [tilespmem:s26], [sflag:$0xC], $0x20, s3, s14, $0xb8;
	[tilespmem:$0x1A380] =	vst v63  }
0x226: {  	_ =	swait.ge [sflag:s12], $0x1000  }
0x227: {  	[sflag:s12] =	ssyncset.done $0x0  }
0x228: {  	[sflag:s12] =	ssyncadd.s32 $0xFFFFF000  }
0x229: {  	v3 =	vld [tilespmem:s7+$0x300];
	_ =	sdelay $0x4  }
0x22a: {  	v3 =	vadd.s32 v1, v3  }
0x22b: {  	[tilespmem:$0x9C40] =	vst v3  }
0x22c: {  	v3 =	vld [tilespmem:s7+$0x310];
	_ =	sdelay $0x4  }
0x22d: {  	v3 =	vadd.s32 v1, v3  }
0x22e: {  	[tilespmem:$0x9C50] =	vst v3  }
0x22f: {  	v3 =	vld [tilespmem:s7+$0x320];
	_ =	sdelay $0x4  }
0x230: {  	v3 =	vadd.s32 v1, v3  }
0x231: {  	[tilespmem:$0x9C60] =	vst v3  }
0x232: {  	v3 =	vld [tilespmem:s7+$0x330];
	_ =	sdelay $0x4  }
0x233: {  	v3 =	vadd.s32 v1, v3  }
0x234: {  	[tilespmem:$0x9C70] =	vst v3  }
0x235: {  	v3 =	vld [tilespmem:s7+$0x340];
	_ =	sdelay $0x4  }
0x236: {  	v3 =	vadd.s32 v1, v3  }
0x237: {  	[tilespmem:$0x9C80] =	vst v3  }
0x238: {  	v3 =	vld [tilespmem:s7+$0x350];
	_ =	sdelay $0x4  }
0x239: {  	v3 =	vadd.s32 v1, v3  }
0x23a: {  	[tilespmem:$0x9C90] =	vst v3  }
0x23b: {  	v3 =	vld [tilespmem:s7+$0x360];
	_ =	sdelay $0x4  }
0x23c: {  	v3 =	vadd.s32 v1, v3  }
0x23d: {  	[tilespmem:$0x9CA0] =	vst v3  }
0x23e: {  	v3 =	vld [tilespmem:s7+$0x370];
	_ =	sdelay $0x4  }
0x23f: {  	v3 =	vadd.s32 v1, v3  }
0x240: {  	[tilespmem:$0x9CB0] =	vst v3  }
0x241: {  	[tilespmem:s16], [sflag:$0x1] =	stream.indirect.gather [hbm4b:s4+s14], $0x20, s15, s14, $0xb8;
	[tilespmem:$0x1A380] =	vst v63  }
0x242: {  	_ =	swait.ge [sflag:s5], $0x1000  }
0x243: {  	[sflag:s5] =	ssyncset.done $0x0  }
0x244: {  	[sflag:s5] =	ssyncadd.s32 $0xFFFFF000  }
0x245: {  	v3 =	vld [tilespmem:s7+$0x380];
	_ =	sdelay $0x4  }
0x246: {  	v3 =	vadd.s32 v1, v3  }
0x247: {  	[tilespmem:$0x9CC0] =	vst v3  }
0x248: {  	v3 =	vld [tilespmem:s7+$0x390];
	_ =	sdelay $0x4  }
0x249: {  	v3 =	vadd.s32 v1, v3  }
0x24a: {  	[tilespmem:$0x9CD0] =	vst v3  }
0x24b: {  	v3 =	vld [tilespmem:s7+$0x3A0];
	_ =	sdelay $0x4  }
0x24c: {  	v3 =	vadd.s32 v1, v3  }
0x24d: {  	[tilespmem:$0x9CE0] =	vst v3  }
0x24e: {  	v3 =	vld [tilespmem:s7+$0x3B0];
	_ =	sdelay $0x4  }
0x24f: {  	v3 =	vadd.s32 v1, v3  }
0x250: {  	[tilespmem:$0x9CF0] =	vst v3  }
0x251: {  	v3 =	vld [tilespmem:s7+$0x3C0];
	_ =	sdelay $0x4  }
0x252: {  	v3 =	vadd.s32 v1, v3  }
0x253: {  	[tilespmem:$0x9D00] =	vst v3  }
0x254: {  	v3 =	vld [tilespmem:s7+$0x3D0];
	_ =	sdelay $0x4  }
0x255: {  	v3 =	vadd.s32 v1, v3  }
0x256: {  	[tilespmem:$0x9D10] =	vst v3  }
0x257: {  	v3 =	vld [tilespmem:s7+$0x3E0];
	_ =	sdelay $0x4  }
0x258: {  	v3 =	vadd.s32 v1, v3  }
0x259: {  	[tilespmem:$0x9D20] =	vst v3  }
0x25a: {  	v3 =	vld [tilespmem:s7+$0x3F0];
	_ =	sdelay $0x4  }
0x25b: {  	v3 =	vadd.s32 v1, v3  }
0x25c: {  	[tilespmem:$0x9D30] =	vst v3  }
0x25d: {  	[tilespmem:s18], [sflag:$0x2] =	stream.indirect.gather [hbm4b:s4+s14], $0x20, s17, s14, $0xb8;
	[tilespmem:$0x1A380] =	vst v63  }
0x25e: {  	_ =	swait.ge [sflag:s6], $0x1000  }
0x25f: {  	[sflag:s6] =	ssyncset.done $0x0  }
0x260: {  	[sflag:s6] =	ssyncadd.s32 $0xFFFFF000  }
0x261: {  	v3 =	vld [tilespmem:s7+$0x400];
	_ =	sdelay $0x4  }
0x262: {  	v3 =	vadd.s32 v1, v3  }
0x263: {  	[tilespmem:$0x9D40] =	vst v3  }
0x264: {  	v3 =	vld [tilespmem:s7+$0x410];
	_ =	sdelay $0x4  }
0x265: {  	v3 =	vadd.s32 v1, v3  }
0x266: {  	[tilespmem:$0x9D50] =	vst v3  }
0x267: {  	v3 =	vld [tilespmem:s7+$0x420];
	_ =	sdelay $0x4  }
0x268: {  	v3 =	vadd.s32 v1, v3  }
0x269: {  	[tilespmem:$0x9D60] =	vst v3  }
0x26a: {  	v3 =	vld [tilespmem:s7+$0x430];
	_ =	sdelay $0x4  }
0x26b: {  	v3 =	vadd.s32 v1, v3  }
0x26c: {  	[tilespmem:$0x9D70] =	vst v3  }
0x26d: {  	v3 =	vld [tilespmem:s7+$0x440];
	_ =	sdelay $0x4  }
0x26e: {  	v3 =	vadd.s32 v1, v3  }
0x26f: {  	[tilespmem:$0x9D80] =	vst v3  }
0x270: {  	v3 =	vld [tilespmem:s7+$0x450];
	_ =	sdelay $0x4  }
0x271: {  	v3 =	vadd.s32 v1, v3  }
0x272: {  	[tilespmem:$0x9D90] =	vst v3  }
0x273: {  	v3 =	vld [tilespmem:s7+$0x460];
	_ =	sdelay $0x4  }
0x274: {  	v3 =	vadd.s32 v1, v3  }
0x275: {  	[tilespmem:$0x9DA0] =	vst v3  }
0x276: {  	v3 =	vld [tilespmem:s7+$0x470];
	_ =	sdelay $0x4  }
0x277: {  	v3 =	vadd.s32 v1, v3  }
0x278: {  	[tilespmem:$0x9DB0] =	vst v3  }
0x279: {  	[tilespmem:s20], [sflag:$0x3] =	stream.indirect.gather [hbm4b:s4+s14], $0x20, s19, s14, $0xb8;
	[tilespmem:$0x1A380] =	vst v63  }
0x27a: {  	_ =	swait.ge [sflag:s8], $0x1000  }
0x27b: {  	[sflag:s8] =	ssyncset.done $0x0  }
0x27c: {  	[sflag:s8] =	ssyncadd.s32 $0xFFFFF000  }
0x27d: {  	v3 =	vld [tilespmem:s7+$0x480];
	_ =	sdelay $0x4  }
0x27e: {  	v3 =	vadd.s32 v1, v3  }
0x27f: {  	[tilespmem:$0x9DC0] =	vst v3  }
0x280: {  	v3 =	vld [tilespmem:s7+$0x490];
	_ =	sdelay $0x4  }
0x281: {  	v3 =	vadd.s32 v1, v3  }
0x282: {  	[tilespmem:$0x9DD0] =	vst v3  }
0x283: {  	v3 =	vld [tilespmem:s7+$0x4A0];
	_ =	sdelay $0x4  }
0x284: {  	v3 =	vadd.s32 v1, v3  }
0x285: {  	[tilespmem:$0x9DE0] =	vst v3  }
0x286: {  	v3 =	vld [tilespmem:s7+$0x4B0];
	_ =	sdelay $0x4  }
0x287: {  	v3 =	vadd.s32 v1, v3  }
0x288: {  	[tilespmem:$0x9DF0] =	vst v3  }
0x289: {  	v3 =	vld [tilespmem:s7+$0x4C0];
	_ =	sdelay $0x4  }
0x28a: {  	v3 =	vadd.s32 v1, v3  }
0x28b: {  	[tilespmem:$0x9E00] =	vst v3  }
0x28c: {  	v3 =	vld [tilespmem:s7+$0x4D0];
	_ =	sdelay $0x4  }
0x28d: {  	v3 =	vadd.s32 v1, v3  }
0x28e: {  	[tilespmem:$0x9E10] =	vst v3  }
0x28f: {  	v3 =	vld [tilespmem:s7+$0x4E0];
	_ =	sdelay $0x4  }
0x290: {  	v3 =	vadd.s32 v1, v3  }
0x291: {  	[tilespmem:$0x9E20] =	vst v3  }
0x292: {  	v3 =	vld [tilespmem:s7+$0x4F0];
	_ =	sdelay $0x4  }
0x293: {  	v3 =	vadd.s32 v1, v3  }
0x294: {  	[tilespmem:$0x9E30] =	vst v3  }
0x295: {  	[tilespmem:s22], [sflag:$0x4] =	stream.indirect.gather [hbm4b:s4+s14], $0x20, s21, s14, $0xb8;
	[tilespmem:$0x1A380] =	vst v63  }
0x296: {  	_ =	swait.ge [sflag:s9], $0x1000  }
0x297: {  	[sflag:s9] =	ssyncset.done $0x0  }
0x298: {  	[sflag:s9] =	ssyncadd.s32 $0xFFFFF000  }
0x299: {  	v3 =	vld [tilespmem:s7+$0x500];
	_ =	sdelay $0x4  }
0x29a: {  	v3 =	vadd.s32 v1, v3  }
0x29b: {  	[tilespmem:$0x9E40] =	vst v3  }
0x29c: {  	v3 =	vld [tilespmem:s7+$0x510];
	_ =	sdelay $0x4  }
0x29d: {  	v3 =	vadd.s32 v1, v3  }
0x29e: {  	[tilespmem:$0x9E50] =	vst v3  }
0x29f: {  	v3 =	vld [tilespmem:s7+$0x520];
	_ =	sdelay $0x4  }
0x2a0: {  	v3 =	vadd.s32 v1, v3  }
0x2a1: {  	[tilespmem:$0x9E60] =	vst v3  }
0x2a2: {  	v3 =	vld [tilespmem:s7+$0x530];
	_ =	sdelay $0x4  }
0x2a3: {  	v3 =	vadd.s32 v1, v3  }
0x2a4: {  	[tilespmem:$0x9E70] =	vst v3  }
0x2a5: {  	v3 =	vld [tilespmem:s7+$0x540];
	_ =	sdelay $0x4  }
0x2a6: {  	v3 =	vadd.s32 v1, v3  }
0x2a7: {  	[tilespmem:$0x9E80] =	vst v3  }
0x2a8: {  	v3 =	vld [tilespmem:s7+$0x550];
	_ =	sdelay $0x4  }
0x2a9: {  	v3 =	vadd.s32 v1, v3  }
0x2aa: {  	[tilespmem:$0x9E90] =	vst v3  }
0x2ab: {  	v3 =	vld [tilespmem:s7+$0x560];
	_ =	sdelay $0x4  }
0x2ac: {  	v3 =	vadd.s32 v1, v3  }
0x2ad: {  	[tilespmem:$0x9EA0] =	vst v3  }
0x2ae: {  	v3 =	vld [tilespmem:s7+$0x570];
	_ =	sdelay $0x4  }
0x2af: {  	v3 =	vadd.s32 v1, v3  }
0x2b0: {  	[tilespmem:$0x9EB0] =	vst v3  }
0x2b1: {  	[tilespmem:s24], [sflag:$0x5] =	stream.indirect.gather [hbm4b:s4+s14], $0x20, s23, s14, $0xb8;
	[tilespmem:$0x1A380] =	vst v63  }
0x2b2: {  	_ =	swait.ge [sflag:s10], $0x1000  }
0x2b3: {  	[sflag:s10] =	ssyncset.done $0x0  }
0x2b4: {  	[sflag:s10] =	ssyncadd.s32 $0xFFFFF000  }
0x2b5: {  	v3 =	vld [tilespmem:s7+$0x580];
	_ =	sdelay $0x4  }
0x2b6: {  	v3 =	vadd.s32 v1, v3  }
0x2b7: {  	[tilespmem:$0x9EC0] =	vst v3  }
0x2b8: {  	v3 =	vld [tilespmem:s7+$0x590];
	_ =	sdelay $0x4  }
0x2b9: {  	v3 =	vadd.s32 v1, v3  }
0x2ba: {  	[tilespmem:$0x9ED0] =	vst v3  }
0x2bb: {  	v3 =	vld [tilespmem:s7+$0x5A0];
	_ =	sdelay $0x4  }
0x2bc: {  	v3 =	vadd.s32 v1, v3  }
0x2bd: {  	[tilespmem:$0x9EE0] =	vst v3  }
0x2be: {  	v3 =	vld [tilespmem:s7+$0x5B0];
	_ =	sdelay $0x4  }
0x2bf: {  	v3 =	vadd.s32 v1, v3  }
0x2c0: {  	[tilespmem:$0x9EF0] =	vst v3  }
0x2c1: {  	v3 =	vld [tilespmem:s7+$0x5C0];
	_ =	sdelay $0x4  }
0x2c2: {  	v3 =	vadd.s32 v1, v3  }
0x2c3: {  	[tilespmem:$0x9F00] =	vst v3  }
0x2c4: {  	v3 =	vld [tilespmem:s7+$0x5D0];
	_ =	sdelay $0x4  }
0x2c5: {  	v3 =	vadd.s32 v1, v3  }
0x2c6: {  	[tilespmem:$0x9F10] =	vst v3  }
0x2c7: {  	v3 =	vld [tilespmem:s7+$0x5E0];
	_ =	sdelay $0x4  }
0x2c8: {  	v3 =	vadd.s32 v1, v3  }
0x2c9: {  	[tilespmem:$0x9F20] =	vst v3  }
0x2ca: {  	v3 =	vld [tilespmem:s7+$0x5F0];
	_ =	sdelay $0x2  }
.Ltmp7:
0x2cb: {  	_ = 	snop;
	(pc) =	sbr.rel .LBB2_9-.Ltmp7, $4  }
0x2cc: {  	_ = 	snop  }
0x2cd: {  	v3 =	vadd.s32 v1, v3  }
0x2ce: {  	s13 =	sadd.s32 $0xC00, s13;
	[tilespmem:$0x9F30] =	vst v3  }
0x2cf: {  	[tilespmem:s26], [sflag:$0x6] =	stream.indirect.gather [hbm4b:s4+s14], $0x20, s25, s14, $0xb8;
	[tilespmem:$0x1A380] =	vst v63  }
.LBB2_12:
0x2d0: {  	_ =	sfence.sel $0x180000  }
0x2d1: {  	[bflag:$0x0] =	sbarrier.arrive $0xFFFF  }
0x2d2: {  	_ =	strace $0x90000047  }
0x2d3: {  	s0 =	stileid.u32;
	[bflag:$0x2] =	sbarrier.arrive $0xFFFF  }
0x2d4: {  	p0 =	sne.s32 s0, $0x0;
	s0 =	rddreg [dreg:$0x4]  }
0x2d5: {  	s0 =	sadd.s32 @!p0 $0x100000, s0  }
0x2d6: {  	[sflag:s0] =	ssyncadd.tile.s32 @!p0 $0x1;
	_ =	shalt  }
.Lfunc_end2:
_tile_overlayer_lowered:
.L_overlay_start_2:
0x2d7: {  	(tag) =	ssettag $0x2  }
0x2d8: {  	s0 =	rddreg [dreg:$0x0];
	s2 =	stileid.u32  }
0x2d9: {  	s1 =	rddreg [dreg:$0x1];
	p0 =	sne.s32 s2, $0x0  }
0x2da: {  	s3 =	rddreg [dreg:$0x2];
	[bflag:$0x3] =	sbarrier.arrive $0xFFFF;
	s2 =	simm.s32 @!p0 $0x1C0D  }
0x2db: {  	[timem:s3], [sflag:s2] =	dma.local @!p0 [hbm:s0], s1  }
0x2dc: {  	s0 =	simm.s32 @!p0 $0xD  }
0x2dd: {  	_ =	swait.ge @!p0 [sflag:s0], s1  }
0x2de: {  	s1 =	ssub.s32 @!p0 $0x0, s1;
	[sflag:s0] =	ssyncset.done @!p0 $0x0  }
0x2df: {  	[sflag:s0] =	ssyncadd.s32 @!p0 s1  }
0x2e0: {  	[bflag:$0x3] =	sbarrier.arrive $0xFFFF  }
0x2e1: {  	_ =	shalt  }

</sc_bundles>
